<compile_context>
chip_gen: v7x
topology: tpu7x:2x2x1
jax: 0.10.2.dev20260603
libtpu: 0.0.44.dev20260713+nightly
codegen_flags: <defaults>
</compile_context>

<pallas_src>
import functools

import jax
import jax.numpy as jnp
from jax import lax
from jax.experimental import pallas as pl
from jax.experimental.pallas import tpu as pltpu
from jax.experimental.pallas import tpu_sc as plsc

_B = 16384
_L = 64
_GLOBAL_BIAS = 3.5

_INFO = plsc.get_sparse_core_info()
_NC = _INFO.num_cores
_NS = _INFO.num_subcores
_LANES = _INFO.num_lanes
_NW = _NC * _NS
_BPW = _B // _NW
_CH = 16
_NCH = _BPW // _CH
_CGROUPS = _CH // _LANES
_C = 128


def _mf_kernel(users_hbm, items_hbm, ue3_hbm, ie3_hbm, ub_hbm, ib_hbm,
               out_hbm, idx_u, idx_i, ublk, iblk, ublk2, iblk2,
               ub_v, ib_v, out_v, sem_u, sem_i, sem_u2, sem_i2,
               sem_ub, sem_ib):
    wid = lax.axis_index("s") * _NC + lax.axis_index("c")
    base = wid * _BPW

    pltpu.sync_copy(users_hbm.at[pl.ds(base, _BPW)], idx_u)
    pltpu.sync_copy(items_hbm.at[pl.ds(base, _BPW)], idx_i)

    bias_copies = []
    for c in range(_BPW // _C):
        s = pl.ds(c * _C, _C)
        bias_copies.append(pltpu.async_copy(
            ub_hbm.at[idx_u.at[s]], ub_v.at[s], sem_ub))
        bias_copies.append(pltpu.async_copy(
            ib_hbm.at[idx_i.at[s]], ib_v.at[s], sem_ib))

    def fire(c, ub, ib, su, si):
        def fire_body(g, carry2):
            s = pl.ds(c * _CH + g * _LANES, _LANES)
            vq_u = lax.shift_right_logical(idx_u[s], 3)
            vq_i = lax.shift_right_logical(idx_i[s], 3)
            for k in range(_LANES):
                r = g * _LANES + k
                pltpu.async_copy(ue3_hbm.at[vq_u[k]], ub.at[r], su)
                pltpu.async_copy(ie3_hbm.at[vq_i[k]], ib.at[r], si)
            return carry2

        lax.fori_loop(0, _CGROUPS, fire_body, 0)

    def drain(ub, ib, su, si):
        pltpu.make_async_copy(ue3_hbm.at[pl.ds(0, _CH)], ub, su).wait()
        pltpu.make_async_copy(ie3_hbm.at[pl.ds(0, _CH)], ib, si).wait()

    def compute(c, ub, ib):
        def group_body(g, carry3):
            sl = pl.ds(c * _CH + g * _LANES, _LANES)
            rloc = g * _LANES + lax.iota(jnp.int32, _LANES)
            usub = jnp.bitwise_and(idx_u[sl], 7)
            isub = jnp.bitwise_and(idx_i[sl], 7)
            acc = ub_v[sl] + ib_v[sl] + _GLOBAL_BIAS
            for j in range(_L):
                jv = jnp.full((_LANES,), j, jnp.int32)
                u = plsc.load_gather(ub, [rloc, usub, jv])
                v = plsc.load_gather(ib, [rloc, isub, jv])
                acc = acc + u * v
            out_v[sl] = acc
            return carry3

        lax.fori_loop(0, _CGROUPS, group_body, 0)

    fire(0, ublk, iblk, sem_u, sem_i)
    for cp in bias_copies:
        cp.wait()

    def pipe_body(t, carry):
        c0 = 2 * t
        fire(c0 + 1, ublk2, iblk2, sem_u2, sem_i2)
        drain(ublk, iblk, sem_u, sem_i)
        compute(c0, ublk, iblk)

        @pl.when(c0 + 2 < _NCH)
        def _():
            fire(c0 + 2, ublk, iblk, sem_u, sem_i)

        drain(ublk2, iblk2, sem_u2, sem_i2)
        compute(c0 + 1, ublk2, iblk2)
        return carry

    lax.fori_loop(0, _NCH // 2, pipe_body, 0)

    pltpu.sync_copy(out_v, out_hbm.at[pl.ds(base, _BPW)])


@functools.partial(
    pl.kernel,
    mesh=plsc.VectorSubcoreMesh(core_axis_name="c", subcore_axis_name="s"),
    out_type=jax.ShapeDtypeStruct((_B,), jnp.float32),
    compiler_params=pltpu.CompilerParams(needs_layout_passes=False),
    scratch_types=[
        pltpu.VMEM((_BPW,), jnp.int32),
        pltpu.VMEM((_BPW,), jnp.int32),
        pltpu.VMEM((_CH, 8, _L), jnp.float32),
        pltpu.VMEM((_CH, 8, _L), jnp.float32),
        pltpu.VMEM((_CH, 8, _L), jnp.float32),
        pltpu.VMEM((_CH, 8, _L), jnp.float32),
        pltpu.VMEM((_BPW,), jnp.float32),
        pltpu.VMEM((_BPW,), jnp.float32),
        pltpu.VMEM((_BPW,), jnp.float32),
        pltpu.SemaphoreType.DMA,
        pltpu.SemaphoreType.DMA,
        pltpu.SemaphoreType.DMA,
        pltpu.SemaphoreType.DMA,
        pltpu.SemaphoreType.DMA,
        pltpu.SemaphoreType.DMA,
    ],
)
def _mf_sc(users, items, ue3, ie3, ub, ib, out, *scratch):
    _mf_kernel(users, items, ue3, ie3, ub, ib, out, *scratch)


def kernel(users, items, uEmbed, itemEmbed, uBias, itemBias):
    n_u, l = uEmbed.shape
    n_i, _ = itemEmbed.shape
    score = _mf_sc(users.astype(jnp.int32), items.astype(jnp.int32),
                   uEmbed.reshape(n_u // 8, 8, l),
                   itemEmbed.reshape(n_i // 8, 8, l),
                   uBias.reshape(-1), itemBias.reshape(-1))
    return score.reshape(_B, 1)

# --- scband reference (transcript-rebuilt; emitter-appended) ---
"""Pipeline reference for scband-mf-38285338476963 (READ-ONLY COPY).

The authoritative reference and input builder live on the scoring server;
editing this copy changes nothing except your own understanding.
"""

import jax, jax.numpy as jnp
import numpy as np

USER_LEN = 1000000
ITEM_LEN = 1000000
L_SIZE = 64
BATCH = 16384
GLOBAL_BIAS = 3.5

def setup_inputs(seed: int = 0) -> dict:
    key = jax.random.key(seed)
    k_u, k_i, k_ue, k_ie = jax.random.split(key, 4)
    users = jax.random.randint(k_u, (BATCH,), 0, USER_LEN, dtype=jnp.int64 if jax.config.jax_enable_x64 else jnp.int32)
    items = jax.random.randint(k_i, (BATCH,), 0, ITEM_LEN, dtype=jnp.int64 if jax.config.jax_enable_x64 else jnp.int32)
    uEmbed = jax.random.normal(k_ue, (USER_LEN, L_SIZE), dtype=jnp.float32)
    itemEmbed = jax.random.normal(k_ie, (ITEM_LEN, L_SIZE), dtype=jnp.float32)
    uBias = jnp.zeros((USER_LEN, 1), dtype=jnp.float32)
    itemBias = jnp.zeros((ITEM_LEN, 1), dtype=jnp.float32)
    return {"users": users, "items": items, "uEmbed": uEmbed, "itemEmbed": itemEmbed, "uBias": uBias, "itemBias": itemBias}

def reference(users, items, uEmbed, itemEmbed, uBias, itemBias):
    uE = jnp.take(uEmbed, users, axis=0)          # [B, L]
    uB = jnp.take(uBias, users, axis=0)           # [B, 1]
    iE = jnp.take(itemEmbed, items, axis=0)       # [B, L]
    iB = jnp.take(itemBias, items, axis=0)        # [B, 1]
    score = GLOBAL_BIAS + uB + iB + jnp.sum(uE * iE, axis=1).reshape(-1, 1)
    return score

if __name__ == "__main__":
    import jax
    _d = setup_inputs()
    print(jax.jit(kernel)(*tuple(_d.values())))

</pallas_src>

<mosaic_0001>
#map = affine_map<(d0, d1) -> (0)>
#map1 = affine_map<(d0, d1) -> (0, 0, 0)>
module attributes {stable_mosaic.version = 14 : i64} {
  func.func @_mf_sc(%arg0: i32, %arg1: i32, %arg2: memref<16384xi32, #tpu.memory_space<hbm>>, %arg3: memref<16384xi32, #tpu.memory_space<hbm>>, %arg4: memref<125000x8x64xf32, #tpu.memory_space<hbm>>, %arg5: memref<125000x8x64xf32, #tpu.memory_space<hbm>>, %arg6: memref<1000000xf32, #tpu.memory_space<hbm>>, %arg7: memref<1000000xf32, #tpu.memory_space<hbm>>, %arg8: memref<16384xf32, #tpu.memory_space<hbm>>, %arg9: memref<512xi32, #tpu.memory_space<vmem>>, %arg10: memref<512xi32, #tpu.memory_space<vmem>>, %arg11: memref<16x8x64xf32, #tpu.memory_space<vmem>>, %arg12: memref<16x8x64xf32, #tpu.memory_space<vmem>>, %arg13: memref<16x8x64xf32, #tpu.memory_space<vmem>>, %arg14: memref<16x8x64xf32, #tpu.memory_space<vmem>>, %arg15: memref<512xf32, #tpu.memory_space<vmem>>, %arg16: memref<512xf32, #tpu.memory_space<vmem>>, %arg17: memref<512xf32, #tpu.memory_space<vmem>>, %arg18: memref<!tpu.dma_semaphore, #tpu.memory_space<semaphore_mem>>, %arg19: memref<!tpu.dma_semaphore, #tpu.memory_space<semaphore_mem>>, %arg20: memref<!tpu.dma_semaphore, #tpu.memory_space<semaphore_mem>>, %arg21: memref<!tpu.dma_semaphore, #tpu.memory_space<semaphore_mem>>, %arg22: memref<!tpu.dma_semaphore, #tpu.memory_space<semaphore_mem>>, %arg23: memref<!tpu.dma_semaphore, #tpu.memory_space<semaphore_mem>>) attributes {dimension_semantics = [#tpu.dimension_semantics<core_parallel>, #tpu.dimension_semantics<subcore_parallel>], iteration_bounds = array<i64: 2, 16>, scalar_prefetch = 0 : i64, scratch_operands = 15 : i64, tpu.core_type = #tpu.core_type<sc_vector_subcore>, window_params = [{transform_indices = #map}, {transform_indices = #map}, {transform_indices = #map1}, {transform_indices = #map1}, {transform_indices = #map}, {transform_indices = #map}, {transform_indices = #map}]} {
    %mul3A = arith.constant 2 : i32
    %mul3A_0 = arith.muli %arg1, %mul3A : i32
    %add3A = arith.addi %mul3A_0, %arg0 : i32
    %mul3A_1 = arith.constant 512 : i32
    %mul3A_2 = arith.muli %add3A, %mul3A_1 : i32
    "tpu.region"() ({
      %run_scoped3A = tpu.sem_alloc : memref<!tpu.dma_semaphore, #tpu.memory_space<semaphore_mem>>
      %dma_start3A_755 = tpu.memref_slice %arg2[%mul3A_2] : memref<16384xi32, #tpu.memory_space<hbm>> -> memref<512xi32, #tpu.memory_space<hbm>>
      %dma_start3A_756 = tpu.memref_slice %arg2[%mul3A_2] : memref<16384xi32, #tpu.memory_space<hbm>> -> memref<512xi32, #tpu.memory_space<hbm>>
      tpu.enqueue_dma source(%dma_start3A_756 : memref<512xi32, #tpu.memory_space<hbm>>) target(%arg9 : memref<512xi32, #tpu.memory_space<vmem>>) target_semaphore(%run_scoped3A : memref<!tpu.dma_semaphore, #tpu.memory_space<semaphore_mem>>)
      %dma_wait3A_757 = tpu.memref_slice %arg2[%mul3A_2] : memref<16384xi32, #tpu.memory_space<hbm>> -> memref<512xi32, #tpu.memory_space<hbm>>
      %dma_wait3A_758 = tpu.memref_slice %arg2[%mul3A_2] : memref<16384xi32, #tpu.memory_space<hbm>> -> memref<512xi32, #tpu.memory_space<hbm>>
      tpu.wait_dma2 semaphore(%run_scoped3A : memref<!tpu.dma_semaphore, #tpu.memory_space<semaphore_mem>>) src(%dma_wait3A_758 : memref<512xi32, #tpu.memory_space<hbm>>) dst(%arg9 : memref<512xi32, #tpu.memory_space<vmem>>)
      tpu.yield
    }) : () -> ()
    "tpu.region"() ({
      %run_scoped3A = tpu.sem_alloc : memref<!tpu.dma_semaphore, #tpu.memory_space<semaphore_mem>>
      %dma_start3A_755 = tpu.memref_slice %arg3[%mul3A_2] : memref<16384xi32, #tpu.memory_space<hbm>> -> memref<512xi32, #tpu.memory_space<hbm>>
      %dma_start3A_756 = tpu.memref_slice %arg3[%mul3A_2] : memref<16384xi32, #tpu.memory_space<hbm>> -> memref<512xi32, #tpu.memory_space<hbm>>
      tpu.enqueue_dma source(%dma_start3A_756 : memref<512xi32, #tpu.memory_space<hbm>>) target(%arg10 : memref<512xi32, #tpu.memory_space<vmem>>) target_semaphore(%run_scoped3A : memref<!tpu.dma_semaphore, #tpu.memory_space<semaphore_mem>>)
      %dma_wait3A_757 = tpu.memref_slice %arg3[%mul3A_2] : memref<16384xi32, #tpu.memory_space<hbm>> -> memref<512xi32, #tpu.memory_space<hbm>>
      %dma_wait3A_758 = tpu.memref_slice %arg3[%mul3A_2] : memref<16384xi32, #tpu.memory_space<hbm>> -> memref<512xi32, #tpu.memory_space<hbm>>
      tpu.wait_dma2 semaphore(%run_scoped3A : memref<!tpu.dma_semaphore, #tpu.memory_space<semaphore_mem>>) src(%dma_wait3A_758 : memref<512xi32, #tpu.memory_space<hbm>>) dst(%arg10 : memref<512xi32, #tpu.memory_space<vmem>>)
      tpu.yield
    }) : () -> ()
    %dma_start3A = arith.constant 0 : i32
    %dma_start3A_3 = tpu.memref_slice %arg15[%dma_start3A] : memref<512xf32, #tpu.memory_space<vmem>> -> memref<128xf32, #tpu.memory_space<vmem>>
    %dma_start3A_4 = arith.constant 0 : i32
    %dma_start3A_5 = tpu.memref_slice %arg9[%dma_start3A_4] : memref<512xi32, #tpu.memory_space<vmem>> -> memref<128xi32, #tpu.memory_space<vmem>>
    %dma_start3A_6 = arith.constant 0 : i32
    %dma_start3A_7 = tpu.memref_slice %arg6[%dma_start3A_6] : memref<1000000xf32, #tpu.memory_space<hbm>> -> memref<1000000xf32, #tpu.memory_space<hbm>>
    tpu.enqueue_indirect_dma source(%dma_start3A_7 : memref<1000000xf32, #tpu.memory_space<hbm>>) target(%dma_start3A_3 : memref<128xf32, #tpu.memory_space<vmem>>) offsets(%dma_start3A_5 : memref<128xi32, #tpu.memory_space<vmem>>) semaphore(%arg22 : memref<!tpu.dma_semaphore, #tpu.memory_space<semaphore_mem>>)
    %dma_start3A_8 = arith.constant 0 : i32
    %dma_start3A_9 = tpu.memref_slice %arg16[%dma_start3A_8] : memref<512xf32, #tpu.memory_space<vmem>> -> memref<128xf32, #tpu.memory_space<vmem>>
    %dma_start3A_10 = arith.constant 0 : i32
    %dma_start3A_11 = tpu.memref_slice %arg10[%dma_start3A_10] : memref<512xi32, #tpu.memory_space<vmem>> -> memref<128xi32, #tpu.memory_space<vmem>>
    %dma_start3A_12 = arith.constant 0 : i32
    %dma_start3A_13 = tpu.memref_slice %arg7[%dma_start3A_12] : memref<1000000xf32, #tpu.memory_space<hbm>> -> memref<1000000xf32, #tpu.memory_space<hbm>>
    tpu.enqueue_indirect_dma source(%dma_start3A_13 : memref<1000000xf32, #tpu.memory_space<hbm>>) target(%dma_start3A_9 : memref<128xf32, #tpu.memory_space<vmem>>) offsets(%dma_start3A_11 : memref<128xi32, #tpu.memory_space<vmem>>) semaphore(%arg23 : memref<!tpu.dma_semaphore, #tpu.memory_space<semaphore_mem>>)
    %dma_start3A_14 = arith.constant 128 : i32
    %dma_start3A_15 = tpu.memref_slice %arg15[%dma_start3A_14] : memref<512xf32, #tpu.memory_space<vmem>> -> memref<128xf32, #tpu.memory_space<vmem>>
    %dma_start3A_16 = arith.constant 128 : i32
    %dma_start3A_17 = tpu.memref_slice %arg9[%dma_start3A_16] : memref<512xi32, #tpu.memory_space<vmem>> -> memref<128xi32, #tpu.memory_space<vmem>>
    %dma_start3A_18 = arith.constant 0 : i32
    %dma_start3A_19 = tpu.memref_slice %arg6[%dma_start3A_18] : memref<1000000xf32, #tpu.memory_space<hbm>> -> memref<1000000xf32, #tpu.memory_space<hbm>>
    tpu.enqueue_indirect_dma source(%dma_start3A_19 : memref<1000000xf32, #tpu.memory_space<hbm>>) target(%dma_start3A_15 : memref<128xf32, #tpu.memory_space<vmem>>) offsets(%dma_start3A_17 : memref<128xi32, #tpu.memory_space<vmem>>) semaphore(%arg22 : memref<!tpu.dma_semaphore, #tpu.memory_space<semaphore_mem>>)
    %dma_start3A_20 = arith.constant 128 : i32
    %dma_start3A_21 = tpu.memref_slice %arg16[%dma_start3A_20] : memref<512xf32, #tpu.memory_space<vmem>> -> memref<128xf32, #tpu.memory_space<vmem>>
    %dma_start3A_22 = arith.constant 128 : i32
    %dma_start3A_23 = tpu.memref_slice %arg10[%dma_start3A_22] : memref<512xi32, #tpu.memory_space<vmem>> -> memref<128xi32, #tpu.memory_space<vmem>>
    %dma_start3A_24 = arith.constant 0 : i32
    %dma_start3A_25 = tpu.memref_slice %arg7[%dma_start3A_24] : memref<1000000xf32, #tpu.memory_space<hbm>> -> memref<1000000xf32, #tpu.memory_space<hbm>>
    tpu.enqueue_indirect_dma source(%dma_start3A_25 : memref<1000000xf32, #tpu.memory_space<hbm>>) target(%dma_start3A_21 : memref<128xf32, #tpu.memory_space<vmem>>) offsets(%dma_start3A_23 : memref<128xi32, #tpu.memory_space<vmem>>) semaphore(%arg23 : memref<!tpu.dma_semaphore, #tpu.memory_space<semaphore_mem>>)
    %dma_start3A_26 = arith.constant 256 : i32
    %dma_start3A_27 = tpu.memref_slice %arg15[%dma_start3A_26] : memref<512xf32, #tpu.memory_space<vmem>> -> memref<128xf32, #tpu.memory_space<vmem>>
    %dma_start3A_28 = arith.constant 256 : i32
    %dma_start3A_29 = tpu.memref_slice %arg9[%dma_start3A_28] : memref<512xi32, #tpu.memory_space<vmem>> -> memref<128xi32, #tpu.memory_space<vmem>>
    %dma_start3A_30 = arith.constant 0 : i32
    %dma_start3A_31 = tpu.memref_slice %arg6[%dma_start3A_30] : memref<1000000xf32, #tpu.memory_space<hbm>> -> memref<1000000xf32, #tpu.memory_space<hbm>>
    tpu.enqueue_indirect_dma source(%dma_start3A_31 : memref<1000000xf32, #tpu.memory_space<hbm>>) target(%dma_start3A_27 : memref<128xf32, #tpu.memory_space<vmem>>) offsets(%dma_start3A_29 : memref<128xi32, #tpu.memory_space<vmem>>) semaphore(%arg22 : memref<!tpu.dma_semaphore, #tpu.memory_space<semaphore_mem>>)
    %dma_start3A_32 = arith.constant 256 : i32
    %dma_start3A_33 = tpu.memref_slice %arg16[%dma_start3A_32] : memref<512xf32, #tpu.memory_space<vmem>> -> memref<128xf32, #tpu.memory_space<vmem>>
    %dma_start3A_34 = arith.constant 256 : i32
    %dma_start3A_35 = tpu.memref_slice %arg10[%dma_start3A_34] : memref<512xi32, #tpu.memory_space<vmem>> -> memref<128xi32, #tpu.memory_space<vmem>>
    %dma_start3A_36 = arith.constant 0 : i32
    %dma_start3A_37 = tpu.memref_slice %arg7[%dma_start3A_36] : memref<1000000xf32, #tpu.memory_space<hbm>> -> memref<1000000xf32, #tpu.memory_space<hbm>>
    tpu.enqueue_indirect_dma source(%dma_start3A_37 : memref<1000000xf32, #tpu.memory_space<hbm>>) target(%dma_start3A_33 : memref<128xf32, #tpu.memory_space<vmem>>) offsets(%dma_start3A_35 : memref<128xi32, #tpu.memory_space<vmem>>) semaphore(%arg23 : memref<!tpu.dma_semaphore, #tpu.memory_space<semaphore_mem>>)
    %dma_start3A_38 = arith.constant 384 : i32
    %dma_start3A_39 = tpu.memref_slice %arg15[%dma_start3A_38] : memref<512xf32, #tpu.memory_space<vmem>> -> memref<128xf32, #tpu.memory_space<vmem>>
    %dma_start3A_40 = arith.constant 384 : i32
    %dma_start3A_41 = tpu.memref_slice %arg9[%dma_start3A_40] : memref<512xi32, #tpu.memory_space<vmem>> -> memref<128xi32, #tpu.memory_space<vmem>>
    %dma_start3A_42 = arith.constant 0 : i32
    %dma_start3A_43 = tpu.memref_slice %arg6[%dma_start3A_42] : memref<1000000xf32, #tpu.memory_space<hbm>> -> memref<1000000xf32, #tpu.memory_space<hbm>>
    tpu.enqueue_indirect_dma source(%dma_start3A_43 : memref<1000000xf32, #tpu.memory_space<hbm>>) target(%dma_start3A_39 : memref<128xf32, #tpu.memory_space<vmem>>) offsets(%dma_start3A_41 : memref<128xi32, #tpu.memory_space<vmem>>) semaphore(%arg22 : memref<!tpu.dma_semaphore, #tpu.memory_space<semaphore_mem>>)
    %dma_start3A_44 = arith.constant 384 : i32
    %dma_start3A_45 = tpu.memref_slice %arg16[%dma_start3A_44] : memref<512xf32, #tpu.memory_space<vmem>> -> memref<128xf32, #tpu.memory_space<vmem>>
    %dma_start3A_46 = arith.constant 384 : i32
    %dma_start3A_47 = tpu.memref_slice %arg10[%dma_start3A_46] : memref<512xi32, #tpu.memory_space<vmem>> -> memref<128xi32, #tpu.memory_space<vmem>>
    %dma_start3A_48 = arith.constant 0 : i32
    %dma_start3A_49 = tpu.memref_slice %arg7[%dma_start3A_48] : memref<1000000xf32, #tpu.memory_space<hbm>> -> memref<1000000xf32, #tpu.memory_space<hbm>>
    tpu.enqueue_indirect_dma source(%dma_start3A_49 : memref<1000000xf32, #tpu.memory_space<hbm>>) target(%dma_start3A_45 : memref<128xf32, #tpu.memory_space<vmem>>) offsets(%dma_start3A_47 : memref<128xi32, #tpu.memory_space<vmem>>) semaphore(%arg23 : memref<!tpu.dma_semaphore, #tpu.memory_space<semaphore_mem>>)
    %scan3A = arith.constant 0 : i32
    %scan3A_50 = arith.constant 0 : i32
    %mul3A_51 = arith.constant 16 : i32
    %mul3A_52 = arith.muli %scan3A_50, %mul3A_51 : i32
    %add3A_53 = arith.constant 0 : i32
    %add3A_54 = arith.addi %add3A_53, %mul3A_52 : i32
    %get3A = arith.index_cast %add3A_54 : i32 to index
    %get3A_55 = tpu.vector_load %arg9[%get3A] {strides = array<i32>} : memref<512xi32, #tpu.memory_space<vmem>>, vector<16xi32>,
    %shift_right_logical3A = arith.constant 3 : i32
    %shift_right_logical3A_56 = vector.broadcast %shift_right_logical3A : i32 to vector<16xi32>
    %shift_right_logical3A_57 = arith.shrui %get3A_55, %shift_right_logical3A_56 : vector<16xi32>
    %get3A_58 = arith.index_cast %add3A_54 : i32 to index
    %get3A_59 = tpu.vector_load %arg10[%get3A_58] {strides = array<i32>} : memref<512xi32, #tpu.memory_space<vmem>>, vector<16xi32>,
    %shift_right_logical3A_60 = arith.constant 3 : i32
    %shift_right_logical3A_61 = vector.broadcast %shift_right_logical3A_60 : i32 to vector<16xi32>
    %shift_right_logical3A_62 = arith.shrui %get3A_59, %shift_right_logical3A_61 : vector<16xi32>
    %mul3A_63 = arith.constant 16 : i32
    %mul3A_64 = arith.muli %scan3A_50, %mul3A_63 : i32
    %add3A_65 = arith.constant 0 : i32
    %add3A_66 = arith.addi %mul3A_64, %add3A_65 : i32
    %slice3A = vector.extract_strided_slice %shift_right_logical3A_57 {offsets = [0], sizes = [1], strides = [1]} : vector<16xi32> to vector<1xi32>
    %squeeze3A = vector.extract %slice3A[0] : i32 from vector<1xi32>
    %dma_start3A_67 = arith.constant 0 : i32
    %dma_start3A_68 = arith.constant 0 : i32
    %dma_start3A_69 = tpu.memref_slice %arg11[%add3A_66, %dma_start3A_67, %dma_start3A_68] : memref<16x8x64xf32, #tpu.memory_space<vmem>> -> memref<1x8x64xf32, #tpu.memory_space<vmem>>
    %dma_start3A_70 = tpu.memref_squeeze %dma_start3A_69 : memref<1x8x64xf32, #tpu.memory_space<vmem>> -> memref<8x64xf32, #tpu.memory_space<vmem>>
    %dma_start3A_71 = arith.constant 0 : i32
    %dma_start3A_72 = arith.constant 0 : i32
    %dma_start3A_73 = tpu.memref_slice %arg4[%squeeze3A, %dma_start3A_71, %dma_start3A_72] : memref<125000x8x64xf32, #tpu.memory_space<hbm>> -> memref<1x8x64xf32, #tpu.memory_space<hbm>>
    %dma_start3A_74 = tpu.memref_squeeze %dma_start3A_73 : memref<1x8x64xf32, #tpu.memory_space<hbm>> -> memref<8x64xf32, #tpu.memory_space<hbm>>
    %dma_start3A_75 = arith.constant 0 : i32
    %dma_start3A_76 = arith.constant 0 : i32
    %dma_start3A_77 = tpu.memref_slice %arg11[%add3A_66, %dma_start3A_75, %dma_start3A_76] : memref<16x8x64xf32, #tpu.memory_space<vmem>> -> memref<1x8x64xf32, #tpu.memory_space<vmem>>
    %dma_start3A_78 = tpu.memref_squeeze %dma_start3A_77 : memref<1x8x64xf32, #tpu.memory_space<vmem>> -> memref<8x64xf32, #tpu.memory_space<vmem>>
    %dma_start3A_79 = arith.constant 0 : i32
    %dma_start3A_80 = arith.constant 0 : i32
    %dma_start3A_81 = tpu.memref_slice %arg4[%squeeze3A, %dma_start3A_79, %dma_start3A_80] : memref<125000x8x64xf32, #tpu.memory_space<hbm>> -> memref<1x8x64xf32, #tpu.memory_space<hbm>>
    %dma_start3A_82 = tpu.memref_squeeze %dma_start3A_81 : memref<1x8x64xf32, #tpu.memory_space<hbm>> -> memref<8x64xf32, #tpu.memory_space<hbm>>
    tpu.enqueue_dma source(%dma_start3A_82 : memref<8x64xf32, #tpu.memory_space<hbm>>) target(%dma_start3A_78 : memref<8x64xf32, #tpu.memory_space<vmem>>) target_semaphore(%arg18 : memref<!tpu.dma_semaphore, #tpu.memory_space<semaphore_mem>>)
    %slice3A_83 = vector.extract_strided_slice %shift_right_logical3A_62 {offsets = [0], sizes = [1], strides = [1]} : vector<16xi32> to vector<1xi32>
    %squeeze3A_84 = vector.extract %slice3A_83[0] : i32 from vector<1xi32>
    %dma_start3A_85 = arith.constant 0 : i32
    %dma_start3A_86 = arith.constant 0 : i32
    %dma_start3A_87 = tpu.memref_slice %arg12[%add3A_66, %dma_start3A_85, %dma_start3A_86] : memref<16x8x64xf32, #tpu.memory_space<vmem>> -> memref<1x8x64xf32, #tpu.memory_space<vmem>>
    %dma_start3A_88 = tpu.memref_squeeze %dma_start3A_87 : memref<1x8x64xf32, #tpu.memory_space<vmem>> -> memref<8x64xf32, #tpu.memory_space<vmem>>
    %dma_start3A_89 = arith.constant 0 : i32
    %dma_start3A_90 = arith.constant 0 : i32
    %dma_start3A_91 = tpu.memref_slice %arg5[%squeeze3A_84, %dma_start3A_89, %dma_start3A_90] : memref<125000x8x64xf32, #tpu.memory_space<hbm>> -> memref<1x8x64xf32, #tpu.memory_space<hbm>>
    %dma_start3A_92 = tpu.memref_squeeze %dma_start3A_91 : memref<1x8x64xf32, #tpu.memory_space<hbm>> -> memref<8x64xf32, #tpu.memory_space<hbm>>
    %dma_start3A_93 = arith.constant 0 : i32
    %dma_start3A_94 = arith.constant 0 : i32
    %dma_start3A_95 = tpu.memref_slice %arg12[%add3A_66, %dma_start3A_93, %dma_start3A_94] : memref<16x8x64xf32, #tpu.memory_space<vmem>> -> memref<1x8x64xf32, #tpu.memory_space<vmem>>
    %dma_start3A_96 = tpu.memref_squeeze %dma_start3A_95 : memref<1x8x64xf32, #tpu.memory_space<vmem>> -> memref<8x64xf32, #tpu.memory_space<vmem>>
    %dma_start3A_97 = arith.constant 0 : i32
    %dma_start3A_98 = arith.constant 0 : i32
    %dma_start3A_99 = tpu.memref_slice %arg5[%squeeze3A_84, %dma_start3A_97, %dma_start3A_98] : memref<125000x8x64xf32, #tpu.memory_space<hbm>> -> memref<1x8x64xf32, #tpu.memory_space<hbm>>
    %dma_start3A_100 = tpu.memref_squeeze %dma_start3A_99 : memref<1x8x64xf32, #tpu.memory_space<hbm>> -> memref<8x64xf32, #tpu.memory_space<hbm>>
    tpu.enqueue_dma source(%dma_start3A_100 : memref<8x64xf32, #tpu.memory_space<hbm>>) target(%dma_start3A_96 : memref<8x64xf32, #tpu.memory_space<vmem>>) target_semaphore(%arg19 : memref<!tpu.dma_semaphore, #tpu.memory_space<semaphore_mem>>)
    %mul3A_101 = arith.constant 16 : i32
    %mul3A_102 = arith.muli %scan3A_50, %mul3A_101 : i32
    %add3A_103 = arith.constant 1 : i32
    %add3A_104 = arith.addi %mul3A_102, %add3A_103 : i32
    %slice3A_105 = vector.extract_strided_slice %shift_right_logical3A_57 {offsets = [1], sizes = [1], strides = [1]} : vector<16xi32> to vector<1xi32>
    %squeeze3A_106 = vector.extract %slice3A_105[0] : i32 from vector<1xi32>
    %dma_start3A_107 = arith.constant 0 : i32
    %dma_start3A_108 = arith.constant 0 : i32
    %dma_start3A_109 = tpu.memref_slice %arg11[%add3A_104, %dma_start3A_107, %dma_start3A_108] : memref<16x8x64xf32, #tpu.memory_space<vmem>> -> memref<1x8x64xf32, #tpu.memory_space<vmem>>
    %dma_start3A_110 = tpu.memref_squeeze %dma_start3A_109 : memref<1x8x64xf32, #tpu.memory_space<vmem>> -> memref<8x64xf32, #tpu.memory_space<vmem>>
    %dma_start3A_111 = arith.constant 0 : i32
    %dma_start3A_112 = arith.constant 0 : i32
    %dma_start3A_113 = tpu.memref_slice %arg4[%squeeze3A_106, %dma_start3A_111, %dma_start3A_112] : memref<125000x8x64xf32, #tpu.memory_space<hbm>> -> memref<1x8x64xf32, #tpu.memory_space<hbm>>
    %dma_start3A_114 = tpu.memref_squeeze %dma_start3A_113 : memref<1x8x64xf32, #tpu.memory_space<hbm>> -> memref<8x64xf32, #tpu.memory_space<hbm>>
    %dma_start3A_115 = arith.constant 0 : i32
    %dma_start3A_116 = arith.constant 0 : i32
    %dma_start3A_117 = tpu.memref_slice %arg11[%add3A_104, %dma_start3A_115, %dma_start3A_116] : memref<16x8x64xf32, #tpu.memory_space<vmem>> -> memref<1x8x64xf32, #tpu.memory_space<vmem>>
    %dma_start3A_118 = tpu.memref_squeeze %dma_start3A_117 : memref<1x8x64xf32, #tpu.memory_space<vmem>> -> memref<8x64xf32, #tpu.memory_space<vmem>>
    %dma_start3A_119 = arith.constant 0 : i32
    %dma_start3A_120 = arith.constant 0 : i32
    %dma_start3A_121 = tpu.memref_slice %arg4[%squeeze3A_106, %dma_start3A_119, %dma_start3A_120] : memref<125000x8x64xf32, #tpu.memory_space<hbm>> -> memref<1x8x64xf32, #tpu.memory_space<hbm>>
    %dma_start3A_122 = tpu.memref_squeeze %dma_start3A_121 : memref<1x8x64xf32, #tpu.memory_space<hbm>> -> memref<8x64xf32, #tpu.memory_space<hbm>>
    tpu.enqueue_dma source(%dma_start3A_122 : memref<8x64xf32, #tpu.memory_space<hbm>>) target(%dma_start3A_118 : memref<8x64xf32, #tpu.memory_space<vmem>>) target_semaphore(%arg18 : memref<!tpu.dma_semaphore, #tpu.memory_space<semaphore_mem>>)
    %slice3A_123 = vector.extract_strided_slice %shift_right_logical3A_62 {offsets = [1], sizes = [1], strides = [1]} : vector<16xi32> to vector<1xi32>
    %squeeze3A_124 = vector.extract %slice3A_123[0] : i32 from vector<1xi32>
    %dma_start3A_125 = arith.constant 0 : i32
    %dma_start3A_126 = arith.constant 0 : i32
    %dma_start3A_127 = tpu.memref_slice %arg12[%add3A_104, %dma_start3A_125, %dma_start3A_126] : memref<16x8x64xf32, #tpu.memory_space<vmem>> -> memref<1x8x64xf32, #tpu.memory_space<vmem>>
    %dma_start3A_128 = tpu.memref_squeeze %dma_start3A_127 : memref<1x8x64xf32, #tpu.memory_space<vmem>> -> memref<8x64xf32, #tpu.memory_space<vmem>>
    %dma_start3A_129 = arith.constant 0 : i32
    %dma_start3A_130 = arith.constant 0 : i32
    %dma_start3A_131 = tpu.memref_slice %arg5[%squeeze3A_124, %dma_start3A_129, %dma_start3A_130] : memref<125000x8x64xf32, #tpu.memory_space<hbm>> -> memref<1x8x64xf32, #tpu.memory_space<hbm>>
    %dma_start3A_132 = tpu.memref_squeeze %dma_start3A_131 : memref<1x8x64xf32, #tpu.memory_space<hbm>> -> memref<8x64xf32, #tpu.memory_space<hbm>>
    %dma_start3A_133 = arith.constant 0 : i32
    %dma_start3A_134 = arith.constant 0 : i32
    %dma_start3A_135 = tpu.memref_slice %arg12[%add3A_104, %dma_start3A_133, %dma_start3A_134] : memref<16x8x64xf32, #tpu.memory_space<vmem>> -> memref<1x8x64xf32, #tpu.memory_space<vmem>>
    %dma_start3A_136 = tpu.memref_squeeze %dma_start3A_135 : memref<1x8x64xf32, #tpu.memory_space<vmem>> -> memref<8x64xf32, #tpu.memory_space<vmem>>
    %dma_start3A_137 = arith.constant 0 : i32
    %dma_start3A_138 = arith.constant 0 : i32
    %dma_start3A_139 = tpu.memref_slice %arg5[%squeeze3A_124, %dma_start3A_137, %dma_start3A_138] : memref<125000x8x64xf32, #tpu.memory_space<hbm>> -> memref<1x8x64xf32, #tpu.memory_space<hbm>>
    %dma_start3A_140 = tpu.memref_squeeze %dma_start3A_139 : memref<1x8x64xf32, #tpu.memory_space<hbm>> -> memref<8x64xf32, #tpu.memory_space<hbm>>
    tpu.enqueue_dma source(%dma_start3A_140 : memref<8x64xf32, #tpu.memory_space<hbm>>) target(%dma_start3A_136 : memref<8x64xf32, #tpu.memory_space<vmem>>) target_semaphore(%arg19 : memref<!tpu.dma_semaphore, #tpu.memory_space<semaphore_mem>>)
    %mul3A_141 = arith.constant 16 : i32
    %mul3A_142 = arith.muli %scan3A_50, %mul3A_141 : i32
    %add3A_143 = arith.constant 2 : i32
    %add3A_144 = arith.addi %mul3A_142, %add3A_143 : i32
    %slice3A_145 = vector.extract_strided_slice %shift_right_logical3A_57 {offsets = [2], sizes = [1], strides = [1]} : vector<16xi32> to vector<1xi32>
    %squeeze3A_146 = vector.extract %slice3A_145[0] : i32 from vector<1xi32>
    %dma_start3A_147 = arith.constant 0 : i32
    %dma_start3A_148 = arith.constant 0 : i32
    %dma_start3A_149 = tpu.memref_slice %arg11[%add3A_144, %dma_start3A_147, %dma_start3A_148] : memref<16x8x64xf32, #tpu.memory_space<vmem>> -> memref<1x8x64xf32, #tpu.memory_space<vmem>>
    %dma_start3A_150 = tpu.memref_squeeze %dma_start3A_149 : memref<1x8x64xf32, #tpu.memory_space<vmem>> -> memref<8x64xf32, #tpu.memory_space<vmem>>
    %dma_start3A_151 = arith.constant 0 : i32
    %dma_start3A_152 = arith.constant 0 : i32
    %dma_start3A_153 = tpu.memref_slice %arg4[%squeeze3A_146, %dma_start3A_151, %dma_start3A_152] : memref<125000x8x64xf32, #tpu.memory_space<hbm>> -> memref<1x8x64xf32, #tpu.memory_space<hbm>>
    %dma_start3A_154 = tpu.memref_squeeze %dma_start3A_153 : memref<1x8x64xf32, #tpu.memory_space<hbm>> -> memref<8x64xf32, #tpu.memory_space<hbm>>
    %dma_start3A_155 = arith.constant 0 : i32
    %dma_start3A_156 = arith.constant 0 : i32
    %dma_start3A_157 = tpu.memref_slice %arg11[%add3A_144, %dma_start3A_155, %dma_start3A_156] : memref<16x8x64xf32, #tpu.memory_space<vmem>> -> memref<1x8x64xf32, #tpu.memory_space<vmem>>
    %dma_start3A_158 = tpu.memref_squeeze %dma_start3A_157 : memref<1x8x64xf32, #tpu.memory_space<vmem>> -> memref<8x64xf32, #tpu.memory_space<vmem>>
    %dma_start3A_159 = arith.constant 0 : i32
    %dma_start3A_160 = arith.constant 0 : i32
    %dma_start3A_161 = tpu.memref_slice %arg4[%squeeze3A_146, %dma_start3A_159, %dma_start3A_160] : memref<125000x8x64xf32, #tpu.memory_space<hbm>> -> memref<1x8x64xf32, #tpu.memory_space<hbm>>
    %dma_start3A_162 = tpu.memref_squeeze %dma_start3A_161 : memref<1x8x64xf32, #tpu.memory_space<hbm>> -> memref<8x64xf32, #tpu.memory_space<hbm>>
    tpu.enqueue_dma source(%dma_start3A_162 : memref<8x64xf32, #tpu.memory_space<hbm>>) target(%dma_start3A_158 : memref<8x64xf32, #tpu.memory_space<vmem>>) target_semaphore(%arg18 : memref<!tpu.dma_semaphore, #tpu.memory_space<semaphore_mem>>)
    %slice3A_163 = vector.extract_strided_slice %shift_right_logical3A_62 {offsets = [2], sizes = [1], strides = [1]} : vector<16xi32> to vector<1xi32>
    %squeeze3A_164 = vector.extract %slice3A_163[0] : i32 from vector<1xi32>
    %dma_start3A_165 = arith.constant 0 : i32
    %dma_start3A_166 = arith.constant 0 : i32
    %dma_start3A_167 = tpu.memref_slice %arg12[%add3A_144, %dma_start3A_165, %dma_start3A_166] : memref<16x8x64xf32, #tpu.memory_space<vmem>> -> memref<1x8x64xf32, #tpu.memory_space<vmem>>
    %dma_start3A_168 = tpu.memref_squeeze %dma_start3A_167 : memref<1x8x64xf32, #tpu.memory_space<vmem>> -> memref<8x64xf32, #tpu.memory_space<vmem>>
    %dma_start3A_169 = arith.constant 0 : i32
    %dma_start3A_170 = arith.constant 0 : i32
    %dma_start3A_171 = tpu.memref_slice %arg5[%squeeze3A_164, %dma_start3A_169, %dma_start3A_170] : memref<125000x8x64xf32, #tpu.memory_space<hbm>> -> memref<1x8x64xf32, #tpu.memory_space<hbm>>
    %dma_start3A_172 = tpu.memref_squeeze %dma_start3A_171 : memref<1x8x64xf32, #tpu.memory_space<hbm>> -> memref<8x64xf32, #tpu.memory_space<hbm>>
    %dma_start3A_173 = arith.constant 0 : i32
    %dma_start3A_174 = arith.constant 0 : i32
    %dma_start3A_175 = tpu.memref_slice %arg12[%add3A_144, %dma_start3A_173, %dma_start3A_174] : memref<16x8x64xf32, #tpu.memory_space<vmem>> -> memref<1x8x64xf32, #tpu.memory_space<vmem>>
    %dma_start3A_176 = tpu.memref_squeeze %dma_start3A_175 : memref<1x8x64xf32, #tpu.memory_space<vmem>> -> memref<8x64xf32, #tpu.memory_space<vmem>>
    %dma_start3A_177 = arith.constant 0 : i32
    %dma_start3A_178 = arith.constant 0 : i32
    %dma_start3A_179 = tpu.memref_slice %arg5[%squeeze3A_164, %dma_start3A_177, %dma_start3A_178] : memref<125000x8x64xf32, #tpu.memory_space<hbm>> -> memref<1x8x64xf32, #tpu.memory_space<hbm>>
    %dma_start3A_180 = tpu.memref_squeeze %dma_start3A_179 : memref<1x8x64xf32, #tpu.memory_space<hbm>> -> memref<8x64xf32, #tpu.memory_space<hbm>>
    tpu.enqueue_dma source(%dma_start3A_180 : memref<8x64xf32, #tpu.memory_space<hbm>>) target(%dma_start3A_176 : memref<8x64xf32, #tpu.memory_space<vmem>>) target_semaphore(%arg19 : memref<!tpu.dma_semaphore, #tpu.memory_space<semaphore_mem>>)
    %mul3A_181 = arith.constant 16 : i32
    %mul3A_182 = arith.muli %scan3A_50, %mul3A_181 : i32
    %add3A_183 = arith.constant 3 : i32
    %add3A_184 = arith.addi %mul3A_182, %add3A_183 : i32
    %slice3A_185 = vector.extract_strided_slice %shift_right_logical3A_57 {offsets = [3], sizes = [1], strides = [1]} : vector<16xi32> to vector<1xi32>
    %squeeze3A_186 = vector.extract %slice3A_185[0] : i32 from vector<1xi32>
    %dma_start3A_187 = arith.constant 0 : i32
    %dma_start3A_188 = arith.constant 0 : i32
    %dma_start3A_189 = tpu.memref_slice %arg11[%add3A_184, %dma_start3A_187, %dma_start3A_188] : memref<16x8x64xf32, #tpu.memory_space<vmem>> -> memref<1x8x64xf32, #tpu.memory_space<vmem>>
    %dma_start3A_190 = tpu.memref_squeeze %dma_start3A_189 : memref<1x8x64xf32, #tpu.memory_space<vmem>> -> memref<8x64xf32, #tpu.memory_space<vmem>>
    %dma_start3A_191 = arith.constant 0 : i32
    %dma_start3A_192 = arith.constant 0 : i32
    %dma_start3A_193 = tpu.memref_slice %arg4[%squeeze3A_186, %dma_start3A_191, %dma_start3A_192] : memref<125000x8x64xf32, #tpu.memory_space<hbm>> -> memref<1x8x64xf32, #tpu.memory_space<hbm>>
    %dma_start3A_194 = tpu.memref_squeeze %dma_start3A_193 : memref<1x8x64xf32, #tpu.memory_space<hbm>> -> memref<8x64xf32, #tpu.memory_space<hbm>>
    %dma_start3A_195 = arith.constant 0 : i32
    %dma_start3A_196 = arith.constant 0 : i32
    %dma_start3A_197 = tpu.memref_slice %arg11[%add3A_184, %dma_start3A_195, %dma_start3A_196] : memref<16x8x64xf32, #tpu.memory_space<vmem>> -> memref<1x8x64xf32, #tpu.memory_space<vmem>>
    %dma_start3A_198 = tpu.memref_squeeze %dma_start3A_197 : memref<1x8x64xf32, #tpu.memory_space<vmem>> -> memref<8x64xf32, #tpu.memory_space<vmem>>
    %dma_start3A_199 = arith.constant 0 : i32
    %dma_start3A_200 = arith.constant 0 : i32
    %dma_start3A_201 = tpu.memref_slice %arg4[%squeeze3A_186, %dma_start3A_199, %dma_start3A_200] : memref<125000x8x64xf32, #tpu.memory_space<hbm>> -> memref<1x8x64xf32, #tpu.memory_space<hbm>>
    %dma_start3A_202 = tpu.memref_squeeze %dma_start3A_201 : memref<1x8x64xf32, #tpu.memory_space<hbm>> -> memref<8x64xf32, #tpu.memory_space<hbm>>
    tpu.enqueue_dma source(%dma_start3A_202 : memref<8x64xf32, #tpu.memory_space<hbm>>) target(%dma_start3A_198 : memref<8x64xf32, #tpu.memory_space<vmem>>) target_semaphore(%arg18 : memref<!tpu.dma_semaphore, #tpu.memory_space<semaphore_mem>>)
    %slice3A_203 = vector.extract_strided_slice %shift_right_logical3A_62 {offsets = [3], sizes = [1], strides = [1]} : vector<16xi32> to vector<1xi32>
    %squeeze3A_204 = vector.extract %slice3A_203[0] : i32 from vector<1xi32>
    %dma_start3A_205 = arith.constant 0 : i32
    %dma_start3A_206 = arith.constant 0 : i32
    %dma_start3A_207 = tpu.memref_slice %arg12[%add3A_184, %dma_start3A_205, %dma_start3A_206] : memref<16x8x64xf32, #tpu.memory_space<vmem>> -> memref<1x8x64xf32, #tpu.memory_space<vmem>>
    %dma_start3A_208 = tpu.memref_squeeze %dma_start3A_207 : memref<1x8x64xf32, #tpu.memory_space<vmem>> -> memref<8x64xf32, #tpu.memory_space<vmem>>
    %dma_start3A_209 = arith.constant 0 : i32
    %dma_start3A_210 = arith.constant 0 : i32
    %dma_start3A_211 = tpu.memref_slice %arg5[%squeeze3A_204, %dma_start3A_209, %dma_start3A_210] : memref<125000x8x64xf32, #tpu.memory_space<hbm>> -> memref<1x8x64xf32, #tpu.memory_space<hbm>>
    %dma_start3A_212 = tpu.memref_squeeze %dma_start3A_211 : memref<1x8x64xf32, #tpu.memory_space<hbm>> -> memref<8x64xf32, #tpu.memory_space<hbm>>
    %dma_start3A_213 = arith.constant 0 : i32
    %dma_start3A_214 = arith.constant 0 : i32
    %dma_start3A_215 = tpu.memref_slice %arg12[%add3A_184, %dma_start3A_213, %dma_start3A_214] : memref<16x8x64xf32, #tpu.memory_space<vmem>> -> memref<1x8x64xf32, #tpu.memory_space<vmem>>
    %dma_start3A_216 = tpu.memref_squeeze %dma_start3A_215 : memref<1x8x64xf32, #tpu.memory_space<vmem>> -> memref<8x64xf32, #tpu.memory_space<vmem>>
    %dma_start3A_217 = arith.constant 0 : i32
    %dma_start3A_218 = arith.constant 0 : i32
    %dma_start3A_219 = tpu.memref_slice %arg5[%squeeze3A_204, %dma_start3A_217, %dma_start3A_218] : memref<125000x8x64xf32, #tpu.memory_space<hbm>> -> memref<1x8x64xf32, #tpu.memory_space<hbm>>
    %dma_start3A_220 = tpu.memref_squeeze %dma_start3A_219 : memref<1x8x64xf32, #tpu.memory_space<hbm>> -> memref<8x64xf32, #tpu.memory_space<hbm>>
    tpu.enqueue_dma source(%dma_start3A_220 : memref<8x64xf32, #tpu.memory_space<hbm>>) target(%dma_start3A_216 : memref<8x64xf32, #tpu.memory_space<vmem>>) target_semaphore(%arg19 : memref<!tpu.dma_semaphore, #tpu.memory_space<semaphore_mem>>)
    %mul3A_221 = arith.constant 16 : i32
    %mul3A_222 = arith.muli %scan3A_50, %mul3A_221 : i32
    %add3A_223 = arith.constant 4 : i32
    %add3A_224 = arith.addi %mul3A_222, %add3A_223 : i32
    %slice3A_225 = vector.extract_strided_slice %shift_right_logical3A_57 {offsets = [4], sizes = [1], strides = [1]} : vector<16xi32> to vector<1xi32>
    %squeeze3A_226 = vector.extract %slice3A_225[0] : i32 from vector<1xi32>
    %dma_start3A_227 = arith.constant 0 : i32
    %dma_start3A_228 = arith.constant 0 : i32
    %dma_start3A_229 = tpu.memref_slice %arg11[%add3A_224, %dma_start3A_227, %dma_start3A_228] : memref<16x8x64xf32, #tpu.memory_space<vmem>> -> memref<1x8x64xf32, #tpu.memory_space<vmem>>
    %dma_start3A_230 = tpu.memref_squeeze %dma_start3A_229 : memref<1x8x64xf32, #tpu.memory_space<vmem>> -> memref<8x64xf32, #tpu.memory_space<vmem>>
    %dma_start3A_231 = arith.constant 0 : i32
    %dma_start3A_232 = arith.constant 0 : i32
    %dma_start3A_233 = tpu.memref_slice %arg4[%squeeze3A_226, %dma_start3A_231, %dma_start3A_232] : memref<125000x8x64xf32, #tpu.memory_space<hbm>> -> memref<1x8x64xf32, #tpu.memory_space<hbm>>
    %dma_start3A_234 = tpu.memref_squeeze %dma_start3A_233 : memref<1x8x64xf32, #tpu.memory_space<hbm>> -> memref<8x64xf32, #tpu.memory_space<hbm>>
    %dma_start3A_235 = arith.constant 0 : i32
    %dma_start3A_236 = arith.constant 0 : i32
    %dma_start3A_237 = tpu.memref_slice %arg11[%add3A_224, %dma_start3A_235, %dma_start3A_236] : memref<16x8x64xf32, #tpu.memory_space<vmem>> -> memref<1x8x64xf32, #tpu.memory_space<vmem>>
    %dma_start3A_238 = tpu.memref_squeeze %dma_start3A_237 : memref<1x8x64xf32, #tpu.memory_space<vmem>> -> memref<8x64xf32, #tpu.memory_space<vmem>>
    %dma_start3A_239 = arith.constant 0 : i32
    %dma_start3A_240 = arith.constant 0 : i32
    %dma_start3A_241 = tpu.memref_slice %arg4[%squeeze3A_226, %dma_start3A_239, %dma_start3A_240] : memref<125000x8x64xf32, #tpu.memory_space<hbm>> -> memref<1x8x64xf32, #tpu.memory_space<hbm>>
    %dma_start3A_242 = tpu.memref_squeeze %dma_start3A_241 : memref<1x8x64xf32, #tpu.memory_space<hbm>> -> memref<8x64xf32, #tpu.memory_space<hbm>>
    tpu.enqueue_dma source(%dma_start3A_242 : memref<8x64xf32, #tpu.memory_space<hbm>>) target(%dma_start3A_238 : memref<8x64xf32, #tpu.memory_space<vmem>>) target_semaphore(%arg18 : memref<!tpu.dma_semaphore, #tpu.memory_space<semaphore_mem>>)
    %slice3A_243 = vector.extract_strided_slice %shift_right_logical3A_62 {offsets = [4], sizes = [1], strides = [1]} : vector<16xi32> to vector<1xi32>
    %squeeze3A_244 = vector.extract %slice3A_243[0] : i32 from vector<1xi32>
    %dma_start3A_245 = arith.constant 0 : i32
    %dma_start3A_246 = arith.constant 0 : i32
    %dma_start3A_247 = tpu.memref_slice %arg12[%add3A_224, %dma_start3A_245, %dma_start3A_246] : memref<16x8x64xf32, #tpu.memory_space<vmem>> -> memref<1x8x64xf32, #tpu.memory_space<vmem>>
    %dma_start3A_248 = tpu.memref_squeeze %dma_start3A_247 : memref<1x8x64xf32, #tpu.memory_space<vmem>> -> memref<8x64xf32, #tpu.memory_space<vmem>>
    %dma_start3A_249 = arith.constant 0 : i32
    %dma_start3A_250 = arith.constant 0 : i32
    %dma_start3A_251 = tpu.memref_slice %arg5[%squeeze3A_244, %dma_start3A_249, %dma_start3A_250] : memref<125000x8x64xf32, #tpu.memory_space<hbm>> -> memref<1x8x64xf32, #tpu.memory_space<hbm>>
    %dma_start3A_252 = tpu.memref_squeeze %dma_start3A_251 : memref<1x8x64xf32, #tpu.memory_space<hbm>> -> memref<8x64xf32, #tpu.memory_space<hbm>>
    %dma_start3A_253 = arith.constant 0 : i32
    %dma_start3A_254 = arith.constant 0 : i32
    %dma_start3A_255 = tpu.memref_slice %arg12[%add3A_224, %dma_start3A_253, %dma_start3A_254] : memref<16x8x64xf32, #tpu.memory_space<vmem>> -> memref<1x8x64xf32, #tpu.memory_space<vmem>>
    %dma_start3A_256 = tpu.memref_squeeze %dma_start3A_255 : memref<1x8x64xf32, #tpu.memory_space<vmem>> -> memref<8x64xf32, #tpu.memory_space<vmem>>
    %dma_start3A_257 = arith.constant 0 : i32
    %dma_start3A_258 = arith.constant 0 : i32
    %dma_start3A_259 = tpu.memref_slice %arg5[%squeeze3A_244, %dma_start3A_257, %dma_start3A_258] : memref<125000x8x64xf32, #tpu.memory_space<hbm>> -> memref<1x8x64xf32, #tpu.memory_space<hbm>>
    %dma_start3A_260 = tpu.memref_squeeze %dma_start3A_259 : memref<1x8x64xf32, #tpu.memory_space<hbm>> -> memref<8x64xf32, #tpu.memory_space<hbm>>
    tpu.enqueue_dma source(%dma_start3A_260 : memref<8x64xf32, #tpu.memory_space<hbm>>) target(%dma_start3A_256 : memref<8x64xf32, #tpu.memory_space<vmem>>) target_semaphore(%arg19 : memref<!tpu.dma_semaphore, #tpu.memory_space<semaphore_mem>>)
    %mul3A_261 = arith.constant 16 : i32
    %mul3A_262 = arith.muli %scan3A_50, %mul3A_261 : i32
    %add3A_263 = arith.constant 5 : i32
    %add3A_264 = arith.addi %mul3A_262, %add3A_263 : i32
    %slice3A_265 = vector.extract_strided_slice %shift_right_logical3A_57 {offsets = [5], sizes = [1], strides = [1]} : vector<16xi32> to vector<1xi32>
    %squeeze3A_266 = vector.extract %slice3A_265[0] : i32 from vector<1xi32>
    %dma_start3A_267 = arith.constant 0 : i32
    %dma_start3A_268 = arith.constant 0 : i32
    %dma_start3A_269 = tpu.memref_slice %arg11[%add3A_264, %dma_start3A_267, %dma_start3A_268] : memref<16x8x64xf32, #tpu.memory_space<vmem>> -> memref<1x8x64xf32, #tpu.memory_space<vmem>>
    %dma_start3A_270 = tpu.memref_squeeze %dma_start3A_269 : memref<1x8x64xf32, #tpu.memory_space<vmem>> -> memref<8x64xf32, #tpu.memory_space<vmem>>
    %dma_start3A_271 = arith.constant 0 : i32
    %dma_start3A_272 = arith.constant 0 : i32
    %dma_start3A_273 = tpu.memref_slice %arg4[%squeeze3A_266, %dma_start3A_271, %dma_start3A_272] : memref<125000x8x64xf32, #tpu.memory_space<hbm>> -> memref<1x8x64xf32, #tpu.memory_space<hbm>>
    %dma_start3A_274 = tpu.memref_squeeze %dma_start3A_273 : memref<1x8x64xf32, #tpu.memory_space<hbm>> -> memref<8x64xf32, #tpu.memory_space<hbm>>
    %dma_start3A_275 = arith.constant 0 : i32
    %dma_start3A_276 = arith.constant 0 : i32
    %dma_start3A_277 = tpu.memref_slice %arg11[%add3A_264, %dma_start3A_275, %dma_start3A_276] : memref<16x8x64xf32, #tpu.memory_space<vmem>> -> memref<1x8x64xf32, #tpu.memory_space<vmem>>
    %dma_start3A_278 = tpu.memref_squeeze %dma_start3A_277 : memref<1x8x64xf32, #tpu.memory_space<vmem>> -> memref<8x64xf32, #tpu.memory_space<vmem>>
    %dma_start3A_279 = arith.constant 0 : i32
    %dma_start3A_280 = arith.constant 0 : i32
    %dma_start3A_281 = tpu.memref_slice %arg4[%squeeze3A_266, %dma_start3A_279, %dma_start3A_280] : memref<125000x8x64xf32, #tpu.memory_space<hbm>> -> memref<1x8x64xf32, #tpu.memory_space<hbm>>
    %dma_start3A_282 = tpu.memref_squeeze %dma_start3A_281 : memref<1x8x64xf32, #tpu.memory_space<hbm>> -> memref<8x64xf32, #tpu.memory_space<hbm>>
    tpu.enqueue_dma source(%dma_start3A_282 : memref<8x64xf32, #tpu.memory_space<hbm>>) target(%dma_start3A_278 : memref<8x64xf32, #tpu.memory_space<vmem>>) target_semaphore(%arg18 : memref<!tpu.dma_semaphore, #tpu.memory_space<semaphore_mem>>)
    %slice3A_283 = vector.extract_strided_slice %shift_right_logical3A_62 {offsets = [5], sizes = [1], strides = [1]} : vector<16xi32> to vector<1xi32>
    %squeeze3A_284 = vector.extract %slice3A_283[0] : i32 from vector<1xi32>
    %dma_start3A_285 = arith.constant 0 : i32
    %dma_start3A_286 = arith.constant 0 : i32
    %dma_start3A_287 = tpu.memref_slice %arg12[%add3A_264, %dma_start3A_285, %dma_start3A_286] : memref<16x8x64xf32, #tpu.memory_space<vmem>> -> memref<1x8x64xf32, #tpu.memory_space<vmem>>
    %dma_start3A_288 = tpu.memref_squeeze %dma_start3A_287 : memref<1x8x64xf32, #tpu.memory_space<vmem>> -> memref<8x64xf32, #tpu.memory_space<vmem>>
    %dma_start3A_289 = arith.constant 0 : i32
    %dma_start3A_290 = arith.constant 0 : i32
    %dma_start3A_291 = tpu.memref_slice %arg5[%squeeze3A_284, %dma_start3A_289, %dma_start3A_290] : memref<125000x8x64xf32, #tpu.memory_space<hbm>> -> memref<1x8x64xf32, #tpu.memory_space<hbm>>
    %dma_start3A_292 = tpu.memref_squeeze %dma_start3A_291 : memref<1x8x64xf32, #tpu.memory_space<hbm>> -> memref<8x64xf32, #tpu.memory_space<hbm>>
    %dma_start3A_293 = arith.constant 0 : i32
    %dma_start3A_294 = arith.constant 0 : i32
    %dma_start3A_295 = tpu.memref_slice %arg12[%add3A_264, %dma_start3A_293, %dma_start3A_294] : memref<16x8x64xf32, #tpu.memory_space<vmem>> -> memref<1x8x64xf32, #tpu.memory_space<vmem>>
    %dma_start3A_296 = tpu.memref_squeeze %dma_start3A_295 : memref<1x8x64xf32, #tpu.memory_space<vmem>> -> memref<8x64xf32, #tpu.memory_space<vmem>>
    %dma_start3A_297 = arith.constant 0 : i32
    %dma_start3A_298 = arith.constant 0 : i32
    %dma_start3A_299 = tpu.memref_slice %arg5[%squeeze3A_284, %dma_start3A_297, %dma_start3A_298] : memref<125000x8x64xf32, #tpu.memory_space<hbm>> -> memref<1x8x64xf32, #tpu.memory_space<hbm>>
    %dma_start3A_300 = tpu.memref_squeeze %dma_start3A_299 : memref<1x8x64xf32, #tpu.memory_space<hbm>> -> memref<8x64xf32, #tpu.memory_space<hbm>>
    tpu.enqueue_dma source(%dma_start3A_300 : memref<8x64xf32, #tpu.memory_space<hbm>>) target(%dma_start3A_296 : memref<8x64xf32, #tpu.memory_space<vmem>>) target_semaphore(%arg19 : memref<!tpu.dma_semaphore, #tpu.memory_space<semaphore_mem>>)
    %mul3A_301 = arith.constant 16 : i32
    %mul3A_302 = arith.muli %scan3A_50, %mul3A_301 : i32
    %add3A_303 = arith.constant 6 : i32
    %add3A_304 = arith.addi %mul3A_302, %add3A_303 : i32
    %slice3A_305 = vector.extract_strided_slice %shift_right_logical3A_57 {offsets = [6], sizes = [1], strides = [1]} : vector<16xi32> to vector<1xi32>
    %squeeze3A_306 = vector.extract %slice3A_305[0] : i32 from vector<1xi32>
    %dma_start3A_307 = arith.constant 0 : i32
    %dma_start3A_308 = arith.constant 0 : i32
    %dma_start3A_309 = tpu.memref_slice %arg11[%add3A_304, %dma_start3A_307, %dma_start3A_308] : memref<16x8x64xf32, #tpu.memory_space<vmem>> -> memref<1x8x64xf32, #tpu.memory_space<vmem>>
    %dma_start3A_310 = tpu.memref_squeeze %dma_start3A_309 : memref<1x8x64xf32, #tpu.memory_space<vmem>> -> memref<8x64xf32, #tpu.memory_space<vmem>>
    %dma_start3A_311 = arith.constant 0 : i32
    %dma_start3A_312 = arith.constant 0 : i32
    %dma_start3A_313 = tpu.memref_slice %arg4[%squeeze3A_306, %dma_start3A_311, %dma_start3A_312] : memref<125000x8x64xf32, #tpu.memory_space<hbm>> -> memref<1x8x64xf32, #tpu.memory_space<hbm>>
    %dma_start3A_314 = tpu.memref_squeeze %dma_start3A_313 : memref<1x8x64xf32, #tpu.memory_space<hbm>> -> memref<8x64xf32, #tpu.memory_space<hbm>>
    %dma_start3A_315 = arith.constant 0 : i32
    %dma_start3A_316 = arith.constant 0 : i32
    %dma_start3A_317 = tpu.memref_slice %arg11[%add3A_304, %dma_start3A_315, %dma_start3A_316] : memref<16x8x64xf32, #tpu.memory_space<vmem>> -> memref<1x8x64xf32, #tpu.memory_space<vmem>>
    %dma_start3A_318 = tpu.memref_squeeze %dma_start3A_317 : memref<1x8x64xf32, #tpu.memory_space<vmem>> -> memref<8x64xf32, #tpu.memory_space<vmem>>
    %dma_start3A_319 = arith.constant 0 : i32
    %dma_start3A_320 = arith.constant 0 : i32
    %dma_start3A_321 = tpu.memref_slice %arg4[%squeeze3A_306, %dma_start3A_319, %dma_start3A_320] : memref<125000x8x64xf32, #tpu.memory_space<hbm>> -> memref<1x8x64xf32, #tpu.memory_space<hbm>>
    %dma_start3A_322 = tpu.memref_squeeze %dma_start3A_321 : memref<1x8x64xf32, #tpu.memory_space<hbm>> -> memref<8x64xf32, #tpu.memory_space<hbm>>
    tpu.enqueue_dma source(%dma_start3A_322 : memref<8x64xf32, #tpu.memory_space<hbm>>) target(%dma_start3A_318 : memref<8x64xf32, #tpu.memory_space<vmem>>) target_semaphore(%arg18 : memref<!tpu.dma_semaphore, #tpu.memory_space<semaphore_mem>>)
    %slice3A_323 = vector.extract_strided_slice %shift_right_logical3A_62 {offsets = [6], sizes = [1], strides = [1]} : vector<16xi32> to vector<1xi32>
    %squeeze3A_324 = vector.extract %slice3A_323[0] : i32 from vector<1xi32>
    %dma_start3A_325 = arith.constant 0 : i32
    %dma_start3A_326 = arith.constant 0 : i32
    %dma_start3A_327 = tpu.memref_slice %arg12[%add3A_304, %dma_start3A_325, %dma_start3A_326] : memref<16x8x64xf32, #tpu.memory_space<vmem>> -> memref<1x8x64xf32, #tpu.memory_space<vmem>>
    %dma_start3A_328 = tpu.memref_squeeze %dma_start3A_327 : memref<1x8x64xf32, #tpu.memory_space<vmem>> -> memref<8x64xf32, #tpu.memory_space<vmem>>
    %dma_start3A_329 = arith.constant 0 : i32
    %dma_start3A_330 = arith.constant 0 : i32
    %dma_start3A_331 = tpu.memref_slice %arg5[%squeeze3A_324, %dma_start3A_329, %dma_start3A_330] : memref<125000x8x64xf32, #tpu.memory_space<hbm>> -> memref<1x8x64xf32, #tpu.memory_space<hbm>>
    %dma_start3A_332 = tpu.memref_squeeze %dma_start3A_331 : memref<1x8x64xf32, #tpu.memory_space<hbm>> -> memref<8x64xf32, #tpu.memory_space<hbm>>
    %dma_start3A_333 = arith.constant 0 : i32
    %dma_start3A_334 = arith.constant 0 : i32
    %dma_start3A_335 = tpu.memref_slice %arg12[%add3A_304, %dma_start3A_333, %dma_start3A_334] : memref<16x8x64xf32, #tpu.memory_space<vmem>> -> memref<1x8x64xf32, #tpu.memory_space<vmem>>
    %dma_start3A_336 = tpu.memref_squeeze %dma_start3A_335 : memref<1x8x64xf32, #tpu.memory_space<vmem>> -> memref<8x64xf32, #tpu.memory_space<vmem>>
    %dma_start3A_337 = arith.constant 0 : i32
    %dma_start3A_338 = arith.constant 0 : i32
    %dma_start3A_339 = tpu.memref_slice %arg5[%squeeze3A_324, %dma_start3A_337, %dma_start3A_338] : memref<125000x8x64xf32, #tpu.memory_space<hbm>> -> memref<1x8x64xf32, #tpu.memory_space<hbm>>
    %dma_start3A_340 = tpu.memref_squeeze %dma_start3A_339 : memref<1x8x64xf32, #tpu.memory_space<hbm>> -> memref<8x64xf32, #tpu.memory_space<hbm>>
    tpu.enqueue_dma source(%dma_start3A_340 : memref<8x64xf32, #tpu.memory_space<hbm>>) target(%dma_start3A_336 : memref<8x64xf32, #tpu.memory_space<vmem>>) target_semaphore(%arg19 : memref<!tpu.dma_semaphore, #tpu.memory_space<semaphore_mem>>)
    %mul3A_341 = arith.constant 16 : i32
    %mul3A_342 = arith.muli %scan3A_50, %mul3A_341 : i32
    %add3A_343 = arith.constant 7 : i32
    %add3A_344 = arith.addi %mul3A_342, %add3A_343 : i32
    %slice3A_345 = vector.extract_strided_slice %shift_right_logical3A_57 {offsets = [7], sizes = [1], strides = [1]} : vector<16xi32> to vector<1xi32>
    %squeeze3A_346 = vector.extract %slice3A_345[0] : i32 from vector<1xi32>
    %dma_start3A_347 = arith.constant 0 : i32
    %dma_start3A_348 = arith.constant 0 : i32
    %dma_start3A_349 = tpu.memref_slice %arg11[%add3A_344, %dma_start3A_347, %dma_start3A_348] : memref<16x8x64xf32, #tpu.memory_space<vmem>> -> memref<1x8x64xf32, #tpu.memory_space<vmem>>
    %dma_start3A_350 = tpu.memref_squeeze %dma_start3A_349 : memref<1x8x64xf32, #tpu.memory_space<vmem>> -> memref<8x64xf32, #tpu.memory_space<vmem>>
    %dma_start3A_351 = arith.constant 0 : i32
    %dma_start3A_352 = arith.constant 0 : i32
    %dma_start3A_353 = tpu.memref_slice %arg4[%squeeze3A_346, %dma_start3A_351, %dma_start3A_352] : memref<125000x8x64xf32, #tpu.memory_space<hbm>> -> memref<1x8x64xf32, #tpu.memory_space<hbm>>
    %dma_start3A_354 = tpu.memref_squeeze %dma_start3A_353 : memref<1x8x64xf32, #tpu.memory_space<hbm>> -> memref<8x64xf32, #tpu.memory_space<hbm>>
    %dma_start3A_355 = arith.constant 0 : i32
    %dma_start3A_356 = arith.constant 0 : i32
    %dma_start3A_357 = tpu.memref_slice %arg11[%add3A_344, %dma_start3A_355, %dma_start3A_356] : memref<16x8x64xf32, #tpu.memory_space<vmem>> -> memref<1x8x64xf32, #tpu.memory_space<vmem>>
    %dma_start3A_358 = tpu.memref_squeeze %dma_start3A_357 : memref<1x8x64xf32, #tpu.memory_space<vmem>> -> memref<8x64xf32, #tpu.memory_space<vmem>>
    %dma_start3A_359 = arith.constant 0 : i32
    %dma_start3A_360 = arith.constant 0 : i32
    %dma_start3A_361 = tpu.memref_slice %arg4[%squeeze3A_346, %dma_start3A_359, %dma_start3A_360] : memref<125000x8x64xf32, #tpu.memory_space<hbm>> -> memref<1x8x64xf32, #tpu.memory_space<hbm>>
    %dma_start3A_362 = tpu.memref_squeeze %dma_start3A_361 : memref<1x8x64xf32, #tpu.memory_space<hbm>> -> memref<8x64xf32, #tpu.memory_space<hbm>>
    tpu.enqueue_dma source(%dma_start3A_362 : memref<8x64xf32, #tpu.memory_space<hbm>>) target(%dma_start3A_358 : memref<8x64xf32, #tpu.memory_space<vmem>>) target_semaphore(%arg18 : memref<!tpu.dma_semaphore, #tpu.memory_space<semaphore_mem>>)
    %slice3A_363 = vector.extract_strided_slice %shift_right_logical3A_62 {offsets = [7], sizes = [1], strides = [1]} : vector<16xi32> to vector<1xi32>
    %squeeze3A_364 = vector.extract %slice3A_363[0] : i32 from vector<1xi32>
    %dma_start3A_365 = arith.constant 0 : i32
    %dma_start3A_366 = arith.constant 0 : i32
    %dma_start3A_367 = tpu.memref_slice %arg12[%add3A_344, %dma_start3A_365, %dma_start3A_366] : memref<16x8x64xf32, #tpu.memory_space<vmem>> -> memref<1x8x64xf32, #tpu.memory_space<vmem>>
    %dma_start3A_368 = tpu.memref_squeeze %dma_start3A_367 : memref<1x8x64xf32, #tpu.memory_space<vmem>> -> memref<8x64xf32, #tpu.memory_space<vmem>>
    %dma_start3A_369 = arith.constant 0 : i32
    %dma_start3A_370 = arith.constant 0 : i32
    %dma_start3A_371 = tpu.memref_slice %arg5[%squeeze3A_364, %dma_start3A_369, %dma_start3A_370] : memref<125000x8x64xf32, #tpu.memory_space<hbm>> -> memref<1x8x64xf32, #tpu.memory_space<hbm>>
    %dma_start3A_372 = tpu.memref_squeeze %dma_start3A_371 : memref<1x8x64xf32, #tpu.memory_space<hbm>> -> memref<8x64xf32, #tpu.memory_space<hbm>>
    %dma_start3A_373 = arith.constant 0 : i32
    %dma_start3A_374 = arith.constant 0 : i32
    %dma_start3A_375 = tpu.memref_slice %arg12[%add3A_344, %dma_start3A_373, %dma_start3A_374] : memref<16x8x64xf32, #tpu.memory_space<vmem>> -> memref<1x8x64xf32, #tpu.memory_space<vmem>>
    %dma_start3A_376 = tpu.memref_squeeze %dma_start3A_375 : memref<1x8x64xf32, #tpu.memory_space<vmem>> -> memref<8x64xf32, #tpu.memory_space<vmem>>
    %dma_start3A_377 = arith.constant 0 : i32
    %dma_start3A_378 = arith.constant 0 : i32
    %dma_start3A_379 = tpu.memref_slice %arg5[%squeeze3A_364, %dma_start3A_377, %dma_start3A_378] : memref<125000x8x64xf32, #tpu.memory_space<hbm>> -> memref<1x8x64xf32, #tpu.memory_space<hbm>>
    %dma_start3A_380 = tpu.memref_squeeze %dma_start3A_379 : memref<1x8x64xf32, #tpu.memory_space<hbm>> -> memref<8x64xf32, #tpu.memory_space<hbm>>
    tpu.enqueue_dma source(%dma_start3A_380 : memref<8x64xf32, #tpu.memory_space<hbm>>) target(%dma_start3A_376 : memref<8x64xf32, #tpu.memory_space<vmem>>) target_semaphore(%arg19 : memref<!tpu.dma_semaphore, #tpu.memory_space<semaphore_mem>>)
    %mul3A_381 = arith.constant 16 : i32
    %mul3A_382 = arith.muli %scan3A_50, %mul3A_381 : i32
    %add3A_383 = arith.constant 8 : i32
    %add3A_384 = arith.addi %mul3A_382, %add3A_383 : i32
    %slice3A_385 = vector.extract_strided_slice %shift_right_logical3A_57 {offsets = [8], sizes = [1], strides = [1]} : vector<16xi32> to vector<1xi32>
    %squeeze3A_386 = vector.extract %slice3A_385[0] : i32 from vector<1xi32>
    %dma_start3A_387 = arith.constant 0 : i32
    %dma_start3A_388 = arith.constant 0 : i32
    %dma_start3A_389 = tpu.memref_slice %arg11[%add3A_384, %dma_start3A_387, %dma_start3A_388] : memref<16x8x64xf32, #tpu.memory_space<vmem>> -> memref<1x8x64xf32, #tpu.memory_space<vmem>>
    %dma_start3A_390 = tpu.memref_squeeze %dma_start3A_389 : memref<1x8x64xf32, #tpu.memory_space<vmem>> -> memref<8x64xf32, #tpu.memory_space<vmem>>
    %dma_start3A_391 = arith.constant 0 : i32
    %dma_start3A_392 = arith.constant 0 : i32
    %dma_start3A_393 = tpu.memref_slice %arg4[%squeeze3A_386, %dma_start3A_391, %dma_start3A_392] : memref<125000x8x64xf32, #tpu.memory_space<hbm>> -> memref<1x8x64xf32, #tpu.memory_space<hbm>>
    %dma_start3A_394 = tpu.memref_squeeze %dma_start3A_393 : memref<1x8x64xf32, #tpu.memory_space<hbm>> -> memref<8x64xf32, #tpu.memory_space<hbm>>
    %dma_start3A_395 = arith.constant 0 : i32
    %dma_start3A_396 = arith.constant 0 : i32
    %dma_start3A_397 = tpu.memref_slice %arg11[%add3A_384, %dma_start3A_395, %dma_start3A_396] : memref<16x8x64xf32, #tpu.memory_space<vmem>> -> memref<1x8x64xf32, #tpu.memory_space<vmem>>
    %dma_start3A_398 = tpu.memref_squeeze %dma_start3A_397 : memref<1x8x64xf32, #tpu.memory_space<vmem>> -> memref<8x64xf32, #tpu.memory_space<vmem>>
    %dma_start3A_399 = arith.constant 0 : i32
    %dma_start3A_400 = arith.constant 0 : i32
    %dma_start3A_401 = tpu.memref_slice %arg4[%squeeze3A_386, %dma_start3A_399, %dma_start3A_400] : memref<125000x8x64xf32, #tpu.memory_space<hbm>> -> memref<1x8x64xf32, #tpu.memory_space<hbm>>
    %dma_start3A_402 = tpu.memref_squeeze %dma_start3A_401 : memref<1x8x64xf32, #tpu.memory_space<hbm>> -> memref<8x64xf32, #tpu.memory_space<hbm>>
    tpu.enqueue_dma source(%dma_start3A_402 : memref<8x64xf32, #tpu.memory_space<hbm>>) target(%dma_start3A_398 : memref<8x64xf32, #tpu.memory_space<vmem>>) target_semaphore(%arg18 : memref<!tpu.dma_semaphore, #tpu.memory_space<semaphore_mem>>)
    %slice3A_403 = vector.extract_strided_slice %shift_right_logical3A_62 {offsets = [8], sizes = [1], strides = [1]} : vector<16xi32> to vector<1xi32>
    %squeeze3A_404 = vector.extract %slice3A_403[0] : i32 from vector<1xi32>
    %dma_start3A_405 = arith.constant 0 : i32
    %dma_start3A_406 = arith.constant 0 : i32
    %dma_start3A_407 = tpu.memref_slice %arg12[%add3A_384, %dma_start3A_405, %dma_start3A_406] : memref<16x8x64xf32, #tpu.memory_space<vmem>> -> memref<1x8x64xf32, #tpu.memory_space<vmem>>
    %dma_start3A_408 = tpu.memref_squeeze %dma_start3A_407 : memref<1x8x64xf32, #tpu.memory_space<vmem>> -> memref<8x64xf32, #tpu.memory_space<vmem>>
    %dma_start3A_409 = arith.constant 0 : i32
    %dma_start3A_410 = arith.constant 0 : i32
    %dma_start3A_411 = tpu.memref_slice %arg5[%squeeze3A_404, %dma_start3A_409, %dma_start3A_410] : memref<125000x8x64xf32, #tpu.memory_space<hbm>> -> memref<1x8x64xf32, #tpu.memory_space<hbm>>
    %dma_start3A_412 = tpu.memref_squeeze %dma_start3A_411 : memref<1x8x64xf32, #tpu.memory_space<hbm>> -> memref<8x64xf32, #tpu.memory_space<hbm>>
    %dma_start3A_413 = arith.constant 0 : i32
    %dma_start3A_414 = arith.constant 0 : i32
    %dma_start3A_415 = tpu.memref_slice %arg12[%add3A_384, %dma_start3A_413, %dma_start3A_414] : memref<16x8x64xf32, #tpu.memory_space<vmem>> -> memref<1x8x64xf32, #tpu.memory_space<vmem>>
    %dma_start3A_416 = tpu.memref_squeeze %dma_start3A_415 : memref<1x8x64xf32, #tpu.memory_space<vmem>> -> memref<8x64xf32, #tpu.memory_space<vmem>>
    %dma_start3A_417 = arith.constant 0 : i32
    %dma_start3A_418 = arith.constant 0 : i32
    %dma_start3A_419 = tpu.memref_slice %arg5[%squeeze3A_404, %dma_start3A_417, %dma_start3A_418] : memref<125000x8x64xf32, #tpu.memory_space<hbm>> -> memref<1x8x64xf32, #tpu.memory_space<hbm>>
    %dma_start3A_420 = tpu.memref_squeeze %dma_start3A_419 : memref<1x8x64xf32, #tpu.memory_space<hbm>> -> memref<8x64xf32, #tpu.memory_space<hbm>>
    tpu.enqueue_dma source(%dma_start3A_420 : memref<8x64xf32, #tpu.memory_space<hbm>>) target(%dma_start3A_416 : memref<8x64xf32, #tpu.memory_space<vmem>>) target_semaphore(%arg19 : memref<!tpu.dma_semaphore, #tpu.memory_space<semaphore_mem>>)
    %mul3A_421 = arith.constant 16 : i32
    %mul3A_422 = arith.muli %scan3A_50, %mul3A_421 : i32
    %add3A_423 = arith.constant 9 : i32
    %add3A_424 = arith.addi %mul3A_422, %add3A_423 : i32
    %slice3A_425 = vector.extract_strided_slice %shift_right_logical3A_57 {offsets = [9], sizes = [1], strides = [1]} : vector<16xi32> to vector<1xi32>
    %squeeze3A_426 = vector.extract %slice3A_425[0] : i32 from vector<1xi32>
    %dma_start3A_427 = arith.constant 0 : i32
    %dma_start3A_428 = arith.constant 0 : i32
    %dma_start3A_429 = tpu.memref_slice %arg11[%add3A_424, %dma_start3A_427, %dma_start3A_428] : memref<16x8x64xf32, #tpu.memory_space<vmem>> -> memref<1x8x64xf32, #tpu.memory_space<vmem>>
    %dma_start3A_430 = tpu.memref_squeeze %dma_start3A_429 : memref<1x8x64xf32, #tpu.memory_space<vmem>> -> memref<8x64xf32, #tpu.memory_space<vmem>>
    %dma_start3A_431 = arith.constant 0 : i32
    %dma_start3A_432 = arith.constant 0 : i32
    %dma_start3A_433 = tpu.memref_slice %arg4[%squeeze3A_426, %dma_start3A_431, %dma_start3A_432] : memref<125000x8x64xf32, #tpu.memory_space<hbm>> -> memref<1x8x64xf32, #tpu.memory_space<hbm>>
    %dma_start3A_434 = tpu.memref_squeeze %dma_start3A_433 : memref<1x8x64xf32, #tpu.memory_space<hbm>> -> memref<8x64xf32, #tpu.memory_space<hbm>>
    %dma_start3A_435 = arith.constant 0 : i32
    %dma_start3A_436 = arith.constant 0 : i32
    %dma_start3A_437 = tpu.memref_slice %arg11[%add3A_424, %dma_start3A_435, %dma_start3A_436] : memref<16x8x64xf32, #tpu.memory_space<vmem>> -> memref<1x8x64xf32, #tpu.memory_space<vmem>>
    %dma_start3A_438 = tpu.memref_squeeze %dma_start3A_437 : memref<1x8x64xf32, #tpu.memory_space<vmem>> -> memref<8x64xf32, #tpu.memory_space<vmem>>
    %dma_start3A_439 = arith.constant 0 : i32
    %dma_start3A_440 = arith.constant 0 : i32
    %dma_start3A_441 = tpu.memref_slice %arg4[%squeeze3A_426, %dma_start3A_439, %dma_start3A_440] : memref<125000x8x64xf32, #tpu.memory_space<hbm>> -> memref<1x8x64xf32, #tpu.memory_space<hbm>>
    %dma_start3A_442 = tpu.memref_squeeze %dma_start3A_441 : memref<1x8x64xf32, #tpu.memory_space<hbm>> -> memref<8x64xf32, #tpu.memory_space<hbm>>
    tpu.enqueue_dma source(%dma_start3A_442 : memref<8x64xf32, #tpu.memory_space<hbm>>) target(%dma_start3A_438 : memref<8x64xf32, #tpu.memory_space<vmem>>) target_semaphore(%arg18 : memref<!tpu.dma_semaphore, #tpu.memory_space<semaphore_mem>>)
    %slice3A_443 = vector.extract_strided_slice %shift_right_logical3A_62 {offsets = [9], sizes = [1], strides = [1]} : vector<16xi32> to vector<1xi32>
    %squeeze3A_444 = vector.extract %slice3A_443[0] : i32 from vector<1xi32>
    %dma_start3A_445 = arith.constant 0 : i32
    %dma_start3A_446 = arith.constant 0 : i32
    %dma_start3A_447 = tpu.memref_slice %arg12[%add3A_424, %dma_start3A_445, %dma_start3A_446] : memref<16x8x64xf32, #tpu.memory_space<vmem>> -> memref<1x8x64xf32, #tpu.memory_space<vmem>>
    %dma_start3A_448 = tpu.memref_squeeze %dma_start3A_447 : memref<1x8x64xf32, #tpu.memory_space<vmem>> -> memref<8x64xf32, #tpu.memory_space<vmem>>
    %dma_start3A_449 = arith.constant 0 : i32
    %dma_start3A_450 = arith.constant 0 : i32
    %dma_start3A_451 = tpu.memref_slice %arg5[%squeeze3A_444, %dma_start3A_449, %dma_start3A_450] : memref<125000x8x64xf32, #tpu.memory_space<hbm>> -> memref<1x8x64xf32, #tpu.memory_space<hbm>>
    %dma_start3A_452 = tpu.memref_squeeze %dma_start3A_451 : memref<1x8x64xf32, #tpu.memory_space<hbm>> -> memref<8x64xf32, #tpu.memory_space<hbm>>
    %dma_start3A_453 = arith.constant 0 : i32
    %dma_start3A_454 = arith.constant 0 : i32
    %dma_start3A_455 = tpu.memref_slice %arg12[%add3A_424, %dma_start3A_453, %dma_start3A_454] : memref<16x8x64xf32, #tpu.memory_space<vmem>> -> memref<1x8x64xf32, #tpu.memory_space<vmem>>
    %dma_start3A_456 = tpu.memref_squeeze %dma_start3A_455 : memref<1x8x64xf32, #tpu.memory_space<vmem>> -> memref<8x64xf32, #tpu.memory_space<vmem>>
    %dma_start3A_457 = arith.constant 0 : i32
    %dma_start3A_458 = arith.constant 0 : i32
    %dma_start3A_459 = tpu.memref_slice %arg5[%squeeze3A_444, %dma_start3A_457, %dma_start3A_458] : memref<125000x8x64xf32, #tpu.memory_space<hbm>> -> memref<1x8x64xf32, #tpu.memory_space<hbm>>
    %dma_start3A_460 = tpu.memref_squeeze %dma_start3A_459 : memref<1x8x64xf32, #tpu.memory_space<hbm>> -> memref<8x64xf32, #tpu.memory_space<hbm>>
    tpu.enqueue_dma source(%dma_start3A_460 : memref<8x64xf32, #tpu.memory_space<hbm>>) target(%dma_start3A_456 : memref<8x64xf32, #tpu.memory_space<vmem>>) target_semaphore(%arg19 : memref<!tpu.dma_semaphore, #tpu.memory_space<semaphore_mem>>)
    %mul3A_461 = arith.constant 16 : i32
    %mul3A_462 = arith.muli %scan3A_50, %mul3A_461 : i32
    %add3A_463 = arith.constant 10 : i32
    %add3A_464 = arith.addi %mul3A_462, %add3A_463 : i32
    %slice3A_465 = vector.extract_strided_slice %shift_right_logical3A_57 {offsets = [10], sizes = [1], strides = [1]} : vector<16xi32> to vector<1xi32>
    %squeeze3A_466 = vector.extract %slice3A_465[0] : i32 from vector<1xi32>
    %dma_start3A_467 = arith.constant 0 : i32
    %dma_start3A_468 = arith.constant 0 : i32
    %dma_start3A_469 = tpu.memref_slice %arg11[%add3A_464, %dma_start3A_467, %dma_start3A_468] : memref<16x8x64xf32, #tpu.memory_space<vmem>> -> memref<1x8x64xf32, #tpu.memory_space<vmem>>
    %dma_start3A_470 = tpu.memref_squeeze %dma_start3A_469 : memref<1x8x64xf32, #tpu.memory_space<vmem>> -> memref<8x64xf32, #tpu.memory_space<vmem>>
    %dma_start3A_471 = arith.constant 0 : i32
    %dma_start3A_472 = arith.constant 0 : i32
    %dma_start3A_473 = tpu.memref_slice %arg4[%squeeze3A_466, %dma_start3A_471, %dma_start3A_472] : memref<125000x8x64xf32, #tpu.memory_space<hbm>> -> memref<1x8x64xf32, #tpu.memory_space<hbm>>
    %dma_start3A_474 = tpu.memref_squeeze %dma_start3A_473 : memref<1x8x64xf32, #tpu.memory_space<hbm>> -> memref<8x64xf32, #tpu.memory_space<hbm>>
    %dma_start3A_475 = arith.constant 0 : i32
    %dma_start3A_476 = arith.constant 0 : i32
    %dma_start3A_477 = tpu.memref_slice %arg11[%add3A_464, %dma_start3A_475, %dma_start3A_476] : memref<16x8x64xf32, #tpu.memory_space<vmem>> -> memref<1x8x64xf32, #tpu.memory_space<vmem>>
    %dma_start3A_478 = tpu.memref_squeeze %dma_start3A_477 : memref<1x8x64xf32, #tpu.memory_space<vmem>> -> memref<8x64xf32, #tpu.memory_space<vmem>>
    %dma_start3A_479 = arith.constant 0 : i32
    %dma_start3A_480 = arith.constant 0 : i32
    %dma_start3A_481 = tpu.memref_slice %arg4[%squeeze3A_466, %dma_start3A_479, %dma_start3A_480] : memref<125000x8x64xf32, #tpu.memory_space<hbm>> -> memref<1x8x64xf32, #tpu.memory_space<hbm>>
    %dma_start3A_482 = tpu.memref_squeeze %dma_start3A_481 : memref<1x8x64xf32, #tpu.memory_space<hbm>> -> memref<8x64xf32, #tpu.memory_space<hbm>>
    tpu.enqueue_dma source(%dma_start3A_482 : memref<8x64xf32, #tpu.memory_space<hbm>>) target(%dma_start3A_478 : memref<8x64xf32, #tpu.memory_space<vmem>>) target_semaphore(%arg18 : memref<!tpu.dma_semaphore, #tpu.memory_space<semaphore_mem>>)
    %slice3A_483 = vector.extract_strided_slice %shift_right_logical3A_62 {offsets = [10], sizes = [1], strides = [1]} : vector<16xi32> to vector<1xi32>
    %squeeze3A_484 = vector.extract %slice3A_483[0] : i32 from vector<1xi32>
    %dma_start3A_485 = arith.constant 0 : i32
    %dma_start3A_486 = arith.constant 0 : i32
    %dma_start3A_487 = tpu.memref_slice %arg12[%add3A_464, %dma_start3A_485, %dma_start3A_486] : memref<16x8x64xf32, #tpu.memory_space<vmem>> -> memref<1x8x64xf32, #tpu.memory_space<vmem>>
    %dma_start3A_488 = tpu.memref_squeeze %dma_start3A_487 : memref<1x8x64xf32, #tpu.memory_space<vmem>> -> memref<8x64xf32, #tpu.memory_space<vmem>>
    %dma_start3A_489 = arith.constant 0 : i32
    %dma_start3A_490 = arith.constant 0 : i32
    %dma_start3A_491 = tpu.memref_slice %arg5[%squeeze3A_484, %dma_start3A_489, %dma_start3A_490] : memref<125000x8x64xf32, #tpu.memory_space<hbm>> -> memref<1x8x64xf32, #tpu.memory_space<hbm>>
    %dma_start3A_492 = tpu.memref_squeeze %dma_start3A_491 : memref<1x8x64xf32, #tpu.memory_space<hbm>> -> memref<8x64xf32, #tpu.memory_space<hbm>>
    %dma_start3A_493 = arith.constant 0 : i32
    %dma_start3A_494 = arith.constant 0 : i32
    %dma_start3A_495 = tpu.memref_slice %arg12[%add3A_464, %dma_start3A_493, %dma_start3A_494] : memref<16x8x64xf32, #tpu.memory_space<vmem>> -> memref<1x8x64xf32, #tpu.memory_space<vmem>>
    %dma_start3A_496 = tpu.memref_squeeze %dma_start3A_495 : memref<1x8x64xf32, #tpu.memory_space<vmem>> -> memref<8x64xf32, #tpu.memory_space<vmem>>
    %dma_start3A_497 = arith.constant 0 : i32
    %dma_start3A_498 = arith.constant 0 : i32
    %dma_start3A_499 = tpu.memref_slice %arg5[%squeeze3A_484, %dma_start3A_497, %dma_start3A_498] : memref<125000x8x64xf32, #tpu.memory_space<hbm>> -> memref<1x8x64xf32, #tpu.memory_space<hbm>>
    %dma_start3A_500 = tpu.memref_squeeze %dma_start3A_499 : memref<1x8x64xf32, #tpu.memory_space<hbm>> -> memref<8x64xf32, #tpu.memory_space<hbm>>
    tpu.enqueue_dma source(%dma_start3A_500 : memref<8x64xf32, #tpu.memory_space<hbm>>) target(%dma_start3A_496 : memref<8x64xf32, #tpu.memory_space<vmem>>) target_semaphore(%arg19 : memref<!tpu.dma_semaphore, #tpu.memory_space<semaphore_mem>>)
    %mul3A_501 = arith.constant 16 : i32
    %mul3A_502 = arith.muli %scan3A_50, %mul3A_501 : i32
    %add3A_503 = arith.constant 11 : i32
    %add3A_504 = arith.addi %mul3A_502, %add3A_503 : i32
    %slice3A_505 = vector.extract_strided_slice %shift_right_logical3A_57 {offsets = [11], sizes = [1], strides = [1]} : vector<16xi32> to vector<1xi32>
    %squeeze3A_506 = vector.extract %slice3A_505[0] : i32 from vector<1xi32>
    %dma_start3A_507 = arith.constant 0 : i32
    %dma_start3A_508 = arith.constant 0 : i32
    %dma_start3A_509 = tpu.memref_slice %arg11[%add3A_504, %dma_start3A_507, %dma_start3A_508] : memref<16x8x64xf32, #tpu.memory_space<vmem>> -> memref<1x8x64xf32, #tpu.memory_space<vmem>>
    %dma_start3A_510 = tpu.memref_squeeze %dma_start3A_509 : memref<1x8x64xf32, #tpu.memory_space<vmem>> -> memref<8x64xf32, #tpu.memory_space<vmem>>
    %dma_start3A_511 = arith.constant 0 : i32
    %dma_start3A_512 = arith.constant 0 : i32
    %dma_start3A_513 = tpu.memref_slice %arg4[%squeeze3A_506, %dma_start3A_511, %dma_start3A_512] : memref<125000x8x64xf32, #tpu.memory_space<hbm>> -> memref<1x8x64xf32, #tpu.memory_space<hbm>>
    %dma_start3A_514 = tpu.memref_squeeze %dma_start3A_513 : memref<1x8x64xf32, #tpu.memory_space<hbm>> -> memref<8x64xf32, #tpu.memory_space<hbm>>
    %dma_start3A_515 = arith.constant 0 : i32
    %dma_start3A_516 = arith.constant 0 : i32
    %dma_start3A_517 = tpu.memref_slice %arg11[%add3A_504, %dma_start3A_515, %dma_start3A_516] : memref<16x8x64xf32, #tpu.memory_space<vmem>> -> memref<1x8x64xf32, #tpu.memory_space<vmem>>
    %dma_start3A_518 = tpu.memref_squeeze %dma_start3A_517 : memref<1x8x64xf32, #tpu.memory_space<vmem>> -> memref<8x64xf32, #tpu.memory_space<vmem>>
    %dma_start3A_519 = arith.constant 0 : i32
    %dma_start3A_520 = arith.constant 0 : i32
    %dma_start3A_521 = tpu.memref_slice %arg4[%squeeze3A_506, %dma_start3A_519, %dma_start3A_520] : memref<125000x8x64xf32, #tpu.memory_space<hbm>> -> memref<1x8x64xf32, #tpu.memory_space<hbm>>
    %dma_start3A_522 = tpu.memref_squeeze %dma_start3A_521 : memref<1x8x64xf32, #tpu.memory_space<hbm>> -> memref<8x64xf32, #tpu.memory_space<hbm>>
    tpu.enqueue_dma source(%dma_start3A_522 : memref<8x64xf32, #tpu.memory_space<hbm>>) target(%dma_start3A_518 : memref<8x64xf32, #tpu.memory_space<vmem>>) target_semaphore(%arg18 : memref<!tpu.dma_semaphore, #tpu.memory_space<semaphore_mem>>)
    %slice3A_523 = vector.extract_strided_slice %shift_right_logical3A_62 {offsets = [11], sizes = [1], strides = [1]} : vector<16xi32> to vector<1xi32>
    %squeeze3A_524 = vector.extract %slice3A_523[0] : i32 from vector<1xi32>
    %dma_start3A_525 = arith.constant 0 : i32
    %dma_start3A_526 = arith.constant 0 : i32
    %dma_start3A_527 = tpu.memref_slice %arg12[%add3A_504, %dma_start3A_525, %dma_start3A_526] : memref<16x8x64xf32, #tpu.memory_space<vmem>> -> memref<1x8x64xf32, #tpu.memory_space<vmem>>
    %dma_start3A_528 = tpu.memref_squeeze %dma_start3A_527 : memref<1x8x64xf32, #tpu.memory_space<vmem>> -> memref<8x64xf32, #tpu.memory_space<vmem>>
    %dma_start3A_529 = arith.constant 0 : i32
    %dma_start3A_530 = arith.constant 0 : i32
    %dma_start3A_531 = tpu.memref_slice %arg5[%squeeze3A_524, %dma_start3A_529, %dma_start3A_530] : memref<125000x8x64xf32, #tpu.memory_space<hbm>> -> memref<1x8x64xf32, #tpu.memory_space<hbm>>
    %dma_start3A_532 = tpu.memref_squeeze %dma_start3A_531 : memref<1x8x64xf32, #tpu.memory_space<hbm>> -> memref<8x64xf32, #tpu.memory_space<hbm>>
    %dma_start3A_533 = arith.constant 0 : i32
    %dma_start3A_534 = arith.constant 0 : i32
    %dma_start3A_535 = tpu.memref_slice %arg12[%add3A_504, %dma_start3A_533, %dma_start3A_534] : memref<16x8x64xf32, #tpu.memory_space<vmem>> -> memref<1x8x64xf32, #tpu.memory_space<vmem>>
    %dma_start3A_536 = tpu.memref_squeeze %dma_start3A_535 : memref<1x8x64xf32, #tpu.memory_space<vmem>> -> memref<8x64xf32, #tpu.memory_space<vmem>>
    %dma_start3A_537 = arith.constant 0 : i32
    %dma_start3A_538 = arith.constant 0 : i32
    %dma_start3A_539 = tpu.memref_slice %arg5[%squeeze3A_524, %dma_start3A_537, %dma_start3A_538] : memref<125000x8x64xf32, #tpu.memory_space<hbm>> -> memref<1x8x64xf32, #tpu.memory_space<hbm>>
    %dma_start3A_540 = tpu.memref_squeeze %dma_start3A_539 : memref<1x8x64xf32, #tpu.memory_space<hbm>> -> memref<8x64xf32, #tpu.memory_space<hbm>>
    tpu.enqueue_dma source(%dma_start3A_540 : memref<8x64xf32, #tpu.memory_space<hbm>>) target(%dma_start3A_536 : memref<8x64xf32, #tpu.memory_space<vmem>>) target_semaphore(%arg19 : memref<!tpu.dma_semaphore, #tpu.memory_space<semaphore_mem>>)
    %mul3A_541 = arith.constant 16 : i32
    %mul3A_542 = arith.muli %scan3A_50, %mul3A_541 : i32
    %add3A_543 = arith.constant 12 : i32
    %add3A_544 = arith.addi %mul3A_542, %add3A_543 : i32
    %slice3A_545 = vector.extract_strided_slice %shift_right_logical3A_57 {offsets = [12], sizes = [1], strides = [1]} : vector<16xi32> to vector<1xi32>
    %squeeze3A_546 = vector.extract %slice3A_545[0] : i32 from vector<1xi32>
    %dma_start3A_547 = arith.constant 0 : i32
    %dma_start3A_548 = arith.constant 0 : i32
    %dma_start3A_549 = tpu.memref_slice %arg11[%add3A_544, %dma_start3A_547, %dma_start3A_548] : memref<16x8x64xf32, #tpu.memory_space<vmem>> -> memref<1x8x64xf32, #tpu.memory_space<vmem>>
    %dma_start3A_550 = tpu.memref_squeeze %dma_start3A_549 : memref<1x8x64xf32, #tpu.memory_space<vmem>> -> memref<8x64xf32, #tpu.memory_space<vmem>>
    %dma_start3A_551 = arith.constant 0 : i32
    %dma_start3A_552 = arith.constant 0 : i32
    %dma_start3A_553 = tpu.memref_slice %arg4[%squeeze3A_546, %dma_start3A_551, %dma_start3A_552] : memref<125000x8x64xf32, #tpu.memory_space<hbm>> -> memref<1x8x64xf32, #tpu.memory_space<hbm>>
    %dma_start3A_554 = tpu.memref_squeeze %dma_start3A_553 : memref<1x8x64xf32, #tpu.memory_space<hbm>> -> memref<8x64xf32, #tpu.memory_space<hbm>>
    %dma_start3A_555 = arith.constant 0 : i32
    %dma_start3A_556 = arith.constant 0 : i32
    %dma_start3A_557 = tpu.memref_slice %arg11[%add3A_544, %dma_start3A_555, %dma_start3A_556] : memref<16x8x64xf32, #tpu.memory_space<vmem>> -> memref<1x8x64xf32, #tpu.memory_space<vmem>>
    %dma_start3A_558 = tpu.memref_squeeze %dma_start3A_557 : memref<1x8x64xf32, #tpu.memory_space<vmem>> -> memref<8x64xf32, #tpu.memory_space<vmem>>
    %dma_start3A_559 = arith.constant 0 : i32
    %dma_start3A_560 = arith.constant 0 : i32
    %dma_start3A_561 = tpu.memref_slice %arg4[%squeeze3A_546, %dma_start3A_559, %dma_start3A_560] : memref<125000x8x64xf32, #tpu.memory_space<hbm>> -> memref<1x8x64xf32, #tpu.memory_space<hbm>>
    %dma_start3A_562 = tpu.memref_squeeze %dma_start3A_561 : memref<1x8x64xf32, #tpu.memory_space<hbm>> -> memref<8x64xf32, #tpu.memory_space<hbm>>
    tpu.enqueue_dma source(%dma_start3A_562 : memref<8x64xf32, #tpu.memory_space<hbm>>) target(%dma_start3A_558 : memref<8x64xf32, #tpu.memory_space<vmem>>) target_semaphore(%arg18 : memref<!tpu.dma_semaphore, #tpu.memory_space<semaphore_mem>>)
    %slice3A_563 = vector.extract_strided_slice %shift_right_logical3A_62 {offsets = [12], sizes = [1], strides = [1]} : vector<16xi32> to vector<1xi32>
    %squeeze3A_564 = vector.extract %slice3A_563[0] : i32 from vector<1xi32>
    %dma_start3A_565 = arith.constant 0 : i32
    %dma_start3A_566 = arith.constant 0 : i32
    %dma_start3A_567 = tpu.memref_slice %arg12[%add3A_544, %dma_start3A_565, %dma_start3A_566] : memref<16x8x64xf32, #tpu.memory_space<vmem>> -> memref<1x8x64xf32, #tpu.memory_space<vmem>>
    %dma_start3A_568 = tpu.memref_squeeze %dma_start3A_567 : memref<1x8x64xf32, #tpu.memory_space<vmem>> -> memref<8x64xf32, #tpu.memory_space<vmem>>
    %dma_start3A_569 = arith.constant 0 : i32
    %dma_start3A_570 = arith.constant 0 : i32
    %dma_start3A_571 = tpu.memref_slice %arg5[%squeeze3A_564, %dma_start3A_569, %dma_start3A_570] : memref<125000x8x64xf32, #tpu.memory_space<hbm>> -> memref<1x8x64xf32, #tpu.memory_space<hbm>>
    %dma_start3A_572 = tpu.memref_squeeze %dma_start3A_571 : memref<1x8x64xf32, #tpu.memory_space<hbm>> -> memref<8x64xf32, #tpu.memory_space<hbm>>
    %dma_start3A_573 = arith.constant 0 : i32
    %dma_start3A_574 = arith.constant 0 : i32
    %dma_start3A_575 = tpu.memref_slice %arg12[%add3A_544, %dma_start3A_573, %dma_start3A_574] : memref<16x8x64xf32, #tpu.memory_space<vmem>> -> memref<1x8x64xf32, #tpu.memory_space<vmem>>
    %dma_start3A_576 = tpu.memref_squeeze %dma_start3A_575 : memref<1x8x64xf32, #tpu.memory_space<vmem>> -> memref<8x64xf32, #tpu.memory_space<vmem>>
    %dma_start3A_577 = arith.constant 0 : i32
    %dma_start3A_578 = arith.constant 0 : i32
    %dma_start3A_579 = tpu.memref_slice %arg5[%squeeze3A_564, %dma_start3A_577, %dma_start3A_578] : memref<125000x8x64xf32, #tpu.memory_space<hbm>> -> memref<1x8x64xf32, #tpu.memory_space<hbm>>
    %dma_start3A_580 = tpu.memref_squeeze %dma_start3A_579 : memref<1x8x64xf32, #tpu.memory_space<hbm>> -> memref<8x64xf32, #tpu.memory_space<hbm>>
    tpu.enqueue_dma source(%dma_start3A_580 : memref<8x64xf32, #tpu.memory_space<hbm>>) target(%dma_start3A_576 : memref<8x64xf32, #tpu.memory_space<vmem>>) target_semaphore(%arg19 : memref<!tpu.dma_semaphore, #tpu.memory_space<semaphore_mem>>)
    %mul3A_581 = arith.constant 16 : i32
    %mul3A_582 = arith.muli %scan3A_50, %mul3A_581 : i32
    %add3A_583 = arith.constant 13 : i32
    %add3A_584 = arith.addi %mul3A_582, %add3A_583 : i32
    %slice3A_585 = vector.extract_strided_slice %shift_right_logical3A_57 {offsets = [13], sizes = [1], strides = [1]} : vector<16xi32> to vector<1xi32>
    %squeeze3A_586 = vector.extract %slice3A_585[0] : i32 from vector<1xi32>
    %dma_start3A_587 = arith.constant 0 : i32
    %dma_start3A_588 = arith.constant 0 : i32
    %dma_start3A_589 = tpu.memref_slice %arg11[%add3A_584, %dma_start3A_587, %dma_start3A_588] : memref<16x8x64xf32, #tpu.memory_space<vmem>> -> memref<1x8x64xf32, #tpu.memory_space<vmem>>
    %dma_start3A_590 = tpu.memref_squeeze %dma_start3A_589 : memref<1x8x64xf32, #tpu.memory_space<vmem>> -> memref<8x64xf32, #tpu.memory_space<vmem>>
    %dma_start3A_591 = arith.constant 0 : i32
    %dma_start3A_592 = arith.constant 0 : i32
    %dma_start3A_593 = tpu.memref_slice %arg4[%squeeze3A_586, %dma_start3A_591, %dma_start3A_592] : memref<125000x8x64xf32, #tpu.memory_space<hbm>> -> memref<1x8x64xf32, #tpu.memory_space<hbm>>
    %dma_start3A_594 = tpu.memref_squeeze %dma_start3A_593 : memref<1x8x64xf32, #tpu.memory_space<hbm>> -> memref<8x64xf32, #tpu.memory_space<hbm>>
    %dma_start3A_595 = arith.constant 0 : i32
    %dma_start3A_596 = arith.constant 0 : i32
    %dma_start3A_597 = tpu.memref_slice %arg11[%add3A_584, %dma_start3A_595, %dma_start3A_596] : memref<16x8x64xf32, #tpu.memory_space<vmem>> -> memref<1x8x64xf32, #tpu.memory_space<vmem>>
    %dma_start3A_598 = tpu.memref_squeeze %dma_start3A_597 : memref<1x8x64xf32, #tpu.memory_space<vmem>> -> memref<8x64xf32, #tpu.memory_space<vmem>>
    %dma_start3A_599 = arith.constant 0 : i32
    %dma_start3A_600 = arith.constant 0 : i32
    %dma_start3A_601 = tpu.memref_slice %arg4[%squeeze3A_586, %dma_start3A_599, %dma_start3A_600] : memref<125000x8x64xf32, #tpu.memory_space<hbm>> -> memref<1x8x64xf32, #tpu.memory_space<hbm>>
    %dma_start3A_602 = tpu.memref_squeeze %dma_start3A_601 : memref<1x8x64xf32, #tpu.memory_space<hbm>> -> memref<8x64xf32, #tpu.memory_space<hbm>>
    tpu.enqueue_dma source(%dma_start3A_602 : memref<8x64xf32, #tpu.memory_space<hbm>>) target(%dma_start3A_598 : memref<8x64xf32, #tpu.memory_space<vmem>>) target_semaphore(%arg18 : memref<!tpu.dma_semaphore, #tpu.memory_space<semaphore_mem>>)
    %slice3A_603 = vector.extract_strided_slice %shift_right_logical3A_62 {offsets = [13], sizes = [1], strides = [1]} : vector<16xi32> to vector<1xi32>
    %squeeze3A_604 = vector.extract %slice3A_603[0] : i32 from vector<1xi32>
    %dma_start3A_605 = arith.constant 0 : i32
    %dma_start3A_606 = arith.constant 0 : i32
    %dma_start3A_607 = tpu.memref_slice %arg12[%add3A_584, %dma_start3A_605, %dma_start3A_606] : memref<16x8x64xf32, #tpu.memory_space<vmem>> -> memref<1x8x64xf32, #tpu.memory_space<vmem>>
    %dma_start3A_608 = tpu.memref_squeeze %dma_start3A_607 : memref<1x8x64xf32, #tpu.memory_space<vmem>> -> memref<8x64xf32, #tpu.memory_space<vmem>>
    %dma_start3A_609 = arith.constant 0 : i32
    %dma_start3A_610 = arith.constant 0 : i32
    %dma_start3A_611 = tpu.memref_slice %arg5[%squeeze3A_604, %dma_start3A_609, %dma_start3A_610] : memref<125000x8x64xf32, #tpu.memory_space<hbm>> -> memref<1x8x64xf32, #tpu.memory_space<hbm>>
    %dma_start3A_612 = tpu.memref_squeeze %dma_start3A_611 : memref<1x8x64xf32, #tpu.memory_space<hbm>> -> memref<8x64xf32, #tpu.memory_space<hbm>>
    %dma_start3A_613 = arith.constant 0 : i32
    %dma_start3A_614 = arith.constant 0 : i32
    %dma_start3A_615 = tpu.memref_slice %arg12[%add3A_584, %dma_start3A_613, %dma_start3A_614] : memref<16x8x64xf32, #tpu.memory_space<vmem>> -> memref<1x8x64xf32, #tpu.memory_space<vmem>>
    %dma_start3A_616 = tpu.memref_squeeze %dma_start3A_615 : memref<1x8x64xf32, #tpu.memory_space<vmem>> -> memref<8x64xf32, #tpu.memory_space<vmem>>
    %dma_start3A_617 = arith.constant 0 : i32
    %dma_start3A_618 = arith.constant 0 : i32
    %dma_start3A_619 = tpu.memref_slice %arg5[%squeeze3A_604, %dma_start3A_617, %dma_start3A_618] : memref<125000x8x64xf32, #tpu.memory_space<hbm>> -> memref<1x8x64xf32, #tpu.memory_space<hbm>>
    %dma_start3A_620 = tpu.memref_squeeze %dma_start3A_619 : memref<1x8x64xf32, #tpu.memory_space<hbm>> -> memref<8x64xf32, #tpu.memory_space<hbm>>
    tpu.enqueue_dma source(%dma_start3A_620 : memref<8x64xf32, #tpu.memory_space<hbm>>) target(%dma_start3A_616 : memref<8x64xf32, #tpu.memory_space<vmem>>) target_semaphore(%arg19 : memref<!tpu.dma_semaphore, #tpu.memory_space<semaphore_mem>>)
    %mul3A_621 = arith.constant 16 : i32
    %mul3A_622 = arith.muli %scan3A_50, %mul3A_621 : i32
    %add3A_623 = arith.constant 14 : i32
    %add3A_624 = arith.addi %mul3A_622, %add3A_623 : i32
    %slice3A_625 = vector.extract_strided_slice %shift_right_logical3A_57 {offsets = [14], sizes = [1], strides = [1]} : vector<16xi32> to vector<1xi32>
    %squeeze3A_626 = vector.extract %slice3A_625[0] : i32 from vector<1xi32>
    %dma_start3A_627 = arith.constant 0 : i32
    %dma_start3A_628 = arith.constant 0 : i32
    %dma_start3A_629 = tpu.memref_slice %arg11[%add3A_624, %dma_start3A_627, %dma_start3A_628] : memref<16x8x64xf32, #tpu.memory_space<vmem>> -> memref<1x8x64xf32, #tpu.memory_space<vmem>>
    %dma_start3A_630 = tpu.memref_squeeze %dma_start3A_629 : memref<1x8x64xf32, #tpu.memory_space<vmem>> -> memref<8x64xf32, #tpu.memory_space<vmem>>
    %dma_start3A_631 = arith.constant 0 : i32
    %dma_start3A_632 = arith.constant 0 : i32
    %dma_start3A_633 = tpu.memref_slice %arg4[%squeeze3A_626, %dma_start3A_631, %dma_start3A_632] : memref<125000x8x64xf32, #tpu.memory_space<hbm>> -> memref<1x8x64xf32, #tpu.memory_space<hbm>>
    %dma_start3A_634 = tpu.memref_squeeze %dma_start3A_633 : memref<1x8x64xf32, #tpu.memory_space<hbm>> -> memref<8x64xf32, #tpu.memory_space<hbm>>
    %dma_start3A_635 = arith.constant 0 : i32
    %dma_start3A_636 = arith.constant 0 : i32
    %dma_start3A_637 = tpu.memref_slice %arg11[%add3A_624, %dma_start3A_635, %dma_start3A_636] : memref<16x8x64xf32, #tpu.memory_space<vmem>> -> memref<1x8x64xf32, #tpu.memory_space<vmem>>
    %dma_start3A_638 = tpu.memref_squeeze %dma_start3A_637 : memref<1x8x64xf32, #tpu.memory_space<vmem>> -> memref<8x64xf32, #tpu.memory_space<vmem>>
    %dma_start3A_639 = arith.constant 0 : i32
    %dma_start3A_640 = arith.constant 0 : i32
    %dma_start3A_641 = tpu.memref_slice %arg4[%squeeze3A_626, %dma_start3A_639, %dma_start3A_640] : memref<125000x8x64xf32, #tpu.memory_space<hbm>> -> memref<1x8x64xf32, #tpu.memory_space<hbm>>
    %dma_start3A_642 = tpu.memref_squeeze %dma_start3A_641 : memref<1x8x64xf32, #tpu.memory_space<hbm>> -> memref<8x64xf32, #tpu.memory_space<hbm>>
    tpu.enqueue_dma source(%dma_start3A_642 : memref<8x64xf32, #tpu.memory_space<hbm>>) target(%dma_start3A_638 : memref<8x64xf32, #tpu.memory_space<vmem>>) target_semaphore(%arg18 : memref<!tpu.dma_semaphore, #tpu.memory_space<semaphore_mem>>)
    %slice3A_643 = vector.extract_strided_slice %shift_right_logical3A_62 {offsets = [14], sizes = [1], strides = [1]} : vector<16xi32> to vector<1xi32>
    %squeeze3A_644 = vector.extract %slice3A_643[0] : i32 from vector<1xi32>
    %dma_start3A_645 = arith.constant 0 : i32
    %dma_start3A_646 = arith.constant 0 : i32
    %dma_start3A_647 = tpu.memref_slice %arg12[%add3A_624, %dma_start3A_645, %dma_start3A_646] : memref<16x8x64xf32, #tpu.memory_space<vmem>> -> memref<1x8x64xf32, #tpu.memory_space<vmem>>
    %dma_start3A_648 = tpu.memref_squeeze %dma_start3A_647 : memref<1x8x64xf32, #tpu.memory_space<vmem>> -> memref<8x64xf32, #tpu.memory_space<vmem>>
    %dma_start3A_649 = arith.constant 0 : i32
    %dma_start3A_650 = arith.constant 0 : i32
    %dma_start3A_651 = tpu.memref_slice %arg5[%squeeze3A_644, %dma_start3A_649, %dma_start3A_650] : memref<125000x8x64xf32, #tpu.memory_space<hbm>> -> memref<1x8x64xf32, #tpu.memory_space<hbm>>
    %dma_start3A_652 = tpu.memref_squeeze %dma_start3A_651 : memref<1x8x64xf32, #tpu.memory_space<hbm>> -> memref<8x64xf32, #tpu.memory_space<hbm>>
    %dma_start3A_653 = arith.constant 0 : i32
    %dma_start3A_654 = arith.constant 0 : i32
    %dma_start3A_655 = tpu.memref_slice %arg12[%add3A_624, %dma_start3A_653, %dma_start3A_654] : memref<16x8x64xf32, #tpu.memory_space<vmem>> -> memref<1x8x64xf32, #tpu.memory_space<vmem>>
    %dma_start3A_656 = tpu.memref_squeeze %dma_start3A_655 : memref<1x8x64xf32, #tpu.memory_space<vmem>> -> memref<8x64xf32, #tpu.memory_space<vmem>>
    %dma_start3A_657 = arith.constant 0 : i32
    %dma_start3A_658 = arith.constant 0 : i32
    %dma_start3A_659 = tpu.memref_slice %arg5[%squeeze3A_644, %dma_start3A_657, %dma_start3A_658] : memref<125000x8x64xf32, #tpu.memory_space<hbm>> -> memref<1x8x64xf32, #tpu.memory_space<hbm>>
    %dma_start3A_660 = tpu.memref_squeeze %dma_start3A_659 : memref<1x8x64xf32, #tpu.memory_space<hbm>> -> memref<8x64xf32, #tpu.memory_space<hbm>>
    tpu.enqueue_dma source(%dma_start3A_660 : memref<8x64xf32, #tpu.memory_space<hbm>>) target(%dma_start3A_656 : memref<8x64xf32, #tpu.memory_space<vmem>>) target_semaphore(%arg19 : memref<!tpu.dma_semaphore, #tpu.memory_space<semaphore_mem>>)
    %mul3A_661 = arith.constant 16 : i32
    %mul3A_662 = arith.muli %scan3A_50, %mul3A_661 : i32
    %add3A_663 = arith.constant 15 : i32
    %add3A_664 = arith.addi %mul3A_662, %add3A_663 : i32
    %slice3A_665 = vector.extract_strided_slice %shift_right_logical3A_57 {offsets = [15], sizes = [1], strides = [1]} : vector<16xi32> to vector<1xi32>
    %squeeze3A_666 = vector.extract %slice3A_665[0] : i32 from vector<1xi32>
    %dma_start3A_667 = arith.constant 0 : i32
    %dma_start3A_668 = arith.constant 0 : i32
    %dma_start3A_669 = tpu.memref_slice %arg11[%add3A_664, %dma_start3A_667, %dma_start3A_668] : memref<16x8x64xf32, #tpu.memory_space<vmem>> -> memref<1x8x64xf32, #tpu.memory_space<vmem>>
    %dma_start3A_670 = tpu.memref_squeeze %dma_start3A_669 : memref<1x8x64xf32, #tpu.memory_space<vmem>> -> memref<8x64xf32, #tpu.memory_space<vmem>>
    %dma_start3A_671 = arith.constant 0 : i32
    %dma_start3A_672 = arith.constant 0 : i32
    %dma_start3A_673 = tpu.memref_slice %arg4[%squeeze3A_666, %dma_start3A_671, %dma_start3A_672] : memref<125000x8x64xf32, #tpu.memory_space<hbm>> -> memref<1x8x64xf32, #tpu.memory_space<hbm>>
    %dma_start3A_674 = tpu.memref_squeeze %dma_start3A_673 : memref<1x8x64xf32, #tpu.memory_space<hbm>> -> memref<8x64xf32, #tpu.memory_space<hbm>>
    %dma_start3A_675 = arith.constant 0 : i32
    %dma_start3A_676 = arith.constant 0 : i32
    %dma_start3A_677 = tpu.memref_slice %arg11[%add3A_664, %dma_start3A_675, %dma_start3A_676] : memref<16x8x64xf32, #tpu.memory_space<vmem>> -> memref<1x8x64xf32, #tpu.memory_space<vmem>>
    %dma_start3A_678 = tpu.memref_squeeze %dma_start3A_677 : memref<1x8x64xf32, #tpu.memory_space<vmem>> -> memref<8x64xf32, #tpu.memory_space<vmem>>
    %dma_start3A_679 = arith.constant 0 : i32
    %dma_start3A_680 = arith.constant 0 : i32
    %dma_start3A_681 = tpu.memref_slice %arg4[%squeeze3A_666, %dma_start3A_679, %dma_start3A_680] : memref<125000x8x64xf32, #tpu.memory_space<hbm>> -> memref<1x8x64xf32, #tpu.memory_space<hbm>>
    %dma_start3A_682 = tpu.memref_squeeze %dma_start3A_681 : memref<1x8x64xf32, #tpu.memory_space<hbm>> -> memref<8x64xf32, #tpu.memory_space<hbm>>
    tpu.enqueue_dma source(%dma_start3A_682 : memref<8x64xf32, #tpu.memory_space<hbm>>) target(%dma_start3A_678 : memref<8x64xf32, #tpu.memory_space<vmem>>) target_semaphore(%arg18 : memref<!tpu.dma_semaphore, #tpu.memory_space<semaphore_mem>>)
    %slice3A_683 = vector.extract_strided_slice %shift_right_logical3A_62 {offsets = [15], sizes = [1], strides = [1]} : vector<16xi32> to vector<1xi32>
    %squeeze3A_684 = vector.extract %slice3A_683[0] : i32 from vector<1xi32>
    %dma_start3A_685 = arith.constant 0 : i32
    %dma_start3A_686 = arith.constant 0 : i32
    %dma_start3A_687 = tpu.memref_slice %arg12[%add3A_664, %dma_start3A_685, %dma_start3A_686] : memref<16x8x64xf32, #tpu.memory_space<vmem>> -> memref<1x8x64xf32, #tpu.memory_space<vmem>>
    %dma_start3A_688 = tpu.memref_squeeze %dma_start3A_687 : memref<1x8x64xf32, #tpu.memory_space<vmem>> -> memref<8x64xf32, #tpu.memory_space<vmem>>
    %dma_start3A_689 = arith.constant 0 : i32
    %dma_start3A_690 = arith.constant 0 : i32
    %dma_start3A_691 = tpu.memref_slice %arg5[%squeeze3A_684, %dma_start3A_689, %dma_start3A_690] : memref<125000x8x64xf32, #tpu.memory_space<hbm>> -> memref<1x8x64xf32, #tpu.memory_space<hbm>>
    %dma_start3A_692 = tpu.memref_squeeze %dma_start3A_691 : memref<1x8x64xf32, #tpu.memory_space<hbm>> -> memref<8x64xf32, #tpu.memory_space<hbm>>
    %dma_start3A_693 = arith.constant 0 : i32
    %dma_start3A_694 = arith.constant 0 : i32
    %dma_start3A_695 = tpu.memref_slice %arg12[%add3A_664, %dma_start3A_693, %dma_start3A_694] : memref<16x8x64xf32, #tpu.memory_space<vmem>> -> memref<1x8x64xf32, #tpu.memory_space<vmem>>
    %dma_start3A_696 = tpu.memref_squeeze %dma_start3A_695 : memref<1x8x64xf32, #tpu.memory_space<vmem>> -> memref<8x64xf32, #tpu.memory_space<vmem>>
    %dma_start3A_697 = arith.constant 0 : i32
    %dma_start3A_698 = arith.constant 0 : i32
    %dma_start3A_699 = tpu.memref_slice %arg5[%squeeze3A_684, %dma_start3A_697, %dma_start3A_698] : memref<125000x8x64xf32, #tpu.memory_space<hbm>> -> memref<1x8x64xf32, #tpu.memory_space<hbm>>
    %dma_start3A_700 = tpu.memref_squeeze %dma_start3A_699 : memref<1x8x64xf32, #tpu.memory_space<hbm>> -> memref<8x64xf32, #tpu.memory_space<hbm>>
    tpu.enqueue_dma source(%dma_start3A_700 : memref<8x64xf32, #tpu.memory_space<hbm>>) target(%dma_start3A_696 : memref<8x64xf32, #tpu.memory_space<vmem>>) target_semaphore(%arg19 : memref<!tpu.dma_semaphore, #tpu.memory_space<semaphore_mem>>)
    %scan3A_701 = arith.constant 1 : i32
    %dma_wait3A = arith.constant 0 : i32
    %dma_wait3A_702 = tpu.memref_slice %arg15[%dma_wait3A] : memref<512xf32, #tpu.memory_space<vmem>> -> memref<128xf32, #tpu.memory_space<vmem>>
    %dma_wait3A_703 = arith.constant 0 : i32
    %dma_wait3A_704 = tpu.memref_slice %arg9[%dma_wait3A_703] : memref<512xi32, #tpu.memory_space<vmem>> -> memref<128xi32, #tpu.memory_space<vmem>>
    %dma_wait3A_705 = arith.constant 0 : i32
    %dma_wait3A_706 = tpu.memref_slice %arg6[%dma_wait3A_705] : memref<1000000xf32, #tpu.memory_space<hbm>> -> memref<1000000xf32, #tpu.memory_space<hbm>>
    tpu.wait_indirect_dma semaphore(%arg22 : memref<!tpu.dma_semaphore, #tpu.memory_space<semaphore_mem>>) src(%dma_wait3A_706 : memref<1000000xf32, #tpu.memory_space<hbm>>) dst(%dma_wait3A_702 : memref<128xf32, #tpu.memory_space<vmem>>)
    %dma_wait3A_707 = arith.constant 0 : i32
    %dma_wait3A_708 = tpu.memref_slice %arg16[%dma_wait3A_707] : memref<512xf32, #tpu.memory_space<vmem>> -> memref<128xf32, #tpu.memory_space<vmem>>
    %dma_wait3A_709 = arith.constant 0 : i32
    %dma_wait3A_710 = tpu.memref_slice %arg10[%dma_wait3A_709] : memref<512xi32, #tpu.memory_space<vmem>> -> memref<128xi32, #tpu.memory_space<vmem>>
    %dma_wait3A_711 = arith.constant 0 : i32
    %dma_wait3A_712 = tpu.memref_slice %arg7[%dma_wait3A_711] : memref<1000000xf32, #tpu.memory_space<hbm>> -> memref<1000000xf32, #tpu.memory_space<hbm>>
    tpu.wait_indirect_dma semaphore(%arg23 : memref<!tpu.dma_semaphore, #tpu.memory_space<semaphore_mem>>) src(%dma_wait3A_712 : memref<1000000xf32, #tpu.memory_space<hbm>>) dst(%dma_wait3A_708 : memref<128xf32, #tpu.memory_space<vmem>>)
    %dma_wait3A_713 = arith.constant 128 : i32
    %dma_wait3A_714 = tpu.memref_slice %arg15[%dma_wait3A_713] : memref<512xf32, #tpu.memory_space<vmem>> -> memref<128xf32, #tpu.memory_space<vmem>>
    %dma_wait3A_715 = arith.constant 128 : i32
    %dma_wait3A_716 = tpu.memref_slice %arg9[%dma_wait3A_715] : memref<512xi32, #tpu.memory_space<vmem>> -> memref<128xi32, #tpu.memory_space<vmem>>
    %dma_wait3A_717 = arith.constant 0 : i32
    %dma_wait3A_718 = tpu.memref_slice %arg6[%dma_wait3A_717] : memref<1000000xf32, #tpu.memory_space<hbm>> -> memref<1000000xf32, #tpu.memory_space<hbm>>
    tpu.wait_indirect_dma semaphore(%arg22 : memref<!tpu.dma_semaphore, #tpu.memory_space<semaphore_mem>>) src(%dma_wait3A_718 : memref<1000000xf32, #tpu.memory_space<hbm>>) dst(%dma_wait3A_714 : memref<128xf32, #tpu.memory_space<vmem>>)
    %dma_wait3A_719 = arith.constant 128 : i32
    %dma_wait3A_720 = tpu.memref_slice %arg16[%dma_wait3A_719] : memref<512xf32, #tpu.memory_space<vmem>> -> memref<128xf32, #tpu.memory_space<vmem>>
    %dma_wait3A_721 = arith.constant 128 : i32
    %dma_wait3A_722 = tpu.memref_slice %arg10[%dma_wait3A_721] : memref<512xi32, #tpu.memory_space<vmem>> -> memref<128xi32, #tpu.memory_space<vmem>>
    %dma_wait3A_723 = arith.constant 0 : i32
    %dma_wait3A_724 = tpu.memref_slice %arg7[%dma_wait3A_723] : memref<1000000xf32, #tpu.memory_space<hbm>> -> memref<1000000xf32, #tpu.memory_space<hbm>>
    tpu.wait_indirect_dma semaphore(%arg23 : memref<!tpu.dma_semaphore, #tpu.memory_space<semaphore_mem>>) src(%dma_wait3A_724 : memref<1000000xf32, #tpu.memory_space<hbm>>) dst(%dma_wait3A_720 : memref<128xf32, #tpu.memory_space<vmem>>)
    %dma_wait3A_725 = arith.constant 256 : i32
    %dma_wait3A_726 = tpu.memref_slice %arg15[%dma_wait3A_725] : memref<512xf32, #tpu.memory_space<vmem>> -> memref<128xf32, #tpu.memory_space<vmem>>
    %dma_wait3A_727 = arith.constant 256 : i32
    %dma_wait3A_728 = tpu.memref_slice %arg9[%dma_wait3A_727] : memref<512xi32, #tpu.memory_space<vmem>> -> memref<128xi32, #tpu.memory_space<vmem>>
    %dma_wait3A_729 = arith.constant 0 : i32
    %dma_wait3A_730 = tpu.memref_slice %arg6[%dma_wait3A_729] : memref<1000000xf32, #tpu.memory_space<hbm>> -> memref<1000000xf32, #tpu.memory_space<hbm>>
    tpu.wait_indirect_dma semaphore(%arg22 : memref<!tpu.dma_semaphore, #tpu.memory_space<semaphore_mem>>) src(%dma_wait3A_730 : memref<1000000xf32, #tpu.memory_space<hbm>>) dst(%dma_wait3A_726 : memref<128xf32, #tpu.memory_space<vmem>>)
    %dma_wait3A_731 = arith.constant 256 : i32
    %dma_wait3A_732 = tpu.memref_slice %arg16[%dma_wait3A_731] : memref<512xf32, #tpu.memory_space<vmem>> -> memref<128xf32, #tpu.memory_space<vmem>>
    %dma_wait3A_733 = arith.constant 256 : i32
    %dma_wait3A_734 = tpu.memref_slice %arg10[%dma_wait3A_733] : memref<512xi32, #tpu.memory_space<vmem>> -> memref<128xi32, #tpu.memory_space<vmem>>
    %dma_wait3A_735 = arith.constant 0 : i32
    %dma_wait3A_736 = tpu.memref_slice %arg7[%dma_wait3A_735] : memref<1000000xf32, #tpu.memory_space<hbm>> -> memref<1000000xf32, #tpu.memory_space<hbm>>
    tpu.wait_indirect_dma semaphore(%arg23 : memref<!tpu.dma_semaphore, #tpu.memory_space<semaphore_mem>>) src(%dma_wait3A_736 : memref<1000000xf32, #tpu.memory_space<hbm>>) dst(%dma_wait3A_732 : memref<128xf32, #tpu.memory_space<vmem>>)
    %dma_wait3A_737 = arith.constant 384 : i32
    %dma_wait3A_738 = tpu.memref_slice %arg15[%dma_wait3A_737] : memref<512xf32, #tpu.memory_space<vmem>> -> memref<128xf32, #tpu.memory_space<vmem>>
    %dma_wait3A_739 = arith.constant 384 : i32
    %dma_wait3A_740 = tpu.memref_slice %arg9[%dma_wait3A_739] : memref<512xi32, #tpu.memory_space<vmem>> -> memref<128xi32, #tpu.memory_space<vmem>>
    %dma_wait3A_741 = arith.constant 0 : i32
    %dma_wait3A_742 = tpu.memref_slice %arg6[%dma_wait3A_741] : memref<1000000xf32, #tpu.memory_space<hbm>> -> memref<1000000xf32, #tpu.memory_space<hbm>>
    tpu.wait_indirect_dma semaphore(%arg22 : memref<!tpu.dma_semaphore, #tpu.memory_space<semaphore_mem>>) src(%dma_wait3A_742 : memref<1000000xf32, #tpu.memory_space<hbm>>) dst(%dma_wait3A_738 : memref<128xf32, #tpu.memory_space<vmem>>)
    %dma_wait3A_743 = arith.constant 384 : i32
    %dma_wait3A_744 = tpu.memref_slice %arg16[%dma_wait3A_743] : memref<512xf32, #tpu.memory_space<vmem>> -> memref<128xf32, #tpu.memory_space<vmem>>
    %dma_wait3A_745 = arith.constant 384 : i32
    %dma_wait3A_746 = tpu.memref_slice %arg10[%dma_wait3A_745] : memref<512xi32, #tpu.memory_space<vmem>> -> memref<128xi32, #tpu.memory_space<vmem>>
    %dma_wait3A_747 = arith.constant 0 : i32
    %dma_wait3A_748 = tpu.memref_slice %arg7[%dma_wait3A_747] : memref<1000000xf32, #tpu.memory_space<hbm>> -> memref<1000000xf32, #tpu.memory_space<hbm>>
    tpu.wait_indirect_dma semaphore(%arg23 : memref<!tpu.dma_semaphore, #tpu.memory_space<semaphore_mem>>) src(%dma_wait3A_748 : memref<1000000xf32, #tpu.memory_space<hbm>>) dst(%dma_wait3A_744 : memref<128xf32, #tpu.memory_space<vmem>>)
    %scan3A_749 = arith.constant 0 : i32
    %scan3A_750 = arith.constant 0 : i32
    %scan3A_751 = arith.constant 16 : i32
    %scan3A_752 = arith.addi %scan3A_750, %scan3A_751 : i32
    %scan3A_753 = arith.constant 1 : i32
    scf.for %scan3A_755 = %scan3A_750 to %scan3A_752 step %scan3A_753  : i32 {
      %mul3A_756 = arith.constant 2 : i32
      %mul3A_757 = arith.muli %mul3A_756, %scan3A_755 : i32
      %add3A_758 = arith.constant 1 : i32
      %add3A_759 = arith.addi %mul3A_757, %add3A_758 : i32
      %scan3A_760 = arith.constant 0 : i32
      %scan3A_761 = arith.constant 0 : i32
      %mul3A_762 = arith.constant 16 : i32
      %mul3A_763 = arith.muli %add3A_759, %mul3A_762 : i32
      %mul3A_764 = arith.constant 16 : i32
      %mul3A_765 = arith.muli %scan3A_761, %mul3A_764 : i32
      %add3A_766 = arith.addi %mul3A_763, %mul3A_765 : i32
      %get3A_767 = arith.index_cast %add3A_766 : i32 to index
      %get3A_768 = tpu.vector_load %arg9[%get3A_767] {strides = array<i32>} : memref<512xi32, #tpu.memory_space<vmem>>, vector<16xi32>,
      %shift_right_logical3A_769 = arith.constant 3 : i32
      %shift_right_logical3A_770 = vector.broadcast %shift_right_logical3A_769 : i32 to vector<16xi32>
      %shift_right_logical3A_771 = arith.shrui %get3A_768, %shift_right_logical3A_770 : vector<16xi32>
      %get3A_772 = arith.index_cast %add3A_766 : i32 to index
      %get3A_773 = tpu.vector_load %arg10[%get3A_772] {strides = array<i32>} : memref<512xi32, #tpu.memory_space<vmem>>, vector<16xi32>,
      %shift_right_logical3A_774 = arith.constant 3 : i32
      %shift_right_logical3A_775 = vector.broadcast %shift_right_logical3A_774 : i32 to vector<16xi32>
      %shift_right_logical3A_776 = arith.shrui %get3A_773, %shift_right_logical3A_775 : vector<16xi32>
      %mul3A_777 = arith.constant 16 : i32
      %mul3A_778 = arith.muli %scan3A_761, %mul3A_777 : i32
      %add3A_779 = arith.constant 0 : i32
      %add3A_780 = arith.addi %mul3A_778, %add3A_779 : i32
      %slice3A_781 = vector.extract_strided_slice %shift_right_logical3A_771 {offsets = [0], sizes = [1], strides = [1]} : vector<16xi32> to vector<1xi32>
      %squeeze3A_782 = vector.extract %slice3A_781[0] : i32 from vector<1xi32>
      %dma_start3A_783 = arith.constant 0 : i32
      %dma_start3A_784 = arith.constant 0 : i32
      %dma_start3A_785 = tpu.memref_slice %arg13[%add3A_780, %dma_start3A_783, %dma_start3A_784] : memref<16x8x64xf32, #tpu.memory_space<vmem>> -> memref<1x8x64xf32, #tpu.memory_space<vmem>>
      %dma_start3A_786 = tpu.memref_squeeze %dma_start3A_785 : memref<1x8x64xf32, #tpu.memory_space<vmem>> -> memref<8x64xf32, #tpu.memory_space<vmem>>
      %dma_start3A_787 = arith.constant 0 : i32
      %dma_start3A_788 = arith.constant 0 : i32
      %dma_start3A_789 = tpu.memref_slice %arg4[%squeeze3A_782, %dma_start3A_787, %dma_start3A_788] : memref<125000x8x64xf32, #tpu.memory_space<hbm>> -> memref<1x8x64xf32, #tpu.memory_space<hbm>>
      %dma_start3A_790 = tpu.memref_squeeze %dma_start3A_789 : memref<1x8x64xf32, #tpu.memory_space<hbm>> -> memref<8x64xf32, #tpu.memory_space<hbm>>
      %dma_start3A_791 = arith.constant 0 : i32
      %dma_start3A_792 = arith.constant 0 : i32
      %dma_start3A_793 = tpu.memref_slice %arg13[%add3A_780, %dma_start3A_791, %dma_start3A_792] : memref<16x8x64xf32, #tpu.memory_space<vmem>> -> memref<1x8x64xf32, #tpu.memory_space<vmem>>
      %dma_start3A_794 = tpu.memref_squeeze %dma_start3A_793 : memref<1x8x64xf32, #tpu.memory_space<vmem>> -> memref<8x64xf32, #tpu.memory_space<vmem>>
      %dma_start3A_795 = arith.constant 0 : i32
      %dma_start3A_796 = arith.constant 0 : i32
      %dma_start3A_797 = tpu.memref_slice %arg4[%squeeze3A_782, %dma_start3A_795, %dma_start3A_796] : memref<125000x8x64xf32, #tpu.memory_space<hbm>> -> memref<1x8x64xf32, #tpu.memory_space<hbm>>
      %dma_start3A_798 = tpu.memref_squeeze %dma_start3A_797 : memref<1x8x64xf32, #tpu.memory_space<hbm>> -> memref<8x64xf32, #tpu.memory_space<hbm>>
      tpu.enqueue_dma source(%dma_start3A_798 : memref<8x64xf32, #tpu.memory_space<hbm>>) target(%dma_start3A_794 : memref<8x64xf32, #tpu.memory_space<vmem>>) target_semaphore(%arg20 : memref<!tpu.dma_semaphore, #tpu.memory_space<semaphore_mem>>)
      %slice3A_799 = vector.extract_strided_slice %shift_right_logical3A_776 {offsets = [0], sizes = [1], strides = [1]} : vector<16xi32> to vector<1xi32>
      %squeeze3A_800 = vector.extract %slice3A_799[0] : i32 from vector<1xi32>
      %dma_start3A_801 = arith.constant 0 : i32
      %dma_start3A_802 = arith.constant 0 : i32
      %dma_start3A_803 = tpu.memref_slice %arg14[%add3A_780, %dma_start3A_801, %dma_start3A_802] : memref<16x8x64xf32, #tpu.memory_space<vmem>> -> memref<1x8x64xf32, #tpu.memory_space<vmem>>
      %dma_start3A_804 = tpu.memref_squeeze %dma_start3A_803 : memref<1x8x64xf32, #tpu.memory_space<vmem>> -> memref<8x64xf32, #tpu.memory_space<vmem>>
      %dma_start3A_805 = arith.constant 0 : i32
      %dma_start3A_806 = arith.constant 0 : i32
      %dma_start3A_807 = tpu.memref_slice %arg5[%squeeze3A_800, %dma_start3A_805, %dma_start3A_806] : memref<125000x8x64xf32, #tpu.memory_space<hbm>> -> memref<1x8x64xf32, #tpu.memory_space<hbm>>
      %dma_start3A_808 = tpu.memref_squeeze %dma_start3A_807 : memref<1x8x64xf32, #tpu.memory_space<hbm>> -> memref<8x64xf32, #tpu.memory_space<hbm>>
      %dma_start3A_809 = arith.constant 0 : i32
      %dma_start3A_810 = arith.constant 0 : i32
      %dma_start3A_811 = tpu.memref_slice %arg14[%add3A_780, %dma_start3A_809, %dma_start3A_810] : memref<16x8x64xf32, #tpu.memory_space<vmem>> -> memref<1x8x64xf32, #tpu.memory_space<vmem>>
      %dma_start3A_812 = tpu.memref_squeeze %dma_start3A_811 : memref<1x8x64xf32, #tpu.memory_space<vmem>> -> memref<8x64xf32, #tpu.memory_space<vmem>>
      %dma_start3A_813 = arith.constant 0 : i32
      %dma_start3A_814 = arith.constant 0 : i32
      %dma_start3A_815 = tpu.memref_slice %arg5[%squeeze3A_800, %dma_start3A_813, %dma_start3A_814] : memref<125000x8x64xf32, #tpu.memory_space<hbm>> -> memref<1x8x64xf32, #tpu.memory_space<hbm>>
      %dma_start3A_816 = tpu.memref_squeeze %dma_start3A_815 : memref<1x8x64xf32, #tpu.memory_space<hbm>> -> memref<8x64xf32, #tpu.memory_space<hbm>>
      tpu.enqueue_dma source(%dma_start3A_816 : memref<8x64xf32, #tpu.memory_space<hbm>>) target(%dma_start3A_812 : memref<8x64xf32, #tpu.memory_space<vmem>>) target_semaphore(%arg21 : memref<!tpu.dma_semaphore, #tpu.memory_space<semaphore_mem>>)
      %mul3A_817 = arith.constant 16 : i32
      %mul3A_818 = arith.muli %scan3A_761, %mul3A_817 : i32
      %add3A_819 = arith.constant 1 : i32
      %add3A_820 = arith.addi %mul3A_818, %add3A_819 : i32
      %slice3A_821 = vector.extract_strided_slice %shift_right_logical3A_771 {offsets = [1], sizes = [1], strides = [1]} : vector<16xi32> to vector<1xi32>
      %squeeze3A_822 = vector.extract %slice3A_821[0] : i32 from vector<1xi32>
      %dma_start3A_823 = arith.constant 0 : i32
      %dma_start3A_824 = arith.constant 0 : i32
      %dma_start3A_825 = tpu.memref_slice %arg13[%add3A_820, %dma_start3A_823, %dma_start3A_824] : memref<16x8x64xf32, #tpu.memory_space<vmem>> -> memref<1x8x64xf32, #tpu.memory_space<vmem>>
      %dma_start3A_826 = tpu.memref_squeeze %dma_start3A_825 : memref<1x8x64xf32, #tpu.memory_space<vmem>> -> memref<8x64xf32, #tpu.memory_space<vmem>>
      %dma_start3A_827 = arith.constant 0 : i32
      %dma_start3A_828 = arith.constant 0 : i32
      %dma_start3A_829 = tpu.memref_slice %arg4[%squeeze3A_822, %dma_start3A_827, %dma_start3A_828] : memref<125000x8x64xf32, #tpu.memory_space<hbm>> -> memref<1x8x64xf32, #tpu.memory_space<hbm>>
      %dma_start3A_830 = tpu.memref_squeeze %dma_start3A_829 : memref<1x8x64xf32, #tpu.memory_space<hbm>> -> memref<8x64xf32, #tpu.memory_space<hbm>>
      %dma_start3A_831 = arith.constant 0 : i32
      %dma_start3A_832 = arith.constant 0 : i32
      %dma_start3A_833 = tpu.memref_slice %arg13[%add3A_820, %dma_start3A_831, %dma_start3A_832] : memref<16x8x64xf32, #tpu.memory_space<vmem>> -> memref<1x8x64xf32, #tpu.memory_space<vmem>>
      %dma_start3A_834 = tpu.memref_squeeze %dma_start3A_833 : memref<1x8x64xf32, #tpu.memory_space<vmem>> -> memref<8x64xf32, #tpu.memory_space<vmem>>
      %dma_start3A_835 = arith.constant 0 : i32
      %dma_start3A_836 = arith.constant 0 : i32
      %dma_start3A_837 = tpu.memref_slice %arg4[%squeeze3A_822, %dma_start3A_835, %dma_start3A_836] : memref<125000x8x64xf32, #tpu.memory_space<hbm>> -> memref<1x8x64xf32, #tpu.memory_space<hbm>>
      %dma_start3A_838 = tpu.memref_squeeze %dma_start3A_837 : memref<1x8x64xf32, #tpu.memory_space<hbm>> -> memref<8x64xf32, #tpu.memory_space<hbm>>
      tpu.enqueue_dma source(%dma_start3A_838 : memref<8x64xf32, #tpu.memory_space<hbm>>) target(%dma_start3A_834 : memref<8x64xf32, #tpu.memory_space<vmem>>) target_semaphore(%arg20 : memref<!tpu.dma_semaphore, #tpu.memory_space<semaphore_mem>>)
      %slice3A_839 = vector.extract_strided_slice %shift_right_logical3A_776 {offsets = [1], sizes = [1], strides = [1]} : vector<16xi32> to vector<1xi32>
      %squeeze3A_840 = vector.extract %slice3A_839[0] : i32 from vector<1xi32>
      %dma_start3A_841 = arith.constant 0 : i32
      %dma_start3A_842 = arith.constant 0 : i32
      %dma_start3A_843 = tpu.memref_slice %arg14[%add3A_820, %dma_start3A_841, %dma_start3A_842] : memref<16x8x64xf32, #tpu.memory_space<vmem>> -> memref<1x8x64xf32, #tpu.memory_space<vmem>>
      %dma_start3A_844 = tpu.memref_squeeze %dma_start3A_843 : memref<1x8x64xf32, #tpu.memory_space<vmem>> -> memref<8x64xf32, #tpu.memory_space<vmem>>
      %dma_start3A_845 = arith.constant 0 : i32
      %dma_start3A_846 = arith.constant 0 : i32
      %dma_start3A_847 = tpu.memref_slice %arg5[%squeeze3A_840, %dma_start3A_845, %dma_start3A_846] : memref<125000x8x64xf32, #tpu.memory_space<hbm>> -> memref<1x8x64xf32, #tpu.memory_space<hbm>>
      %dma_start3A_848 = tpu.memref_squeeze %dma_start3A_847 : memref<1x8x64xf32, #tpu.memory_space<hbm>> -> memref<8x64xf32, #tpu.memory_space<hbm>>
      %dma_start3A_849 = arith.constant 0 : i32
      %dma_start3A_850 = arith.constant 0 : i32
      %dma_start3A_851 = tpu.memref_slice %arg14[%add3A_820, %dma_start3A_849, %dma_start3A_850] : memref<16x8x64xf32, #tpu.memory_space<vmem>> -> memref<1x8x64xf32, #tpu.memory_space<vmem>>
      %dma_start3A_852 = tpu.memref_squeeze %dma_start3A_851 : memref<1x8x64xf32, #tpu.memory_space<vmem>> -> memref<8x64xf32, #tpu.memory_space<vmem>>
      %dma_start3A_853 = arith.constant 0 : i32
      %dma_start3A_854 = arith.constant 0 : i32
      %dma_start3A_855 = tpu.memref_slice %arg5[%squeeze3A_840, %dma_start3A_853, %dma_start3A_854] : memref<125000x8x64xf32, #tpu.memory_space<hbm>> -> memref<1x8x64xf32, #tpu.memory_space<hbm>>
      %dma_start3A_856 = tpu.memref_squeeze %dma_start3A_855 : memref<1x8x64xf32, #tpu.memory_space<hbm>> -> memref<8x64xf32, #tpu.memory_space<hbm>>
      tpu.enqueue_dma source(%dma_start3A_856 : memref<8x64xf32, #tpu.memory_space<hbm>>) target(%dma_start3A_852 : memref<8x64xf32, #tpu.memory_space<vmem>>) target_semaphore(%arg21 : memref<!tpu.dma_semaphore, #tpu.memory_space<semaphore_mem>>)
      %mul3A_857 = arith.constant 16 : i32
      %mul3A_858 = arith.muli %scan3A_761, %mul3A_857 : i32
      %add3A_859 = arith.constant 2 : i32
      %add3A_860 = arith.addi %mul3A_858, %add3A_859 : i32
      %slice3A_861 = vector.extract_strided_slice %shift_right_logical3A_771 {offsets = [2], sizes = [1], strides = [1]} : vector<16xi32> to vector<1xi32>
      %squeeze3A_862 = vector.extract %slice3A_861[0] : i32 from vector<1xi32>
      %dma_start3A_863 = arith.constant 0 : i32
      %dma_start3A_864 = arith.constant 0 : i32
      %dma_start3A_865 = tpu.memref_slice %arg13[%add3A_860, %dma_start3A_863, %dma_start3A_864] : memref<16x8x64xf32, #tpu.memory_space<vmem>> -> memref<1x8x64xf32, #tpu.memory_space<vmem>>
      %dma_start3A_866 = tpu.memref_squeeze %dma_start3A_865 : memref<1x8x64xf32, #tpu.memory_space<vmem>> -> memref<8x64xf32, #tpu.memory_space<vmem>>
      %dma_start3A_867 = arith.constant 0 : i32
      %dma_start3A_868 = arith.constant 0 : i32
      %dma_start3A_869 = tpu.memref_slice %arg4[%squeeze3A_862, %dma_start3A_867, %dma_start3A_868] : memref<125000x8x64xf32, #tpu.memory_space<hbm>> -> memref<1x8x64xf32, #tpu.memory_space<hbm>>
      %dma_start3A_870 = tpu.memref_squeeze %dma_start3A_869 : memref<1x8x64xf32, #tpu.memory_space<hbm>> -> memref<8x64xf32, #tpu.memory_space<hbm>>
      %dma_start3A_871 = arith.constant 0 : i32
      %dma_start3A_872 = arith.constant 0 : i32
      %dma_start3A_873 = tpu.memref_slice %arg13[%add3A_860, %dma_start3A_871, %dma_start3A_872] : memref<16x8x64xf32, #tpu.memory_space<vmem>> -> memref<1x8x64xf32, #tpu.memory_space<vmem>>
      %dma_start3A_874 = tpu.memref_squeeze %dma_start3A_873 : memref<1x8x64xf32, #tpu.memory_space<vmem>> -> memref<8x64xf32, #tpu.memory_space<vmem>>
      %dma_start3A_875 = arith.constant 0 : i32
      %dma_start3A_876 = arith.constant 0 : i32
      %dma_start3A_877 = tpu.memref_slice %arg4[%squeeze3A_862, %dma_start3A_875, %dma_start3A_876] : memref<125000x8x64xf32, #tpu.memory_space<hbm>> -> memref<1x8x64xf32, #tpu.memory_space<hbm>>
      %dma_start3A_878 = tpu.memref_squeeze %dma_start3A_877 : memref<1x8x64xf32, #tpu.memory_space<hbm>> -> memref<8x64xf32, #tpu.memory_space<hbm>>
      tpu.enqueue_dma source(%dma_start3A_878 : memref<8x64xf32, #tpu.memory_space<hbm>>) target(%dma_start3A_874 : memref<8x64xf32, #tpu.memory_space<vmem>>) target_semaphore(%arg20 : memref<!tpu.dma_semaphore, #tpu.memory_space<semaphore_mem>>)
      %slice3A_879 = vector.extract_strided_slice %shift_right_logical3A_776 {offsets = [2], sizes = [1], strides = [1]} : vector<16xi32> to vector<1xi32>
      %squeeze3A_880 = vector.extract %slice3A_879[0] : i32 from vector<1xi32>
      %dma_start3A_881 = arith.constant 0 : i32
      %dma_start3A_882 = arith.constant 0 : i32
      %dma_start3A_883 = tpu.memref_slice %arg14[%add3A_860, %dma_start3A_881, %dma_start3A_882] : memref<16x8x64xf32, #tpu.memory_space<vmem>> -> memref<1x8x64xf32, #tpu.memory_space<vmem>>
      %dma_start3A_884 = tpu.memref_squeeze %dma_start3A_883 : memref<1x8x64xf32, #tpu.memory_space<vmem>> -> memref<8x64xf32, #tpu.memory_space<vmem>>
      %dma_start3A_885 = arith.constant 0 : i32
      %dma_start3A_886 = arith.constant 0 : i32
      %dma_start3A_887 = tpu.memref_slice %arg5[%squeeze3A_880, %dma_start3A_885, %dma_start3A_886] : memref<125000x8x64xf32, #tpu.memory_space<hbm>> -> memref<1x8x64xf32, #tpu.memory_space<hbm>>
      %dma_start3A_888 = tpu.memref_squeeze %dma_start3A_887 : memref<1x8x64xf32, #tpu.memory_space<hbm>> -> memref<8x64xf32, #tpu.memory_space<hbm>>
      %dma_start3A_889 = arith.constant 0 : i32
      %dma_start3A_890 = arith.constant 0 : i32
      %dma_start3A_891 = tpu.memref_slice %arg14[%add3A_860, %dma_start3A_889, %dma_start3A_890] : memref<16x8x64xf32, #tpu.memory_space<vmem>> -> memref<1x8x64xf32, #tpu.memory_space<vmem>>
      %dma_start3A_892 = tpu.memref_squeeze %dma_start3A_891 : memref<1x8x64xf32, #tpu.memory_space<vmem>> -> memref<8x64xf32, #tpu.memory_space<vmem>>
      %dma_start3A_893 = arith.constant 0 : i32
      %dma_start3A_894 = arith.constant 0 : i32
      %dma_start3A_895 = tpu.memref_slice %arg5[%squeeze3A_880, %dma_start3A_893, %dma_start3A_894] : memref<125000x8x64xf32, #tpu.memory_space<hbm>> -> memref<1x8x64xf32, #tpu.memory_space<hbm>>
      %dma_start3A_896 = tpu.memref_squeeze %dma_start3A_895 : memref<1x8x64xf32, #tpu.memory_space<hbm>> -> memref<8x64xf32, #tpu.memory_space<hbm>>
      tpu.enqueue_dma source(%dma_start3A_896 : memref<8x64xf32, #tpu.memory_space<hbm>>) target(%dma_start3A_892 : memref<8x64xf32, #tpu.memory_space<vmem>>) target_semaphore(%arg21 : memref<!tpu.dma_semaphore, #tpu.memory_space<semaphore_mem>>)
      %mul3A_897 = arith.constant 16 : i32
      %mul3A_898 = arith.muli %scan3A_761, %mul3A_897 : i32
      %add3A_899 = arith.constant 3 : i32
      %add3A_900 = arith.addi %mul3A_898, %add3A_899 : i32
      %slice3A_901 = vector.extract_strided_slice %shift_right_logical3A_771 {offsets = [3], sizes = [1], strides = [1]} : vector<16xi32> to vector<1xi32>
      %squeeze3A_902 = vector.extract %slice3A_901[0] : i32 from vector<1xi32>
      %dma_start3A_903 = arith.constant 0 : i32
      %dma_start3A_904 = arith.constant 0 : i32
      %dma_start3A_905 = tpu.memref_slice %arg13[%add3A_900, %dma_start3A_903, %dma_start3A_904] : memref<16x8x64xf32, #tpu.memory_space<vmem>> -> memref<1x8x64xf32, #tpu.memory_space<vmem>>
      %dma_start3A_906 = tpu.memref_squeeze %dma_start3A_905 : memref<1x8x64xf32, #tpu.memory_space<vmem>> -> memref<8x64xf32, #tpu.memory_space<vmem>>
      %dma_start3A_907 = arith.constant 0 : i32
      %dma_start3A_908 = arith.constant 0 : i32
      %dma_start3A_909 = tpu.memref_slice %arg4[%squeeze3A_902, %dma_start3A_907, %dma_start3A_908] : memref<125000x8x64xf32, #tpu.memory_space<hbm>> -> memref<1x8x64xf32, #tpu.memory_space<hbm>>
      %dma_start3A_910 = tpu.memref_squeeze %dma_start3A_909 : memref<1x8x64xf32, #tpu.memory_space<hbm>> -> memref<8x64xf32, #tpu.memory_space<hbm>>
      %dma_start3A_911 = arith.constant 0 : i32
      %dma_start3A_912 = arith.constant 0 : i32
      %dma_start3A_913 = tpu.memref_slice %arg13[%add3A_900, %dma_start3A_911, %dma_start3A_912] : memref<16x8x64xf32, #tpu.memory_space<vmem>> -> memref<1x8x64xf32, #tpu.memory_space<vmem>>
      %dma_start3A_914 = tpu.memref_squeeze %dma_start3A_913 : memref<1x8x64xf32, #tpu.memory_space<vmem>> -> memref<8x64xf32, #tpu.memory_space<vmem>>
      %dma_start3A_915 = arith.constant 0 : i32
      %dma_start3A_916 = arith.constant 0 : i32
      %dma_start3A_917 = tpu.memref_slice %arg4[%squeeze3A_902, %dma_start3A_915, %dma_start3A_916] : memref<125000x8x64xf32, #tpu.memory_space<hbm>> -> memref<1x8x64xf32, #tpu.memory_space<hbm>>
      %dma_start3A_918 = tpu.memref_squeeze %dma_start3A_917 : memref<1x8x64xf32, #tpu.memory_space<hbm>> -> memref<8x64xf32, #tpu.memory_space<hbm>>
      tpu.enqueue_dma source(%dma_start3A_918 : memref<8x64xf32, #tpu.memory_space<hbm>>) target(%dma_start3A_914 : memref<8x64xf32, #tpu.memory_space<vmem>>) target_semaphore(%arg20 : memref<!tpu.dma_semaphore, #tpu.memory_space<semaphore_mem>>)
      %slice3A_919 = vector.extract_strided_slice %shift_right_logical3A_776 {offsets = [3], sizes = [1], strides = [1]} : vector<16xi32> to vector<1xi32>
      %squeeze3A_920 = vector.extract %slice3A_919[0] : i32 from vector<1xi32>
      %dma_start3A_921 = arith.constant 0 : i32
      %dma_start3A_922 = arith.constant 0 : i32
      %dma_start3A_923 = tpu.memref_slice %arg14[%add3A_900, %dma_start3A_921, %dma_start3A_922] : memref<16x8x64xf32, #tpu.memory_space<vmem>> -> memref<1x8x64xf32, #tpu.memory_space<vmem>>
      %dma_start3A_924 = tpu.memref_squeeze %dma_start3A_923 : memref<1x8x64xf32, #tpu.memory_space<vmem>> -> memref<8x64xf32, #tpu.memory_space<vmem>>
      %dma_start3A_925 = arith.constant 0 : i32
      %dma_start3A_926 = arith.constant 0 : i32
      %dma_start3A_927 = tpu.memref_slice %arg5[%squeeze3A_920, %dma_start3A_925, %dma_start3A_926] : memref<125000x8x64xf32, #tpu.memory_space<hbm>> -> memref<1x8x64xf32, #tpu.memory_space<hbm>>
      %dma_start3A_928 = tpu.memref_squeeze %dma_start3A_927 : memref<1x8x64xf32, #tpu.memory_space<hbm>> -> memref<8x64xf32, #tpu.memory_space<hbm>>
      %dma_start3A_929 = arith.constant 0 : i32
      %dma_start3A_930 = arith.constant 0 : i32
      %dma_start3A_931 = tpu.memref_slice %arg14[%add3A_900, %dma_start3A_929, %dma_start3A_930] : memref<16x8x64xf32, #tpu.memory_space<vmem>> -> memref<1x8x64xf32, #tpu.memory_space<vmem>>
      %dma_start3A_932 = tpu.memref_squeeze %dma_start3A_931 : memref<1x8x64xf32, #tpu.memory_space<vmem>> -> memref<8x64xf32, #tpu.memory_space<vmem>>
      %dma_start3A_933 = arith.constant 0 : i32
      %dma_start3A_934 = arith.constant 0 : i32
      %dma_start3A_935 = tpu.memref_slice %arg5[%squeeze3A_920, %dma_start3A_933, %dma_start3A_934] : memref<125000x8x64xf32, #tpu.memory_space<hbm>> -> memref<1x8x64xf32, #tpu.memory_space<hbm>>
      %dma_start3A_936 = tpu.memref_squeeze %dma_start3A_935 : memref<1x8x64xf32, #tpu.memory_space<hbm>> -> memref<8x64xf32, #tpu.memory_space<hbm>>
      tpu.enqueue_dma source(%dma_start3A_936 : memref<8x64xf32, #tpu.memory_space<hbm>>) target(%dma_start3A_932 : memref<8x64xf32, #tpu.memory_space<vmem>>) target_semaphore(%arg21 : memref<!tpu.dma_semaphore, #tpu.memory_space<semaphore_mem>>)
      %mul3A_937 = arith.constant 16 : i32
      %mul3A_938 = arith.muli %scan3A_761, %mul3A_937 : i32
      %add3A_939 = arith.constant 4 : i32
      %add3A_940 = arith.addi %mul3A_938, %add3A_939 : i32
      %slice3A_941 = vector.extract_strided_slice %shift_right_logical3A_771 {offsets = [4], sizes = [1], strides = [1]} : vector<16xi32> to vector<1xi32>
      %squeeze3A_942 = vector.extract %slice3A_941[0] : i32 from vector<1xi32>
      %dma_start3A_943 = arith.constant 0 : i32
      %dma_start3A_944 = arith.constant 0 : i32
      %dma_start3A_945 = tpu.memref_slice %arg13[%add3A_940, %dma_start3A_943, %dma_start3A_944] : memref<16x8x64xf32, #tpu.memory_space<vmem>> -> memref<1x8x64xf32, #tpu.memory_space<vmem>>
      %dma_start3A_946 = tpu.memref_squeeze %dma_start3A_945 : memref<1x8x64xf32, #tpu.memory_space<vmem>> -> memref<8x64xf32, #tpu.memory_space<vmem>>
      %dma_start3A_947 = arith.constant 0 : i32
      %dma_start3A_948 = arith.constant 0 : i32
      %dma_start3A_949 = tpu.memref_slice %arg4[%squeeze3A_942, %dma_start3A_947, %dma_start3A_948] : memref<125000x8x64xf32, #tpu.memory_space<hbm>> -> memref<1x8x64xf32, #tpu.memory_space<hbm>>
      %dma_start3A_950 = tpu.memref_squeeze %dma_start3A_949 : memref<1x8x64xf32, #tpu.memory_space<hbm>> -> memref<8x64xf32, #tpu.memory_space<hbm>>
      %dma_start3A_951 = arith.constant 0 : i32
      %dma_start3A_952 = arith.constant 0 : i32
      %dma_start3A_953 = tpu.memref_slice %arg13[%add3A_940, %dma_start3A_951, %dma_start3A_952] : memref<16x8x64xf32, #tpu.memory_space<vmem>> -> memref<1x8x64xf32, #tpu.memory_space<vmem>>
      %dma_start3A_954 = tpu.memref_squeeze %dma_start3A_953 : memref<1x8x64xf32, #tpu.memory_space<vmem>> -> memref<8x64xf32, #tpu.memory_space<vmem>>
      %dma_start3A_955 = arith.constant 0 : i32
      %dma_start3A_956 = arith.constant 0 : i32
      %dma_start3A_957 = tpu.memref_slice %arg4[%squeeze3A_942, %dma_start3A_955, %dma_start3A_956] : memref<125000x8x64xf32, #tpu.memory_space<hbm>> -> memref<1x8x64xf32, #tpu.memory_space<hbm>>
      %dma_start3A_958 = tpu.memref_squeeze %dma_start3A_957 : memref<1x8x64xf32, #tpu.memory_space<hbm>> -> memref<8x64xf32, #tpu.memory_space<hbm>>
      tpu.enqueue_dma source(%dma_start3A_958 : memref<8x64xf32, #tpu.memory_space<hbm>>) target(%dma_start3A_954 : memref<8x64xf32, #tpu.memory_space<vmem>>) target_semaphore(%arg20 : memref<!tpu.dma_semaphore, #tpu.memory_space<semaphore_mem>>)
      %slice3A_959 = vector.extract_strided_slice %shift_right_logical3A_776 {offsets = [4], sizes = [1], strides = [1]} : vector<16xi32> to vector<1xi32>
      %squeeze3A_960 = vector.extract %slice3A_959[0] : i32 from vector<1xi32>
      %dma_start3A_961 = arith.constant 0 : i32
      %dma_start3A_962 = arith.constant 0 : i32
      %dma_start3A_963 = tpu.memref_slice %arg14[%add3A_940, %dma_start3A_961, %dma_start3A_962] : memref<16x8x64xf32, #tpu.memory_space<vmem>> -> memref<1x8x64xf32, #tpu.memory_space<vmem>>
      %dma_start3A_964 = tpu.memref_squeeze %dma_start3A_963 : memref<1x8x64xf32, #tpu.memory_space<vmem>> -> memref<8x64xf32, #tpu.memory_space<vmem>>
      %dma_start3A_965 = arith.constant 0 : i32
      %dma_start3A_966 = arith.constant 0 : i32
      %dma_start3A_967 = tpu.memref_slice %arg5[%squeeze3A_960, %dma_start3A_965, %dma_start3A_966] : memref<125000x8x64xf32, #tpu.memory_space<hbm>> -> memref<1x8x64xf32, #tpu.memory_space<hbm>>
      %dma_start3A_968 = tpu.memref_squeeze %dma_start3A_967 : memref<1x8x64xf32, #tpu.memory_space<hbm>> -> memref<8x64xf32, #tpu.memory_space<hbm>>
      %dma_start3A_969 = arith.constant 0 : i32
      %dma_start3A_970 = arith.constant 0 : i32
      %dma_start3A_971 = tpu.memref_slice %arg14[%add3A_940, %dma_start3A_969, %dma_start3A_970] : memref<16x8x64xf32, #tpu.memory_space<vmem>> -> memref<1x8x64xf32, #tpu.memory_space<vmem>>
      %dma_start3A_972 = tpu.memref_squeeze %dma_start3A_971 : memref<1x8x64xf32, #tpu.memory_space<vmem>> -> memref<8x64xf32, #tpu.memory_space<vmem>>
      %dma_start3A_973 = arith.constant 0 : i32
      %dma_start3A_974 = arith.constant 0 : i32
      %dma_start3A_975 = tpu.memref_slice %arg5[%squeeze3A_960, %dma_start3A_973, %dma_start3A_974] : memref<125000x8x64xf32, #tpu.memory_space<hbm>> -> memref<1x8x64xf32, #tpu.memory_space<hbm>>
      %dma_start3A_976 = tpu.memref_squeeze %dma_start3A_975 : memref<1x8x64xf32, #tpu.memory_space<hbm>> -> memref<8x64xf32, #tpu.memory_space<hbm>>
      tpu.enqueue_dma source(%dma_start3A_976 : memref<8x64xf32, #tpu.memory_space<hbm>>) target(%dma_start3A_972 : memref<8x64xf32, #tpu.memory_space<vmem>>) target_semaphore(%arg21 : memref<!tpu.dma_semaphore, #tpu.memory_space<semaphore_mem>>)
      %mul3A_977 = arith.constant 16 : i32
      %mul3A_978 = arith.muli %scan3A_761, %mul3A_977 : i32
      %add3A_979 = arith.constant 5 : i32
      %add3A_980 = arith.addi %mul3A_978, %add3A_979 : i32
      %slice3A_981 = vector.extract_strided_slice %shift_right_logical3A_771 {offsets = [5], sizes = [1], strides = [1]} : vector<16xi32> to vector<1xi32>
      %squeeze3A_982 = vector.extract %slice3A_981[0] : i32 from vector<1xi32>
      %dma_start3A_983 = arith.constant 0 : i32
      %dma_start3A_984 = arith.constant 0 : i32
      %dma_start3A_985 = tpu.memref_slice %arg13[%add3A_980, %dma_start3A_983, %dma_start3A_984] : memref<16x8x64xf32, #tpu.memory_space<vmem>> -> memref<1x8x64xf32, #tpu.memory_space<vmem>>
      %dma_start3A_986 = tpu.memref_squeeze %dma_start3A_985 : memref<1x8x64xf32, #tpu.memory_space<vmem>> -> memref<8x64xf32, #tpu.memory_space<vmem>>
      %dma_start3A_987 = arith.constant 0 : i32
      %dma_start3A_988 = arith.constant 0 : i32
      %dma_start3A_989 = tpu.memref_slice %arg4[%squeeze3A_982, %dma_start3A_987, %dma_start3A_988] : memref<125000x8x64xf32, #tpu.memory_space<hbm>> -> memref<1x8x64xf32, #tpu.memory_space<hbm>>
      %dma_start3A_990 = tpu.memref_squeeze %dma_start3A_989 : memref<1x8x64xf32, #tpu.memory_space<hbm>> -> memref<8x64xf32, #tpu.memory_space<hbm>>
      %dma_start3A_991 = arith.constant 0 : i32
      %dma_start3A_992 = arith.constant 0 : i32
      %dma_start3A_993 = tpu.memref_slice %arg13[%add3A_980, %dma_start3A_991, %dma_start3A_992] : memref<16x8x64xf32, #tpu.memory_space<vmem>> -> memref<1x8x64xf32, #tpu.memory_space<vmem>>
      %dma_start3A_994 = tpu.memref_squeeze %dma_start3A_993 : memref<1x8x64xf32, #tpu.memory_space<vmem>> -> memref<8x64xf32, #tpu.memory_space<vmem>>
      %dma_start3A_995 = arith.constant 0 : i32
      %dma_start3A_996 = arith.constant 0 : i32
      %dma_start3A_997 = tpu.memref_slice %arg4[%squeeze3A_982, %dma_start3A_995, %dma_start3A_996] : memref<125000x8x64xf32, #tpu.memory_space<hbm>> -> memref<1x8x64xf32, #tpu.memory_space<hbm>>
      %dma_start3A_998 = tpu.memref_squeeze %dma_start3A_997 : memref<1x8x64xf32, #tpu.memory_space<hbm>> -> memref<8x64xf32, #tpu.memory_space<hbm>>
      tpu.enqueue_dma source(%dma_start3A_998 : memref<8x64xf32, #tpu.memory_space<hbm>>) target(%dma_start3A_994 : memref<8x64xf32, #tpu.memory_space<vmem>>) target_semaphore(%arg20 : memref<!tpu.dma_semaphore, #tpu.memory_space<semaphore_mem>>)
      %slice3A_999 = vector.extract_strided_slice %shift_right_logical3A_776 {offsets = [5], sizes = [1], strides = [1]} : vector<16xi32> to vector<1xi32>
      %squeeze3A_1000 = vector.extract %slice3A_999[0] : i32 from vector<1xi32>
      %dma_start3A_1001 = arith.constant 0 : i32
      %dma_start3A_1002 = arith.constant 0 : i32
      %dma_start3A_1003 = tpu.memref_slice %arg14[%add3A_980, %dma_start3A_1001, %dma_start3A_1002] : memref<16x8x64xf32, #tpu.memory_space<vmem>> -> memref<1x8x64xf32, #tpu.memory_space<vmem>>
      %dma_start3A_1004 = tpu.memref_squeeze %dma_start3A_1003 : memref<1x8x64xf32, #tpu.memory_space<vmem>> -> memref<8x64xf32, #tpu.memory_space<vmem>>
      %dma_start3A_1005 = arith.constant 0 : i32
      %dma_start3A_1006 = arith.constant 0 : i32
      %dma_start3A_1007 = tpu.memref_slice %arg5[%squeeze3A_1000, %dma_start3A_1005, %dma_start3A_1006] : memref<125000x8x64xf32, #tpu.memory_space<hbm>> -> memref<1x8x64xf32, #tpu.memory_space<hbm>>
      %dma_start3A_1008 = tpu.memref_squeeze %dma_start3A_1007 : memref<1x8x64xf32, #tpu.memory_space<hbm>> -> memref<8x64xf32, #tpu.memory_space<hbm>>
      %dma_start3A_1009 = arith.constant 0 : i32
      %dma_start3A_1010 = arith.constant 0 : i32
      %dma_start3A_1011 = tpu.memref_slice %arg14[%add3A_980, %dma_start3A_1009, %dma_start3A_1010] : memref<16x8x64xf32, #tpu.memory_space<vmem>> -> memref<1x8x64xf32, #tpu.memory_space<vmem>>
      %dma_start3A_1012 = tpu.memref_squeeze %dma_start3A_1011 : memref<1x8x64xf32, #tpu.memory_space<vmem>> -> memref<8x64xf32, #tpu.memory_space<vmem>>
      %dma_start3A_1013 = arith.constant 0 : i32
      %dma_start3A_1014 = arith.constant 0 : i32
      %dma_start3A_1015 = tpu.memref_slice %arg5[%squeeze3A_1000, %dma_start3A_1013, %dma_start3A_1014] : memref<125000x8x64xf32, #tpu.memory_space<hbm>> -> memref<1x8x64xf32, #tpu.memory_space<hbm>>
      %dma_start3A_1016 = tpu.memref_squeeze %dma_start3A_1015 : memref<1x8x64xf32, #tpu.memory_space<hbm>> -> memref<8x64xf32, #tpu.memory_space<hbm>>
      tpu.enqueue_dma source(%dma_start3A_1016 : memref<8x64xf32, #tpu.memory_space<hbm>>) target(%dma_start3A_1012 : memref<8x64xf32, #tpu.memory_space<vmem>>) target_semaphore(%arg21 : memref<!tpu.dma_semaphore, #tpu.memory_space<semaphore_mem>>)
      %mul3A_1017 = arith.constant 16 : i32
      %mul3A_1018 = arith.muli %scan3A_761, %mul3A_1017 : i32
      %add3A_1019 = arith.constant 6 : i32
      %add3A_1020 = arith.addi %mul3A_1018, %add3A_1019 : i32
      %slice3A_1021 = vector.extract_strided_slice %shift_right_logical3A_771 {offsets = [6], sizes = [1], strides = [1]} : vector<16xi32> to vector<1xi32>
      %squeeze3A_1022 = vector.extract %slice3A_1021[0] : i32 from vector<1xi32>
      %dma_start3A_1023 = arith.constant 0 : i32
      %dma_start3A_1024 = arith.constant 0 : i32
      %dma_start3A_1025 = tpu.memref_slice %arg13[%add3A_1020, %dma_start3A_1023, %dma_start3A_1024] : memref<16x8x64xf32, #tpu.memory_space<vmem>> -> memref<1x8x64xf32, #tpu.memory_space<vmem>>
      %dma_start3A_1026 = tpu.memref_squeeze %dma_start3A_1025 : memref<1x8x64xf32, #tpu.memory_space<vmem>> -> memref<8x64xf32, #tpu.memory_space<vmem>>
      %dma_start3A_1027 = arith.constant 0 : i32
      %dma_start3A_1028 = arith.constant 0 : i32
      %dma_start3A_1029 = tpu.memref_slice %arg4[%squeeze3A_1022, %dma_start3A_1027, %dma_start3A_1028] : memref<125000x8x64xf32, #tpu.memory_space<hbm>> -> memref<1x8x64xf32, #tpu.memory_space<hbm>>
      %dma_start3A_1030 = tpu.memref_squeeze %dma_start3A_1029 : memref<1x8x64xf32, #tpu.memory_space<hbm>> -> memref<8x64xf32, #tpu.memory_space<hbm>>
      %dma_start3A_1031 = arith.constant 0 : i32
      %dma_start3A_1032 = arith.constant 0 : i32
      %dma_start3A_1033 = tpu.memref_slice %arg13[%add3A_1020, %dma_start3A_1031, %dma_start3A_1032] : memref<16x8x64xf32, #tpu.memory_space<vmem>> -> memref<1x8x64xf32, #tpu.memory_space<vmem>>
      %dma_start3A_1034 = tpu.memref_squeeze %dma_start3A_1033 : memref<1x8x64xf32, #tpu.memory_space<vmem>> -> memref<8x64xf32, #tpu.memory_space<vmem>>
      %dma_start3A_1035 = arith.constant 0 : i32
      %dma_start3A_1036 = arith.constant 0 : i32
      %dma_start3A_1037 = tpu.memref_slice %arg4[%squeeze3A_1022, %dma_start3A_1035, %dma_start3A_1036] : memref<125000x8x64xf32, #tpu.memory_space<hbm>> -> memref<1x8x64xf32, #tpu.memory_space<hbm>>
      %dma_start3A_1038 = tpu.memref_squeeze %dma_start3A_1037 : memref<1x8x64xf32, #tpu.memory_space<hbm>> -> memref<8x64xf32, #tpu.memory_space<hbm>>
      tpu.enqueue_dma source(%dma_start3A_1038 : memref<8x64xf32, #tpu.memory_space<hbm>>) target(%dma_start3A_1034 : memref<8x64xf32, #tpu.memory_space<vmem>>) target_semaphore(%arg20 : memref<!tpu.dma_semaphore, #tpu.memory_space<semaphore_mem>>)
      %slice3A_1039 = vector.extract_strided_slice %shift_right_logical3A_776 {offsets = [6], sizes = [1], strides = [1]} : vector<16xi32> to vector<1xi32>
      %squeeze3A_1040 = vector.extract %slice3A_1039[0] : i32 from vector<1xi32>
      %dma_start3A_1041 = arith.constant 0 : i32
      %dma_start3A_1042 = arith.constant 0 : i32
      %dma_start3A_1043 = tpu.memref_slice %arg14[%add3A_1020, %dma_start3A_1041, %dma_start3A_1042] : memref<16x8x64xf32, #tpu.memory_space<vmem>> -> memref<1x8x64xf32, #tpu.memory_space<vmem>>
      %dma_start3A_1044 = tpu.memref_squeeze %dma_start3A_1043 : memref<1x8x64xf32, #tpu.memory_space<vmem>> -> memref<8x64xf32, #tpu.memory_space<vmem>>
      %dma_start3A_1045 = arith.constant 0 : i32
      %dma_start3A_1046 = arith.constant 0 : i32
      %dma_start3A_1047 = tpu.memref_slice %arg5[%squeeze3A_1040, %dma_start3A_1045, %dma_start3A_1046] : memref<125000x8x64xf32, #tpu.memory_space<hbm>> -> memref<1x8x64xf32, #tpu.memory_space<hbm>>
      %dma_start3A_1048 = tpu.memref_squeeze %dma_start3A_1047 : memref<1x8x64xf32, #tpu.memory_space<hbm>> -> memref<8x64xf32, #tpu.memory_space<hbm>>
      %dma_start3A_1049 = arith.constant 0 : i32
      %dma_start3A_1050 = arith.constant 0 : i32
      %dma_start3A_1051 = tpu.memref_slice %arg14[%add3A_1020, %dma_start3A_1049, %dma_start3A_1050] : memref<16x8x64xf32, #tpu.memory_space<vmem>> -> memref<1x8x64xf32, #tpu.memory_space<vmem>>
      %dma_start3A_1052 = tpu.memref_squeeze %dma_start3A_1051 : memref<1x8x64xf32, #tpu.memory_space<vmem>> -> memref<8x64xf32, #tpu.memory_space<vmem>>
      %dma_start3A_1053 = arith.constant 0 : i32
      %dma_start3A_1054 = arith.constant 0 : i32
      %dma_start3A_1055 = tpu.memref_slice %arg5[%squeeze3A_1040, %dma_start3A_1053, %dma_start3A_1054] : memref<125000x8x64xf32, #tpu.memory_space<hbm>> -> memref<1x8x64xf32, #tpu.memory_space<hbm>>
      %dma_start3A_1056 = tpu.memref_squeeze %dma_start3A_1055 : memref<1x8x64xf32, #tpu.memory_space<hbm>> -> memref<8x64xf32, #tpu.memory_space<hbm>>
      tpu.enqueue_dma source(%dma_start3A_1056 : memref<8x64xf32, #tpu.memory_space<hbm>>) target(%dma_start3A_1052 : memref<8x64xf32, #tpu.memory_space<vmem>>) target_semaphore(%arg21 : memref<!tpu.dma_semaphore, #tpu.memory_space<semaphore_mem>>)
      %mul3A_1057 = arith.constant 16 : i32
      %mul3A_1058 = arith.muli %scan3A_761, %mul3A_1057 : i32
      %add3A_1059 = arith.constant 7 : i32
      %add3A_1060 = arith.addi %mul3A_1058, %add3A_1059 : i32
      %slice3A_1061 = vector.extract_strided_slice %shift_right_logical3A_771 {offsets = [7], sizes = [1], strides = [1]} : vector<16xi32> to vector<1xi32>
      %squeeze3A_1062 = vector.extract %slice3A_1061[0] : i32 from vector<1xi32>
      %dma_start3A_1063 = arith.constant 0 : i32
      %dma_start3A_1064 = arith.constant 0 : i32
      %dma_start3A_1065 = tpu.memref_slice %arg13[%add3A_1060, %dma_start3A_1063, %dma_start3A_1064] : memref<16x8x64xf32, #tpu.memory_space<vmem>> -> memref<1x8x64xf32, #tpu.memory_space<vmem>>
      %dma_start3A_1066 = tpu.memref_squeeze %dma_start3A_1065 : memref<1x8x64xf32, #tpu.memory_space<vmem>> -> memref<8x64xf32, #tpu.memory_space<vmem>>
      %dma_start3A_1067 = arith.constant 0 : i32
      %dma_start3A_1068 = arith.constant 0 : i32
      %dma_start3A_1069 = tpu.memref_slice %arg4[%squeeze3A_1062, %dma_start3A_1067, %dma_start3A_1068] : memref<125000x8x64xf32, #tpu.memory_space<hbm>> -> memref<1x8x64xf32, #tpu.memory_space<hbm>>
      %dma_start3A_1070 = tpu.memref_squeeze %dma_start3A_1069 : memref<1x8x64xf32, #tpu.memory_space<hbm>> -> memref<8x64xf32, #tpu.memory_space<hbm>>
      %dma_start3A_1071 = arith.constant 0 : i32
      %dma_start3A_1072 = arith.constant 0 : i32
      %dma_start3A_1073 = tpu.memref_slice %arg13[%add3A_1060, %dma_start3A_1071, %dma_start3A_1072] : memref<16x8x64xf32, #tpu.memory_space<vmem>> -> memref<1x8x64xf32, #tpu.memory_space<vmem>>
      %dma_start3A_1074 = tpu.memref_squeeze %dma_start3A_1073 : memref<1x8x64xf32, #tpu.memory_space<vmem>> -> memref<8x64xf32, #tpu.memory_space<vmem>>
      %dma_start3A_1075 = arith.constant 0 : i32
      %dma_start3A_1076 = arith.constant 0 : i32
      %dma_start3A_1077 = tpu.memref_slice %arg4[%squeeze3A_1062, %dma_start3A_1075, %dma_start3A_1076] : memref<125000x8x64xf32, #tpu.memory_space<hbm>> -> memref<1x8x64xf32, #tpu.memory_space<hbm>>
      %dma_start3A_1078 = tpu.memref_squeeze %dma_start3A_1077 : memref<1x8x64xf32, #tpu.memory_space<hbm>> -> memref<8x64xf32, #tpu.memory_space<hbm>>
      tpu.enqueue_dma source(%dma_start3A_1078 : memref<8x64xf32, #tpu.memory_space<hbm>>) target(%dma_start3A_1074 : memref<8x64xf32, #tpu.memory_space<vmem>>) target_semaphore(%arg20 : memref<!tpu.dma_semaphore, #tpu.memory_space<semaphore_mem>>)
      %slice3A_1079 = vector.extract_strided_slice %shift_right_logical3A_776 {offsets = [7], sizes = [1], strides = [1]} : vector<16xi32> to vector<1xi32>
      %squeeze3A_1080 = vector.extract %slice3A_1079[0] : i32 from vector<1xi32>
      %dma_start3A_1081 = arith.constant 0 : i32
      %dma_start3A_1082 = arith.constant 0 : i32
      %dma_start3A_1083 = tpu.memref_slice %arg14[%add3A_1060, %dma_start3A_1081, %dma_start3A_1082] : memref<16x8x64xf32, #tpu.memory_space<vmem>> -> memref<1x8x64xf32, #tpu.memory_space<vmem>>
      %dma_start3A_1084 = tpu.memref_squeeze %dma_start3A_1083 : memref<1x8x64xf32, #tpu.memory_space<vmem>> -> memref<8x64xf32, #tpu.memory_space<vmem>>
      %dma_start3A_1085 = arith.constant 0 : i32
      %dma_start3A_1086 = arith.constant 0 : i32
      %dma_start3A_1087 = tpu.memref_slice %arg5[%squeeze3A_1080, %dma_start3A_1085, %dma_start3A_1086] : memref<125000x8x64xf32, #tpu.memory_space<hbm>> -> memref<1x8x64xf32, #tpu.memory_space<hbm>>
      %dma_start3A_1088 = tpu.memref_squeeze %dma_start3A_1087 : memref<1x8x64xf32, #tpu.memory_space<hbm>> -> memref<8x64xf32, #tpu.memory_space<hbm>>
      %dma_start3A_1089 = arith.constant 0 : i32
      %dma_start3A_1090 = arith.constant 0 : i32
      %dma_start3A_1091 = tpu.memref_slice %arg14[%add3A_1060, %dma_start3A_1089, %dma_start3A_1090] : memref<16x8x64xf32, #tpu.memory_space<vmem>> -> memref<1x8x64xf32, #tpu.memory_space<vmem>>
      %dma_start3A_1092 = tpu.memref_squeeze %dma_start3A_1091 : memref<1x8x64xf32, #tpu.memory_space<vmem>> -> memref<8x64xf32, #tpu.memory_space<vmem>>
      %dma_start3A_1093 = arith.constant 0 : i32
      %dma_start3A_1094 = arith.constant 0 : i32
      %dma_start3A_1095 = tpu.memref_slice %arg5[%squeeze3A_1080, %dma_start3A_1093, %dma_start3A_1094] : memref<125000x8x64xf32, #tpu.memory_space<hbm>> -> memref<1x8x64xf32, #tpu.memory_space<hbm>>
      %dma_start3A_1096 = tpu.memref_squeeze %dma_start3A_1095 : memref<1x8x64xf32, #tpu.memory_space<hbm>> -> memref<8x64xf32, #tpu.memory_space<hbm>>
      tpu.enqueue_dma source(%dma_start3A_1096 : memref<8x64xf32, #tpu.memory_space<hbm>>) target(%dma_start3A_1092 : memref<8x64xf32, #tpu.memory_space<vmem>>) target_semaphore(%arg21 : memref<!tpu.dma_semaphore, #tpu.memory_space<semaphore_mem>>)
      %mul3A_1097 = arith.constant 16 : i32
      %mul3A_1098 = arith.muli %scan3A_761, %mul3A_1097 : i32
      %add3A_1099 = arith.constant 8 : i32
      %add3A_1100 = arith.addi %mul3A_1098, %add3A_1099 : i32
      %slice3A_1101 = vector.extract_strided_slice %shift_right_logical3A_771 {offsets = [8], sizes = [1], strides = [1]} : vector<16xi32> to vector<1xi32>
      %squeeze3A_1102 = vector.extract %slice3A_1101[0] : i32 from vector<1xi32>
      %dma_start3A_1103 = arith.constant 0 : i32
      %dma_start3A_1104 = arith.constant 0 : i32
      %dma_start3A_1105 = tpu.memref_slice %arg13[%add3A_1100, %dma_start3A_1103, %dma_start3A_1104] : memref<16x8x64xf32, #tpu.memory_space<vmem>> -> memref<1x8x64xf32, #tpu.memory_space<vmem>>
      %dma_start3A_1106 = tpu.memref_squeeze %dma_start3A_1105 : memref<1x8x64xf32, #tpu.memory_space<vmem>> -> memref<8x64xf32, #tpu.memory_space<vmem>>
      %dma_start3A_1107 = arith.constant 0 : i32
      %dma_start3A_1108 = arith.constant 0 : i32
      %dma_start3A_1109 = tpu.memref_slice %arg4[%squeeze3A_1102, %dma_start3A_1107, %dma_start3A_1108] : memref<125000x8x64xf32, #tpu.memory_space<hbm>> -> memref<1x8x64xf32, #tpu.memory_space<hbm>>
      %dma_start3A_1110 = tpu.memref_squeeze %dma_start3A_1109 : memref<1x8x64xf32, #tpu.memory_space<hbm>> -> memref<8x64xf32, #tpu.memory_space<hbm>>
      %dma_start3A_1111 = arith.constant 0 : i32
      %dma_start3A_1112 = arith.constant 0 : i32
      %dma_start3A_1113 = tpu.memref_slice %arg13[%add3A_1100, %dma_start3A_1111, %dma_start3A_1112] : memref<16x8x64xf32, #tpu.memory_space<vmem>> -> memref<1x8x64xf32, #tpu.memory_space<vmem>>
      %dma_start3A_1114 = tpu.memref_squeeze %dma_start3A_1113 : memref<1x8x64xf32, #tpu.memory_space<vmem>> -> memref<8x64xf32, #tpu.memory_space<vmem>>
      %dma_start3A_1115 = arith.constant 0 : i32
      %dma_start3A_1116 = arith.constant 0 : i32
      %dma_start3A_1117 = tpu.memref_slice %arg4[%squeeze3A_1102, %dma_start3A_1115, %dma_start3A_1116] : memref<125000x8x64xf32, #tpu.memory_space<hbm>> -> memref<1x8x64xf32, #tpu.memory_space<hbm>>
      %dma_start3A_1118 = tpu.memref_squeeze %dma_start3A_1117 : memref<1x8x64xf32, #tpu.memory_space<hbm>> -> memref<8x64xf32, #tpu.memory_space<hbm>>
      tpu.enqueue_dma source(%dma_start3A_1118 : memref<8x64xf32, #tpu.memory_space<hbm>>) target(%dma_start3A_1114 : memref<8x64xf32, #tpu.memory_space<vmem>>) target_semaphore(%arg20 : memref<!tpu.dma_semaphore, #tpu.memory_space<semaphore_mem>>)
      %slice3A_1119 = vector.extract_strided_slice %shift_right_logical3A_776 {offsets = [8], sizes = [1], strides = [1]} : vector<16xi32> to vector<1xi32>
      %squeeze3A_1120 = vector.extract %slice3A_1119[0] : i32 from vector<1xi32>
      %dma_start3A_1121 = arith.constant 0 : i32
      %dma_start3A_1122 = arith.constant 0 : i32
      %dma_start3A_1123 = tpu.memref_slice %arg14[%add3A_1100, %dma_start3A_1121, %dma_start3A_1122] : memref<16x8x64xf32, #tpu.memory_space<vmem>> -> memref<1x8x64xf32, #tpu.memory_space<vmem>>
      %dma_start3A_1124 = tpu.memref_squeeze %dma_start3A_1123 : memref<1x8x64xf32, #tpu.memory_space<vmem>> -> memref<8x64xf32, #tpu.memory_space<vmem>>
      %dma_start3A_1125 = arith.constant 0 : i32
      %dma_start3A_1126 = arith.constant 0 : i32
      %dma_start3A_1127 = tpu.memref_slice %arg5[%squeeze3A_1120, %dma_start3A_1125, %dma_start3A_1126] : memref<125000x8x64xf32, #tpu.memory_space<hbm>> -> memref<1x8x64xf32, #tpu.memory_space<hbm>>
      %dma_start3A_1128 = tpu.memref_squeeze %dma_start3A_1127 : memref<1x8x64xf32, #tpu.memory_space<hbm>> -> memref<8x64xf32, #tpu.memory_space<hbm>>
      %dma_start3A_1129 = arith.constant 0 : i32
      %dma_start3A_1130 = arith.constant 0 : i32
      %dma_start3A_1131 = tpu.memref_slice %arg14[%add3A_1100, %dma_start3A_1129, %dma_start3A_1130] : memref<16x8x64xf32, #tpu.memory_space<vmem>> -> memref<1x8x64xf32, #tpu.memory_space<vmem>>
      %dma_start3A_1132 = tpu.memref_squeeze %dma_start3A_1131 : memref<1x8x64xf32, #tpu.memory_space<vmem>> -> memref<8x64xf32, #tpu.memory_space<vmem>>
      %dma_start3A_1133 = arith.constant 0 : i32
      %dma_start3A_1134 = arith.constant 0 : i32
      %dma_start3A_1135 = tpu.memref_slice %arg5[%squeeze3A_1120, %dma_start3A_1133, %dma_start3A_1134] : memref<125000x8x64xf32, #tpu.memory_space<hbm>> -> memref<1x8x64xf32, #tpu.memory_space<hbm>>
      %dma_start3A_1136 = tpu.memref_squeeze %dma_start3A_1135 : memref<1x8x64xf32, #tpu.memory_space<hbm>> -> memref<8x64xf32, #tpu.memory_space<hbm>>
      tpu.enqueue_dma source(%dma_start3A_1136 : memref<8x64xf32, #tpu.memory_space<hbm>>) target(%dma_start3A_1132 : memref<8x64xf32, #tpu.memory_space<vmem>>) target_semaphore(%arg21 : memref<!tpu.dma_semaphore, #tpu.memory_space<semaphore_mem>>)
      %mul3A_1137 = arith.constant 16 : i32
      %mul3A_1138 = arith.muli %scan3A_761, %mul3A_1137 : i32
      %add3A_1139 = arith.constant 9 : i32
      %add3A_1140 = arith.addi %mul3A_1138, %add3A_1139 : i32
      %slice3A_1141 = vector.extract_strided_slice %shift_right_logical3A_771 {offsets = [9], sizes = [1], strides = [1]} : vector<16xi32> to vector<1xi32>
      %squeeze3A_1142 = vector.extract %slice3A_1141[0] : i32 from vector<1xi32>
      %dma_start3A_1143 = arith.constant 0 : i32
      %dma_start3A_1144 = arith.constant 0 : i32
      %dma_start3A_1145 = tpu.memref_slice %arg13[%add3A_1140, %dma_start3A_1143, %dma_start3A_1144] : memref<16x8x64xf32, #tpu.memory_space<vmem>> -> memref<1x8x64xf32, #tpu.memory_space<vmem>>
      %dma_start3A_1146 = tpu.memref_squeeze %dma_start3A_1145 : memref<1x8x64xf32, #tpu.memory_space<vmem>> -> memref<8x64xf32, #tpu.memory_space<vmem>>
      %dma_start3A_1147 = arith.constant 0 : i32
      %dma_start3A_1148 = arith.constant 0 : i32
      %dma_start3A_1149 = tpu.memref_slice %arg4[%squeeze3A_1142, %dma_start3A_1147, %dma_start3A_1148] : memref<125000x8x64xf32, #tpu.memory_space<hbm>> -> memref<1x8x64xf32, #tpu.memory_space<hbm>>
      %dma_start3A_1150 = tpu.memref_squeeze %dma_start3A_1149 : memref<1x8x64xf32, #tpu.memory_space<hbm>> -> memref<8x64xf32, #tpu.memory_space<hbm>>
      %dma_start3A_1151 = arith.constant 0 : i32
      %dma_start3A_1152 = arith.constant 0 : i32
      %dma_start3A_1153 = tpu.memref_slice %arg13[%add3A_1140, %dma_start3A_1151, %dma_start3A_1152] : memref<16x8x64xf32, #tpu.memory_space<vmem>> -> memref<1x8x64xf32, #tpu.memory_space<vmem>>
      %dma_start3A_1154 = tpu.memref_squeeze %dma_start3A_1153 : memref<1x8x64xf32, #tpu.memory_space<vmem>> -> memref<8x64xf32, #tpu.memory_space<vmem>>
      %dma_start3A_1155 = arith.constant 0 : i32
      %dma_start3A_1156 = arith.constant 0 : i32
      %dma_start3A_1157 = tpu.memref_slice %arg4[%squeeze3A_1142, %dma_start3A_1155, %dma_start3A_1156] : memref<125000x8x64xf32, #tpu.memory_space<hbm>> -> memref<1x8x64xf32, #tpu.memory_space<hbm>>
      %dma_start3A_1158 = tpu.memref_squeeze %dma_start3A_1157 : memref<1x8x64xf32, #tpu.memory_space<hbm>> -> memref<8x64xf32, #tpu.memory_space<hbm>>
      tpu.enqueue_dma source(%dma_start3A_1158 : memref<8x64xf32, #tpu.memory_space<hbm>>) target(%dma_start3A_1154 : memref<8x64xf32, #tpu.memory_space<vmem>>) target_semaphore(%arg20 : memref<!tpu.dma_semaphore, #tpu.memory_space<semaphore_mem>>)
      %slice3A_1159 = vector.extract_strided_slice %shift_right_logical3A_776 {offsets = [9], sizes = [1], strides = [1]} : vector<16xi32> to vector<1xi32>
      %squeeze3A_1160 = vector.extract %slice3A_1159[0] : i32 from vector<1xi32>
      %dma_start3A_1161 = arith.constant 0 : i32
      %dma_start3A_1162 = arith.constant 0 : i32
      %dma_start3A_1163 = tpu.memref_slice %arg14[%add3A_1140, %dma_start3A_1161, %dma_start3A_1162] : memref<16x8x64xf32, #tpu.memory_space<vmem>> -> memref<1x8x64xf32, #tpu.memory_space<vmem>>
      %dma_start3A_1164 = tpu.memref_squeeze %dma_start3A_1163 : memref<1x8x64xf32, #tpu.memory_space<vmem>> -> memref<8x64xf32, #tpu.memory_space<vmem>>
      %dma_start3A_1165 = arith.constant 0 : i32
      %dma_start3A_1166 = arith.constant 0 : i32
      %dma_start3A_1167 = tpu.memref_slice %arg5[%squeeze3A_1160, %dma_start3A_1165, %dma_start3A_1166] : memref<125000x8x64xf32, #tpu.memory_space<hbm>> -> memref<1x8x64xf32, #tpu.memory_space<hbm>>
      %dma_start3A_1168 = tpu.memref_squeeze %dma_start3A_1167 : memref<1x8x64xf32, #tpu.memory_space<hbm>> -> memref<8x64xf32, #tpu.memory_space<hbm>>
      %dma_start3A_1169 = arith.constant 0 : i32
      %dma_start3A_1170 = arith.constant 0 : i32
      %dma_start3A_1171 = tpu.memref_slice %arg14[%add3A_1140, %dma_start3A_1169, %dma_start3A_1170] : memref<16x8x64xf32, #tpu.memory_space<vmem>> -> memref<1x8x64xf32, #tpu.memory_space<vmem>>
      %dma_start3A_1172 = tpu.memref_squeeze %dma_start3A_1171 : memref<1x8x64xf32, #tpu.memory_space<vmem>> -> memref<8x64xf32, #tpu.memory_space<vmem>>
      %dma_start3A_1173 = arith.constant 0 : i32
      %dma_start3A_1174 = arith.constant 0 : i32
      %dma_start3A_1175 = tpu.memref_slice %arg5[%squeeze3A_1160, %dma_start3A_1173, %dma_start3A_1174] : memref<125000x8x64xf32, #tpu.memory_space<hbm>> -> memref<1x8x64xf32, #tpu.memory_space<hbm>>
      %dma_start3A_1176 = tpu.memref_squeeze %dma_start3A_1175 : memref<1x8x64xf32, #tpu.memory_space<hbm>> -> memref<8x64xf32, #tpu.memory_space<hbm>>
      tpu.enqueue_dma source(%dma_start3A_1176 : memref<8x64xf32, #tpu.memory_space<hbm>>) target(%dma_start3A_1172 : memref<8x64xf32, #tpu.memory_space<vmem>>) target_semaphore(%arg21 : memref<!tpu.dma_semaphore, #tpu.memory_space<semaphore_mem>>)
      %mul3A_1177 = arith.constant 16 : i32
      %mul3A_1178 = arith.muli %scan3A_761, %mul3A_1177 : i32
      %add3A_1179 = arith.constant 10 : i32
      %add3A_1180 = arith.addi %mul3A_1178, %add3A_1179 : i32
      %slice3A_1181 = vector.extract_strided_slice %shift_right_logical3A_771 {offsets = [10], sizes = [1], strides = [1]} : vector<16xi32> to vector<1xi32>
      %squeeze3A_1182 = vector.extract %slice3A_1181[0] : i32 from vector<1xi32>
      %dma_start3A_1183 = arith.constant 0 : i32
      %dma_start3A_1184 = arith.constant 0 : i32
      %dma_start3A_1185 = tpu.memref_slice %arg13[%add3A_1180, %dma_start3A_1183, %dma_start3A_1184] : memref<16x8x64xf32, #tpu.memory_space<vmem>> -> memref<1x8x64xf32, #tpu.memory_space<vmem>>
      %dma_start3A_1186 = tpu.memref_squeeze %dma_start3A_1185 : memref<1x8x64xf32, #tpu.memory_space<vmem>> -> memref<8x64xf32, #tpu.memory_space<vmem>>
      %dma_start3A_1187 = arith.constant 0 : i32
      %dma_start3A_1188 = arith.constant 0 : i32
      %dma_start3A_1189 = tpu.memref_slice %arg4[%squeeze3A_1182, %dma_start3A_1187, %dma_start3A_1188] : memref<125000x8x64xf32, #tpu.memory_space<hbm>> -> memref<1x8x64xf32, #tpu.memory_space<hbm>>
      %dma_start3A_1190 = tpu.memref_squeeze %dma_start3A_1189 : memref<1x8x64xf32, #tpu.memory_space<hbm>> -> memref<8x64xf32, #tpu.memory_space<hbm>>
      %dma_start3A_1191 = arith.constant 0 : i32
      %dma_start3A_1192 = arith.constant 0 : i32
      %dma_start3A_1193 = tpu.memref_slice %arg13[%add3A_1180, %dma_start3A_1191, %dma_start3A_1192] : memref<16x8x64xf32, #tpu.memory_space<vmem>> -> memref<1x8x64xf32, #tpu.memory_space<vmem>>
      %dma_start3A_1194 = tpu.memref_squeeze %dma_start3A_1193 : memref<1x8x64xf32, #tpu.memory_space<vmem>> -> memref<8x64xf32, #tpu.memory_space<vmem>>
      %dma_start3A_1195 = arith.constant 0 : i32
      %dma_start3A_1196 = arith.constant 0 : i32
      %dma_start3A_1197 = tpu.memref_slice %arg4[%squeeze3A_1182, %dma_start3A_1195, %dma_start3A_1196] : memref<125000x8x64xf32, #tpu.memory_space<hbm>> -> memref<1x8x64xf32, #tpu.memory_space<hbm>>
      %dma_start3A_1198 = tpu.memref_squeeze %dma_start3A_1197 : memref<1x8x64xf32, #tpu.memory_space<hbm>> -> memref<8x64xf32, #tpu.memory_space<hbm>>
      tpu.enqueue_dma source(%dma_start3A_1198 : memref<8x64xf32, #tpu.memory_space<hbm>>) target(%dma_start3A_1194 : memref<8x64xf32, #tpu.memory_space<vmem>>) target_semaphore(%arg20 : memref<!tpu.dma_semaphore, #tpu.memory_space<semaphore_mem>>)
      %slice3A_1199 = vector.extract_strided_slice %shift_right_logical3A_776 {offsets = [10], sizes = [1], strides = [1]} : vector<16xi32> to vector<1xi32>
      %squeeze3A_1200 = vector.extract %slice3A_1199[0] : i32 from vector<1xi32>
      %dma_start3A_1201 = arith.constant 0 : i32
      %dma_start3A_1202 = arith.constant 0 : i32
      %dma_start3A_1203 = tpu.memref_slice %arg14[%add3A_1180, %dma_start3A_1201, %dma_start3A_1202] : memref<16x8x64xf32, #tpu.memory_space<vmem>> -> memref<1x8x64xf32, #tpu.memory_space<vmem>>
      %dma_start3A_1204 = tpu.memref_squeeze %dma_start3A_1203 : memref<1x8x64xf32, #tpu.memory_space<vmem>> -> memref<8x64xf32, #tpu.memory_space<vmem>>
      %dma_start3A_1205 = arith.constant 0 : i32
      %dma_start3A_1206 = arith.constant 0 : i32
      %dma_start3A_1207 = tpu.memref_slice %arg5[%squeeze3A_1200, %dma_start3A_1205, %dma_start3A_1206] : memref<125000x8x64xf32, #tpu.memory_space<hbm>> -> memref<1x8x64xf32, #tpu.memory_space<hbm>>
      %dma_start3A_1208 = tpu.memref_squeeze %dma_start3A_1207 : memref<1x8x64xf32, #tpu.memory_space<hbm>> -> memref<8x64xf32, #tpu.memory_space<hbm>>
      %dma_start3A_1209 = arith.constant 0 : i32
      %dma_start3A_1210 = arith.constant 0 : i32
      %dma_start3A_1211 = tpu.memref_slice %arg14[%add3A_1180, %dma_start3A_1209, %dma_start3A_1210] : memref<16x8x64xf32, #tpu.memory_space<vmem>> -> memref<1x8x64xf32, #tpu.memory_space<vmem>>
      %dma_start3A_1212 = tpu.memref_squeeze %dma_start3A_1211 : memref<1x8x64xf32, #tpu.memory_space<vmem>> -> memref<8x64xf32, #tpu.memory_space<vmem>>
      %dma_start3A_1213 = arith.constant 0 : i32
      %dma_start3A_1214 = arith.constant 0 : i32
      %dma_start3A_1215 = tpu.memref_slice %arg5[%squeeze3A_1200, %dma_start3A_1213, %dma_start3A_1214] : memref<125000x8x64xf32, #tpu.memory_space<hbm>> -> memref<1x8x64xf32, #tpu.memory_space<hbm>>
      %dma_start3A_1216 = tpu.memref_squeeze %dma_start3A_1215 : memref<1x8x64xf32, #tpu.memory_space<hbm>> -> memref<8x64xf32, #tpu.memory_space<hbm>>
      tpu.enqueue_dma source(%dma_start3A_1216 : memref<8x64xf32, #tpu.memory_space<hbm>>) target(%dma_start3A_1212 : memref<8x64xf32, #tpu.memory_space<vmem>>) target_semaphore(%arg21 : memref<!tpu.dma_semaphore, #tpu.memory_space<semaphore_mem>>)
      %mul3A_1217 = arith.constant 16 : i32
      %mul3A_1218 = arith.muli %scan3A_761, %mul3A_1217 : i32
      %add3A_1219 = arith.constant 11 : i32
      %add3A_1220 = arith.addi %mul3A_1218, %add3A_1219 : i32
      %slice3A_1221 = vector.extract_strided_slice %shift_right_logical3A_771 {offsets = [11], sizes = [1], strides = [1]} : vector<16xi32> to vector<1xi32>
      %squeeze3A_1222 = vector.extract %slice3A_1221[0] : i32 from vector<1xi32>
      %dma_start3A_1223 = arith.constant 0 : i32
      %dma_start3A_1224 = arith.constant 0 : i32
      %dma_start3A_1225 = tpu.memref_slice %arg13[%add3A_1220, %dma_start3A_1223, %dma_start3A_1224] : memref<16x8x64xf32, #tpu.memory_space<vmem>> -> memref<1x8x64xf32, #tpu.memory_space<vmem>>
      %dma_start3A_1226 = tpu.memref_squeeze %dma_start3A_1225 : memref<1x8x64xf32, #tpu.memory_space<vmem>> -> memref<8x64xf32, #tpu.memory_space<vmem>>
      %dma_start3A_1227 = arith.constant 0 : i32
      %dma_start3A_1228 = arith.constant 0 : i32
      %dma_start3A_1229 = tpu.memref_slice %arg4[%squeeze3A_1222, %dma_start3A_1227, %dma_start3A_1228] : memref<125000x8x64xf32, #tpu.memory_space<hbm>> -> memref<1x8x64xf32, #tpu.memory_space<hbm>>
      %dma_start3A_1230 = tpu.memref_squeeze %dma_start3A_1229 : memref<1x8x64xf32, #tpu.memory_space<hbm>> -> memref<8x64xf32, #tpu.memory_space<hbm>>
      %dma_start3A_1231 = arith.constant 0 : i32
      %dma_start3A_1232 = arith.constant 0 : i32
      %dma_start3A_1233 = tpu.memref_slice %arg13[%add3A_1220, %dma_start3A_1231, %dma_start3A_1232] : memref<16x8x64xf32, #tpu.memory_space<vmem>> -> memref<1x8x64xf32, #tpu.memory_space<vmem>>
      %dma_start3A_1234 = tpu.memref_squeeze %dma_start3A_1233 : memref<1x8x64xf32, #tpu.memory_space<vmem>> -> memref<8x64xf32, #tpu.memory_space<vmem>>
      %dma_start3A_1235 = arith.constant 0 : i32
      %dma_start3A_1236 = arith.constant 0 : i32
      %dma_start3A_1237 = tpu.memref_slice %arg4[%squeeze3A_1222, %dma_start3A_1235, %dma_start3A_1236] : memref<125000x8x64xf32, #tpu.memory_space<hbm>> -> memref<1x8x64xf32, #tpu.memory_space<hbm>>
      %dma_start3A_1238 = tpu.memref_squeeze %dma_start3A_1237 : memref<1x8x64xf32, #tpu.memory_space<hbm>> -> memref<8x64xf32, #tpu.memory_space<hbm>>
      tpu.enqueue_dma source(%dma_start3A_1238 : memref<8x64xf32, #tpu.memory_space<hbm>>) target(%dma_start3A_1234 : memref<8x64xf32, #tpu.memory_space<vmem>>) target_semaphore(%arg20 : memref<!tpu.dma_semaphore, #tpu.memory_space<semaphore_mem>>)
      %slice3A_1239 = vector.extract_strided_slice %shift_right_logical3A_776 {offsets = [11], sizes = [1], strides = [1]} : vector<16xi32> to vector<1xi32>
      %squeeze3A_1240 = vector.extract %slice3A_1239[0] : i32 from vector<1xi32>
      %dma_start3A_1241 = arith.constant 0 : i32
      %dma_start3A_1242 = arith.constant 0 : i32
      %dma_start3A_1243 = tpu.memref_slice %arg14[%add3A_1220, %dma_start3A_1241, %dma_start3A_1242] : memref<16x8x64xf32, #tpu.memory_space<vmem>> -> memref<1x8x64xf32, #tpu.memory_space<vmem>>
      %dma_start3A_1244 = tpu.memref_squeeze %dma_start3A_1243 : memref<1x8x64xf32, #tpu.memory_space<vmem>> -> memref<8x64xf32, #tpu.memory_space<vmem>>
      %dma_start3A_1245 = arith.constant 0 : i32
      %dma_start3A_1246 = arith.constant 0 : i32
      %dma_start3A_1247 = tpu.memref_slice %arg5[%squeeze3A_1240, %dma_start3A_1245, %dma_start3A_1246] : memref<125000x8x64xf32, #tpu.memory_space<hbm>> -> memref<1x8x64xf32, #tpu.memory_space<hbm>>
      %dma_start3A_1248 = tpu.memref_squeeze %dma_start3A_1247 : memref<1x8x64xf32, #tpu.memory_space<hbm>> -> memref<8x64xf32, #tpu.memory_space<hbm>>
      %dma_start3A_1249 = arith.constant 0 : i32
      %dma_start3A_1250 = arith.constant 0 : i32
      %dma_start3A_1251 = tpu.memref_slice %arg14[%add3A_1220, %dma_start3A_1249, %dma_start3A_1250] : memref<16x8x64xf32, #tpu.memory_space<vmem>> -> memref<1x8x64xf32, #tpu.memory_space<vmem>>
      %dma_start3A_1252 = tpu.memref_squeeze %dma_start3A_1251 : memref<1x8x64xf32, #tpu.memory_space<vmem>> -> memref<8x64xf32, #tpu.memory_space<vmem>>
      %dma_start3A_1253 = arith.constant 0 : i32
      %dma_start3A_1254 = arith.constant 0 : i32
      %dma_start3A_1255 = tpu.memref_slice %arg5[%squeeze3A_1240, %dma_start3A_1253, %dma_start3A_1254] : memref<125000x8x64xf32, #tpu.memory_space<hbm>> -> memref<1x8x64xf32, #tpu.memory_space<hbm>>
      %dma_start3A_1256 = tpu.memref_squeeze %dma_start3A_1255 : memref<1x8x64xf32, #tpu.memory_space<hbm>> -> memref<8x64xf32, #tpu.memory_space<hbm>>
      tpu.enqueue_dma source(%dma_start3A_1256 : memref<8x64xf32, #tpu.memory_space<hbm>>) target(%dma_start3A_1252 : memref<8x64xf32, #tpu.memory_space<vmem>>) target_semaphore(%arg21 : memref<!tpu.dma_semaphore, #tpu.memory_space<semaphore_mem>>)
      %mul3A_1257 = arith.constant 16 : i32
      %mul3A_1258 = arith.muli %scan3A_761, %mul3A_1257 : i32
      %add3A_1259 = arith.constant 12 : i32
      %add3A_1260 = arith.addi %mul3A_1258, %add3A_1259 : i32
      %slice3A_1261 = vector.extract_strided_slice %shift_right_logical3A_771 {offsets = [12], sizes = [1], strides = [1]} : vector<16xi32> to vector<1xi32>
      %squeeze3A_1262 = vector.extract %slice3A_1261[0] : i32 from vector<1xi32>
      %dma_start3A_1263 = arith.constant 0 : i32
      %dma_start3A_1264 = arith.constant 0 : i32
      %dma_start3A_1265 = tpu.memref_slice %arg13[%add3A_1260, %dma_start3A_1263, %dma_start3A_1264] : memref<16x8x64xf32, #tpu.memory_space<vmem>> -> memref<1x8x64xf32, #tpu.memory_space<vmem>>
      %dma_start3A_1266 = tpu.memref_squeeze %dma_start3A_1265 : memref<1x8x64xf32, #tpu.memory_space<vmem>> -> memref<8x64xf32, #tpu.memory_space<vmem>>
      %dma_start3A_1267 = arith.constant 0 : i32
      %dma_start3A_1268 = arith.constant 0 : i32
      %dma_start3A_1269 = tpu.memref_slice %arg4[%squeeze3A_1262, %dma_start3A_1267, %dma_start3A_1268] : memref<125000x8x64xf32, #tpu.memory_space<hbm>> -> memref<1x8x64xf32, #tpu.memory_space<hbm>>
      %dma_start3A_1270 = tpu.memref_squeeze %dma_start3A_1269 : memref<1x8x64xf32, #tpu.memory_space<hbm>> -> memref<8x64xf32, #tpu.memory_space<hbm>>
      %dma_start3A_1271 = arith.constant 0 : i32
      %dma_start3A_1272 = arith.constant 0 : i32
      %dma_start3A_1273 = tpu.memref_slice %arg13[%add3A_1260, %dma_start3A_1271, %dma_start3A_1272] : memref<16x8x64xf32, #tpu.memory_space<vmem>> -> memref<1x8x64xf32, #tpu.memory_space<vmem>>
      %dma_start3A_1274 = tpu.memref_squeeze %dma_start3A_1273 : memref<1x8x64xf32, #tpu.memory_space<vmem>> -> memref<8x64xf32, #tpu.memory_space<vmem>>
      %dma_start3A_1275 = arith.constant 0 : i32
      %dma_start3A_1276 = arith.constant 0 : i32
      %dma_start3A_1277 = tpu.memref_slice %arg4[%squeeze3A_1262, %dma_start3A_1275, %dma_start3A_1276] : memref<125000x8x64xf32, #tpu.memory_space<hbm>> -> memref<1x8x64xf32, #tpu.memory_space<hbm>>
      %dma_start3A_1278 = tpu.memref_squeeze %dma_start3A_1277 : memref<1x8x64xf32, #tpu.memory_space<hbm>> -> memref<8x64xf32, #tpu.memory_space<hbm>>
      tpu.enqueue_dma source(%dma_start3A_1278 : memref<8x64xf32, #tpu.memory_space<hbm>>) target(%dma_start3A_1274 : memref<8x64xf32, #tpu.memory_space<vmem>>) target_semaphore(%arg20 : memref<!tpu.dma_semaphore, #tpu.memory_space<semaphore_mem>>)
      %slice3A_1279 = vector.extract_strided_slice %shift_right_logical3A_776 {offsets = [12], sizes = [1], strides = [1]} : vector<16xi32> to vector<1xi32>
      %squeeze3A_1280 = vector.extract %slice3A_1279[0] : i32 from vector<1xi32>
      %dma_start3A_1281 = arith.constant 0 : i32
      %dma_start3A_1282 = arith.constant 0 : i32
      %dma_start3A_1283 = tpu.memref_slice %arg14[%add3A_1260, %dma_start3A_1281, %dma_start3A_1282] : memref<16x8x64xf32, #tpu.memory_space<vmem>> -> memref<1x8x64xf32, #tpu.memory_space<vmem>>
      %dma_start3A_1284 = tpu.memref_squeeze %dma_start3A_1283 : memref<1x8x64xf32, #tpu.memory_space<vmem>> -> memref<8x64xf32, #tpu.memory_space<vmem>>
      %dma_start3A_1285 = arith.constant 0 : i32
      %dma_start3A_1286 = arith.constant 0 : i32
      %dma_start3A_1287 = tpu.memref_slice %arg5[%squeeze3A_1280, %dma_start3A_1285, %dma_start3A_1286] : memref<125000x8x64xf32, #tpu.memory_space<hbm>> -> memref<1x8x64xf32, #tpu.memory_space<hbm>>
      %dma_start3A_1288 = tpu.memref_squeeze %dma_start3A_1287 : memref<1x8x64xf32, #tpu.memory_space<hbm>> -> memref<8x64xf32, #tpu.memory_space<hbm>>
      %dma_start3A_1289 = arith.constant 0 : i32
      %dma_start3A_1290 = arith.constant 0 : i32
      %dma_start3A_1291 = tpu.memref_slice %arg14[%add3A_1260, %dma_start3A_1289, %dma_start3A_1290] : memref<16x8x64xf32, #tpu.memory_space<vmem>> -> memref<1x8x64xf32, #tpu.memory_space<vmem>>
      %dma_start3A_1292 = tpu.memref_squeeze %dma_start3A_1291 : memref<1x8x64xf32, #tpu.memory_space<vmem>> -> memref<8x64xf32, #tpu.memory_space<vmem>>
      %dma_start3A_1293 = arith.constant 0 : i32
      %dma_start3A_1294 = arith.constant 0 : i32
      %dma_start3A_1295 = tpu.memref_slice %arg5[%squeeze3A_1280, %dma_start3A_1293, %dma_start3A_1294] : memref<125000x8x64xf32, #tpu.memory_space<hbm>> -> memref<1x8x64xf32, #tpu.memory_space<hbm>>
      %dma_start3A_1296 = tpu.memref_squeeze %dma_start3A_1295 : memref<1x8x64xf32, #tpu.memory_space<hbm>> -> memref<8x64xf32, #tpu.memory_space<hbm>>
      tpu.enqueue_dma source(%dma_start3A_1296 : memref<8x64xf32, #tpu.memory_space<hbm>>) target(%dma_start3A_1292 : memref<8x64xf32, #tpu.memory_space<vmem>>) target_semaphore(%arg21 : memref<!tpu.dma_semaphore, #tpu.memory_space<semaphore_mem>>)
      %mul3A_1297 = arith.constant 16 : i32
      %mul3A_1298 = arith.muli %scan3A_761, %mul3A_1297 : i32
      %add3A_1299 = arith.constant 13 : i32
      %add3A_1300 = arith.addi %mul3A_1298, %add3A_1299 : i32
      %slice3A_1301 = vector.extract_strided_slice %shift_right_logical3A_771 {offsets = [13], sizes = [1], strides = [1]} : vector<16xi32> to vector<1xi32>
      %squeeze3A_1302 = vector.extract %slice3A_1301[0] : i32 from vector<1xi32>
      %dma_start3A_1303 = arith.constant 0 : i32
      %dma_start3A_1304 = arith.constant 0 : i32
      %dma_start3A_1305 = tpu.memref_slice %arg13[%add3A_1300, %dma_start3A_1303, %dma_start3A_1304] : memref<16x8x64xf32, #tpu.memory_space<vmem>> -> memref<1x8x64xf32, #tpu.memory_space<vmem>>
      %dma_start3A_1306 = tpu.memref_squeeze %dma_start3A_1305 : memref<1x8x64xf32, #tpu.memory_space<vmem>> -> memref<8x64xf32, #tpu.memory_space<vmem>>
      %dma_start3A_1307 = arith.constant 0 : i32
      %dma_start3A_1308 = arith.constant 0 : i32
      %dma_start3A_1309 = tpu.memref_slice %arg4[%squeeze3A_1302, %dma_start3A_1307, %dma_start3A_1308] : memref<125000x8x64xf32, #tpu.memory_space<hbm>> -> memref<1x8x64xf32, #tpu.memory_space<hbm>>
      %dma_start3A_1310 = tpu.memref_squeeze %dma_start3A_1309 : memref<1x8x64xf32, #tpu.memory_space<hbm>> -> memref<8x64xf32, #tpu.memory_space<hbm>>
      %dma_start3A_1311 = arith.constant 0 : i32
      %dma_start3A_1312 = arith.constant 0 : i32
      %dma_start3A_1313 = tpu.memref_slice %arg13[%add3A_1300, %dma_start3A_1311, %dma_start3A_1312] : memref<16x8x64xf32, #tpu.memory_space<vmem>> -> memref<1x8x64xf32, #tpu.memory_space<vmem>>
      %dma_start3A_1314 = tpu.memref_squeeze %dma_start3A_1313 : memref<1x8x64xf32, #tpu.memory_space<vmem>> -> memref<8x64xf32, #tpu.memory_space<vmem>>
      %dma_start3A_1315 = arith.constant 0 : i32
      %dma_start3A_1316 = arith.constant 0 : i32
      %dma_start3A_1317 = tpu.memref_slice %arg4[%squeeze3A_1302, %dma_start3A_1315, %dma_start3A_1316] : memref<125000x8x64xf32, #tpu.memory_space<hbm>> -> memref<1x8x64xf32, #tpu.memory_space<hbm>>
      %dma_start3A_1318 = tpu.memref_squeeze %dma_start3A_1317 : memref<1x8x64xf32, #tpu.memory_space<hbm>> -> memref<8x64xf32, #tpu.memory_space<hbm>>
      tpu.enqueue_dma source(%dma_start3A_1318 : memref<8x64xf32, #tpu.memory_space<hbm>>) target(%dma_start3A_1314 : memref<8x64xf32, #tpu.memory_space<vmem>>) target_semaphore(%arg20 : memref<!tpu.dma_semaphore, #tpu.memory_space<semaphore_mem>>)
      %slice3A_1319 = vector.extract_strided_slice %shift_right_logical3A_776 {offsets = [13], sizes = [1], strides = [1]} : vector<16xi32> to vector<1xi32>
      %squeeze3A_1320 = vector.extract %slice3A_1319[0] : i32 from vector<1xi32>
      %dma_start3A_1321 = arith.constant 0 : i32
      %dma_start3A_1322 = arith.constant 0 : i32
      %dma_start3A_1323 = tpu.memref_slice %arg14[%add3A_1300, %dma_start3A_1321, %dma_start3A_1322] : memref<16x8x64xf32, #tpu.memory_space<vmem>> -> memref<1x8x64xf32, #tpu.memory_space<vmem>>
      %dma_start3A_1324 = tpu.memref_squeeze %dma_start3A_1323 : memref<1x8x64xf32, #tpu.memory_space<vmem>> -> memref<8x64xf32, #tpu.memory_space<vmem>>
      %dma_start3A_1325 = arith.constant 0 : i32
      %dma_start3A_1326 = arith.constant 0 : i32
      %dma_start3A_1327 = tpu.memref_slice %arg5[%squeeze3A_1320, %dma_start3A_1325, %dma_start3A_1326] : memref<125000x8x64xf32, #tpu.memory_space<hbm>> -> memref<1x8x64xf32, #tpu.memory_space<hbm>>
      %dma_start3A_1328 = tpu.memref_squeeze %dma_start3A_1327 : memref<1x8x64xf32, #tpu.memory_space<hbm>> -> memref<8x64xf32, #tpu.memory_space<hbm>>
      %dma_start3A_1329 = arith.constant 0 : i32
      %dma_start3A_1330 = arith.constant 0 : i32
      %dma_start3A_1331 = tpu.memref_slice %arg14[%add3A_1300, %dma_start3A_1329, %dma_start3A_1330] : memref<16x8x64xf32, #tpu.memory_space<vmem>> -> memref<1x8x64xf32, #tpu.memory_space<vmem>>
      %dma_start3A_1332 = tpu.memref_squeeze %dma_start3A_1331 : memref<1x8x64xf32, #tpu.memory_space<vmem>> -> memref<8x64xf32, #tpu.memory_space<vmem>>
      %dma_start3A_1333 = arith.constant 0 : i32
      %dma_start3A_1334 = arith.constant 0 : i32
      %dma_start3A_1335 = tpu.memref_slice %arg5[%squeeze3A_1320, %dma_start3A_1333, %dma_start3A_1334] : memref<125000x8x64xf32, #tpu.memory_space<hbm>> -> memref<1x8x64xf32, #tpu.memory_space<hbm>>
      %dma_start3A_1336 = tpu.memref_squeeze %dma_start3A_1335 : memref<1x8x64xf32, #tpu.memory_space<hbm>> -> memref<8x64xf32, #tpu.memory_space<hbm>>
      tpu.enqueue_dma source(%dma_start3A_1336 : memref<8x64xf32, #tpu.memory_space<hbm>>) target(%dma_start3A_1332 : memref<8x64xf32, #tpu.memory_space<vmem>>) target_semaphore(%arg21 : memref<!tpu.dma_semaphore, #tpu.memory_space<semaphore_mem>>)
      %mul3A_1337 = arith.constant 16 : i32
      %mul3A_1338 = arith.muli %scan3A_761, %mul3A_1337 : i32
      %add3A_1339 = arith.constant 14 : i32
      %add3A_1340 = arith.addi %mul3A_1338, %add3A_1339 : i32
      %slice3A_1341 = vector.extract_strided_slice %shift_right_logical3A_771 {offsets = [14], sizes = [1], strides = [1]} : vector<16xi32> to vector<1xi32>
      %squeeze3A_1342 = vector.extract %slice3A_1341[0] : i32 from vector<1xi32>
      %dma_start3A_1343 = arith.constant 0 : i32
      %dma_start3A_1344 = arith.constant 0 : i32
      %dma_start3A_1345 = tpu.memref_slice %arg13[%add3A_1340, %dma_start3A_1343, %dma_start3A_1344] : memref<16x8x64xf32, #tpu.memory_space<vmem>> -> memref<1x8x64xf32, #tpu.memory_space<vmem>>
      %dma_start3A_1346 = tpu.memref_squeeze %dma_start3A_1345 : memref<1x8x64xf32, #tpu.memory_space<vmem>> -> memref<8x64xf32, #tpu.memory_space<vmem>>
      %dma_start3A_1347 = arith.constant 0 : i32
      %dma_start3A_1348 = arith.constant 0 : i32
      %dma_start3A_1349 = tpu.memref_slice %arg4[%squeeze3A_1342, %dma_start3A_1347, %dma_start3A_1348] : memref<125000x8x64xf32, #tpu.memory_space<hbm>> -> memref<1x8x64xf32, #tpu.memory_space<hbm>>
      %dma_start3A_1350 = tpu.memref_squeeze %dma_start3A_1349 : memref<1x8x64xf32, #tpu.memory_space<hbm>> -> memref<8x64xf32, #tpu.memory_space<hbm>>
      %dma_start3A_1351 = arith.constant 0 : i32
      %dma_start3A_1352 = arith.constant 0 : i32
      %dma_start3A_1353 = tpu.memref_slice %arg13[%add3A_1340, %dma_start3A_1351, %dma_start3A_1352] : memref<16x8x64xf32, #tpu.memory_space<vmem>> -> memref<1x8x64xf32, #tpu.memory_space<vmem>>
      %dma_start3A_1354 = tpu.memref_squeeze %dma_start3A_1353 : memref<1x8x64xf32, #tpu.memory_space<vmem>> -> memref<8x64xf32, #tpu.memory_space<vmem>>
      %dma_start3A_1355 = arith.constant 0 : i32
      %dma_start3A_1356 = arith.constant 0 : i32
      %dma_start3A_1357 = tpu.memref_slice %arg4[%squeeze3A_1342, %dma_start3A_1355, %dma_start3A_1356] : memref<125000x8x64xf32, #tpu.memory_space<hbm>> -> memref<1x8x64xf32, #tpu.memory_space<hbm>>
      %dma_start3A_1358 = tpu.memref_squeeze %dma_start3A_1357 : memref<1x8x64xf32, #tpu.memory_space<hbm>> -> memref<8x64xf32, #tpu.memory_space<hbm>>
      tpu.enqueue_dma source(%dma_start3A_1358 : memref<8x64xf32, #tpu.memory_space<hbm>>) target(%dma_start3A_1354 : memref<8x64xf32, #tpu.memory_space<vmem>>) target_semaphore(%arg20 : memref<!tpu.dma_semaphore, #tpu.memory_space<semaphore_mem>>)
      %slice3A_1359 = vector.extract_strided_slice %shift_right_logical3A_776 {offsets = [14], sizes = [1], strides = [1]} : vector<16xi32> to vector<1xi32>
      %squeeze3A_1360 = vector.extract %slice3A_1359[0] : i32 from vector<1xi32>
      %dma_start3A_1361 = arith.constant 0 : i32
      %dma_start3A_1362 = arith.constant 0 : i32
      %dma_start3A_1363 = tpu.memref_slice %arg14[%add3A_1340, %dma_start3A_1361, %dma_start3A_1362] : memref<16x8x64xf32, #tpu.memory_space<vmem>> -> memref<1x8x64xf32, #tpu.memory_space<vmem>>
      %dma_start3A_1364 = tpu.memref_squeeze %dma_start3A_1363 : memref<1x8x64xf32, #tpu.memory_space<vmem>> -> memref<8x64xf32, #tpu.memory_space<vmem>>
      %dma_start3A_1365 = arith.constant 0 : i32
      %dma_start3A_1366 = arith.constant 0 : i32
      %dma_start3A_1367 = tpu.memref_slice %arg5[%squeeze3A_1360, %dma_start3A_1365, %dma_start3A_1366] : memref<125000x8x64xf32, #tpu.memory_space<hbm>> -> memref<1x8x64xf32, #tpu.memory_space<hbm>>
      %dma_start3A_1368 = tpu.memref_squeeze %dma_start3A_1367 : memref<1x8x64xf32, #tpu.memory_space<hbm>> -> memref<8x64xf32, #tpu.memory_space<hbm>>
      %dma_start3A_1369 = arith.constant 0 : i32
      %dma_start3A_1370 = arith.constant 0 : i32
      %dma_start3A_1371 = tpu.memref_slice %arg14[%add3A_1340, %dma_start3A_1369, %dma_start3A_1370] : memref<16x8x64xf32, #tpu.memory_space<vmem>> -> memref<1x8x64xf32, #tpu.memory_space<vmem>>
      %dma_start3A_1372 = tpu.memref_squeeze %dma_start3A_1371 : memref<1x8x64xf32, #tpu.memory_space<vmem>> -> memref<8x64xf32, #tpu.memory_space<vmem>>
      %dma_start3A_1373 = arith.constant 0 : i32
      %dma_start3A_1374 = arith.constant 0 : i32
      %dma_start3A_1375 = tpu.memref_slice %arg5[%squeeze3A_1360, %dma_start3A_1373, %dma_start3A_1374] : memref<125000x8x64xf32, #tpu.memory_space<hbm>> -> memref<1x8x64xf32, #tpu.memory_space<hbm>>
      %dma_start3A_1376 = tpu.memref_squeeze %dma_start3A_1375 : memref<1x8x64xf32, #tpu.memory_space<hbm>> -> memref<8x64xf32, #tpu.memory_space<hbm>>
      tpu.enqueue_dma source(%dma_start3A_1376 : memref<8x64xf32, #tpu.memory_space<hbm>>) target(%dma_start3A_1372 : memref<8x64xf32, #tpu.memory_space<vmem>>) target_semaphore(%arg21 : memref<!tpu.dma_semaphore, #tpu.memory_space<semaphore_mem>>)
      %mul3A_1377 = arith.constant 16 : i32
      %mul3A_1378 = arith.muli %scan3A_761, %mul3A_1377 : i32
      %add3A_1379 = arith.constant 15 : i32
      %add3A_1380 = arith.addi %mul3A_1378, %add3A_1379 : i32
      %slice3A_1381 = vector.extract_strided_slice %shift_right_logical3A_771 {offsets = [15], sizes = [1], strides = [1]} : vector<16xi32> to vector<1xi32>
      %squeeze3A_1382 = vector.extract %slice3A_1381[0] : i32 from vector<1xi32>
      %dma_start3A_1383 = arith.constant 0 : i32
      %dma_start3A_1384 = arith.constant 0 : i32
      %dma_start3A_1385 = tpu.memref_slice %arg13[%add3A_1380, %dma_start3A_1383, %dma_start3A_1384] : memref<16x8x64xf32, #tpu.memory_space<vmem>> -> memref<1x8x64xf32, #tpu.memory_space<vmem>>
      %dma_start3A_1386 = tpu.memref_squeeze %dma_start3A_1385 : memref<1x8x64xf32, #tpu.memory_space<vmem>> -> memref<8x64xf32, #tpu.memory_space<vmem>>
      %dma_start3A_1387 = arith.constant 0 : i32
      %dma_start3A_1388 = arith.constant 0 : i32
      %dma_start3A_1389 = tpu.memref_slice %arg4[%squeeze3A_1382, %dma_start3A_1387, %dma_start3A_1388] : memref<125000x8x64xf32, #tpu.memory_space<hbm>> -> memref<1x8x64xf32, #tpu.memory_space<hbm>>
      %dma_start3A_1390 = tpu.memref_squeeze %dma_start3A_1389 : memref<1x8x64xf32, #tpu.memory_space<hbm>> -> memref<8x64xf32, #tpu.memory_space<hbm>>
      %dma_start3A_1391 = arith.constant 0 : i32
      %dma_start3A_1392 = arith.constant 0 : i32
      %dma_start3A_1393 = tpu.memref_slice %arg13[%add3A_1380, %dma_start3A_1391, %dma_start3A_1392] : memref<16x8x64xf32, #tpu.memory_space<vmem>> -> memref<1x8x64xf32, #tpu.memory_space<vmem>>
      %dma_start3A_1394 = tpu.memref_squeeze %dma_start3A_1393 : memref<1x8x64xf32, #tpu.memory_space<vmem>> -> memref<8x64xf32, #tpu.memory_space<vmem>>
      %dma_start3A_1395 = arith.constant 0 : i32
      %dma_start3A_1396 = arith.constant 0 : i32
      %dma_start3A_1397 = tpu.memref_slice %arg4[%squeeze3A_1382, %dma_start3A_1395, %dma_start3A_1396] : memref<125000x8x64xf32, #tpu.memory_space<hbm>> -> memref<1x8x64xf32, #tpu.memory_space<hbm>>
      %dma_start3A_1398 = tpu.memref_squeeze %dma_start3A_1397 : memref<1x8x64xf32, #tpu.memory_space<hbm>> -> memref<8x64xf32, #tpu.memory_space<hbm>>
      tpu.enqueue_dma source(%dma_start3A_1398 : memref<8x64xf32, #tpu.memory_space<hbm>>) target(%dma_start3A_1394 : memref<8x64xf32, #tpu.memory_space<vmem>>) target_semaphore(%arg20 : memref<!tpu.dma_semaphore, #tpu.memory_space<semaphore_mem>>)
      %slice3A_1399 = vector.extract_strided_slice %shift_right_logical3A_776 {offsets = [15], sizes = [1], strides = [1]} : vector<16xi32> to vector<1xi32>
      %squeeze3A_1400 = vector.extract %slice3A_1399[0] : i32 from vector<1xi32>
      %dma_start3A_1401 = arith.constant 0 : i32
      %dma_start3A_1402 = arith.constant 0 : i32
      %dma_start3A_1403 = tpu.memref_slice %arg14[%add3A_1380, %dma_start3A_1401, %dma_start3A_1402] : memref<16x8x64xf32, #tpu.memory_space<vmem>> -> memref<1x8x64xf32, #tpu.memory_space<vmem>>
      %dma_start3A_1404 = tpu.memref_squeeze %dma_start3A_1403 : memref<1x8x64xf32, #tpu.memory_space<vmem>> -> memref<8x64xf32, #tpu.memory_space<vmem>>
      %dma_start3A_1405 = arith.constant 0 : i32
      %dma_start3A_1406 = arith.constant 0 : i32
      %dma_start3A_1407 = tpu.memref_slice %arg5[%squeeze3A_1400, %dma_start3A_1405, %dma_start3A_1406] : memref<125000x8x64xf32, #tpu.memory_space<hbm>> -> memref<1x8x64xf32, #tpu.memory_space<hbm>>
      %dma_start3A_1408 = tpu.memref_squeeze %dma_start3A_1407 : memref<1x8x64xf32, #tpu.memory_space<hbm>> -> memref<8x64xf32, #tpu.memory_space<hbm>>
      %dma_start3A_1409 = arith.constant 0 : i32
      %dma_start3A_1410 = arith.constant 0 : i32
      %dma_start3A_1411 = tpu.memref_slice %arg14[%add3A_1380, %dma_start3A_1409, %dma_start3A_1410] : memref<16x8x64xf32, #tpu.memory_space<vmem>> -> memref<1x8x64xf32, #tpu.memory_space<vmem>>
      %dma_start3A_1412 = tpu.memref_squeeze %dma_start3A_1411 : memref<1x8x64xf32, #tpu.memory_space<vmem>> -> memref<8x64xf32, #tpu.memory_space<vmem>>
      %dma_start3A_1413 = arith.constant 0 : i32
      %dma_start3A_1414 = arith.constant 0 : i32
      %dma_start3A_1415 = tpu.memref_slice %arg5[%squeeze3A_1400, %dma_start3A_1413, %dma_start3A_1414] : memref<125000x8x64xf32, #tpu.memory_space<hbm>> -> memref<1x8x64xf32, #tpu.memory_space<hbm>>
      %dma_start3A_1416 = tpu.memref_squeeze %dma_start3A_1415 : memref<1x8x64xf32, #tpu.memory_space<hbm>> -> memref<8x64xf32, #tpu.memory_space<hbm>>
      tpu.enqueue_dma source(%dma_start3A_1416 : memref<8x64xf32, #tpu.memory_space<hbm>>) target(%dma_start3A_1412 : memref<8x64xf32, #tpu.memory_space<vmem>>) target_semaphore(%arg21 : memref<!tpu.dma_semaphore, #tpu.memory_space<semaphore_mem>>)
      %scan3A_1417 = arith.constant 1 : i32
      %dma_wait3A_1418 = arith.constant 0 : i32
      %dma_wait3A_1419 = arith.constant 0 : i32
      %dma_wait3A_1420 = arith.constant 0 : i32
      %dma_wait3A_1421 = tpu.memref_slice %arg4[%dma_wait3A_1418, %dma_wait3A_1419, %dma_wait3A_1420] : memref<125000x8x64xf32, #tpu.memory_space<hbm>> -> memref<16x8x64xf32, #tpu.memory_space<hbm>>
      %dma_wait3A_1422 = arith.constant 0 : i32
      %dma_wait3A_1423 = arith.constant 0 : i32
      %dma_wait3A_1424 = arith.constant 0 : i32
      %dma_wait3A_1425 = tpu.memref_slice %arg4[%dma_wait3A_1422, %dma_wait3A_1423, %dma_wait3A_1424] : memref<125000x8x64xf32, #tpu.memory_space<hbm>> -> memref<16x8x64xf32, #tpu.memory_space<hbm>>
      tpu.wait_dma2 semaphore(%arg18 : memref<!tpu.dma_semaphore, #tpu.memory_space<semaphore_mem>>) src(%dma_wait3A_1425 : memref<16x8x64xf32, #tpu.memory_space<hbm>>) dst(%arg11 : memref<16x8x64xf32, #tpu.memory_space<vmem>>)
      %dma_wait3A_1426 = arith.constant 0 : i32
      %dma_wait3A_1427 = arith.constant 0 : i32
      %dma_wait3A_1428 = arith.constant 0 : i32
      %dma_wait3A_1429 = tpu.memref_slice %arg5[%dma_wait3A_1426, %dma_wait3A_1427, %dma_wait3A_1428] : memref<125000x8x64xf32, #tpu.memory_space<hbm>> -> memref<16x8x64xf32, #tpu.memory_space<hbm>>
      %dma_wait3A_1430 = arith.constant 0 : i32
      %dma_wait3A_1431 = arith.constant 0 : i32
      %dma_wait3A_1432 = arith.constant 0 : i32
      %dma_wait3A_1433 = tpu.memref_slice %arg5[%dma_wait3A_1430, %dma_wait3A_1431, %dma_wait3A_1432] : memref<125000x8x64xf32, #tpu.memory_space<hbm>> -> memref<16x8x64xf32, #tpu.memory_space<hbm>>
      tpu.wait_dma2 semaphore(%arg19 : memref<!tpu.dma_semaphore, #tpu.memory_space<semaphore_mem>>) src(%dma_wait3A_1433 : memref<16x8x64xf32, #tpu.memory_space<hbm>>) dst(%arg12 : memref<16x8x64xf32, #tpu.memory_space<vmem>>)
      %scan3A_1434 = arith.constant 0 : i32
      %scan3A_1435 = arith.constant 0 : i32
      %mul3A_1436 = arith.constant 16 : i32
      %mul3A_1437 = arith.muli %mul3A_757, %mul3A_1436 : i32
      %mul3A_1438 = arith.constant 16 : i32
      %mul3A_1439 = arith.muli %scan3A_1435, %mul3A_1438 : i32
      %add3A_1440 = arith.addi %mul3A_1437, %mul3A_1439 : i32
      %mul3A_1441 = arith.constant 16 : i32
      %mul3A_1442 = arith.muli %scan3A_1435, %mul3A_1441 : i32
      %iota3A = tpu.iota {dimensions = array<i32: 0>} : vector<16xi32>
      %add3A_1443 = vector.broadcast %mul3A_1442 : i32 to vector<16xi32>
      %add3A_1444 = arith.addi %add3A_1443, %iota3A : vector<16xi32>
      %get3A_1445 = arith.index_cast %add3A_1440 : i32 to index
      %get3A_1446 = tpu.vector_load %arg9[%get3A_1445] {strides = array<i32>} : memref<512xi32, #tpu.memory_space<vmem>>, vector<16xi32>,
      %and3A = arith.constant 7 : i32
      %and3A_1447 = vector.broadcast %and3A : i32 to vector<16xi32>
      %and3A_1448 = arith.andi %get3A_1446, %and3A_1447 : vector<16xi32>
      %get3A_1449 = arith.index_cast %add3A_1440 : i32 to index
      %get3A_1450 = tpu.vector_load %arg10[%get3A_1449] {strides = array<i32>} : memref<512xi32, #tpu.memory_space<vmem>>, vector<16xi32>,
      %and3A_1451 = arith.constant 7 : i32
      %and3A_1452 = vector.broadcast %and3A_1451 : i32 to vector<16xi32>
      %and3A_1453 = arith.andi %get3A_1450, %and3A_1452 : vector<16xi32>
      %get3A_1454 = arith.index_cast %add3A_1440 : i32 to index
      %get3A_1455 = tpu.vector_load %arg15[%get3A_1454] {strides = array<i32>} : memref<512xf32, #tpu.memory_space<vmem>>, vector<16xf32>,
      %get3A_1456 = arith.index_cast %add3A_1440 : i32 to index
      %get3A_1457 = tpu.vector_load %arg16[%get3A_1456] {strides = array<i32>} : memref<512xf32, #tpu.memory_space<vmem>>, vector<16xf32>,
      %add3A_1458 = arith.addf %get3A_1455, %get3A_1457 : vector<16xf32>
      %add3A_1459 = arith.constant 3.500000e+00 : f32
      %add3A_1460 = vector.broadcast %add3A_1459 : f32 to vector<16xf32>
      %add3A_1461 = arith.addf %add3A_1458, %add3A_1460 : vector<16xf32>
      %broadcast_in_dim3A = arith.constant 0 : i32
      %broadcast_in_dim3A_1462 = vector.broadcast %broadcast_in_dim3A : i32 to vector<16xi32>
      %gather3A = tpu.vector_load_idx %arg11[%add3A_1444, %and3A_1448, %broadcast_in_dim3A_1462] : memref<16x8x64xf32, #tpu.memory_space<vmem>>[vector<16xi32>, vector<16xi32>, vector<16xi32>], vector<16xf32>,
      %gather3A_1463 = tpu.vector_load_idx %arg12[%add3A_1444, %and3A_1453, %broadcast_in_dim3A_1462] : memref<16x8x64xf32, #tpu.memory_space<vmem>>[vector<16xi32>, vector<16xi32>, vector<16xi32>], vector<16xf32>,
      %mul3A_1464 = arith.mulf %gather3A, %gather3A_1463 : vector<16xf32>
      %add3A_1465 = arith.addf %add3A_1461, %mul3A_1464 : vector<16xf32>
      %broadcast_in_dim3A_1466 = arith.constant 1 : i32
      %broadcast_in_dim3A_1467 = vector.broadcast %broadcast_in_dim3A_1466 : i32 to vector<16xi32>
      %gather3A_1468 = tpu.vector_load_idx %arg11[%add3A_1444, %and3A_1448, %broadcast_in_dim3A_1467] : memref<16x8x64xf32, #tpu.memory_space<vmem>>[vector<16xi32>, vector<16xi32>, vector<16xi32>], vector<16xf32>,
      %gather3A_1469 = tpu.vector_load_idx %arg12[%add3A_1444, %and3A_1453, %broadcast_in_dim3A_1467] : memref<16x8x64xf32, #tpu.memory_space<vmem>>[vector<16xi32>, vector<16xi32>, vector<16xi32>], vector<16xf32>,
      %mul3A_1470 = arith.mulf %gather3A_1468, %gather3A_1469 : vector<16xf32>
      %add3A_1471 = arith.addf %add3A_1465, %mul3A_1470 : vector<16xf32>
      %broadcast_in_dim3A_1472 = arith.constant 2 : i32
      %broadcast_in_dim3A_1473 = vector.broadcast %broadcast_in_dim3A_1472 : i32 to vector<16xi32>
      %gather3A_1474 = tpu.vector_load_idx %arg11[%add3A_1444, %and3A_1448, %broadcast_in_dim3A_1473] : memref<16x8x64xf32, #tpu.memory_space<vmem>>[vector<16xi32>, vector<16xi32>, vector<16xi32>], vector<16xf32>,
      %gather3A_1475 = tpu.vector_load_idx %arg12[%add3A_1444, %and3A_1453, %broadcast_in_dim3A_1473] : memref<16x8x64xf32, #tpu.memory_space<vmem>>[vector<16xi32>, vector<16xi32>, vector<16xi32>], vector<16xf32>,
      %mul3A_1476 = arith.mulf %gather3A_1474, %gather3A_1475 : vector<16xf32>
      %add3A_1477 = arith.addf %add3A_1471, %mul3A_1476 : vector<16xf32>
      %broadcast_in_dim3A_1478 = arith.constant 3 : i32
      %broadcast_in_dim3A_1479 = vector.broadcast %broadcast_in_dim3A_1478 : i32 to vector<16xi32>
      %gather3A_1480 = tpu.vector_load_idx %arg11[%add3A_1444, %and3A_1448, %broadcast_in_dim3A_1479] : memref<16x8x64xf32, #tpu.memory_space<vmem>>[vector<16xi32>, vector<16xi32>, vector<16xi32>], vector<16xf32>,
      %gather3A_1481 = tpu.vector_load_idx %arg12[%add3A_1444, %and3A_1453, %broadcast_in_dim3A_1479] : memref<16x8x64xf32, #tpu.memory_space<vmem>>[vector<16xi32>, vector<16xi32>, vector<16xi32>], vector<16xf32>,
      %mul3A_1482 = arith.mulf %gather3A_1480, %gather3A_1481 : vector<16xf32>
      %add3A_1483 = arith.addf %add3A_1477, %mul3A_1482 : vector<16xf32>
      %broadcast_in_dim3A_1484 = arith.constant 4 : i32
      %broadcast_in_dim3A_1485 = vector.broadcast %broadcast_in_dim3A_1484 : i32 to vector<16xi32>
      %gather3A_1486 = tpu.vector_load_idx %arg11[%add3A_1444, %and3A_1448, %broadcast_in_dim3A_1485] : memref<16x8x64xf32, #tpu.memory_space<vmem>>[vector<16xi32>, vector<16xi32>, vector<16xi32>], vector<16xf32>,
      %gather3A_1487 = tpu.vector_load_idx %arg12[%add3A_1444, %and3A_1453, %broadcast_in_dim3A_1485] : memref<16x8x64xf32, #tpu.memory_space<vmem>>[vector<16xi32>, vector<16xi32>, vector<16xi32>], vector<16xf32>,
      %mul3A_1488 = arith.mulf %gather3A_1486, %gather3A_1487 : vector<16xf32>
      %add3A_1489 = arith.addf %add3A_1483, %mul3A_1488 : vector<16xf32>
      %broadcast_in_dim3A_1490 = arith.constant 5 : i32
      %broadcast_in_dim3A_1491 = vector.broadcast %broadcast_in_dim3A_1490 : i32 to vector<16xi32>
      %gather3A_1492 = tpu.vector_load_idx %arg11[%add3A_1444, %and3A_1448, %broadcast_in_dim3A_1491] : memref<16x8x64xf32, #tpu.memory_space<vmem>>[vector<16xi32>, vector<16xi32>, vector<16xi32>], vector<16xf32>,
      %gather3A_1493 = tpu.vector_load_idx %arg12[%add3A_1444, %and3A_1453, %broadcast_in_dim3A_1491] : memref<16x8x64xf32, #tpu.memory_space<vmem>>[vector<16xi32>, vector<16xi32>, vector<16xi32>], vector<16xf32>,
      %mul3A_1494 = arith.mulf %gather3A_1492, %gather3A_1493 : vector<16xf32>
      %add3A_1495 = arith.addf %add3A_1489, %mul3A_1494 : vector<16xf32>
      %broadcast_in_dim3A_1496 = arith.constant 6 : i32
      %broadcast_in_dim3A_1497 = vector.broadcast %broadcast_in_dim3A_1496 : i32 to vector<16xi32>
      %gather3A_1498 = tpu.vector_load_idx %arg11[%add3A_1444, %and3A_1448, %broadcast_in_dim3A_1497] : memref<16x8x64xf32, #tpu.memory_space<vmem>>[vector<16xi32>, vector<16xi32>, vector<16xi32>], vector<16xf32>,
      %gather3A_1499 = tpu.vector_load_idx %arg12[%add3A_1444, %and3A_1453, %broadcast_in_dim3A_1497] : memref<16x8x64xf32, #tpu.memory_space<vmem>>[vector<16xi32>, vector<16xi32>, vector<16xi32>], vector<16xf32>,
      %mul3A_1500 = arith.mulf %gather3A_1498, %gather3A_1499 : vector<16xf32>
      %add3A_1501 = arith.addf %add3A_1495, %mul3A_1500 : vector<16xf32>
      %broadcast_in_dim3A_1502 = arith.constant 7 : i32
      %broadcast_in_dim3A_1503 = vector.broadcast %broadcast_in_dim3A_1502 : i32 to vector<16xi32>
      %gather3A_1504 = tpu.vector_load_idx %arg11[%add3A_1444, %and3A_1448, %broadcast_in_dim3A_1503] : memref<16x8x64xf32, #tpu.memory_space<vmem>>[vector<16xi32>, vector<16xi32>, vector<16xi32>], vector<16xf32>,
      %gather3A_1505 = tpu.vector_load_idx %arg12[%add3A_1444, %and3A_1453, %broadcast_in_dim3A_1503] : memref<16x8x64xf32, #tpu.memory_space<vmem>>[vector<16xi32>, vector<16xi32>, vector<16xi32>], vector<16xf32>,
      %mul3A_1506 = arith.mulf %gather3A_1504, %gather3A_1505 : vector<16xf32>
      %add3A_1507 = arith.addf %add3A_1501, %mul3A_1506 : vector<16xf32>
      %broadcast_in_dim3A_1508 = arith.constant 8 : i32
      %broadcast_in_dim3A_1509 = vector.broadcast %broadcast_in_dim3A_1508 : i32 to vector<16xi32>
      %gather3A_1510 = tpu.vector_load_idx %arg11[%add3A_1444, %and3A_1448, %broadcast_in_dim3A_1509] : memref<16x8x64xf32, #tpu.memory_space<vmem>>[vector<16xi32>, vector<16xi32>, vector<16xi32>], vector<16xf32>,
      %gather3A_1511 = tpu.vector_load_idx %arg12[%add3A_1444, %and3A_1453, %broadcast_in_dim3A_1509] : memref<16x8x64xf32, #tpu.memory_space<vmem>>[vector<16xi32>, vector<16xi32>, vector<16xi32>], vector<16xf32>,
      %mul3A_1512 = arith.mulf %gather3A_1510, %gather3A_1511 : vector<16xf32>
      %add3A_1513 = arith.addf %add3A_1507, %mul3A_1512 : vector<16xf32>
      %broadcast_in_dim3A_1514 = arith.constant 9 : i32
      %broadcast_in_dim3A_1515 = vector.broadcast %broadcast_in_dim3A_1514 : i32 to vector<16xi32>
      %gather3A_1516 = tpu.vector_load_idx %arg11[%add3A_1444, %and3A_1448, %broadcast_in_dim3A_1515] : memref<16x8x64xf32, #tpu.memory_space<vmem>>[vector<16xi32>, vector<16xi32>, vector<16xi32>], vector<16xf32>,
      %gather3A_1517 = tpu.vector_load_idx %arg12[%add3A_1444, %and3A_1453, %broadcast_in_dim3A_1515] : memref<16x8x64xf32, #tpu.memory_space<vmem>>[vector<16xi32>, vector<16xi32>, vector<16xi32>], vector<16xf32>,
      %mul3A_1518 = arith.mulf %gather3A_1516, %gather3A_1517 : vector<16xf32>
      %add3A_1519 = arith.addf %add3A_1513, %mul3A_1518 : vector<16xf32>
      %broadcast_in_dim3A_1520 = arith.constant 10 : i32
      %broadcast_in_dim3A_1521 = vector.broadcast %broadcast_in_dim3A_1520 : i32 to vector<16xi32>
      %gather3A_1522 = tpu.vector_load_idx %arg11[%add3A_1444, %and3A_1448, %broadcast_in_dim3A_1521] : memref<16x8x64xf32, #tpu.memory_space<vmem>>[vector<16xi32>, vector<16xi32>, vector<16xi32>], vector<16xf32>,
      %gather3A_1523 = tpu.vector_load_idx %arg12[%add3A_1444, %and3A_1453, %broadcast_in_dim3A_1521] : memref<16x8x64xf32, #tpu.memory_space<vmem>>[vector<16xi32>, vector<16xi32>, vector<16xi32>], vector<16xf32>,
      %mul3A_1524 = arith.mulf %gather3A_1522, %gather3A_1523 : vector<16xf32>
      %add3A_1525 = arith.addf %add3A_1519, %mul3A_1524 : vector<16xf32>
      %broadcast_in_dim3A_1526 = arith.constant 11 : i32
      %broadcast_in_dim3A_1527 = vector.broadcast %broadcast_in_dim3A_1526 : i32 to vector<16xi32>
      %gather3A_1528 = tpu.vector_load_idx %arg11[%add3A_1444, %and3A_1448, %broadcast_in_dim3A_1527] : memref<16x8x64xf32, #tpu.memory_space<vmem>>[vector<16xi32>, vector<16xi32>, vector<16xi32>], vector<16xf32>,
      %gather3A_1529 = tpu.vector_load_idx %arg12[%add3A_1444, %and3A_1453, %broadcast_in_dim3A_1527] : memref<16x8x64xf32, #tpu.memory_space<vmem>>[vector<16xi32>, vector<16xi32>, vector<16xi32>], vector<16xf32>,
      %mul3A_1530 = arith.mulf %gather3A_1528, %gather3A_1529 : vector<16xf32>
      %add3A_1531 = arith.addf %add3A_1525, %mul3A_1530 : vector<16xf32>
      %broadcast_in_dim3A_1532 = arith.constant 12 : i32
      %broadcast_in_dim3A_1533 = vector.broadcast %broadcast_in_dim3A_1532 : i32 to vector<16xi32>
      %gather3A_1534 = tpu.vector_load_idx %arg11[%add3A_1444, %and3A_1448, %broadcast_in_dim3A_1533] : memref<16x8x64xf32, #tpu.memory_space<vmem>>[vector<16xi32>, vector<16xi32>, vector<16xi32>], vector<16xf32>,
      %gather3A_1535 = tpu.vector_load_idx %arg12[%add3A_1444, %and3A_1453, %broadcast_in_dim3A_1533] : memref<16x8x64xf32, #tpu.memory_space<vmem>>[vector<16xi32>, vector<16xi32>, vector<16xi32>], vector<16xf32>,
      %mul3A_1536 = arith.mulf %gather3A_1534, %gather3A_1535 : vector<16xf32>
      %add3A_1537 = arith.addf %add3A_1531, %mul3A_1536 : vector<16xf32>
      %broadcast_in_dim3A_1538 = arith.constant 13 : i32
      %broadcast_in_dim3A_1539 = vector.broadcast %broadcast_in_dim3A_1538 : i32 to vector<16xi32>
      %gather3A_1540 = tpu.vector_load_idx %arg11[%add3A_1444, %and3A_1448, %broadcast_in_dim3A_1539] : memref<16x8x64xf32, #tpu.memory_space<vmem>>[vector<16xi32>, vector<16xi32>, vector<16xi32>], vector<16xf32>,
      %gather3A_1541 = tpu.vector_load_idx %arg12[%add3A_1444, %and3A_1453, %broadcast_in_dim3A_1539] : memref<16x8x64xf32, #tpu.memory_space<vmem>>[vector<16xi32>, vector<16xi32>, vector<16xi32>], vector<16xf32>,
      %mul3A_1542 = arith.mulf %gather3A_1540, %gather3A_1541 : vector<16xf32>
      %add3A_1543 = arith.addf %add3A_1537, %mul3A_1542 : vector<16xf32>
      %broadcast_in_dim3A_1544 = arith.constant 14 : i32
      %broadcast_in_dim3A_1545 = vector.broadcast %broadcast_in_dim3A_1544 : i32 to vector<16xi32>
      %gather3A_1546 = tpu.vector_load_idx %arg11[%add3A_1444, %and3A_1448, %broadcast_in_dim3A_1545] : memref<16x8x64xf32, #tpu.memory_space<vmem>>[vector<16xi32>, vector<16xi32>, vector<16xi32>], vector<16xf32>,
      %gather3A_1547 = tpu.vector_load_idx %arg12[%add3A_1444, %and3A_1453, %broadcast_in_dim3A_1545] : memref<16x8x64xf32, #tpu.memory_space<vmem>>[vector<16xi32>, vector<16xi32>, vector<16xi32>], vector<16xf32>,
      %mul3A_1548 = arith.mulf %gather3A_1546, %gather3A_1547 : vector<16xf32>
      %add3A_1549 = arith.addf %add3A_1543, %mul3A_1548 : vector<16xf32>
      %broadcast_in_dim3A_1550 = arith.constant 15 : i32
      %broadcast_in_dim3A_1551 = vector.broadcast %broadcast_in_dim3A_1550 : i32 to vector<16xi32>
      %gather3A_1552 = tpu.vector_load_idx %arg11[%add3A_1444, %and3A_1448, %broadcast_in_dim3A_1551] : memref<16x8x64xf32, #tpu.memory_space<vmem>>[vector<16xi32>, vector<16xi32>, vector<16xi32>], vector<16xf32>,
      %gather3A_1553 = tpu.vector_load_idx %arg12[%add3A_1444, %and3A_1453, %broadcast_in_dim3A_1551] : memref<16x8x64xf32, #tpu.memory_space<vmem>>[vector<16xi32>, vector<16xi32>, vector<16xi32>], vector<16xf32>,
      %mul3A_1554 = arith.mulf %gather3A_1552, %gather3A_1553 : vector<16xf32>
      %add3A_1555 = arith.addf %add3A_1549, %mul3A_1554 : vector<16xf32>
      %broadcast_in_dim3A_1556 = arith.constant 16 : i32
      %broadcast_in_dim3A_1557 = vector.broadcast %broadcast_in_dim3A_1556 : i32 to vector<16xi32>
      %gather3A_1558 = tpu.vector_load_idx %arg11[%add3A_1444, %and3A_1448, %broadcast_in_dim3A_1557] : memref<16x8x64xf32, #tpu.memory_space<vmem>>[vector<16xi32>, vector<16xi32>, vector<16xi32>], vector<16xf32>,
      %gather3A_1559 = tpu.vector_load_idx %arg12[%add3A_1444, %and3A_1453, %broadcast_in_dim3A_1557] : memref<16x8x64xf32, #tpu.memory_space<vmem>>[vector<16xi32>, vector<16xi32>, vector<16xi32>], vector<16xf32>,
      %mul3A_1560 = arith.mulf %gather3A_1558, %gather3A_1559 : vector<16xf32>
      %add3A_1561 = arith.addf %add3A_1555, %mul3A_1560 : vector<16xf32>
      %broadcast_in_dim3A_1562 = arith.constant 17 : i32
      %broadcast_in_dim3A_1563 = vector.broadcast %broadcast_in_dim3A_1562 : i32 to vector<16xi32>
      %gather3A_1564 = tpu.vector_load_idx %arg11[%add3A_1444, %and3A_1448, %broadcast_in_dim3A_1563] : memref<16x8x64xf32, #tpu.memory_space<vmem>>[vector<16xi32>, vector<16xi32>, vector<16xi32>], vector<16xf32>,
      %gather3A_1565 = tpu.vector_load_idx %arg12[%add3A_1444, %and3A_1453, %broadcast_in_dim3A_1563] : memref<16x8x64xf32, #tpu.memory_space<vmem>>[vector<16xi32>, vector<16xi32>, vector<16xi32>], vector<16xf32>,
      %mul3A_1566 = arith.mulf %gather3A_1564, %gather3A_1565 : vector<16xf32>
      %add3A_1567 = arith.addf %add3A_1561, %mul3A_1566 : vector<16xf32>
      %broadcast_in_dim3A_1568 = arith.constant 18 : i32
      %broadcast_in_dim3A_1569 = vector.broadcast %broadcast_in_dim3A_1568 : i32 to vector<16xi32>
      %gather3A_1570 = tpu.vector_load_idx %arg11[%add3A_1444, %and3A_1448, %broadcast_in_dim3A_1569] : memref<16x8x64xf32, #tpu.memory_space<vmem>>[vector<16xi32>, vector<16xi32>, vector<16xi32>], vector<16xf32>,
      %gather3A_1571 = tpu.vector_load_idx %arg12[%add3A_1444, %and3A_1453, %broadcast_in_dim3A_1569] : memref<16x8x64xf32, #tpu.memory_space<vmem>>[vector<16xi32>, vector<16xi32>, vector<16xi32>], vector<16xf32>,
      %mul3A_1572 = arith.mulf %gather3A_1570, %gather3A_1571 : vector<16xf32>
      %add3A_1573 = arith.addf %add3A_1567, %mul3A_1572 : vector<16xf32>
      %broadcast_in_dim3A_1574 = arith.constant 19 : i32
      %broadcast_in_dim3A_1575 = vector.broadcast %broadcast_in_dim3A_1574 : i32 to vector<16xi32>
      %gather3A_1576 = tpu.vector_load_idx %arg11[%add3A_1444, %and3A_1448, %broadcast_in_dim3A_1575] : memref<16x8x64xf32, #tpu.memory_space<vmem>>[vector<16xi32>, vector<16xi32>, vector<16xi32>], vector<16xf32>,
      %gather3A_1577 = tpu.vector_load_idx %arg12[%add3A_1444, %and3A_1453, %broadcast_in_dim3A_1575] : memref<16x8x64xf32, #tpu.memory_space<vmem>>[vector<16xi32>, vector<16xi32>, vector<16xi32>], vector<16xf32>,
      %mul3A_1578 = arith.mulf %gather3A_1576, %gather3A_1577 : vector<16xf32>
      %add3A_1579 = arith.addf %add3A_1573, %mul3A_1578 : vector<16xf32>
      %broadcast_in_dim3A_1580 = arith.constant 20 : i32
      %broadcast_in_dim3A_1581 = vector.broadcast %broadcast_in_dim3A_1580 : i32 to vector<16xi32>
      %gather3A_1582 = tpu.vector_load_idx %arg11[%add3A_1444, %and3A_1448, %broadcast_in_dim3A_1581] : memref<16x8x64xf32, #tpu.memory_space<vmem>>[vector<16xi32>, vector<16xi32>, vector<16xi32>], vector<16xf32>,
      %gather3A_1583 = tpu.vector_load_idx %arg12[%add3A_1444, %and3A_1453, %broadcast_in_dim3A_1581] : memref<16x8x64xf32, #tpu.memory_space<vmem>>[vector<16xi32>, vector<16xi32>, vector<16xi32>], vector<16xf32>,
      %mul3A_1584 = arith.mulf %gather3A_1582, %gather3A_1583 : vector<16xf32>
      %add3A_1585 = arith.addf %add3A_1579, %mul3A_1584 : vector<16xf32>
      %broadcast_in_dim3A_1586 = arith.constant 21 : i32
      %broadcast_in_dim3A_1587 = vector.broadcast %broadcast_in_dim3A_1586 : i32 to vector<16xi32>
      %gather3A_1588 = tpu.vector_load_idx %arg11[%add3A_1444, %and3A_1448, %broadcast_in_dim3A_1587] : memref<16x8x64xf32, #tpu.memory_space<vmem>>[vector<16xi32>, vector<16xi32>, vector<16xi32>], vector<16xf32>,
      %gather3A_1589 = tpu.vector_load_idx %arg12[%add3A_1444, %and3A_1453, %broadcast_in_dim3A_1587] : memref<16x8x64xf32, #tpu.memory_space<vmem>>[vector<16xi32>, vector<16xi32>, vector<16xi32>], vector<16xf32>,
      %mul3A_1590 = arith.mulf %gather3A_1588, %gather3A_1589 : vector<16xf32>
      %add3A_1591 = arith.addf %add3A_1585, %mul3A_1590 : vector<16xf32>
      %broadcast_in_dim3A_1592 = arith.constant 22 : i32
      %broadcast_in_dim3A_1593 = vector.broadcast %broadcast_in_dim3A_1592 : i32 to vector<16xi32>
      %gather3A_1594 = tpu.vector_load_idx %arg11[%add3A_1444, %and3A_1448, %broadcast_in_dim3A_1593] : memref<16x8x64xf32, #tpu.memory_space<vmem>>[vector<16xi32>, vector<16xi32>, vector<16xi32>], vector<16xf32>,
      %gather3A_1595 = tpu.vector_load_idx %arg12[%add3A_1444, %and3A_1453, %broadcast_in_dim3A_1593] : memref<16x8x64xf32, #tpu.memory_space<vmem>>[vector<16xi32>, vector<16xi32>, vector<16xi32>], vector<16xf32>,
      %mul3A_1596 = arith.mulf %gather3A_1594, %gather3A_1595 : vector<16xf32>
      %add3A_1597 = arith.addf %add3A_1591, %mul3A_1596 : vector<16xf32>
      %broadcast_in_dim3A_1598 = arith.constant 23 : i32
      %broadcast_in_dim3A_1599 = vector.broadcast %broadcast_in_dim3A_1598 : i32 to vector<16xi32>
      %gather3A_1600 = tpu.vector_load_idx %arg11[%add3A_1444, %and3A_1448, %broadcast_in_dim3A_1599] : memref<16x8x64xf32, #tpu.memory_space<vmem>>[vector<16xi32>, vector<16xi32>, vector<16xi32>], vector<16xf32>,
      %gather3A_1601 = tpu.vector_load_idx %arg12[%add3A_1444, %and3A_1453, %broadcast_in_dim3A_1599] : memref<16x8x64xf32, #tpu.memory_space<vmem>>[vector<16xi32>, vector<16xi32>, vector<16xi32>], vector<16xf32>,
      %mul3A_1602 = arith.mulf %gather3A_1600, %gather3A_1601 : vector<16xf32>
      %add3A_1603 = arith.addf %add3A_1597, %mul3A_1602 : vector<16xf32>
      %broadcast_in_dim3A_1604 = arith.constant 24 : i32
      %broadcast_in_dim3A_1605 = vector.broadcast %broadcast_in_dim3A_1604 : i32 to vector<16xi32>
      %gather3A_1606 = tpu.vector_load_idx %arg11[%add3A_1444, %and3A_1448, %broadcast_in_dim3A_1605] : memref<16x8x64xf32, #tpu.memory_space<vmem>>[vector<16xi32>, vector<16xi32>, vector<16xi32>], vector<16xf32>,
      %gather3A_1607 = tpu.vector_load_idx %arg12[%add3A_1444, %and3A_1453, %broadcast_in_dim3A_1605] : memref<16x8x64xf32, #tpu.memory_space<vmem>>[vector<16xi32>, vector<16xi32>, vector<16xi32>], vector<16xf32>,
      %mul3A_1608 = arith.mulf %gather3A_1606, %gather3A_1607 : vector<16xf32>
      %add3A_1609 = arith.addf %add3A_1603, %mul3A_1608 : vector<16xf32>
      %broadcast_in_dim3A_1610 = arith.constant 25 : i32
      %broadcast_in_dim3A_1611 = vector.broadcast %broadcast_in_dim3A_1610 : i32 to vector<16xi32>
      %gather3A_1612 = tpu.vector_load_idx %arg11[%add3A_1444, %and3A_1448, %broadcast_in_dim3A_1611] : memref<16x8x64xf32, #tpu.memory_space<vmem>>[vector<16xi32>, vector<16xi32>, vector<16xi32>], vector<16xf32>,
      %gather3A_1613 = tpu.vector_load_idx %arg12[%add3A_1444, %and3A_1453, %broadcast_in_dim3A_1611] : memref<16x8x64xf32, #tpu.memory_space<vmem>>[vector<16xi32>, vector<16xi32>, vector<16xi32>], vector<16xf32>,
      %mul3A_1614 = arith.mulf %gather3A_1612, %gather3A_1613 : vector<16xf32>
      %add3A_1615 = arith.addf %add3A_1609, %mul3A_1614 : vector<16xf32>
      %broadcast_in_dim3A_1616 = arith.constant 26 : i32
      %broadcast_in_dim3A_1617 = vector.broadcast %broadcast_in_dim3A_1616 : i32 to vector<16xi32>
      %gather3A_1618 = tpu.vector_load_idx %arg11[%add3A_1444, %and3A_1448, %broadcast_in_dim3A_1617] : memref<16x8x64xf32, #tpu.memory_space<vmem>>[vector<16xi32>, vector<16xi32>, vector<16xi32>], vector<16xf32>,
      %gather3A_1619 = tpu.vector_load_idx %arg12[%add3A_1444, %and3A_1453, %broadcast_in_dim3A_1617] : memref<16x8x64xf32, #tpu.memory_space<vmem>>[vector<16xi32>, vector<16xi32>, vector<16xi32>], vector<16xf32>,
      %mul3A_1620 = arith.mulf %gather3A_1618, %gather3A_1619 : vector<16xf32>
      %add3A_1621 = arith.addf %add3A_1615, %mul3A_1620 : vector<16xf32>
      %broadcast_in_dim3A_1622 = arith.constant 27 : i32
      %broadcast_in_dim3A_1623 = vector.broadcast %broadcast_in_dim3A_1622 : i32 to vector<16xi32>
      %gather3A_1624 = tpu.vector_load_idx %arg11[%add3A_1444, %and3A_1448, %broadcast_in_dim3A_1623] : memref<16x8x64xf32, #tpu.memory_space<vmem>>[vector<16xi32>, vector<16xi32>, vector<16xi32>], vector<16xf32>,
      %gather3A_1625 = tpu.vector_load_idx %arg12[%add3A_1444, %and3A_1453, %broadcast_in_dim3A_1623] : memref<16x8x64xf32, #tpu.memory_space<vmem>>[vector<16xi32>, vector<16xi32>, vector<16xi32>], vector<16xf32>,
      %mul3A_1626 = arith.mulf %gather3A_1624, %gather3A_1625 : vector<16xf32>
      %add3A_1627 = arith.addf %add3A_1621, %mul3A_1626 : vector<16xf32>
      %broadcast_in_dim3A_1628 = arith.constant 28 : i32
      %broadcast_in_dim3A_1629 = vector.broadcast %broadcast_in_dim3A_1628 : i32 to vector<16xi32>
      %gather3A_1630 = tpu.vector_load_idx %arg11[%add3A_1444, %and3A_1448, %broadcast_in_dim3A_1629] : memref<16x8x64xf32, #tpu.memory_space<vmem>>[vector<16xi32>, vector<16xi32>, vector<16xi32>], vector<16xf32>,
      %gather3A_1631 = tpu.vector_load_idx %arg12[%add3A_1444, %and3A_1453, %broadcast_in_dim3A_1629] : memref<16x8x64xf32, #tpu.memory_space<vmem>>[vector<16xi32>, vector<16xi32>, vector<16xi32>], vector<16xf32>,
      %mul3A_1632 = arith.mulf %gather3A_1630, %gather3A_1631 : vector<16xf32>
      %add3A_1633 = arith.addf %add3A_1627, %mul3A_1632 : vector<16xf32>
      %broadcast_in_dim3A_1634 = arith.constant 29 : i32
      %broadcast_in_dim3A_1635 = vector.broadcast %broadcast_in_dim3A_1634 : i32 to vector<16xi32>
      %gather3A_1636 = tpu.vector_load_idx %arg11[%add3A_1444, %and3A_1448, %broadcast_in_dim3A_1635] : memref<16x8x64xf32, #tpu.memory_space<vmem>>[vector<16xi32>, vector<16xi32>, vector<16xi32>], vector<16xf32>,
      %gather3A_1637 = tpu.vector_load_idx %arg12[%add3A_1444, %and3A_1453, %broadcast_in_dim3A_1635] : memref<16x8x64xf32, #tpu.memory_space<vmem>>[vector<16xi32>, vector<16xi32>, vector<16xi32>], vector<16xf32>,
      %mul3A_1638 = arith.mulf %gather3A_1636, %gather3A_1637 : vector<16xf32>
      %add3A_1639 = arith.addf %add3A_1633, %mul3A_1638 : vector<16xf32>
      %broadcast_in_dim3A_1640 = arith.constant 30 : i32
      %broadcast_in_dim3A_1641 = vector.broadcast %broadcast_in_dim3A_1640 : i32 to vector<16xi32>
      %gather3A_1642 = tpu.vector_load_idx %arg11[%add3A_1444, %and3A_1448, %broadcast_in_dim3A_1641] : memref<16x8x64xf32, #tpu.memory_space<vmem>>[vector<16xi32>, vector<16xi32>, vector<16xi32>], vector<16xf32>,
      %gather3A_1643 = tpu.vector_load_idx %arg12[%add3A_1444, %and3A_1453, %broadcast_in_dim3A_1641] : memref<16x8x64xf32, #tpu.memory_space<vmem>>[vector<16xi32>, vector<16xi32>, vector<16xi32>], vector<16xf32>,
      %mul3A_1644 = arith.mulf %gather3A_1642, %gather3A_1643 : vector<16xf32>
      %add3A_1645 = arith.addf %add3A_1639, %mul3A_1644 : vector<16xf32>
      %broadcast_in_dim3A_1646 = arith.constant 31 : i32
      %broadcast_in_dim3A_1647 = vector.broadcast %broadcast_in_dim3A_1646 : i32 to vector<16xi32>
      %gather3A_1648 = tpu.vector_load_idx %arg11[%add3A_1444, %and3A_1448, %broadcast_in_dim3A_1647] : memref<16x8x64xf32, #tpu.memory_space<vmem>>[vector<16xi32>, vector<16xi32>, vector<16xi32>], vector<16xf32>,
      %gather3A_1649 = tpu.vector_load_idx %arg12[%add3A_1444, %and3A_1453, %broadcast_in_dim3A_1647] : memref<16x8x64xf32, #tpu.memory_space<vmem>>[vector<16xi32>, vector<16xi32>, vector<16xi32>], vector<16xf32>,
      %mul3A_1650 = arith.mulf %gather3A_1648, %gather3A_1649 : vector<16xf32>
      %add3A_1651 = arith.addf %add3A_1645, %mul3A_1650 : vector<16xf32>
      %broadcast_in_dim3A_1652 = arith.constant 32 : i32
      %broadcast_in_dim3A_1653 = vector.broadcast %broadcast_in_dim3A_1652 : i32 to vector<16xi32>
      %gather3A_1654 = tpu.vector_load_idx %arg11[%add3A_1444, %and3A_1448, %broadcast_in_dim3A_1653] : memref<16x8x64xf32, #tpu.memory_space<vmem>>[vector<16xi32>, vector<16xi32>, vector<16xi32>], vector<16xf32>,
      %gather3A_1655 = tpu.vector_load_idx %arg12[%add3A_1444, %and3A_1453, %broadcast_in_dim3A_1653] : memref<16x8x64xf32, #tpu.memory_space<vmem>>[vector<16xi32>, vector<16xi32>, vector<16xi32>], vector<16xf32>,
      %mul3A_1656 = arith.mulf %gather3A_1654, %gather3A_1655 : vector<16xf32>
      %add3A_1657 = arith.addf %add3A_1651, %mul3A_1656 : vector<16xf32>
      %broadcast_in_dim3A_1658 = arith.constant 33 : i32
      %broadcast_in_dim3A_1659 = vector.broadcast %broadcast_in_dim3A_1658 : i32 to vector<16xi32>
      %gather3A_1660 = tpu.vector_load_idx %arg11[%add3A_1444, %and3A_1448, %broadcast_in_dim3A_1659] : memref<16x8x64xf32, #tpu.memory_space<vmem>>[vector<16xi32>, vector<16xi32>, vector<16xi32>], vector<16xf32>,
      %gather3A_1661 = tpu.vector_load_idx %arg12[%add3A_1444, %and3A_1453, %broadcast_in_dim3A_1659] : memref<16x8x64xf32, #tpu.memory_space<vmem>>[vector<16xi32>, vector<16xi32>, vector<16xi32>], vector<16xf32>,
      %mul3A_1662 = arith.mulf %gather3A_1660, %gather3A_1661 : vector<16xf32>
      %add3A_1663 = arith.addf %add3A_1657, %mul3A_1662 : vector<16xf32>
      %broadcast_in_dim3A_1664 = arith.constant 34 : i32
      %broadcast_in_dim3A_1665 = vector.broadcast %broadcast_in_dim3A_1664 : i32 to vector<16xi32>
      %gather3A_1666 = tpu.vector_load_idx %arg11[%add3A_1444, %and3A_1448, %broadcast_in_dim3A_1665] : memref<16x8x64xf32, #tpu.memory_space<vmem>>[vector<16xi32>, vector<16xi32>, vector<16xi32>], vector<16xf32>,
      %gather3A_1667 = tpu.vector_load_idx %arg12[%add3A_1444, %and3A_1453, %broadcast_in_dim3A_1665] : memref<16x8x64xf32, #tpu.memory_space<vmem>>[vector<16xi32>, vector<16xi32>, vector<16xi32>], vector<16xf32>,
      %mul3A_1668 = arith.mulf %gather3A_1666, %gather3A_1667 : vector<16xf32>
      %add3A_1669 = arith.addf %add3A_1663, %mul3A_1668 : vector<16xf32>
      %broadcast_in_dim3A_1670 = arith.constant 35 : i32
      %broadcast_in_dim3A_1671 = vector.broadcast %broadcast_in_dim3A_1670 : i32 to vector<16xi32>
      %gather3A_1672 = tpu.vector_load_idx %arg11[%add3A_1444, %and3A_1448, %broadcast_in_dim3A_1671] : memref<16x8x64xf32, #tpu.memory_space<vmem>>[vector<16xi32>, vector<16xi32>, vector<16xi32>], vector<16xf32>,
      %gather3A_1673 = tpu.vector_load_idx %arg12[%add3A_1444, %and3A_1453, %broadcast_in_dim3A_1671] : memref<16x8x64xf32, #tpu.memory_space<vmem>>[vector<16xi32>, vector<16xi32>, vector<16xi32>], vector<16xf32>,
      %mul3A_1674 = arith.mulf %gather3A_1672, %gather3A_1673 : vector<16xf32>
      %add3A_1675 = arith.addf %add3A_1669, %mul3A_1674 : vector<16xf32>
      %broadcast_in_dim3A_1676 = arith.constant 36 : i32
      %broadcast_in_dim3A_1677 = vector.broadcast %broadcast_in_dim3A_1676 : i32 to vector<16xi32>
      %gather3A_1678 = tpu.vector_load_idx %arg11[%add3A_1444, %and3A_1448, %broadcast_in_dim3A_1677] : memref<16x8x64xf32, #tpu.memory_space<vmem>>[vector<16xi32>, vector<16xi32>, vector<16xi32>], vector<16xf32>,
      %gather3A_1679 = tpu.vector_load_idx %arg12[%add3A_1444, %and3A_1453, %broadcast_in_dim3A_1677] : memref<16x8x64xf32, #tpu.memory_space<vmem>>[vector<16xi32>, vector<16xi32>, vector<16xi32>], vector<16xf32>,
      %mul3A_1680 = arith.mulf %gather3A_1678, %gather3A_1679 : vector<16xf32>
      %add3A_1681 = arith.addf %add3A_1675, %mul3A_1680 : vector<16xf32>
      %broadcast_in_dim3A_1682 = arith.constant 37 : i32
      %broadcast_in_dim3A_1683 = vector.broadcast %broadcast_in_dim3A_1682 : i32 to vector<16xi32>
      %gather3A_1684 = tpu.vector_load_idx %arg11[%add3A_1444, %and3A_1448, %broadcast_in_dim3A_1683] : memref<16x8x64xf32, #tpu.memory_space<vmem>>[vector<16xi32>, vector<16xi32>, vector<16xi32>], vector<16xf32>,
      %gather3A_1685 = tpu.vector_load_idx %arg12[%add3A_1444, %and3A_1453, %broadcast_in_dim3A_1683] : memref<16x8x64xf32, #tpu.memory_space<vmem>>[vector<16xi32>, vector<16xi32>, vector<16xi32>], vector<16xf32>,
      %mul3A_1686 = arith.mulf %gather3A_1684, %gather3A_1685 : vector<16xf32>
      %add3A_1687 = arith.addf %add3A_1681, %mul3A_1686 : vector<16xf32>
      %broadcast_in_dim3A_1688 = arith.constant 38 : i32
      %broadcast_in_dim3A_1689 = vector.broadcast %broadcast_in_dim3A_1688 : i32 to vector<16xi32>
      %gather3A_1690 = tpu.vector_load_idx %arg11[%add3A_1444, %and3A_1448, %broadcast_in_dim3A_1689] : memref<16x8x64xf32, #tpu.memory_space<vmem>>[vector<16xi32>, vector<16xi32>, vector<16xi32>], vector<16xf32>,
      %gather3A_1691 = tpu.vector_load_idx %arg12[%add3A_1444, %and3A_1453, %broadcast_in_dim3A_1689] : memref<16x8x64xf32, #tpu.memory_space<vmem>>[vector<16xi32>, vector<16xi32>, vector<16xi32>], vector<16xf32>,
      %mul3A_1692 = arith.mulf %gather3A_1690, %gather3A_1691 : vector<16xf32>
      %add3A_1693 = arith.addf %add3A_1687, %mul3A_1692 : vector<16xf32>
      %broadcast_in_dim3A_1694 = arith.constant 39 : i32
      %broadcast_in_dim3A_1695 = vector.broadcast %broadcast_in_dim3A_1694 : i32 to vector<16xi32>
      %gather3A_1696 = tpu.vector_load_idx %arg11[%add3A_1444, %and3A_1448, %broadcast_in_dim3A_1695] : memref<16x8x64xf32, #tpu.memory_space<vmem>>[vector<16xi32>, vector<16xi32>, vector<16xi32>], vector<16xf32>,
      %gather3A_1697 = tpu.vector_load_idx %arg12[%add3A_1444, %and3A_1453, %broadcast_in_dim3A_1695] : memref<16x8x64xf32, #tpu.memory_space<vmem>>[vector<16xi32>, vector<16xi32>, vector<16xi32>], vector<16xf32>,
      %mul3A_1698 = arith.mulf %gather3A_1696, %gather3A_1697 : vector<16xf32>
      %add3A_1699 = arith.addf %add3A_1693, %mul3A_1698 : vector<16xf32>
      %broadcast_in_dim3A_1700 = arith.constant 40 : i32
      %broadcast_in_dim3A_1701 = vector.broadcast %broadcast_in_dim3A_1700 : i32 to vector<16xi32>
      %gather3A_1702 = tpu.vector_load_idx %arg11[%add3A_1444, %and3A_1448, %broadcast_in_dim3A_1701] : memref<16x8x64xf32, #tpu.memory_space<vmem>>[vector<16xi32>, vector<16xi32>, vector<16xi32>], vector<16xf32>,
      %gather3A_1703 = tpu.vector_load_idx %arg12[%add3A_1444, %and3A_1453, %broadcast_in_dim3A_1701] : memref<16x8x64xf32, #tpu.memory_space<vmem>>[vector<16xi32>, vector<16xi32>, vector<16xi32>], vector<16xf32>,
      %mul3A_1704 = arith.mulf %gather3A_1702, %gather3A_1703 : vector<16xf32>
      %add3A_1705 = arith.addf %add3A_1699, %mul3A_1704 : vector<16xf32>
      %broadcast_in_dim3A_1706 = arith.constant 41 : i32
      %broadcast_in_dim3A_1707 = vector.broadcast %broadcast_in_dim3A_1706 : i32 to vector<16xi32>
      %gather3A_1708 = tpu.vector_load_idx %arg11[%add3A_1444, %and3A_1448, %broadcast_in_dim3A_1707] : memref<16x8x64xf32, #tpu.memory_space<vmem>>[vector<16xi32>, vector<16xi32>, vector<16xi32>], vector<16xf32>,
      %gather3A_1709 = tpu.vector_load_idx %arg12[%add3A_1444, %and3A_1453, %broadcast_in_dim3A_1707] : memref<16x8x64xf32, #tpu.memory_space<vmem>>[vector<16xi32>, vector<16xi32>, vector<16xi32>], vector<16xf32>,
      %mul3A_1710 = arith.mulf %gather3A_1708, %gather3A_1709 : vector<16xf32>
      %add3A_1711 = arith.addf %add3A_1705, %mul3A_1710 : vector<16xf32>
      %broadcast_in_dim3A_1712 = arith.constant 42 : i32
      %broadcast_in_dim3A_1713 = vector.broadcast %broadcast_in_dim3A_1712 : i32 to vector<16xi32>
      %gather3A_1714 = tpu.vector_load_idx %arg11[%add3A_1444, %and3A_1448, %broadcast_in_dim3A_1713] : memref<16x8x64xf32, #tpu.memory_space<vmem>>[vector<16xi32>, vector<16xi32>, vector<16xi32>], vector<16xf32>,
      %gather3A_1715 = tpu.vector_load_idx %arg12[%add3A_1444, %and3A_1453, %broadcast_in_dim3A_1713] : memref<16x8x64xf32, #tpu.memory_space<vmem>>[vector<16xi32>, vector<16xi32>, vector<16xi32>], vector<16xf32>,
      %mul3A_1716 = arith.mulf %gather3A_1714, %gather3A_1715 : vector<16xf32>
      %add3A_1717 = arith.addf %add3A_1711, %mul3A_1716 : vector<16xf32>
      %broadcast_in_dim3A_1718 = arith.constant 43 : i32
      %broadcast_in_dim3A_1719 = vector.broadcast %broadcast_in_dim3A_1718 : i32 to vector<16xi32>
      %gather3A_1720 = tpu.vector_load_idx %arg11[%add3A_1444, %and3A_1448, %broadcast_in_dim3A_1719] : memref<16x8x64xf32, #tpu.memory_space<vmem>>[vector<16xi32>, vector<16xi32>, vector<16xi32>], vector<16xf32>,
      %gather3A_1721 = tpu.vector_load_idx %arg12[%add3A_1444, %and3A_1453, %broadcast_in_dim3A_1719] : memref<16x8x64xf32, #tpu.memory_space<vmem>>[vector<16xi32>, vector<16xi32>, vector<16xi32>], vector<16xf32>,
      %mul3A_1722 = arith.mulf %gather3A_1720, %gather3A_1721 : vector<16xf32>
      %add3A_1723 = arith.addf %add3A_1717, %mul3A_1722 : vector<16xf32>
      %broadcast_in_dim3A_1724 = arith.constant 44 : i32
      %broadcast_in_dim3A_1725 = vector.broadcast %broadcast_in_dim3A_1724 : i32 to vector<16xi32>
      %gather3A_1726 = tpu.vector_load_idx %arg11[%add3A_1444, %and3A_1448, %broadcast_in_dim3A_1725] : memref<16x8x64xf32, #tpu.memory_space<vmem>>[vector<16xi32>, vector<16xi32>, vector<16xi32>], vector<16xf32>,
      %gather3A_1727 = tpu.vector_load_idx %arg12[%add3A_1444, %and3A_1453, %broadcast_in_dim3A_1725] : memref<16x8x64xf32, #tpu.memory_space<vmem>>[vector<16xi32>, vector<16xi32>, vector<16xi32>], vector<16xf32>,
      %mul3A_1728 = arith.mulf %gather3A_1726, %gather3A_1727 : vector<16xf32>
      %add3A_1729 = arith.addf %add3A_1723, %mul3A_1728 : vector<16xf32>
      %broadcast_in_dim3A_1730 = arith.constant 45 : i32
      %broadcast_in_dim3A_1731 = vector.broadcast %broadcast_in_dim3A_1730 : i32 to vector<16xi32>
      %gather3A_1732 = tpu.vector_load_idx %arg11[%add3A_1444, %and3A_1448, %broadcast_in_dim3A_1731] : memref<16x8x64xf32, #tpu.memory_space<vmem>>[vector<16xi32>, vector<16xi32>, vector<16xi32>], vector<16xf32>,
      %gather3A_1733 = tpu.vector_load_idx %arg12[%add3A_1444, %and3A_1453, %broadcast_in_dim3A_1731] : memref<16x8x64xf32, #tpu.memory_space<vmem>>[vector<16xi32>, vector<16xi32>, vector<16xi32>], vector<16xf32>,
      %mul3A_1734 = arith.mulf %gather3A_1732, %gather3A_1733 : vector<16xf32>
      %add3A_1735 = arith.addf %add3A_1729, %mul3A_1734 : vector<16xf32>
      %broadcast_in_dim3A_1736 = arith.constant 46 : i32
      %broadcast_in_dim3A_1737 = vector.broadcast %broadcast_in_dim3A_1736 : i32 to vector<16xi32>
      %gather3A_1738 = tpu.vector_load_idx %arg11[%add3A_1444, %and3A_1448, %broadcast_in_dim3A_1737] : memref<16x8x64xf32, #tpu.memory_space<vmem>>[vector<16xi32>, vector<16xi32>, vector<16xi32>], vector<16xf32>,
      %gather3A_1739 = tpu.vector_load_idx %arg12[%add3A_1444, %and3A_1453, %broadcast_in_dim3A_1737] : memref<16x8x64xf32, #tpu.memory_space<vmem>>[vector<16xi32>, vector<16xi32>, vector<16xi32>], vector<16xf32>,
      %mul3A_1740 = arith.mulf %gather3A_1738, %gather3A_1739 : vector<16xf32>
      %add3A_1741 = arith.addf %add3A_1735, %mul3A_1740 : vector<16xf32>
      %broadcast_in_dim3A_1742 = arith.constant 47 : i32
      %broadcast_in_dim3A_1743 = vector.broadcast %broadcast_in_dim3A_1742 : i32 to vector<16xi32>
      %gather3A_1744 = tpu.vector_load_idx %arg11[%add3A_1444, %and3A_1448, %broadcast_in_dim3A_1743] : memref<16x8x64xf32, #tpu.memory_space<vmem>>[vector<16xi32>, vector<16xi32>, vector<16xi32>], vector<16xf32>,
      %gather3A_1745 = tpu.vector_load_idx %arg12[%add3A_1444, %and3A_1453, %broadcast_in_dim3A_1743] : memref<16x8x64xf32, #tpu.memory_space<vmem>>[vector<16xi32>, vector<16xi32>, vector<16xi32>], vector<16xf32>,
      %mul3A_1746 = arith.mulf %gather3A_1744, %gather3A_1745 : vector<16xf32>
      %add3A_1747 = arith.addf %add3A_1741, %mul3A_1746 : vector<16xf32>
      %broadcast_in_dim3A_1748 = arith.constant 48 : i32
      %broadcast_in_dim3A_1749 = vector.broadcast %broadcast_in_dim3A_1748 : i32 to vector<16xi32>
      %gather3A_1750 = tpu.vector_load_idx %arg11[%add3A_1444, %and3A_1448, %broadcast_in_dim3A_1749] : memref<16x8x64xf32, #tpu.memory_space<vmem>>[vector<16xi32>, vector<16xi32>, vector<16xi32>], vector<16xf32>,
      %gather3A_1751 = tpu.vector_load_idx %arg12[%add3A_1444, %and3A_1453, %broadcast_in_dim3A_1749] : memref<16x8x64xf32, #tpu.memory_space<vmem>>[vector<16xi32>, vector<16xi32>, vector<16xi32>], vector<16xf32>,
      %mul3A_1752 = arith.mulf %gather3A_1750, %gather3A_1751 : vector<16xf32>
      %add3A_1753 = arith.addf %add3A_1747, %mul3A_1752 : vector<16xf32>
      %broadcast_in_dim3A_1754 = arith.constant 49 : i32
      %broadcast_in_dim3A_1755 = vector.broadcast %broadcast_in_dim3A_1754 : i32 to vector<16xi32>
      %gather3A_1756 = tpu.vector_load_idx %arg11[%add3A_1444, %and3A_1448, %broadcast_in_dim3A_1755] : memref<16x8x64xf32, #tpu.memory_space<vmem>>[vector<16xi32>, vector<16xi32>, vector<16xi32>], vector<16xf32>,
      %gather3A_1757 = tpu.vector_load_idx %arg12[%add3A_1444, %and3A_1453, %broadcast_in_dim3A_1755] : memref<16x8x64xf32, #tpu.memory_space<vmem>>[vector<16xi32>, vector<16xi32>, vector<16xi32>], vector<16xf32>,
      %mul3A_1758 = arith.mulf %gather3A_1756, %gather3A_1757 : vector<16xf32>
      %add3A_1759 = arith.addf %add3A_1753, %mul3A_1758 : vector<16xf32>
      %broadcast_in_dim3A_1760 = arith.constant 50 : i32
      %broadcast_in_dim3A_1761 = vector.broadcast %broadcast_in_dim3A_1760 : i32 to vector<16xi32>
      %gather3A_1762 = tpu.vector_load_idx %arg11[%add3A_1444, %and3A_1448, %broadcast_in_dim3A_1761] : memref<16x8x64xf32, #tpu.memory_space<vmem>>[vector<16xi32>, vector<16xi32>, vector<16xi32>], vector<16xf32>,
      %gather3A_1763 = tpu.vector_load_idx %arg12[%add3A_1444, %and3A_1453, %broadcast_in_dim3A_1761] : memref<16x8x64xf32, #tpu.memory_space<vmem>>[vector<16xi32>, vector<16xi32>, vector<16xi32>], vector<16xf32>,
      %mul3A_1764 = arith.mulf %gather3A_1762, %gather3A_1763 : vector<16xf32>
      %add3A_1765 = arith.addf %add3A_1759, %mul3A_1764 : vector<16xf32>
      %broadcast_in_dim3A_1766 = arith.constant 51 : i32
      %broadcast_in_dim3A_1767 = vector.broadcast %broadcast_in_dim3A_1766 : i32 to vector<16xi32>
      %gather3A_1768 = tpu.vector_load_idx %arg11[%add3A_1444, %and3A_1448, %broadcast_in_dim3A_1767] : memref<16x8x64xf32, #tpu.memory_space<vmem>>[vector<16xi32>, vector<16xi32>, vector<16xi32>], vector<16xf32>,
      %gather3A_1769 = tpu.vector_load_idx %arg12[%add3A_1444, %and3A_1453, %broadcast_in_dim3A_1767] : memref<16x8x64xf32, #tpu.memory_space<vmem>>[vector<16xi32>, vector<16xi32>, vector<16xi32>], vector<16xf32>,
      %mul3A_1770 = arith.mulf %gather3A_1768, %gather3A_1769 : vector<16xf32>
      %add3A_1771 = arith.addf %add3A_1765, %mul3A_1770 : vector<16xf32>
      %broadcast_in_dim3A_1772 = arith.constant 52 : i32
      %broadcast_in_dim3A_1773 = vector.broadcast %broadcast_in_dim3A_1772 : i32 to vector<16xi32>
      %gather3A_1774 = tpu.vector_load_idx %arg11[%add3A_1444, %and3A_1448, %broadcast_in_dim3A_1773] : memref<16x8x64xf32, #tpu.memory_space<vmem>>[vector<16xi32>, vector<16xi32>, vector<16xi32>], vector<16xf32>,
      %gather3A_1775 = tpu.vector_load_idx %arg12[%add3A_1444, %and3A_1453, %broadcast_in_dim3A_1773] : memref<16x8x64xf32, #tpu.memory_space<vmem>>[vector<16xi32>, vector<16xi32>, vector<16xi32>], vector<16xf32>,
      %mul3A_1776 = arith.mulf %gather3A_1774, %gather3A_1775 : vector<16xf32>
      %add3A_1777 = arith.addf %add3A_1771, %mul3A_1776 : vector<16xf32>
      %broadcast_in_dim3A_1778 = arith.constant 53 : i32
      %broadcast_in_dim3A_1779 = vector.broadcast %broadcast_in_dim3A_1778 : i32 to vector<16xi32>
      %gather3A_1780 = tpu.vector_load_idx %arg11[%add3A_1444, %and3A_1448, %broadcast_in_dim3A_1779] : memref<16x8x64xf32, #tpu.memory_space<vmem>>[vector<16xi32>, vector<16xi32>, vector<16xi32>], vector<16xf32>,
      %gather3A_1781 = tpu.vector_load_idx %arg12[%add3A_1444, %and3A_1453, %broadcast_in_dim3A_1779] : memref<16x8x64xf32, #tpu.memory_space<vmem>>[vector<16xi32>, vector<16xi32>, vector<16xi32>], vector<16xf32>,
      %mul3A_1782 = arith.mulf %gather3A_1780, %gather3A_1781 : vector<16xf32>
      %add3A_1783 = arith.addf %add3A_1777, %mul3A_1782 : vector<16xf32>
      %broadcast_in_dim3A_1784 = arith.constant 54 : i32
      %broadcast_in_dim3A_1785 = vector.broadcast %broadcast_in_dim3A_1784 : i32 to vector<16xi32>
      %gather3A_1786 = tpu.vector_load_idx %arg11[%add3A_1444, %and3A_1448, %broadcast_in_dim3A_1785] : memref<16x8x64xf32, #tpu.memory_space<vmem>>[vector<16xi32>, vector<16xi32>, vector<16xi32>], vector<16xf32>,
      %gather3A_1787 = tpu.vector_load_idx %arg12[%add3A_1444, %and3A_1453, %broadcast_in_dim3A_1785] : memref<16x8x64xf32, #tpu.memory_space<vmem>>[vector<16xi32>, vector<16xi32>, vector<16xi32>], vector<16xf32>,
      %mul3A_1788 = arith.mulf %gather3A_1786, %gather3A_1787 : vector<16xf32>
      %add3A_1789 = arith.addf %add3A_1783, %mul3A_1788 : vector<16xf32>
      %broadcast_in_dim3A_1790 = arith.constant 55 : i32
      %broadcast_in_dim3A_1791 = vector.broadcast %broadcast_in_dim3A_1790 : i32 to vector<16xi32>
      %gather3A_1792 = tpu.vector_load_idx %arg11[%add3A_1444, %and3A_1448, %broadcast_in_dim3A_1791] : memref<16x8x64xf32, #tpu.memory_space<vmem>>[vector<16xi32>, vector<16xi32>, vector<16xi32>], vector<16xf32>,
      %gather3A_1793 = tpu.vector_load_idx %arg12[%add3A_1444, %and3A_1453, %broadcast_in_dim3A_1791] : memref<16x8x64xf32, #tpu.memory_space<vmem>>[vector<16xi32>, vector<16xi32>, vector<16xi32>], vector<16xf32>,
      %mul3A_1794 = arith.mulf %gather3A_1792, %gather3A_1793 : vector<16xf32>
      %add3A_1795 = arith.addf %add3A_1789, %mul3A_1794 : vector<16xf32>
      %broadcast_in_dim3A_1796 = arith.constant 56 : i32
      %broadcast_in_dim3A_1797 = vector.broadcast %broadcast_in_dim3A_1796 : i32 to vector<16xi32>
      %gather3A_1798 = tpu.vector_load_idx %arg11[%add3A_1444, %and3A_1448, %broadcast_in_dim3A_1797] : memref<16x8x64xf32, #tpu.memory_space<vmem>>[vector<16xi32>, vector<16xi32>, vector<16xi32>], vector<16xf32>,
      %gather3A_1799 = tpu.vector_load_idx %arg12[%add3A_1444, %and3A_1453, %broadcast_in_dim3A_1797] : memref<16x8x64xf32, #tpu.memory_space<vmem>>[vector<16xi32>, vector<16xi32>, vector<16xi32>], vector<16xf32>,
      %mul3A_1800 = arith.mulf %gather3A_1798, %gather3A_1799 : vector<16xf32>
      %add3A_1801 = arith.addf %add3A_1795, %mul3A_1800 : vector<16xf32>
      %broadcast_in_dim3A_1802 = arith.constant 57 : i32
      %broadcast_in_dim3A_1803 = vector.broadcast %broadcast_in_dim3A_1802 : i32 to vector<16xi32>
      %gather3A_1804 = tpu.vector_load_idx %arg11[%add3A_1444, %and3A_1448, %broadcast_in_dim3A_1803] : memref<16x8x64xf32, #tpu.memory_space<vmem>>[vector<16xi32>, vector<16xi32>, vector<16xi32>], vector<16xf32>,
      %gather3A_1805 = tpu.vector_load_idx %arg12[%add3A_1444, %and3A_1453, %broadcast_in_dim3A_1803] : memref<16x8x64xf32, #tpu.memory_space<vmem>>[vector<16xi32>, vector<16xi32>, vector<16xi32>], vector<16xf32>,
      %mul3A_1806 = arith.mulf %gather3A_1804, %gather3A_1805 : vector<16xf32>
      %add3A_1807 = arith.addf %add3A_1801, %mul3A_1806 : vector<16xf32>
      %broadcast_in_dim3A_1808 = arith.constant 58 : i32
      %broadcast_in_dim3A_1809 = vector.broadcast %broadcast_in_dim3A_1808 : i32 to vector<16xi32>
      %gather3A_1810 = tpu.vector_load_idx %arg11[%add3A_1444, %and3A_1448, %broadcast_in_dim3A_1809] : memref<16x8x64xf32, #tpu.memory_space<vmem>>[vector<16xi32>, vector<16xi32>, vector<16xi32>], vector<16xf32>,
      %gather3A_1811 = tpu.vector_load_idx %arg12[%add3A_1444, %and3A_1453, %broadcast_in_dim3A_1809] : memref<16x8x64xf32, #tpu.memory_space<vmem>>[vector<16xi32>, vector<16xi32>, vector<16xi32>], vector<16xf32>,
      %mul3A_1812 = arith.mulf %gather3A_1810, %gather3A_1811 : vector<16xf32>
      %add3A_1813 = arith.addf %add3A_1807, %mul3A_1812 : vector<16xf32>
      %broadcast_in_dim3A_1814 = arith.constant 59 : i32
      %broadcast_in_dim3A_1815 = vector.broadcast %broadcast_in_dim3A_1814 : i32 to vector<16xi32>
      %gather3A_1816 = tpu.vector_load_idx %arg11[%add3A_1444, %and3A_1448, %broadcast_in_dim3A_1815] : memref<16x8x64xf32, #tpu.memory_space<vmem>>[vector<16xi32>, vector<16xi32>, vector<16xi32>], vector<16xf32>,
      %gather3A_1817 = tpu.vector_load_idx %arg12[%add3A_1444, %and3A_1453, %broadcast_in_dim3A_1815] : memref<16x8x64xf32, #tpu.memory_space<vmem>>[vector<16xi32>, vector<16xi32>, vector<16xi32>], vector<16xf32>,
      %mul3A_1818 = arith.mulf %gather3A_1816, %gather3A_1817 : vector<16xf32>
      %add3A_1819 = arith.addf %add3A_1813, %mul3A_1818 : vector<16xf32>
      %broadcast_in_dim3A_1820 = arith.constant 60 : i32
      %broadcast_in_dim3A_1821 = vector.broadcast %broadcast_in_dim3A_1820 : i32 to vector<16xi32>
      %gather3A_1822 = tpu.vector_load_idx %arg11[%add3A_1444, %and3A_1448, %broadcast_in_dim3A_1821] : memref<16x8x64xf32, #tpu.memory_space<vmem>>[vector<16xi32>, vector<16xi32>, vector<16xi32>], vector<16xf32>,
      %gather3A_1823 = tpu.vector_load_idx %arg12[%add3A_1444, %and3A_1453, %broadcast_in_dim3A_1821] : memref<16x8x64xf32, #tpu.memory_space<vmem>>[vector<16xi32>, vector<16xi32>, vector<16xi32>], vector<16xf32>,
      %mul3A_1824 = arith.mulf %gather3A_1822, %gather3A_1823 : vector<16xf32>
      %add3A_1825 = arith.addf %add3A_1819, %mul3A_1824 : vector<16xf32>
      %broadcast_in_dim3A_1826 = arith.constant 61 : i32
      %broadcast_in_dim3A_1827 = vector.broadcast %broadcast_in_dim3A_1826 : i32 to vector<16xi32>
      %gather3A_1828 = tpu.vector_load_idx %arg11[%add3A_1444, %and3A_1448, %broadcast_in_dim3A_1827] : memref<16x8x64xf32, #tpu.memory_space<vmem>>[vector<16xi32>, vector<16xi32>, vector<16xi32>], vector<16xf32>,
      %gather3A_1829 = tpu.vector_load_idx %arg12[%add3A_1444, %and3A_1453, %broadcast_in_dim3A_1827] : memref<16x8x64xf32, #tpu.memory_space<vmem>>[vector<16xi32>, vector<16xi32>, vector<16xi32>], vector<16xf32>,
      %mul3A_1830 = arith.mulf %gather3A_1828, %gather3A_1829 : vector<16xf32>
      %add3A_1831 = arith.addf %add3A_1825, %mul3A_1830 : vector<16xf32>
      %broadcast_in_dim3A_1832 = arith.constant 62 : i32
      %broadcast_in_dim3A_1833 = vector.broadcast %broadcast_in_dim3A_1832 : i32 to vector<16xi32>
      %gather3A_1834 = tpu.vector_load_idx %arg11[%add3A_1444, %and3A_1448, %broadcast_in_dim3A_1833] : memref<16x8x64xf32, #tpu.memory_space<vmem>>[vector<16xi32>, vector<16xi32>, vector<16xi32>], vector<16xf32>,
      %gather3A_1835 = tpu.vector_load_idx %arg12[%add3A_1444, %and3A_1453, %broadcast_in_dim3A_1833] : memref<16x8x64xf32, #tpu.memory_space<vmem>>[vector<16xi32>, vector<16xi32>, vector<16xi32>], vector<16xf32>,
      %mul3A_1836 = arith.mulf %gather3A_1834, %gather3A_1835 : vector<16xf32>
      %add3A_1837 = arith.addf %add3A_1831, %mul3A_1836 : vector<16xf32>
      %broadcast_in_dim3A_1838 = arith.constant 63 : i32
      %broadcast_in_dim3A_1839 = vector.broadcast %broadcast_in_dim3A_1838 : i32 to vector<16xi32>
      %gather3A_1840 = tpu.vector_load_idx %arg11[%add3A_1444, %and3A_1448, %broadcast_in_dim3A_1839] : memref<16x8x64xf32, #tpu.memory_space<vmem>>[vector<16xi32>, vector<16xi32>, vector<16xi32>], vector<16xf32>,
      %gather3A_1841 = tpu.vector_load_idx %arg12[%add3A_1444, %and3A_1453, %broadcast_in_dim3A_1839] : memref<16x8x64xf32, #tpu.memory_space<vmem>>[vector<16xi32>, vector<16xi32>, vector<16xi32>], vector<16xf32>,
      %mul3A_1842 = arith.mulf %gather3A_1840, %gather3A_1841 : vector<16xf32>
      %add3A_1843 = arith.addf %add3A_1837, %mul3A_1842 : vector<16xf32>
      %swap3A = arith.index_cast %add3A_1440 : i32 to index
      %swap3A_1844 = tpu.vector_load %arg17[%swap3A] {strides = array<i32>} : memref<512xf32, #tpu.memory_space<vmem>>, vector<16xf32>,
      tpu.vector_store %arg17[%swap3A], %add3A_1843 {strides = array<i32>} : memref<512xf32, #tpu.memory_space<vmem>>, vector<16xf32>,
      %scan3A_1845 = arith.constant 1 : i32
      %add3A_1846 = arith.constant 2 : i32
      %add3A_1847 = arith.addi %mul3A_757, %add3A_1846 : i32
      %lt3A = arith.constant 32 : i32
      %lt3A_1848 = arith.cmpi slt, %add3A_1847, %lt3A : i32
      %convert_element_type3A = arith.extui %lt3A_1848 : i1 to i32
      %cond3A = arith.constant 0 : i32
      %cond3A_1849 = arith.cmpi ne, %convert_element_type3A, %cond3A : i32
      scf.if %cond3A_1849 {
        %add3A_2285 = arith.constant 2 : i32
        %add3A_2286 = arith.addi %mul3A_757, %add3A_2285 : i32
        %scan3A_2287 = arith.constant 0 : i32
        %scan3A_2288 = arith.constant 0 : i32
        %mul3A_2289 = arith.constant 16 : i32
        %mul3A_2290 = arith.muli %add3A_2286, %mul3A_2289 : i32
        %mul3A_2291 = arith.constant 16 : i32
        %mul3A_2292 = arith.muli %scan3A_2288, %mul3A_2291 : i32
        %add3A_2293 = arith.addi %mul3A_2290, %mul3A_2292 : i32
        %get3A_2294 = arith.index_cast %add3A_2293 : i32 to index
        %get3A_2295 = tpu.vector_load %arg9[%get3A_2294] {strides = array<i32>} : memref<512xi32, #tpu.memory_space<vmem>>, vector<16xi32>,
        %shift_right_logical3A_2296 = arith.constant 3 : i32
        %shift_right_logical3A_2297 = vector.broadcast %shift_right_logical3A_2296 : i32 to vector<16xi32>
        %shift_right_logical3A_2298 = arith.shrui %get3A_2295, %shift_right_logical3A_2297 : vector<16xi32>
        %get3A_2299 = arith.index_cast %add3A_2293 : i32 to index
        %get3A_2300 = tpu.vector_load %arg10[%get3A_2299] {strides = array<i32>} : memref<512xi32, #tpu.memory_space<vmem>>, vector<16xi32>,
        %shift_right_logical3A_2301 = arith.constant 3 : i32
        %shift_right_logical3A_2302 = vector.broadcast %shift_right_logical3A_2301 : i32 to vector<16xi32>
        %shift_right_logical3A_2303 = arith.shrui %get3A_2300, %shift_right_logical3A_2302 : vector<16xi32>
        %mul3A_2304 = arith.constant 16 : i32
        %mul3A_2305 = arith.muli %scan3A_2288, %mul3A_2304 : i32
        %add3A_2306 = arith.constant 0 : i32
        %add3A_2307 = arith.addi %mul3A_2305, %add3A_2306 : i32
        %slice3A_2308 = vector.extract_strided_slice %shift_right_logical3A_2298 {offsets = [0], sizes = [1], strides = [1]} : vector<16xi32> to vector<1xi32>
        %squeeze3A_2309 = vector.extract %slice3A_2308[0] : i32 from vector<1xi32>
        %dma_start3A_2310 = arith.constant 0 : i32
        %dma_start3A_2311 = arith.constant 0 : i32
        %dma_start3A_2312 = tpu.memref_slice %arg11[%add3A_2307, %dma_start3A_2310, %dma_start3A_2311] : memref<16x8x64xf32, #tpu.memory_space<vmem>> -> memref<1x8x64xf32, #tpu.memory_space<vmem>>
        %dma_start3A_2313 = tpu.memref_squeeze %dma_start3A_2312 : memref<1x8x64xf32, #tpu.memory_space<vmem>> -> memref<8x64xf32, #tpu.memory_space<vmem>>
        %dma_start3A_2314 = arith.constant 0 : i32
        %dma_start3A_2315 = arith.constant 0 : i32
        %dma_start3A_2316 = tpu.memref_slice %arg4[%squeeze3A_2309, %dma_start3A_2314, %dma_start3A_2315] : memref<125000x8x64xf32, #tpu.memory_space<hbm>> -> memref<1x8x64xf32, #tpu.memory_space<hbm>>
        %dma_start3A_2317 = tpu.memref_squeeze %dma_start3A_2316 : memref<1x8x64xf32, #tpu.memory_space<hbm>> -> memref<8x64xf32, #tpu.memory_space<hbm>>
        %dma_start3A_2318 = arith.constant 0 : i32
        %dma_start3A_2319 = arith.constant 0 : i32
        %dma_start3A_2320 = tpu.memref_slice %arg11[%add3A_2307, %dma_start3A_2318, %dma_start3A_2319] : memref<16x8x64xf32, #tpu.memory_space<vmem>> -> memref<1x8x64xf32, #tpu.memory_space<vmem>>
        %dma_start3A_2321 = tpu.memref_squeeze %dma_start3A_2320 : memref<1x8x64xf32, #tpu.memory_space<vmem>> -> memref<8x64xf32, #tpu.memory_space<vmem>>
        %dma_start3A_2322 = arith.constant 0 : i32
        %dma_start3A_2323 = arith.constant 0 : i32
        %dma_start3A_2324 = tpu.memref_slice %arg4[%squeeze3A_2309, %dma_start3A_2322, %dma_start3A_2323] : memref<125000x8x64xf32, #tpu.memory_space<hbm>> -> memref<1x8x64xf32, #tpu.memory_space<hbm>>
        %dma_start3A_2325 = tpu.memref_squeeze %dma_start3A_2324 : memref<1x8x64xf32, #tpu.memory_space<hbm>> -> memref<8x64xf32, #tpu.memory_space<hbm>>
        tpu.enqueue_dma source(%dma_start3A_2325 : memref<8x64xf32, #tpu.memory_space<hbm>>) target(%dma_start3A_2321 : memref<8x64xf32, #tpu.memory_space<vmem>>) target_semaphore(%arg18 : memref<!tpu.dma_semaphore, #tpu.memory_space<semaphore_mem>>)
        %slice3A_2326 = vector.extract_strided_slice %shift_right_logical3A_2303 {offsets = [0], sizes = [1], strides = [1]} : vector<16xi32> to vector<1xi32>
        %squeeze3A_2327 = vector.extract %slice3A_2326[0] : i32 from vector<1xi32>
        %dma_start3A_2328 = arith.constant 0 : i32
        %dma_start3A_2329 = arith.constant 0 : i32
        %dma_start3A_2330 = tpu.memref_slice %arg12[%add3A_2307, %dma_start3A_2328, %dma_start3A_2329] : memref<16x8x64xf32, #tpu.memory_space<vmem>> -> memref<1x8x64xf32, #tpu.memory_space<vmem>>
        %dma_start3A_2331 = tpu.memref_squeeze %dma_start3A_2330 : memref<1x8x64xf32, #tpu.memory_space<vmem>> -> memref<8x64xf32, #tpu.memory_space<vmem>>
        %dma_start3A_2332 = arith.constant 0 : i32
        %dma_start3A_2333 = arith.constant 0 : i32
        %dma_start3A_2334 = tpu.memref_slice %arg5[%squeeze3A_2327, %dma_start3A_2332, %dma_start3A_2333] : memref<125000x8x64xf32, #tpu.memory_space<hbm>> -> memref<1x8x64xf32, #tpu.memory_space<hbm>>
        %dma_start3A_2335 = tpu.memref_squeeze %dma_start3A_2334 : memref<1x8x64xf32, #tpu.memory_space<hbm>> -> memref<8x64xf32, #tpu.memory_space<hbm>>
        %dma_start3A_2336 = arith.constant 0 : i32
        %dma_start3A_2337 = arith.constant 0 : i32
        %dma_start3A_2338 = tpu.memref_slice %arg12[%add3A_2307, %dma_start3A_2336, %dma_start3A_2337] : memref<16x8x64xf32, #tpu.memory_space<vmem>> -> memref<1x8x64xf32, #tpu.memory_space<vmem>>
        %dma_start3A_2339 = tpu.memref_squeeze %dma_start3A_2338 : memref<1x8x64xf32, #tpu.memory_space<vmem>> -> memref<8x64xf32, #tpu.memory_space<vmem>>
        %dma_start3A_2340 = arith.constant 0 : i32
        %dma_start3A_2341 = arith.constant 0 : i32
        %dma_start3A_2342 = tpu.memref_slice %arg5[%squeeze3A_2327, %dma_start3A_2340, %dma_start3A_2341] : memref<125000x8x64xf32, #tpu.memory_space<hbm>> -> memref<1x8x64xf32, #tpu.memory_space<hbm>>
        %dma_start3A_2343 = tpu.memref_squeeze %dma_start3A_2342 : memref<1x8x64xf32, #tpu.memory_space<hbm>> -> memref<8x64xf32, #tpu.memory_space<hbm>>
        tpu.enqueue_dma source(%dma_start3A_2343 : memref<8x64xf32, #tpu.memory_space<hbm>>) target(%dma_start3A_2339 : memref<8x64xf32, #tpu.memory_space<vmem>>) target_semaphore(%arg19 : memref<!tpu.dma_semaphore, #tpu.memory_space<semaphore_mem>>)
        %mul3A_2344 = arith.constant 16 : i32
        %mul3A_2345 = arith.muli %scan3A_2288, %mul3A_2344 : i32
        %add3A_2346 = arith.constant 1 : i32
        %add3A_2347 = arith.addi %mul3A_2345, %add3A_2346 : i32
        %slice3A_2348 = vector.extract_strided_slice %shift_right_logical3A_2298 {offsets = [1], sizes = [1], strides = [1]} : vector<16xi32> to vector<1xi32>
        %squeeze3A_2349 = vector.extract %slice3A_2348[0] : i32 from vector<1xi32>
        %dma_start3A_2350 = arith.constant 0 : i32
        %dma_start3A_2351 = arith.constant 0 : i32
        %dma_start3A_2352 = tpu.memref_slice %arg11[%add3A_2347, %dma_start3A_2350, %dma_start3A_2351] : memref<16x8x64xf32, #tpu.memory_space<vmem>> -> memref<1x8x64xf32, #tpu.memory_space<vmem>>
        %dma_start3A_2353 = tpu.memref_squeeze %dma_start3A_2352 : memref<1x8x64xf32, #tpu.memory_space<vmem>> -> memref<8x64xf32, #tpu.memory_space<vmem>>
        %dma_start3A_2354 = arith.constant 0 : i32
        %dma_start3A_2355 = arith.constant 0 : i32
        %dma_start3A_2356 = tpu.memref_slice %arg4[%squeeze3A_2349, %dma_start3A_2354, %dma_start3A_2355] : memref<125000x8x64xf32, #tpu.memory_space<hbm>> -> memref<1x8x64xf32, #tpu.memory_space<hbm>>
        %dma_start3A_2357 = tpu.memref_squeeze %dma_start3A_2356 : memref<1x8x64xf32, #tpu.memory_space<hbm>> -> memref<8x64xf32, #tpu.memory_space<hbm>>
        %dma_start3A_2358 = arith.constant 0 : i32
        %dma_start3A_2359 = arith.constant 0 : i32
        %dma_start3A_2360 = tpu.memref_slice %arg11[%add3A_2347, %dma_start3A_2358, %dma_start3A_2359] : memref<16x8x64xf32, #tpu.memory_space<vmem>> -> memref<1x8x64xf32, #tpu.memory_space<vmem>>
        %dma_start3A_2361 = tpu.memref_squeeze %dma_start3A_2360 : memref<1x8x64xf32, #tpu.memory_space<vmem>> -> memref<8x64xf32, #tpu.memory_space<vmem>>
        %dma_start3A_2362 = arith.constant 0 : i32
        %dma_start3A_2363 = arith.constant 0 : i32
        %dma_start3A_2364 = tpu.memref_slice %arg4[%squeeze3A_2349, %dma_start3A_2362, %dma_start3A_2363] : memref<125000x8x64xf32, #tpu.memory_space<hbm>> -> memref<1x8x64xf32, #tpu.memory_space<hbm>>
        %dma_start3A_2365 = tpu.memref_squeeze %dma_start3A_2364 : memref<1x8x64xf32, #tpu.memory_space<hbm>> -> memref<8x64xf32, #tpu.memory_space<hbm>>
        tpu.enqueue_dma source(%dma_start3A_2365 : memref<8x64xf32, #tpu.memory_space<hbm>>) target(%dma_start3A_2361 : memref<8x64xf32, #tpu.memory_space<vmem>>) target_semaphore(%arg18 : memref<!tpu.dma_semaphore, #tpu.memory_space<semaphore_mem>>)
        %slice3A_2366 = vector.extract_strided_slice %shift_right_logical3A_2303 {offsets = [1], sizes = [1], strides = [1]} : vector<16xi32> to vector<1xi32>
        %squeeze3A_2367 = vector.extract %slice3A_2366[0] : i32 from vector<1xi32>
        %dma_start3A_2368 = arith.constant 0 : i32
        %dma_start3A_2369 = arith.constant 0 : i32
        %dma_start3A_2370 = tpu.memref_slice %arg12[%add3A_2347, %dma_start3A_2368, %dma_start3A_2369] : memref<16x8x64xf32, #tpu.memory_space<vmem>> -> memref<1x8x64xf32, #tpu.memory_space<vmem>>
        %dma_start3A_2371 = tpu.memref_squeeze %dma_start3A_2370 : memref<1x8x64xf32, #tpu.memory_space<vmem>> -> memref<8x64xf32, #tpu.memory_space<vmem>>
        %dma_start3A_2372 = arith.constant 0 : i32
        %dma_start3A_2373 = arith.constant 0 : i32
        %dma_start3A_2374 = tpu.memref_slice %arg5[%squeeze3A_2367, %dma_start3A_2372, %dma_start3A_2373] : memref<125000x8x64xf32, #tpu.memory_space<hbm>> -> memref<1x8x64xf32, #tpu.memory_space<hbm>>
        %dma_start3A_2375 = tpu.memref_squeeze %dma_start3A_2374 : memref<1x8x64xf32, #tpu.memory_space<hbm>> -> memref<8x64xf32, #tpu.memory_space<hbm>>
        %dma_start3A_2376 = arith.constant 0 : i32
        %dma_start3A_2377 = arith.constant 0 : i32
        %dma_start3A_2378 = tpu.memref_slice %arg12[%add3A_2347, %dma_start3A_2376, %dma_start3A_2377] : memref<16x8x64xf32, #tpu.memory_space<vmem>> -> memref<1x8x64xf32, #tpu.memory_space<vmem>>
        %dma_start3A_2379 = tpu.memref_squeeze %dma_start3A_2378 : memref<1x8x64xf32, #tpu.memory_space<vmem>> -> memref<8x64xf32, #tpu.memory_space<vmem>>
        %dma_start3A_2380 = arith.constant 0 : i32
        %dma_start3A_2381 = arith.constant 0 : i32
        %dma_start3A_2382 = tpu.memref_slice %arg5[%squeeze3A_2367, %dma_start3A_2380, %dma_start3A_2381] : memref<125000x8x64xf32, #tpu.memory_space<hbm>> -> memref<1x8x64xf32, #tpu.memory_space<hbm>>
        %dma_start3A_2383 = tpu.memref_squeeze %dma_start3A_2382 : memref<1x8x64xf32, #tpu.memory_space<hbm>> -> memref<8x64xf32, #tpu.memory_space<hbm>>
        tpu.enqueue_dma source(%dma_start3A_2383 : memref<8x64xf32, #tpu.memory_space<hbm>>) target(%dma_start3A_2379 : memref<8x64xf32, #tpu.memory_space<vmem>>) target_semaphore(%arg19 : memref<!tpu.dma_semaphore, #tpu.memory_space<semaphore_mem>>)
        %mul3A_2384 = arith.constant 16 : i32
        %mul3A_2385 = arith.muli %scan3A_2288, %mul3A_2384 : i32
        %add3A_2386 = arith.constant 2 : i32
        %add3A_2387 = arith.addi %mul3A_2385, %add3A_2386 : i32
        %slice3A_2388 = vector.extract_strided_slice %shift_right_logical3A_2298 {offsets = [2], sizes = [1], strides = [1]} : vector<16xi32> to vector<1xi32>
        %squeeze3A_2389 = vector.extract %slice3A_2388[0] : i32 from vector<1xi32>
        %dma_start3A_2390 = arith.constant 0 : i32
        %dma_start3A_2391 = arith.constant 0 : i32
        %dma_start3A_2392 = tpu.memref_slice %arg11[%add3A_2387, %dma_start3A_2390, %dma_start3A_2391] : memref<16x8x64xf32, #tpu.memory_space<vmem>> -> memref<1x8x64xf32, #tpu.memory_space<vmem>>
        %dma_start3A_2393 = tpu.memref_squeeze %dma_start3A_2392 : memref<1x8x64xf32, #tpu.memory_space<vmem>> -> memref<8x64xf32, #tpu.memory_space<vmem>>
        %dma_start3A_2394 = arith.constant 0 : i32
        %dma_start3A_2395 = arith.constant 0 : i32
        %dma_start3A_2396 = tpu.memref_slice %arg4[%squeeze3A_2389, %dma_start3A_2394, %dma_start3A_2395] : memref<125000x8x64xf32, #tpu.memory_space<hbm>> -> memref<1x8x64xf32, #tpu.memory_space<hbm>>
        %dma_start3A_2397 = tpu.memref_squeeze %dma_start3A_2396 : memref<1x8x64xf32, #tpu.memory_space<hbm>> -> memref<8x64xf32, #tpu.memory_space<hbm>>
        %dma_start3A_2398 = arith.constant 0 : i32
        %dma_start3A_2399 = arith.constant 0 : i32
        %dma_start3A_2400 = tpu.memref_slice %arg11[%add3A_2387, %dma_start3A_2398, %dma_start3A_2399] : memref<16x8x64xf32, #tpu.memory_space<vmem>> -> memref<1x8x64xf32, #tpu.memory_space<vmem>>
        %dma_start3A_2401 = tpu.memref_squeeze %dma_start3A_2400 : memref<1x8x64xf32, #tpu.memory_space<vmem>> -> memref<8x64xf32, #tpu.memory_space<vmem>>
        %dma_start3A_2402 = arith.constant 0 : i32
        %dma_start3A_2403 = arith.constant 0 : i32
        %dma_start3A_2404 = tpu.memref_slice %arg4[%squeeze3A_2389, %dma_start3A_2402, %dma_start3A_2403] : memref<125000x8x64xf32, #tpu.memory_space<hbm>> -> memref<1x8x64xf32, #tpu.memory_space<hbm>>
        %dma_start3A_2405 = tpu.memref_squeeze %dma_start3A_2404 : memref<1x8x64xf32, #tpu.memory_space<hbm>> -> memref<8x64xf32, #tpu.memory_space<hbm>>
        tpu.enqueue_dma source(%dma_start3A_2405 : memref<8x64xf32, #tpu.memory_space<hbm>>) target(%dma_start3A_2401 : memref<8x64xf32, #tpu.memory_space<vmem>>) target_semaphore(%arg18 : memref<!tpu.dma_semaphore, #tpu.memory_space<semaphore_mem>>)
        %slice3A_2406 = vector.extract_strided_slice %shift_right_logical3A_2303 {offsets = [2], sizes = [1], strides = [1]} : vector<16xi32> to vector<1xi32>
        %squeeze3A_2407 = vector.extract %slice3A_2406[0] : i32 from vector<1xi32>
        %dma_start3A_2408 = arith.constant 0 : i32
        %dma_start3A_2409 = arith.constant 0 : i32
        %dma_start3A_2410 = tpu.memref_slice %arg12[%add3A_2387, %dma_start3A_2408, %dma_start3A_2409] : memref<16x8x64xf32, #tpu.memory_space<vmem>> -> memref<1x8x64xf32, #tpu.memory_space<vmem>>
        %dma_start3A_2411 = tpu.memref_squeeze %dma_start3A_2410 : memref<1x8x64xf32, #tpu.memory_space<vmem>> -> memref<8x64xf32, #tpu.memory_space<vmem>>
        %dma_start3A_2412 = arith.constant 0 : i32
        %dma_start3A_2413 = arith.constant 0 : i32
        %dma_start3A_2414 = tpu.memref_slice %arg5[%squeeze3A_2407, %dma_start3A_2412, %dma_start3A_2413] : memref<125000x8x64xf32, #tpu.memory_space<hbm>> -> memref<1x8x64xf32, #tpu.memory_space<hbm>>
        %dma_start3A_2415 = tpu.memref_squeeze %dma_start3A_2414 : memref<1x8x64xf32, #tpu.memory_space<hbm>> -> memref<8x64xf32, #tpu.memory_space<hbm>>
        %dma_start3A_2416 = arith.constant 0 : i32
        %dma_start3A_2417 = arith.constant 0 : i32
        %dma_start3A_2418 = tpu.memref_slice %arg12[%add3A_2387, %dma_start3A_2416, %dma_start3A_2417] : memref<16x8x64xf32, #tpu.memory_space<vmem>> -> memref<1x8x64xf32, #tpu.memory_space<vmem>>
        %dma_start3A_2419 = tpu.memref_squeeze %dma_start3A_2418 : memref<1x8x64xf32, #tpu.memory_space<vmem>> -> memref<8x64xf32, #tpu.memory_space<vmem>>
        %dma_start3A_2420 = arith.constant 0 : i32
        %dma_start3A_2421 = arith.constant 0 : i32
        %dma_start3A_2422 = tpu.memref_slice %arg5[%squeeze3A_2407, %dma_start3A_2420, %dma_start3A_2421] : memref<125000x8x64xf32, #tpu.memory_space<hbm>> -> memref<1x8x64xf32, #tpu.memory_space<hbm>>
        %dma_start3A_2423 = tpu.memref_squeeze %dma_start3A_2422 : memref<1x8x64xf32, #tpu.memory_space<hbm>> -> memref<8x64xf32, #tpu.memory_space<hbm>>
        tpu.enqueue_dma source(%dma_start3A_2423 : memref<8x64xf32, #tpu.memory_space<hbm>>) target(%dma_start3A_2419 : memref<8x64xf32, #tpu.memory_space<vmem>>) target_semaphore(%arg19 : memref<!tpu.dma_semaphore, #tpu.memory_space<semaphore_mem>>)
        %mul3A_2424 = arith.constant 16 : i32
        %mul3A_2425 = arith.muli %scan3A_2288, %mul3A_2424 : i32
        %add3A_2426 = arith.constant 3 : i32
        %add3A_2427 = arith.addi %mul3A_2425, %add3A_2426 : i32
        %slice3A_2428 = vector.extract_strided_slice %shift_right_logical3A_2298 {offsets = [3], sizes = [1], strides = [1]} : vector<16xi32> to vector<1xi32>
        %squeeze3A_2429 = vector.extract %slice3A_2428[0] : i32 from vector<1xi32>
        %dma_start3A_2430 = arith.constant 0 : i32
        %dma_start3A_2431 = arith.constant 0 : i32
        %dma_start3A_2432 = tpu.memref_slice %arg11[%add3A_2427, %dma_start3A_2430, %dma_start3A_2431] : memref<16x8x64xf32, #tpu.memory_space<vmem>> -> memref<1x8x64xf32, #tpu.memory_space<vmem>>
        %dma_start3A_2433 = tpu.memref_squeeze %dma_start3A_2432 : memref<1x8x64xf32, #tpu.memory_space<vmem>> -> memref<8x64xf32, #tpu.memory_space<vmem>>
        %dma_start3A_2434 = arith.constant 0 : i32
        %dma_start3A_2435 = arith.constant 0 : i32
        %dma_start3A_2436 = tpu.memref_slice %arg4[%squeeze3A_2429, %dma_start3A_2434, %dma_start3A_2435] : memref<125000x8x64xf32, #tpu.memory_space<hbm>> -> memref<1x8x64xf32, #tpu.memory_space<hbm>>
        %dma_start3A_2437 = tpu.memref_squeeze %dma_start3A_2436 : memref<1x8x64xf32, #tpu.memory_space<hbm>> -> memref<8x64xf32, #tpu.memory_space<hbm>>
        %dma_start3A_2438 = arith.constant 0 : i32
        %dma_start3A_2439 = arith.constant 0 : i32
        %dma_start3A_2440 = tpu.memref_slice %arg11[%add3A_2427, %dma_start3A_2438, %dma_start3A_2439] : memref<16x8x64xf32, #tpu.memory_space<vmem>> -> memref<1x8x64xf32, #tpu.memory_space<vmem>>
        %dma_start3A_2441 = tpu.memref_squeeze %dma_start3A_2440 : memref<1x8x64xf32, #tpu.memory_space<vmem>> -> memref<8x64xf32, #tpu.memory_space<vmem>>
        %dma_start3A_2442 = arith.constant 0 : i32
        %dma_start3A_2443 = arith.constant 0 : i32
        %dma_start3A_2444 = tpu.memref_slice %arg4[%squeeze3A_2429, %dma_start3A_2442, %dma_start3A_2443] : memref<125000x8x64xf32, #tpu.memory_space<hbm>> -> memref<1x8x64xf32, #tpu.memory_space<hbm>>
        %dma_start3A_2445 = tpu.memref_squeeze %dma_start3A_2444 : memref<1x8x64xf32, #tpu.memory_space<hbm>> -> memref<8x64xf32, #tpu.memory_space<hbm>>
        tpu.enqueue_dma source(%dma_start3A_2445 : memref<8x64xf32, #tpu.memory_space<hbm>>) target(%dma_start3A_2441 : memref<8x64xf32, #tpu.memory_space<vmem>>) target_semaphore(%arg18 : memref<!tpu.dma_semaphore, #tpu.memory_space<semaphore_mem>>)
        %slice3A_2446 = vector.extract_strided_slice %shift_right_logical3A_2303 {offsets = [3], sizes = [1], strides = [1]} : vector<16xi32> to vector<1xi32>
        %squeeze3A_2447 = vector.extract %slice3A_2446[0] : i32 from vector<1xi32>
        %dma_start3A_2448 = arith.constant 0 : i32
        %dma_start3A_2449 = arith.constant 0 : i32
        %dma_start3A_2450 = tpu.memref_slice %arg12[%add3A_2427, %dma_start3A_2448, %dma_start3A_2449] : memref<16x8x64xf32, #tpu.memory_space<vmem>> -> memref<1x8x64xf32, #tpu.memory_space<vmem>>
        %dma_start3A_2451 = tpu.memref_squeeze %dma_start3A_2450 : memref<1x8x64xf32, #tpu.memory_space<vmem>> -> memref<8x64xf32, #tpu.memory_space<vmem>>
        %dma_start3A_2452 = arith.constant 0 : i32
        %dma_start3A_2453 = arith.constant 0 : i32
        %dma_start3A_2454 = tpu.memref_slice %arg5[%squeeze3A_2447, %dma_start3A_2452, %dma_start3A_2453] : memref<125000x8x64xf32, #tpu.memory_space<hbm>> -> memref<1x8x64xf32, #tpu.memory_space<hbm>>
        %dma_start3A_2455 = tpu.memref_squeeze %dma_start3A_2454 : memref<1x8x64xf32, #tpu.memory_space<hbm>> -> memref<8x64xf32, #tpu.memory_space<hbm>>
        %dma_start3A_2456 = arith.constant 0 : i32
        %dma_start3A_2457 = arith.constant 0 : i32
        %dma_start3A_2458 = tpu.memref_slice %arg12[%add3A_2427, %dma_start3A_2456, %dma_start3A_2457] : memref<16x8x64xf32, #tpu.memory_space<vmem>> -> memref<1x8x64xf32, #tpu.memory_space<vmem>>
        %dma_start3A_2459 = tpu.memref_squeeze %dma_start3A_2458 : memref<1x8x64xf32, #tpu.memory_space<vmem>> -> memref<8x64xf32, #tpu.memory_space<vmem>>
        %dma_start3A_2460 = arith.constant 0 : i32
        %dma_start3A_2461 = arith.constant 0 : i32
        %dma_start3A_2462 = tpu.memref_slice %arg5[%squeeze3A_2447, %dma_start3A_2460, %dma_start3A_2461] : memref<125000x8x64xf32, #tpu.memory_space<hbm>> -> memref<1x8x64xf32, #tpu.memory_space<hbm>>
        %dma_start3A_2463 = tpu.memref_squeeze %dma_start3A_2462 : memref<1x8x64xf32, #tpu.memory_space<hbm>> -> memref<8x64xf32, #tpu.memory_space<hbm>>
        tpu.enqueue_dma source(%dma_start3A_2463 : memref<8x64xf32, #tpu.memory_space<hbm>>) target(%dma_start3A_2459 : memref<8x64xf32, #tpu.memory_space<vmem>>) target_semaphore(%arg19 : memref<!tpu.dma_semaphore, #tpu.memory_space<semaphore_mem>>)
        %mul3A_2464 = arith.constant 16 : i32
        %mul3A_2465 = arith.muli %scan3A_2288, %mul3A_2464 : i32
        %add3A_2466 = arith.constant 4 : i32
        %add3A_2467 = arith.addi %mul3A_2465, %add3A_2466 : i32
        %slice3A_2468 = vector.extract_strided_slice %shift_right_logical3A_2298 {offsets = [4], sizes = [1], strides = [1]} : vector<16xi32> to vector<1xi32>
        %squeeze3A_2469 = vector.extract %slice3A_2468[0] : i32 from vector<1xi32>
        %dma_start3A_2470 = arith.constant 0 : i32
        %dma_start3A_2471 = arith.constant 0 : i32
        %dma_start3A_2472 = tpu.memref_slice %arg11[%add3A_2467, %dma_start3A_2470, %dma_start3A_2471] : memref<16x8x64xf32, #tpu.memory_space<vmem>> -> memref<1x8x64xf32, #tpu.memory_space<vmem>>
        %dma_start3A_2473 = tpu.memref_squeeze %dma_start3A_2472 : memref<1x8x64xf32, #tpu.memory_space<vmem>> -> memref<8x64xf32, #tpu.memory_space<vmem>>
        %dma_start3A_2474 = arith.constant 0 : i32
        %dma_start3A_2475 = arith.constant 0 : i32
        %dma_start3A_2476 = tpu.memref_slice %arg4[%squeeze3A_2469, %dma_start3A_2474, %dma_start3A_2475] : memref<125000x8x64xf32, #tpu.memory_space<hbm>> -> memref<1x8x64xf32, #tpu.memory_space<hbm>>
        %dma_start3A_2477 = tpu.memref_squeeze %dma_start3A_2476 : memref<1x8x64xf32, #tpu.memory_space<hbm>> -> memref<8x64xf32, #tpu.memory_space<hbm>>
        %dma_start3A_2478 = arith.constant 0 : i32
        %dma_start3A_2479 = arith.constant 0 : i32
        %dma_start3A_2480 = tpu.memref_slice %arg11[%add3A_2467, %dma_start3A_2478, %dma_start3A_2479] : memref<16x8x64xf32, #tpu.memory_space<vmem>> -> memref<1x8x64xf32, #tpu.memory_space<vmem>>
        %dma_start3A_2481 = tpu.memref_squeeze %dma_start3A_2480 : memref<1x8x64xf32, #tpu.memory_space<vmem>> -> memref<8x64xf32, #tpu.memory_space<vmem>>
        %dma_start3A_2482 = arith.constant 0 : i32
        %dma_start3A_2483 = arith.constant 0 : i32
        %dma_start3A_2484 = tpu.memref_slice %arg4[%squeeze3A_2469, %dma_start3A_2482, %dma_start3A_2483] : memref<125000x8x64xf32, #tpu.memory_space<hbm>> -> memref<1x8x64xf32, #tpu.memory_space<hbm>>
        %dma_start3A_2485 = tpu.memref_squeeze %dma_start3A_2484 : memref<1x8x64xf32, #tpu.memory_space<hbm>> -> memref<8x64xf32, #tpu.memory_space<hbm>>
        tpu.enqueue_dma source(%dma_start3A_2485 : memref<8x64xf32, #tpu.memory_space<hbm>>) target(%dma_start3A_2481 : memref<8x64xf32, #tpu.memory_space<vmem>>) target_semaphore(%arg18 : memref<!tpu.dma_semaphore, #tpu.memory_space<semaphore_mem>>)
        %slice3A_2486 = vector.extract_strided_slice %shift_right_logical3A_2303 {offsets = [4], sizes = [1], strides = [1]} : vector<16xi32> to vector<1xi32>
        %squeeze3A_2487 = vector.extract %slice3A_2486[0] : i32 from vector<1xi32>
        %dma_start3A_2488 = arith.constant 0 : i32
        %dma_start3A_2489 = arith.constant 0 : i32
        %dma_start3A_2490 = tpu.memref_slice %arg12[%add3A_2467, %dma_start3A_2488, %dma_start3A_2489] : memref<16x8x64xf32, #tpu.memory_space<vmem>> -> memref<1x8x64xf32, #tpu.memory_space<vmem>>
        %dma_start3A_2491 = tpu.memref_squeeze %dma_start3A_2490 : memref<1x8x64xf32, #tpu.memory_space<vmem>> -> memref<8x64xf32, #tpu.memory_space<vmem>>
        %dma_start3A_2492 = arith.constant 0 : i32
        %dma_start3A_2493 = arith.constant 0 : i32
        %dma_start3A_2494 = tpu.memref_slice %arg5[%squeeze3A_2487, %dma_start3A_2492, %dma_start3A_2493] : memref<125000x8x64xf32, #tpu.memory_space<hbm>> -> memref<1x8x64xf32, #tpu.memory_space<hbm>>
        %dma_start3A_2495 = tpu.memref_squeeze %dma_start3A_2494 : memref<1x8x64xf32, #tpu.memory_space<hbm>> -> memref<8x64xf32, #tpu.memory_space<hbm>>
        %dma_start3A_2496 = arith.constant 0 : i32
        %dma_start3A_2497 = arith.constant 0 : i32
        %dma_start3A_2498 = tpu.memref_slice %arg12[%add3A_2467, %dma_start3A_2496, %dma_start3A_2497] : memref<16x8x64xf32, #tpu.memory_space<vmem>> -> memref<1x8x64xf32, #tpu.memory_space<vmem>>
        %dma_start3A_2499 = tpu.memref_squeeze %dma_start3A_2498 : memref<1x8x64xf32, #tpu.memory_space<vmem>> -> memref<8x64xf32, #tpu.memory_space<vmem>>
        %dma_start3A_2500 = arith.constant 0 : i32
        %dma_start3A_2501 = arith.constant 0 : i32
        %dma_start3A_2502 = tpu.memref_slice %arg5[%squeeze3A_2487, %dma_start3A_2500, %dma_start3A_2501] : memref<125000x8x64xf32, #tpu.memory_space<hbm>> -> memref<1x8x64xf32, #tpu.memory_space<hbm>>
        %dma_start3A_2503 = tpu.memref_squeeze %dma_start3A_2502 : memref<1x8x64xf32, #tpu.memory_space<hbm>> -> memref<8x64xf32, #tpu.memory_space<hbm>>
        tpu.enqueue_dma source(%dma_start3A_2503 : memref<8x64xf32, #tpu.memory_space<hbm>>) target(%dma_start3A_2499 : memref<8x64xf32, #tpu.memory_space<vmem>>) target_semaphore(%arg19 : memref<!tpu.dma_semaphore, #tpu.memory_space<semaphore_mem>>)
        %mul3A_2504 = arith.constant 16 : i32
        %mul3A_2505 = arith.muli %scan3A_2288, %mul3A_2504 : i32
        %add3A_2506 = arith.constant 5 : i32
        %add3A_2507 = arith.addi %mul3A_2505, %add3A_2506 : i32
        %slice3A_2508 = vector.extract_strided_slice %shift_right_logical3A_2298 {offsets = [5], sizes = [1], strides = [1]} : vector<16xi32> to vector<1xi32>
        %squeeze3A_2509 = vector.extract %slice3A_2508[0] : i32 from vector<1xi32>
        %dma_start3A_2510 = arith.constant 0 : i32
        %dma_start3A_2511 = arith.constant 0 : i32
        %dma_start3A_2512 = tpu.memref_slice %arg11[%add3A_2507, %dma_start3A_2510, %dma_start3A_2511] : memref<16x8x64xf32, #tpu.memory_space<vmem>> -> memref<1x8x64xf32, #tpu.memory_space<vmem>>
        %dma_start3A_2513 = tpu.memref_squeeze %dma_start3A_2512 : memref<1x8x64xf32, #tpu.memory_space<vmem>> -> memref<8x64xf32, #tpu.memory_space<vmem>>
        %dma_start3A_2514 = arith.constant 0 : i32
        %dma_start3A_2515 = arith.constant 0 : i32
        %dma_start3A_2516 = tpu.memref_slice %arg4[%squeeze3A_2509, %dma_start3A_2514, %dma_start3A_2515] : memref<125000x8x64xf32, #tpu.memory_space<hbm>> -> memref<1x8x64xf32, #tpu.memory_space<hbm>>
        %dma_start3A_2517 = tpu.memref_squeeze %dma_start3A_2516 : memref<1x8x64xf32, #tpu.memory_space<hbm>> -> memref<8x64xf32, #tpu.memory_space<hbm>>
        %dma_start3A_2518 = arith.constant 0 : i32
        %dma_start3A_2519 = arith.constant 0 : i32
        %dma_start3A_2520 = tpu.memref_slice %arg11[%add3A_2507, %dma_start3A_2518, %dma_start3A_2519] : memref<16x8x64xf32, #tpu.memory_space<vmem>> -> memref<1x8x64xf32, #tpu.memory_space<vmem>>
        %dma_start3A_2521 = tpu.memref_squeeze %dma_start3A_2520 : memref<1x8x64xf32, #tpu.memory_space<vmem>> -> memref<8x64xf32, #tpu.memory_space<vmem>>
        %dma_start3A_2522 = arith.constant 0 : i32
        %dma_start3A_2523 = arith.constant 0 : i32
        %dma_start3A_2524 = tpu.memref_slice %arg4[%squeeze3A_2509, %dma_start3A_2522, %dma_start3A_2523] : memref<125000x8x64xf32, #tpu.memory_space<hbm>> -> memref<1x8x64xf32, #tpu.memory_space<hbm>>
        %dma_start3A_2525 = tpu.memref_squeeze %dma_start3A_2524 : memref<1x8x64xf32, #tpu.memory_space<hbm>> -> memref<8x64xf32, #tpu.memory_space<hbm>>
        tpu.enqueue_dma source(%dma_start3A_2525 : memref<8x64xf32, #tpu.memory_space<hbm>>) target(%dma_start3A_2521 : memref<8x64xf32, #tpu.memory_space<vmem>>) target_semaphore(%arg18 : memref<!tpu.dma_semaphore, #tpu.memory_space<semaphore_mem>>)
        %slice3A_2526 = vector.extract_strided_slice %shift_right_logical3A_2303 {offsets = [5], sizes = [1], strides = [1]} : vector<16xi32> to vector<1xi32>
        %squeeze3A_2527 = vector.extract %slice3A_2526[0] : i32 from vector<1xi32>
        %dma_start3A_2528 = arith.constant 0 : i32
        %dma_start3A_2529 = arith.constant 0 : i32
        %dma_start3A_2530 = tpu.memref_slice %arg12[%add3A_2507, %dma_start3A_2528, %dma_start3A_2529] : memref<16x8x64xf32, #tpu.memory_space<vmem>> -> memref<1x8x64xf32, #tpu.memory_space<vmem>>
        %dma_start3A_2531 = tpu.memref_squeeze %dma_start3A_2530 : memref<1x8x64xf32, #tpu.memory_space<vmem>> -> memref<8x64xf32, #tpu.memory_space<vmem>>
        %dma_start3A_2532 = arith.constant 0 : i32
        %dma_start3A_2533 = arith.constant 0 : i32
        %dma_start3A_2534 = tpu.memref_slice %arg5[%squeeze3A_2527, %dma_start3A_2532, %dma_start3A_2533] : memref<125000x8x64xf32, #tpu.memory_space<hbm>> -> memref<1x8x64xf32, #tpu.memory_space<hbm>>
        %dma_start3A_2535 = tpu.memref_squeeze %dma_start3A_2534 : memref<1x8x64xf32, #tpu.memory_space<hbm>> -> memref<8x64xf32, #tpu.memory_space<hbm>>
        %dma_start3A_2536 = arith.constant 0 : i32
        %dma_start3A_2537 = arith.constant 0 : i32
        %dma_start3A_2538 = tpu.memref_slice %arg12[%add3A_2507, %dma_start3A_2536, %dma_start3A_2537] : memref<16x8x64xf32, #tpu.memory_space<vmem>> -> memref<1x8x64xf32, #tpu.memory_space<vmem>>
        %dma_start3A_2539 = tpu.memref_squeeze %dma_start3A_2538 : memref<1x8x64xf32, #tpu.memory_space<vmem>> -> memref<8x64xf32, #tpu.memory_space<vmem>>
        %dma_start3A_2540 = arith.constant 0 : i32
        %dma_start3A_2541 = arith.constant 0 : i32
        %dma_start3A_2542 = tpu.memref_slice %arg5[%squeeze3A_2527, %dma_start3A_2540, %dma_start3A_2541] : memref<125000x8x64xf32, #tpu.memory_space<hbm>> -> memref<1x8x64xf32, #tpu.memory_space<hbm>>
        %dma_start3A_2543 = tpu.memref_squeeze %dma_start3A_2542 : memref<1x8x64xf32, #tpu.memory_space<hbm>> -> memref<8x64xf32, #tpu.memory_space<hbm>>
        tpu.enqueue_dma source(%dma_start3A_2543 : memref<8x64xf32, #tpu.memory_space<hbm>>) target(%dma_start3A_2539 : memref<8x64xf32, #tpu.memory_space<vmem>>) target_semaphore(%arg19 : memref<!tpu.dma_semaphore, #tpu.memory_space<semaphore_mem>>)
        %mul3A_2544 = arith.constant 16 : i32
        %mul3A_2545 = arith.muli %scan3A_2288, %mul3A_2544 : i32
        %add3A_2546 = arith.constant 6 : i32
        %add3A_2547 = arith.addi %mul3A_2545, %add3A_2546 : i32
        %slice3A_2548 = vector.extract_strided_slice %shift_right_logical3A_2298 {offsets = [6], sizes = [1], strides = [1]} : vector<16xi32> to vector<1xi32>
        %squeeze3A_2549 = vector.extract %slice3A_2548[0] : i32 from vector<1xi32>
        %dma_start3A_2550 = arith.constant 0 : i32
        %dma_start3A_2551 = arith.constant 0 : i32
        %dma_start3A_2552 = tpu.memref_slice %arg11[%add3A_2547, %dma_start3A_2550, %dma_start3A_2551] : memref<16x8x64xf32, #tpu.memory_space<vmem>> -> memref<1x8x64xf32, #tpu.memory_space<vmem>>
        %dma_start3A_2553 = tpu.memref_squeeze %dma_start3A_2552 : memref<1x8x64xf32, #tpu.memory_space<vmem>> -> memref<8x64xf32, #tpu.memory_space<vmem>>
        %dma_start3A_2554 = arith.constant 0 : i32
        %dma_start3A_2555 = arith.constant 0 : i32
        %dma_start3A_2556 = tpu.memref_slice %arg4[%squeeze3A_2549, %dma_start3A_2554, %dma_start3A_2555] : memref<125000x8x64xf32, #tpu.memory_space<hbm>> -> memref<1x8x64xf32, #tpu.memory_space<hbm>>
        %dma_start3A_2557 = tpu.memref_squeeze %dma_start3A_2556 : memref<1x8x64xf32, #tpu.memory_space<hbm>> -> memref<8x64xf32, #tpu.memory_space<hbm>>
        %dma_start3A_2558 = arith.constant 0 : i32
        %dma_start3A_2559 = arith.constant 0 : i32
        %dma_start3A_2560 = tpu.memref_slice %arg11[%add3A_2547, %dma_start3A_2558, %dma_start3A_2559] : memref<16x8x64xf32, #tpu.memory_space<vmem>> -> memref<1x8x64xf32, #tpu.memory_space<vmem>>
        %dma_start3A_2561 = tpu.memref_squeeze %dma_start3A_2560 : memref<1x8x64xf32, #tpu.memory_space<vmem>> -> memref<8x64xf32, #tpu.memory_space<vmem>>
        %dma_start3A_2562 = arith.constant 0 : i32
        %dma_start3A_2563 = arith.constant 0 : i32
        %dma_start3A_2564 = tpu.memref_slice %arg4[%squeeze3A_2549, %dma_start3A_2562, %dma_start3A_2563] : memref<125000x8x64xf32, #tpu.memory_space<hbm>> -> memref<1x8x64xf32, #tpu.memory_space<hbm>>
        %dma_start3A_2565 = tpu.memref_squeeze %dma_start3A_2564 : memref<1x8x64xf32, #tpu.memory_space<hbm>> -> memref<8x64xf32, #tpu.memory_space<hbm>>
        tpu.enqueue_dma source(%dma_start3A_2565 : memref<8x64xf32, #tpu.memory_space<hbm>>) target(%dma_start3A_2561 : memref<8x64xf32, #tpu.memory_space<vmem>>) target_semaphore(%arg18 : memref<!tpu.dma_semaphore, #tpu.memory_space<semaphore_mem>>)
        %slice3A_2566 = vector.extract_strided_slice %shift_right_logical3A_2303 {offsets = [6], sizes = [1], strides = [1]} : vector<16xi32> to vector<1xi32>
        %squeeze3A_2567 = vector.extract %slice3A_2566[0] : i32 from vector<1xi32>
        %dma_start3A_2568 = arith.constant 0 : i32
        %dma_start3A_2569 = arith.constant 0 : i32
        %dma_start3A_2570 = tpu.memref_slice %arg12[%add3A_2547, %dma_start3A_2568, %dma_start3A_2569] : memref<16x8x64xf32, #tpu.memory_space<vmem>> -> memref<1x8x64xf32, #tpu.memory_space<vmem>>
        %dma_start3A_2571 = tpu.memref_squeeze %dma_start3A_2570 : memref<1x8x64xf32, #tpu.memory_space<vmem>> -> memref<8x64xf32, #tpu.memory_space<vmem>>
        %dma_start3A_2572 = arith.constant 0 : i32
        %dma_start3A_2573 = arith.constant 0 : i32
        %dma_start3A_2574 = tpu.memref_slice %arg5[%squeeze3A_2567, %dma_start3A_2572, %dma_start3A_2573] : memref<125000x8x64xf32, #tpu.memory_space<hbm>> -> memref<1x8x64xf32, #tpu.memory_space<hbm>>
        %dma_start3A_2575 = tpu.memref_squeeze %dma_start3A_2574 : memref<1x8x64xf32, #tpu.memory_space<hbm>> -> memref<8x64xf32, #tpu.memory_space<hbm>>
        %dma_start3A_2576 = arith.constant 0 : i32
        %dma_start3A_2577 = arith.constant 0 : i32
        %dma_start3A_2578 = tpu.memref_slice %arg12[%add3A_2547, %dma_start3A_2576, %dma_start3A_2577] : memref<16x8x64xf32, #tpu.memory_space<vmem>> -> memref<1x8x64xf32, #tpu.memory_space<vmem>>
        %dma_start3A_2579 = tpu.memref_squeeze %dma_start3A_2578 : memref<1x8x64xf32, #tpu.memory_space<vmem>> -> memref<8x64xf32, #tpu.memory_space<vmem>>
        %dma_start3A_2580 = arith.constant 0 : i32
        %dma_start3A_2581 = arith.constant 0 : i32
        %dma_start3A_2582 = tpu.memref_slice %arg5[%squeeze3A_2567, %dma_start3A_2580, %dma_start3A_2581] : memref<125000x8x64xf32, #tpu.memory_space<hbm>> -> memref<1x8x64xf32, #tpu.memory_space<hbm>>
        %dma_start3A_2583 = tpu.memref_squeeze %dma_start3A_2582 : memref<1x8x64xf32, #tpu.memory_space<hbm>> -> memref<8x64xf32, #tpu.memory_space<hbm>>
        tpu.enqueue_dma source(%dma_start3A_2583 : memref<8x64xf32, #tpu.memory_space<hbm>>) target(%dma_start3A_2579 : memref<8x64xf32, #tpu.memory_space<vmem>>) target_semaphore(%arg19 : memref<!tpu.dma_semaphore, #tpu.memory_space<semaphore_mem>>)
        %mul3A_2584 = arith.constant 16 : i32
        %mul3A_2585 = arith.muli %scan3A_2288, %mul3A_2584 : i32
        %add3A_2586 = arith.constant 7 : i32
        %add3A_2587 = arith.addi %mul3A_2585, %add3A_2586 : i32
        %slice3A_2588 = vector.extract_strided_slice %shift_right_logical3A_2298 {offsets = [7], sizes = [1], strides = [1]} : vector<16xi32> to vector<1xi32>
        %squeeze3A_2589 = vector.extract %slice3A_2588[0] : i32 from vector<1xi32>
        %dma_start3A_2590 = arith.constant 0 : i32
        %dma_start3A_2591 = arith.constant 0 : i32
        %dma_start3A_2592 = tpu.memref_slice %arg11[%add3A_2587, %dma_start3A_2590, %dma_start3A_2591] : memref<16x8x64xf32, #tpu.memory_space<vmem>> -> memref<1x8x64xf32, #tpu.memory_space<vmem>>
        %dma_start3A_2593 = tpu.memref_squeeze %dma_start3A_2592 : memref<1x8x64xf32, #tpu.memory_space<vmem>> -> memref<8x64xf32, #tpu.memory_space<vmem>>
        %dma_start3A_2594 = arith.constant 0 : i32
        %dma_start3A_2595 = arith.constant 0 : i32
        %dma_start3A_2596 = tpu.memref_slice %arg4[%squeeze3A_2589, %dma_start3A_2594, %dma_start3A_2595] : memref<125000x8x64xf32, #tpu.memory_space<hbm>> -> memref<1x8x64xf32, #tpu.memory_space<hbm>>
        %dma_start3A_2597 = tpu.memref_squeeze %dma_start3A_2596 : memref<1x8x64xf32, #tpu.memory_space<hbm>> -> memref<8x64xf32, #tpu.memory_space<hbm>>
        %dma_start3A_2598 = arith.constant 0 : i32
        %dma_start3A_2599 = arith.constant 0 : i32
        %dma_start3A_2600 = tpu.memref_slice %arg11[%add3A_2587, %dma_start3A_2598, %dma_start3A_2599] : memref<16x8x64xf32, #tpu.memory_space<vmem>> -> memref<1x8x64xf32, #tpu.memory_space<vmem>>
        %dma_start3A_2601 = tpu.memref_squeeze %dma_start3A_2600 : memref<1x8x64xf32, #tpu.memory_space<vmem>> -> memref<8x64xf32, #tpu.memory_space<vmem>>
        %dma_start3A_2602 = arith.constant 0 : i32
        %dma_start3A_2603 = arith.constant 0 : i32
        %dma_start3A_2604 = tpu.memref_slice %arg4[%squeeze3A_2589, %dma_start3A_2602, %dma_start3A_2603] : memref<125000x8x64xf32, #tpu.memory_space<hbm>> -> memref<1x8x64xf32, #tpu.memory_space<hbm>>
        %dma_start3A_2605 = tpu.memref_squeeze %dma_start3A_2604 : memref<1x8x64xf32, #tpu.memory_space<hbm>> -> memref<8x64xf32, #tpu.memory_space<hbm>>
        tpu.enqueue_dma source(%dma_start3A_2605 : memref<8x64xf32, #tpu.memory_space<hbm>>) target(%dma_start3A_2601 : memref<8x64xf32, #tpu.memory_space<vmem>>) target_semaphore(%arg18 : memref<!tpu.dma_semaphore, #tpu.memory_space<semaphore_mem>>)
        %slice3A_2606 = vector.extract_strided_slice %shift_right_logical3A_2303 {offsets = [7], sizes = [1], strides = [1]} : vector<16xi32> to vector<1xi32>
        %squeeze3A_2607 = vector.extract %slice3A_2606[0] : i32 from vector<1xi32>
        %dma_start3A_2608 = arith.constant 0 : i32
        %dma_start3A_2609 = arith.constant 0 : i32
        %dma_start3A_2610 = tpu.memref_slice %arg12[%add3A_2587, %dma_start3A_2608, %dma_start3A_2609] : memref<16x8x64xf32, #tpu.memory_space<vmem>> -> memref<1x8x64xf32, #tpu.memory_space<vmem>>
        %dma_start3A_2611 = tpu.memref_squeeze %dma_start3A_2610 : memref<1x8x64xf32, #tpu.memory_space<vmem>> -> memref<8x64xf32, #tpu.memory_space<vmem>>
        %dma_start3A_2612 = arith.constant 0 : i32
        %dma_start3A_2613 = arith.constant 0 : i32
        %dma_start3A_2614 = tpu.memref_slice %arg5[%squeeze3A_2607, %dma_start3A_2612, %dma_start3A_2613] : memref<125000x8x64xf32, #tpu.memory_space<hbm>> -> memref<1x8x64xf32, #tpu.memory_space<hbm>>
        %dma_start3A_2615 = tpu.memref_squeeze %dma_start3A_2614 : memref<1x8x64xf32, #tpu.memory_space<hbm>> -> memref<8x64xf32, #tpu.memory_space<hbm>>
        %dma_start3A_2616 = arith.constant 0 : i32
        %dma_start3A_2617 = arith.constant 0 : i32
        %dma_start3A_2618 = tpu.memref_slice %arg12[%add3A_2587, %dma_start3A_2616, %dma_start3A_2617] : memref<16x8x64xf32, #tpu.memory_space<vmem>> -> memref<1x8x64xf32, #tpu.memory_space<vmem>>
        %dma_start3A_2619 = tpu.memref_squeeze %dma_start3A_2618 : memref<1x8x64xf32, #tpu.memory_space<vmem>> -> memref<8x64xf32, #tpu.memory_space<vmem>>
        %dma_start3A_2620 = arith.constant 0 : i32
        %dma_start3A_2621 = arith.constant 0 : i32
        %dma_start3A_2622 = tpu.memref_slice %arg5[%squeeze3A_2607, %dma_start3A_2620, %dma_start3A_2621] : memref<125000x8x64xf32, #tpu.memory_space<hbm>> -> memref<1x8x64xf32, #tpu.memory_space<hbm>>
        %dma_start3A_2623 = tpu.memref_squeeze %dma_start3A_2622 : memref<1x8x64xf32, #tpu.memory_space<hbm>> -> memref<8x64xf32, #tpu.memory_space<hbm>>
        tpu.enqueue_dma source(%dma_start3A_2623 : memref<8x64xf32, #tpu.memory_space<hbm>>) target(%dma_start3A_2619 : memref<8x64xf32, #tpu.memory_space<vmem>>) target_semaphore(%arg19 : memref<!tpu.dma_semaphore, #tpu.memory_space<semaphore_mem>>)
        %mul3A_2624 = arith.constant 16 : i32
        %mul3A_2625 = arith.muli %scan3A_2288, %mul3A_2624 : i32
        %add3A_2626 = arith.constant 8 : i32
        %add3A_2627 = arith.addi %mul3A_2625, %add3A_2626 : i32
        %slice3A_2628 = vector.extract_strided_slice %shift_right_logical3A_2298 {offsets = [8], sizes = [1], strides = [1]} : vector<16xi32> to vector<1xi32>
        %squeeze3A_2629 = vector.extract %slice3A_2628[0] : i32 from vector<1xi32>
        %dma_start3A_2630 = arith.constant 0 : i32
        %dma_start3A_2631 = arith.constant 0 : i32
        %dma_start3A_2632 = tpu.memref_slice %arg11[%add3A_2627, %dma_start3A_2630, %dma_start3A_2631] : memref<16x8x64xf32, #tpu.memory_space<vmem>> -> memref<1x8x64xf32, #tpu.memory_space<vmem>>
        %dma_start3A_2633 = tpu.memref_squeeze %dma_start3A_2632 : memref<1x8x64xf32, #tpu.memory_space<vmem>> -> memref<8x64xf32, #tpu.memory_space<vmem>>
        %dma_start3A_2634 = arith.constant 0 : i32
        %dma_start3A_2635 = arith.constant 0 : i32
        %dma_start3A_2636 = tpu.memref_slice %arg4[%squeeze3A_2629, %dma_start3A_2634, %dma_start3A_2635] : memref<125000x8x64xf32, #tpu.memory_space<hbm>> -> memref<1x8x64xf32, #tpu.memory_space<hbm>>
        %dma_start3A_2637 = tpu.memref_squeeze %dma_start3A_2636 : memref<1x8x64xf32, #tpu.memory_space<hbm>> -> memref<8x64xf32, #tpu.memory_space<hbm>>
        %dma_start3A_2638 = arith.constant 0 : i32
        %dma_start3A_2639 = arith.constant 0 : i32
        %dma_start3A_2640 = tpu.memref_slice %arg11[%add3A_2627, %dma_start3A_2638, %dma_start3A_2639] : memref<16x8x64xf32, #tpu.memory_space<vmem>> -> memref<1x8x64xf32, #tpu.memory_space<vmem>>
        %dma_start3A_2641 = tpu.memref_squeeze %dma_start3A_2640 : memref<1x8x64xf32, #tpu.memory_space<vmem>> -> memref<8x64xf32, #tpu.memory_space<vmem>>
        %dma_start3A_2642 = arith.constant 0 : i32
        %dma_start3A_2643 = arith.constant 0 : i32
        %dma_start3A_2644 = tpu.memref_slice %arg4[%squeeze3A_2629, %dma_start3A_2642, %dma_start3A_2643] : memref<125000x8x64xf32, #tpu.memory_space<hbm>> -> memref<1x8x64xf32, #tpu.memory_space<hbm>>
        %dma_start3A_2645 = tpu.memref_squeeze %dma_start3A_2644 : memref<1x8x64xf32, #tpu.memory_space<hbm>> -> memref<8x64xf32, #tpu.memory_space<hbm>>
        tpu.enqueue_dma source(%dma_start3A_2645 : memref<8x64xf32, #tpu.memory_space<hbm>>) target(%dma_start3A_2641 : memref<8x64xf32, #tpu.memory_space<vmem>>) target_semaphore(%arg18 : memref<!tpu.dma_semaphore, #tpu.memory_space<semaphore_mem>>)
        %slice3A_2646 = vector.extract_strided_slice %shift_right_logical3A_2303 {offsets = [8], sizes = [1], strides = [1]} : vector<16xi32> to vector<1xi32>
        %squeeze3A_2647 = vector.extract %slice3A_2646[0] : i32 from vector<1xi32>
        %dma_start3A_2648 = arith.constant 0 : i32
        %dma_start3A_2649 = arith.constant 0 : i32
        %dma_start3A_2650 = tpu.memref_slice %arg12[%add3A_2627, %dma_start3A_2648, %dma_start3A_2649] : memref<16x8x64xf32, #tpu.memory_space<vmem>> -> memref<1x8x64xf32, #tpu.memory_space<vmem>>
        %dma_start3A_2651 = tpu.memref_squeeze %dma_start3A_2650 : memref<1x8x64xf32, #tpu.memory_space<vmem>> -> memref<8x64xf32, #tpu.memory_space<vmem>>
        %dma_start3A_2652 = arith.constant 0 : i32
        %dma_start3A_2653 = arith.constant 0 : i32
        %dma_start3A_2654 = tpu.memref_slice %arg5[%squeeze3A_2647, %dma_start3A_2652, %dma_start3A_2653] : memref<125000x8x64xf32, #tpu.memory_space<hbm>> -> memref<1x8x64xf32, #tpu.memory_space<hbm>>
        %dma_start3A_2655 = tpu.memref_squeeze %dma_start3A_2654 : memref<1x8x64xf32, #tpu.memory_space<hbm>> -> memref<8x64xf32, #tpu.memory_space<hbm>>
        %dma_start3A_2656 = arith.constant 0 : i32
        %dma_start3A_2657 = arith.constant 0 : i32
        %dma_start3A_2658 = tpu.memref_slice %arg12[%add3A_2627, %dma_start3A_2656, %dma_start3A_2657] : memref<16x8x64xf32, #tpu.memory_space<vmem>> -> memref<1x8x64xf32, #tpu.memory_space<vmem>>
        %dma_start3A_2659 = tpu.memref_squeeze %dma_start3A_2658 : memref<1x8x64xf32, #tpu.memory_space<vmem>> -> memref<8x64xf32, #tpu.memory_space<vmem>>
        %dma_start3A_2660 = arith.constant 0 : i32
        %dma_start3A_2661 = arith.constant 0 : i32
        %dma_start3A_2662 = tpu.memref_slice %arg5[%squeeze3A_2647, %dma_start3A_2660, %dma_start3A_2661] : memref<125000x8x64xf32, #tpu.memory_space<hbm>> -> memref<1x8x64xf32, #tpu.memory_space<hbm>>
        %dma_start3A_2663 = tpu.memref_squeeze %dma_start3A_2662 : memref<1x8x64xf32, #tpu.memory_space<hbm>> -> memref<8x64xf32, #tpu.memory_space<hbm>>
        tpu.enqueue_dma source(%dma_start3A_2663 : memref<8x64xf32, #tpu.memory_space<hbm>>) target(%dma_start3A_2659 : memref<8x64xf32, #tpu.memory_space<vmem>>) target_semaphore(%arg19 : memref<!tpu.dma_semaphore, #tpu.memory_space<semaphore_mem>>)
        %mul3A_2664 = arith.constant 16 : i32
        %mul3A_2665 = arith.muli %scan3A_2288, %mul3A_2664 : i32
        %add3A_2666 = arith.constant 9 : i32
        %add3A_2667 = arith.addi %mul3A_2665, %add3A_2666 : i32
        %slice3A_2668 = vector.extract_strided_slice %shift_right_logical3A_2298 {offsets = [9], sizes = [1], strides = [1]} : vector<16xi32> to vector<1xi32>
        %squeeze3A_2669 = vector.extract %slice3A_2668[0] : i32 from vector<1xi32>
        %dma_start3A_2670 = arith.constant 0 : i32
        %dma_start3A_2671 = arith.constant 0 : i32
        %dma_start3A_2672 = tpu.memref_slice %arg11[%add3A_2667, %dma_start3A_2670, %dma_start3A_2671] : memref<16x8x64xf32, #tpu.memory_space<vmem>> -> memref<1x8x64xf32, #tpu.memory_space<vmem>>
        %dma_start3A_2673 = tpu.memref_squeeze %dma_start3A_2672 : memref<1x8x64xf32, #tpu.memory_space<vmem>> -> memref<8x64xf32, #tpu.memory_space<vmem>>
        %dma_start3A_2674 = arith.constant 0 : i32
        %dma_start3A_2675 = arith.constant 0 : i32
        %dma_start3A_2676 = tpu.memref_slice %arg4[%squeeze3A_2669, %dma_start3A_2674, %dma_start3A_2675] : memref<125000x8x64xf32, #tpu.memory_space<hbm>> -> memref<1x8x64xf32, #tpu.memory_space<hbm>>
        %dma_start3A_2677 = tpu.memref_squeeze %dma_start3A_2676 : memref<1x8x64xf32, #tpu.memory_space<hbm>> -> memref<8x64xf32, #tpu.memory_space<hbm>>
        %dma_start3A_2678 = arith.constant 0 : i32
        %dma_start3A_2679 = arith.constant 0 : i32
        %dma_start3A_2680 = tpu.memref_slice %arg11[%add3A_2667, %dma_start3A_2678, %dma_start3A_2679] : memref<16x8x64xf32, #tpu.memory_space<vmem>> -> memref<1x8x64xf32, #tpu.memory_space<vmem>>
        %dma_start3A_2681 = tpu.memref_squeeze %dma_start3A_2680 : memref<1x8x64xf32, #tpu.memory_space<vmem>> -> memref<8x64xf32, #tpu.memory_space<vmem>>
        %dma_start3A_2682 = arith.constant 0 : i32
        %dma_start3A_2683 = arith.constant 0 : i32
        %dma_start3A_2684 = tpu.memref_slice %arg4[%squeeze3A_2669, %dma_start3A_2682, %dma_start3A_2683] : memref<125000x8x64xf32, #tpu.memory_space<hbm>> -> memref<1x8x64xf32, #tpu.memory_space<hbm>>
        %dma_start3A_2685 = tpu.memref_squeeze %dma_start3A_2684 : memref<1x8x64xf32, #tpu.memory_space<hbm>> -> memref<8x64xf32, #tpu.memory_space<hbm>>
        tpu.enqueue_dma source(%dma_start3A_2685 : memref<8x64xf32, #tpu.memory_space<hbm>>) target(%dma_start3A_2681 : memref<8x64xf32, #tpu.memory_space<vmem>>) target_semaphore(%arg18 : memref<!tpu.dma_semaphore, #tpu.memory_space<semaphore_mem>>)
        %slice3A_2686 = vector.extract_strided_slice %shift_right_logical3A_2303 {offsets = [9], sizes = [1], strides = [1]} : vector<16xi32> to vector<1xi32>
        %squeeze3A_2687 = vector.extract %slice3A_2686[0] : i32 from vector<1xi32>
        %dma_start3A_2688 = arith.constant 0 : i32
        %dma_start3A_2689 = arith.constant 0 : i32
        %dma_start3A_2690 = tpu.memref_slice %arg12[%add3A_2667, %dma_start3A_2688, %dma_start3A_2689] : memref<16x8x64xf32, #tpu.memory_space<vmem>> -> memref<1x8x64xf32, #tpu.memory_space<vmem>>
        %dma_start3A_2691 = tpu.memref_squeeze %dma_start3A_2690 : memref<1x8x64xf32, #tpu.memory_space<vmem>> -> memref<8x64xf32, #tpu.memory_space<vmem>>
        %dma_start3A_2692 = arith.constant 0 : i32
        %dma_start3A_2693 = arith.constant 0 : i32
        %dma_start3A_2694 = tpu.memref_slice %arg5[%squeeze3A_2687, %dma_start3A_2692, %dma_start3A_2693] : memref<125000x8x64xf32, #tpu.memory_space<hbm>> -> memref<1x8x64xf32, #tpu.memory_space<hbm>>
        %dma_start3A_2695 = tpu.memref_squeeze %dma_start3A_2694 : memref<1x8x64xf32, #tpu.memory_space<hbm>> -> memref<8x64xf32, #tpu.memory_space<hbm>>
        %dma_start3A_2696 = arith.constant 0 : i32
        %dma_start3A_2697 = arith.constant 0 : i32
        %dma_start3A_2698 = tpu.memref_slice %arg12[%add3A_2667, %dma_start3A_2696, %dma_start3A_2697] : memref<16x8x64xf32, #tpu.memory_space<vmem>> -> memref<1x8x64xf32, #tpu.memory_space<vmem>>
        %dma_start3A_2699 = tpu.memref_squeeze %dma_start3A_2698 : memref<1x8x64xf32, #tpu.memory_space<vmem>> -> memref<8x64xf32, #tpu.memory_space<vmem>>
        %dma_start3A_2700 = arith.constant 0 : i32
        %dma_start3A_2701 = arith.constant 0 : i32
        %dma_start3A_2702 = tpu.memref_slice %arg5[%squeeze3A_2687, %dma_start3A_2700, %dma_start3A_2701] : memref<125000x8x64xf32, #tpu.memory_space<hbm>> -> memref<1x8x64xf32, #tpu.memory_space<hbm>>
        %dma_start3A_2703 = tpu.memref_squeeze %dma_start3A_2702 : memref<1x8x64xf32, #tpu.memory_space<hbm>> -> memref<8x64xf32, #tpu.memory_space<hbm>>
        tpu.enqueue_dma source(%dma_start3A_2703 : memref<8x64xf32, #tpu.memory_space<hbm>>) target(%dma_start3A_2699 : memref<8x64xf32, #tpu.memory_space<vmem>>) target_semaphore(%arg19 : memref<!tpu.dma_semaphore, #tpu.memory_space<semaphore_mem>>)
        %mul3A_2704 = arith.constant 16 : i32
        %mul3A_2705 = arith.muli %scan3A_2288, %mul3A_2704 : i32
        %add3A_2706 = arith.constant 10 : i32
        %add3A_2707 = arith.addi %mul3A_2705, %add3A_2706 : i32
        %slice3A_2708 = vector.extract_strided_slice %shift_right_logical3A_2298 {offsets = [10], sizes = [1], strides = [1]} : vector<16xi32> to vector<1xi32>
        %squeeze3A_2709 = vector.extract %slice3A_2708[0] : i32 from vector<1xi32>
        %dma_start3A_2710 = arith.constant 0 : i32
        %dma_start3A_2711 = arith.constant 0 : i32
        %dma_start3A_2712 = tpu.memref_slice %arg11[%add3A_2707, %dma_start3A_2710, %dma_start3A_2711] : memref<16x8x64xf32, #tpu.memory_space<vmem>> -> memref<1x8x64xf32, #tpu.memory_space<vmem>>
        %dma_start3A_2713 = tpu.memref_squeeze %dma_start3A_2712 : memref<1x8x64xf32, #tpu.memory_space<vmem>> -> memref<8x64xf32, #tpu.memory_space<vmem>>
        %dma_start3A_2714 = arith.constant 0 : i32
        %dma_start3A_2715 = arith.constant 0 : i32
        %dma_start3A_2716 = tpu.memref_slice %arg4[%squeeze3A_2709, %dma_start3A_2714, %dma_start3A_2715] : memref<125000x8x64xf32, #tpu.memory_space<hbm>> -> memref<1x8x64xf32, #tpu.memory_space<hbm>>
        %dma_start3A_2717 = tpu.memref_squeeze %dma_start3A_2716 : memref<1x8x64xf32, #tpu.memory_space<hbm>> -> memref<8x64xf32, #tpu.memory_space<hbm>>
        %dma_start3A_2718 = arith.constant 0 : i32
        %dma_start3A_2719 = arith.constant 0 : i32
        %dma_start3A_2720 = tpu.memref_slice %arg11[%add3A_2707, %dma_start3A_2718, %dma_start3A_2719] : memref<16x8x64xf32, #tpu.memory_space<vmem>> -> memref<1x8x64xf32, #tpu.memory_space<vmem>>
        %dma_start3A_2721 = tpu.memref_squeeze %dma_start3A_2720 : memref<1x8x64xf32, #tpu.memory_space<vmem>> -> memref<8x64xf32, #tpu.memory_space<vmem>>
        %dma_start3A_2722 = arith.constant 0 : i32
        %dma_start3A_2723 = arith.constant 0 : i32
        %dma_start3A_2724 = tpu.memref_slice %arg4[%squeeze3A_2709, %dma_start3A_2722, %dma_start3A_2723] : memref<125000x8x64xf32, #tpu.memory_space<hbm>> -> memref<1x8x64xf32, #tpu.memory_space<hbm>>
        %dma_start3A_2725 = tpu.memref_squeeze %dma_start3A_2724 : memref<1x8x64xf32, #tpu.memory_space<hbm>> -> memref<8x64xf32, #tpu.memory_space<hbm>>
        tpu.enqueue_dma source(%dma_start3A_2725 : memref<8x64xf32, #tpu.memory_space<hbm>>) target(%dma_start3A_2721 : memref<8x64xf32, #tpu.memory_space<vmem>>) target_semaphore(%arg18 : memref<!tpu.dma_semaphore, #tpu.memory_space<semaphore_mem>>)
        %slice3A_2726 = vector.extract_strided_slice %shift_right_logical3A_2303 {offsets = [10], sizes = [1], strides = [1]} : vector<16xi32> to vector<1xi32>
        %squeeze3A_2727 = vector.extract %slice3A_2726[0] : i32 from vector<1xi32>
        %dma_start3A_2728 = arith.constant 0 : i32
        %dma_start3A_2729 = arith.constant 0 : i32
        %dma_start3A_2730 = tpu.memref_slice %arg12[%add3A_2707, %dma_start3A_2728, %dma_start3A_2729] : memref<16x8x64xf32, #tpu.memory_space<vmem>> -> memref<1x8x64xf32, #tpu.memory_space<vmem>>
        %dma_start3A_2731 = tpu.memref_squeeze %dma_start3A_2730 : memref<1x8x64xf32, #tpu.memory_space<vmem>> -> memref<8x64xf32, #tpu.memory_space<vmem>>
        %dma_start3A_2732 = arith.constant 0 : i32
        %dma_start3A_2733 = arith.constant 0 : i32
        %dma_start3A_2734 = tpu.memref_slice %arg5[%squeeze3A_2727, %dma_start3A_2732, %dma_start3A_2733] : memref<125000x8x64xf32, #tpu.memory_space<hbm>> -> memref<1x8x64xf32, #tpu.memory_space<hbm>>
        %dma_start3A_2735 = tpu.memref_squeeze %dma_start3A_2734 : memref<1x8x64xf32, #tpu.memory_space<hbm>> -> memref<8x64xf32, #tpu.memory_space<hbm>>
        %dma_start3A_2736 = arith.constant 0 : i32
        %dma_start3A_2737 = arith.constant 0 : i32
        %dma_start3A_2738 = tpu.memref_slice %arg12[%add3A_2707, %dma_start3A_2736, %dma_start3A_2737] : memref<16x8x64xf32, #tpu.memory_space<vmem>> -> memref<1x8x64xf32, #tpu.memory_space<vmem>>
        %dma_start3A_2739 = tpu.memref_squeeze %dma_start3A_2738 : memref<1x8x64xf32, #tpu.memory_space<vmem>> -> memref<8x64xf32, #tpu.memory_space<vmem>>
        %dma_start3A_2740 = arith.constant 0 : i32
        %dma_start3A_2741 = arith.constant 0 : i32
        %dma_start3A_2742 = tpu.memref_slice %arg5[%squeeze3A_2727, %dma_start3A_2740, %dma_start3A_2741] : memref<125000x8x64xf32, #tpu.memory_space<hbm>> -> memref<1x8x64xf32, #tpu.memory_space<hbm>>
        %dma_start3A_2743 = tpu.memref_squeeze %dma_start3A_2742 : memref<1x8x64xf32, #tpu.memory_space<hbm>> -> memref<8x64xf32, #tpu.memory_space<hbm>>
        tpu.enqueue_dma source(%dma_start3A_2743 : memref<8x64xf32, #tpu.memory_space<hbm>>) target(%dma_start3A_2739 : memref<8x64xf32, #tpu.memory_space<vmem>>) target_semaphore(%arg19 : memref<!tpu.dma_semaphore, #tpu.memory_space<semaphore_mem>>)
        %mul3A_2744 = arith.constant 16 : i32
        %mul3A_2745 = arith.muli %scan3A_2288, %mul3A_2744 : i32
        %add3A_2746 = arith.constant 11 : i32
        %add3A_2747 = arith.addi %mul3A_2745, %add3A_2746 : i32
        %slice3A_2748 = vector.extract_strided_slice %shift_right_logical3A_2298 {offsets = [11], sizes = [1], strides = [1]} : vector<16xi32> to vector<1xi32>
        %squeeze3A_2749 = vector.extract %slice3A_2748[0] : i32 from vector<1xi32>
        %dma_start3A_2750 = arith.constant 0 : i32
        %dma_start3A_2751 = arith.constant 0 : i32
        %dma_start3A_2752 = tpu.memref_slice %arg11[%add3A_2747, %dma_start3A_2750, %dma_start3A_2751] : memref<16x8x64xf32, #tpu.memory_space<vmem>> -> memref<1x8x64xf32, #tpu.memory_space<vmem>>
        %dma_start3A_2753 = tpu.memref_squeeze %dma_start3A_2752 : memref<1x8x64xf32, #tpu.memory_space<vmem>> -> memref<8x64xf32, #tpu.memory_space<vmem>>
        %dma_start3A_2754 = arith.constant 0 : i32
        %dma_start3A_2755 = arith.constant 0 : i32
        %dma_start3A_2756 = tpu.memref_slice %arg4[%squeeze3A_2749, %dma_start3A_2754, %dma_start3A_2755] : memref<125000x8x64xf32, #tpu.memory_space<hbm>> -> memref<1x8x64xf32, #tpu.memory_space<hbm>>
        %dma_start3A_2757 = tpu.memref_squeeze %dma_start3A_2756 : memref<1x8x64xf32, #tpu.memory_space<hbm>> -> memref<8x64xf32, #tpu.memory_space<hbm>>
        %dma_start3A_2758 = arith.constant 0 : i32
        %dma_start3A_2759 = arith.constant 0 : i32
        %dma_start3A_2760 = tpu.memref_slice %arg11[%add3A_2747, %dma_start3A_2758, %dma_start3A_2759] : memref<16x8x64xf32, #tpu.memory_space<vmem>> -> memref<1x8x64xf32, #tpu.memory_space<vmem>>
        %dma_start3A_2761 = tpu.memref_squeeze %dma_start3A_2760 : memref<1x8x64xf32, #tpu.memory_space<vmem>> -> memref<8x64xf32, #tpu.memory_space<vmem>>
        %dma_start3A_2762 = arith.constant 0 : i32
        %dma_start3A_2763 = arith.constant 0 : i32
        %dma_start3A_2764 = tpu.memref_slice %arg4[%squeeze3A_2749, %dma_start3A_2762, %dma_start3A_2763] : memref<125000x8x64xf32, #tpu.memory_space<hbm>> -> memref<1x8x64xf32, #tpu.memory_space<hbm>>
        %dma_start3A_2765 = tpu.memref_squeeze %dma_start3A_2764 : memref<1x8x64xf32, #tpu.memory_space<hbm>> -> memref<8x64xf32, #tpu.memory_space<hbm>>
        tpu.enqueue_dma source(%dma_start3A_2765 : memref<8x64xf32, #tpu.memory_space<hbm>>) target(%dma_start3A_2761 : memref<8x64xf32, #tpu.memory_space<vmem>>) target_semaphore(%arg18 : memref<!tpu.dma_semaphore, #tpu.memory_space<semaphore_mem>>)
        %slice3A_2766 = vector.extract_strided_slice %shift_right_logical3A_2303 {offsets = [11], sizes = [1], strides = [1]} : vector<16xi32> to vector<1xi32>
        %squeeze3A_2767 = vector.extract %slice3A_2766[0] : i32 from vector<1xi32>
        %dma_start3A_2768 = arith.constant 0 : i32
        %dma_start3A_2769 = arith.constant 0 : i32
        %dma_start3A_2770 = tpu.memref_slice %arg12[%add3A_2747, %dma_start3A_2768, %dma_start3A_2769] : memref<16x8x64xf32, #tpu.memory_space<vmem>> -> memref<1x8x64xf32, #tpu.memory_space<vmem>>
        %dma_start3A_2771 = tpu.memref_squeeze %dma_start3A_2770 : memref<1x8x64xf32, #tpu.memory_space<vmem>> -> memref<8x64xf32, #tpu.memory_space<vmem>>
        %dma_start3A_2772 = arith.constant 0 : i32
        %dma_start3A_2773 = arith.constant 0 : i32
        %dma_start3A_2774 = tpu.memref_slice %arg5[%squeeze3A_2767, %dma_start3A_2772, %dma_start3A_2773] : memref<125000x8x64xf32, #tpu.memory_space<hbm>> -> memref<1x8x64xf32, #tpu.memory_space<hbm>>
        %dma_start3A_2775 = tpu.memref_squeeze %dma_start3A_2774 : memref<1x8x64xf32, #tpu.memory_space<hbm>> -> memref<8x64xf32, #tpu.memory_space<hbm>>
        %dma_start3A_2776 = arith.constant 0 : i32
        %dma_start3A_2777 = arith.constant 0 : i32
        %dma_start3A_2778 = tpu.memref_slice %arg12[%add3A_2747, %dma_start3A_2776, %dma_start3A_2777] : memref<16x8x64xf32, #tpu.memory_space<vmem>> -> memref<1x8x64xf32, #tpu.memory_space<vmem>>
        %dma_start3A_2779 = tpu.memref_squeeze %dma_start3A_2778 : memref<1x8x64xf32, #tpu.memory_space<vmem>> -> memref<8x64xf32, #tpu.memory_space<vmem>>
        %dma_start3A_2780 = arith.constant 0 : i32
        %dma_start3A_2781 = arith.constant 0 : i32
        %dma_start3A_2782 = tpu.memref_slice %arg5[%squeeze3A_2767, %dma_start3A_2780, %dma_start3A_2781] : memref<125000x8x64xf32, #tpu.memory_space<hbm>> -> memref<1x8x64xf32, #tpu.memory_space<hbm>>
        %dma_start3A_2783 = tpu.memref_squeeze %dma_start3A_2782 : memref<1x8x64xf32, #tpu.memory_space<hbm>> -> memref<8x64xf32, #tpu.memory_space<hbm>>
        tpu.enqueue_dma source(%dma_start3A_2783 : memref<8x64xf32, #tpu.memory_space<hbm>>) target(%dma_start3A_2779 : memref<8x64xf32, #tpu.memory_space<vmem>>) target_semaphore(%arg19 : memref<!tpu.dma_semaphore, #tpu.memory_space<semaphore_mem>>)
        %mul3A_2784 = arith.constant 16 : i32
        %mul3A_2785 = arith.muli %scan3A_2288, %mul3A_2784 : i32
        %add3A_2786 = arith.constant 12 : i32
        %add3A_2787 = arith.addi %mul3A_2785, %add3A_2786 : i32
        %slice3A_2788 = vector.extract_strided_slice %shift_right_logical3A_2298 {offsets = [12], sizes = [1], strides = [1]} : vector<16xi32> to vector<1xi32>
        %squeeze3A_2789 = vector.extract %slice3A_2788[0] : i32 from vector<1xi32>
        %dma_start3A_2790 = arith.constant 0 : i32
        %dma_start3A_2791 = arith.constant 0 : i32
        %dma_start3A_2792 = tpu.memref_slice %arg11[%add3A_2787, %dma_start3A_2790, %dma_start3A_2791] : memref<16x8x64xf32, #tpu.memory_space<vmem>> -> memref<1x8x64xf32, #tpu.memory_space<vmem>>
        %dma_start3A_2793 = tpu.memref_squeeze %dma_start3A_2792 : memref<1x8x64xf32, #tpu.memory_space<vmem>> -> memref<8x64xf32, #tpu.memory_space<vmem>>
        %dma_start3A_2794 = arith.constant 0 : i32
        %dma_start3A_2795 = arith.constant 0 : i32
        %dma_start3A_2796 = tpu.memref_slice %arg4[%squeeze3A_2789, %dma_start3A_2794, %dma_start3A_2795] : memref<125000x8x64xf32, #tpu.memory_space<hbm>> -> memref<1x8x64xf32, #tpu.memory_space<hbm>>
        %dma_start3A_2797 = tpu.memref_squeeze %dma_start3A_2796 : memref<1x8x64xf32, #tpu.memory_space<hbm>> -> memref<8x64xf32, #tpu.memory_space<hbm>>
        %dma_start3A_2798 = arith.constant 0 : i32
        %dma_start3A_2799 = arith.constant 0 : i32
        %dma_start3A_2800 = tpu.memref_slice %arg11[%add3A_2787, %dma_start3A_2798, %dma_start3A_2799] : memref<16x8x64xf32, #tpu.memory_space<vmem>> -> memref<1x8x64xf32, #tpu.memory_space<vmem>>
        %dma_start3A_2801 = tpu.memref_squeeze %dma_start3A_2800 : memref<1x8x64xf32, #tpu.memory_space<vmem>> -> memref<8x64xf32, #tpu.memory_space<vmem>>
        %dma_start3A_2802 = arith.constant 0 : i32
        %dma_start3A_2803 = arith.constant 0 : i32
        %dma_start3A_2804 = tpu.memref_slice %arg4[%squeeze3A_2789, %dma_start3A_2802, %dma_start3A_2803] : memref<125000x8x64xf32, #tpu.memory_space<hbm>> -> memref<1x8x64xf32, #tpu.memory_space<hbm>>
        %dma_start3A_2805 = tpu.memref_squeeze %dma_start3A_2804 : memref<1x8x64xf32, #tpu.memory_space<hbm>> -> memref<8x64xf32, #tpu.memory_space<hbm>>
        tpu.enqueue_dma source(%dma_start3A_2805 : memref<8x64xf32, #tpu.memory_space<hbm>>) target(%dma_start3A_2801 : memref<8x64xf32, #tpu.memory_space<vmem>>) target_semaphore(%arg18 : memref<!tpu.dma_semaphore, #tpu.memory_space<semaphore_mem>>)
        %slice3A_2806 = vector.extract_strided_slice %shift_right_logical3A_2303 {offsets = [12], sizes = [1], strides = [1]} : vector<16xi32> to vector<1xi32>
        %squeeze3A_2807 = vector.extract %slice3A_2806[0] : i32 from vector<1xi32>
        %dma_start3A_2808 = arith.constant 0 : i32
        %dma_start3A_2809 = arith.constant 0 : i32
        %dma_start3A_2810 = tpu.memref_slice %arg12[%add3A_2787, %dma_start3A_2808, %dma_start3A_2809] : memref<16x8x64xf32, #tpu.memory_space<vmem>> -> memref<1x8x64xf32, #tpu.memory_space<vmem>>
        %dma_start3A_2811 = tpu.memref_squeeze %dma_start3A_2810 : memref<1x8x64xf32, #tpu.memory_space<vmem>> -> memref<8x64xf32, #tpu.memory_space<vmem>>
        %dma_start3A_2812 = arith.constant 0 : i32
        %dma_start3A_2813 = arith.constant 0 : i32
        %dma_start3A_2814 = tpu.memref_slice %arg5[%squeeze3A_2807, %dma_start3A_2812, %dma_start3A_2813] : memref<125000x8x64xf32, #tpu.memory_space<hbm>> -> memref<1x8x64xf32, #tpu.memory_space<hbm>>
        %dma_start3A_2815 = tpu.memref_squeeze %dma_start3A_2814 : memref<1x8x64xf32, #tpu.memory_space<hbm>> -> memref<8x64xf32, #tpu.memory_space<hbm>>
        %dma_start3A_2816 = arith.constant 0 : i32
        %dma_start3A_2817 = arith.constant 0 : i32
        %dma_start3A_2818 = tpu.memref_slice %arg12[%add3A_2787, %dma_start3A_2816, %dma_start3A_2817] : memref<16x8x64xf32, #tpu.memory_space<vmem>> -> memref<1x8x64xf32, #tpu.memory_space<vmem>>
        %dma_start3A_2819 = tpu.memref_squeeze %dma_start3A_2818 : memref<1x8x64xf32, #tpu.memory_space<vmem>> -> memref<8x64xf32, #tpu.memory_space<vmem>>
        %dma_start3A_2820 = arith.constant 0 : i32
        %dma_start3A_2821 = arith.constant 0 : i32
        %dma_start3A_2822 = tpu.memref_slice %arg5[%squeeze3A_2807, %dma_start3A_2820, %dma_start3A_2821] : memref<125000x8x64xf32, #tpu.memory_space<hbm>> -> memref<1x8x64xf32, #tpu.memory_space<hbm>>
        %dma_start3A_2823 = tpu.memref_squeeze %dma_start3A_2822 : memref<1x8x64xf32, #tpu.memory_space<hbm>> -> memref<8x64xf32, #tpu.memory_space<hbm>>
        tpu.enqueue_dma source(%dma_start3A_2823 : memref<8x64xf32, #tpu.memory_space<hbm>>) target(%dma_start3A_2819 : memref<8x64xf32, #tpu.memory_space<vmem>>) target_semaphore(%arg19 : memref<!tpu.dma_semaphore, #tpu.memory_space<semaphore_mem>>)
        %mul3A_2824 = arith.constant 16 : i32
        %mul3A_2825 = arith.muli %scan3A_2288, %mul3A_2824 : i32
        %add3A_2826 = arith.constant 13 : i32
        %add3A_2827 = arith.addi %mul3A_2825, %add3A_2826 : i32
        %slice3A_2828 = vector.extract_strided_slice %shift_right_logical3A_2298 {offsets = [13], sizes = [1], strides = [1]} : vector<16xi32> to vector<1xi32>
        %squeeze3A_2829 = vector.extract %slice3A_2828[0] : i32 from vector<1xi32>
        %dma_start3A_2830 = arith.constant 0 : i32
        %dma_start3A_2831 = arith.constant 0 : i32
        %dma_start3A_2832 = tpu.memref_slice %arg11[%add3A_2827, %dma_start3A_2830, %dma_start3A_2831] : memref<16x8x64xf32, #tpu.memory_space<vmem>> -> memref<1x8x64xf32, #tpu.memory_space<vmem>>
        %dma_start3A_2833 = tpu.memref_squeeze %dma_start3A_2832 : memref<1x8x64xf32, #tpu.memory_space<vmem>> -> memref<8x64xf32, #tpu.memory_space<vmem>>
        %dma_start3A_2834 = arith.constant 0 : i32
        %dma_start3A_2835 = arith.constant 0 : i32
        %dma_start3A_2836 = tpu.memref_slice %arg4[%squeeze3A_2829, %dma_start3A_2834, %dma_start3A_2835] : memref<125000x8x64xf32, #tpu.memory_space<hbm>> -> memref<1x8x64xf32, #tpu.memory_space<hbm>>
        %dma_start3A_2837 = tpu.memref_squeeze %dma_start3A_2836 : memref<1x8x64xf32, #tpu.memory_space<hbm>> -> memref<8x64xf32, #tpu.memory_space<hbm>>
        %dma_start3A_2838 = arith.constant 0 : i32
        %dma_start3A_2839 = arith.constant 0 : i32
        %dma_start3A_2840 = tpu.memref_slice %arg11[%add3A_2827, %dma_start3A_2838, %dma_start3A_2839] : memref<16x8x64xf32, #tpu.memory_space<vmem>> -> memref<1x8x64xf32, #tpu.memory_space<vmem>>
        %dma_start3A_2841 = tpu.memref_squeeze %dma_start3A_2840 : memref<1x8x64xf32, #tpu.memory_space<vmem>> -> memref<8x64xf32, #tpu.memory_space<vmem>>
        %dma_start3A_2842 = arith.constant 0 : i32
        %dma_start3A_2843 = arith.constant 0 : i32
        %dma_start3A_2844 = tpu.memref_slice %arg4[%squeeze3A_2829, %dma_start3A_2842, %dma_start3A_2843] : memref<125000x8x64xf32, #tpu.memory_space<hbm>> -> memref<1x8x64xf32, #tpu.memory_space<hbm>>
        %dma_start3A_2845 = tpu.memref_squeeze %dma_start3A_2844 : memref<1x8x64xf32, #tpu.memory_space<hbm>> -> memref<8x64xf32, #tpu.memory_space<hbm>>
        tpu.enqueue_dma source(%dma_start3A_2845 : memref<8x64xf32, #tpu.memory_space<hbm>>) target(%dma_start3A_2841 : memref<8x64xf32, #tpu.memory_space<vmem>>) target_semaphore(%arg18 : memref<!tpu.dma_semaphore, #tpu.memory_space<semaphore_mem>>)
        %slice3A_2846 = vector.extract_strided_slice %shift_right_logical3A_2303 {offsets = [13], sizes = [1], strides = [1]} : vector<16xi32> to vector<1xi32>
        %squeeze3A_2847 = vector.extract %slice3A_2846[0] : i32 from vector<1xi32>
        %dma_start3A_2848 = arith.constant 0 : i32
        %dma_start3A_2849 = arith.constant 0 : i32
        %dma_start3A_2850 = tpu.memref_slice %arg12[%add3A_2827, %dma_start3A_2848, %dma_start3A_2849] : memref<16x8x64xf32, #tpu.memory_space<vmem>> -> memref<1x8x64xf32, #tpu.memory_space<vmem>>
        %dma_start3A_2851 = tpu.memref_squeeze %dma_start3A_2850 : memref<1x8x64xf32, #tpu.memory_space<vmem>> -> memref<8x64xf32, #tpu.memory_space<vmem>>
        %dma_start3A_2852 = arith.constant 0 : i32
        %dma_start3A_2853 = arith.constant 0 : i32
        %dma_start3A_2854 = tpu.memref_slice %arg5[%squeeze3A_2847, %dma_start3A_2852, %dma_start3A_2853] : memref<125000x8x64xf32, #tpu.memory_space<hbm>> -> memref<1x8x64xf32, #tpu.memory_space<hbm>>
        %dma_start3A_2855 = tpu.memref_squeeze %dma_start3A_2854 : memref<1x8x64xf32, #tpu.memory_space<hbm>> -> memref<8x64xf32, #tpu.memory_space<hbm>>
        %dma_start3A_2856 = arith.constant 0 : i32
        %dma_start3A_2857 = arith.constant 0 : i32
        %dma_start3A_2858 = tpu.memref_slice %arg12[%add3A_2827, %dma_start3A_2856, %dma_start3A_2857] : memref<16x8x64xf32, #tpu.memory_space<vmem>> -> memref<1x8x64xf32, #tpu.memory_space<vmem>>
        %dma_start3A_2859 = tpu.memref_squeeze %dma_start3A_2858 : memref<1x8x64xf32, #tpu.memory_space<vmem>> -> memref<8x64xf32, #tpu.memory_space<vmem>>
        %dma_start3A_2860 = arith.constant 0 : i32
        %dma_start3A_2861 = arith.constant 0 : i32
        %dma_start3A_2862 = tpu.memref_slice %arg5[%squeeze3A_2847, %dma_start3A_2860, %dma_start3A_2861] : memref<125000x8x64xf32, #tpu.memory_space<hbm>> -> memref<1x8x64xf32, #tpu.memory_space<hbm>>
        %dma_start3A_2863 = tpu.memref_squeeze %dma_start3A_2862 : memref<1x8x64xf32, #tpu.memory_space<hbm>> -> memref<8x64xf32, #tpu.memory_space<hbm>>
        tpu.enqueue_dma source(%dma_start3A_2863 : memref<8x64xf32, #tpu.memory_space<hbm>>) target(%dma_start3A_2859 : memref<8x64xf32, #tpu.memory_space<vmem>>) target_semaphore(%arg19 : memref<!tpu.dma_semaphore, #tpu.memory_space<semaphore_mem>>)
        %mul3A_2864 = arith.constant 16 : i32
        %mul3A_2865 = arith.muli %scan3A_2288, %mul3A_2864 : i32
        %add3A_2866 = arith.constant 14 : i32
        %add3A_2867 = arith.addi %mul3A_2865, %add3A_2866 : i32
        %slice3A_2868 = vector.extract_strided_slice %shift_right_logical3A_2298 {offsets = [14], sizes = [1], strides = [1]} : vector<16xi32> to vector<1xi32>
        %squeeze3A_2869 = vector.extract %slice3A_2868[0] : i32 from vector<1xi32>
        %dma_start3A_2870 = arith.constant 0 : i32
        %dma_start3A_2871 = arith.constant 0 : i32
        %dma_start3A_2872 = tpu.memref_slice %arg11[%add3A_2867, %dma_start3A_2870, %dma_start3A_2871] : memref<16x8x64xf32, #tpu.memory_space<vmem>> -> memref<1x8x64xf32, #tpu.memory_space<vmem>>
        %dma_start3A_2873 = tpu.memref_squeeze %dma_start3A_2872 : memref<1x8x64xf32, #tpu.memory_space<vmem>> -> memref<8x64xf32, #tpu.memory_space<vmem>>
        %dma_start3A_2874 = arith.constant 0 : i32
        %dma_start3A_2875 = arith.constant 0 : i32
        %dma_start3A_2876 = tpu.memref_slice %arg4[%squeeze3A_2869, %dma_start3A_2874, %dma_start3A_2875] : memref<125000x8x64xf32, #tpu.memory_space<hbm>> -> memref<1x8x64xf32, #tpu.memory_space<hbm>>
        %dma_start3A_2877 = tpu.memref_squeeze %dma_start3A_2876 : memref<1x8x64xf32, #tpu.memory_space<hbm>> -> memref<8x64xf32, #tpu.memory_space<hbm>>
        %dma_start3A_2878 = arith.constant 0 : i32
        %dma_start3A_2879 = arith.constant 0 : i32
        %dma_start3A_2880 = tpu.memref_slice %arg11[%add3A_2867, %dma_start3A_2878, %dma_start3A_2879] : memref<16x8x64xf32, #tpu.memory_space<vmem>> -> memref<1x8x64xf32, #tpu.memory_space<vmem>>
        %dma_start3A_2881 = tpu.memref_squeeze %dma_start3A_2880 : memref<1x8x64xf32, #tpu.memory_space<vmem>> -> memref<8x64xf32, #tpu.memory_space<vmem>>
        %dma_start3A_2882 = arith.constant 0 : i32
        %dma_start3A_2883 = arith.constant 0 : i32
        %dma_start3A_2884 = tpu.memref_slice %arg4[%squeeze3A_2869, %dma_start3A_2882, %dma_start3A_2883] : memref<125000x8x64xf32, #tpu.memory_space<hbm>> -> memref<1x8x64xf32, #tpu.memory_space<hbm>>
        %dma_start3A_2885 = tpu.memref_squeeze %dma_start3A_2884 : memref<1x8x64xf32, #tpu.memory_space<hbm>> -> memref<8x64xf32, #tpu.memory_space<hbm>>
        tpu.enqueue_dma source(%dma_start3A_2885 : memref<8x64xf32, #tpu.memory_space<hbm>>) target(%dma_start3A_2881 : memref<8x64xf32, #tpu.memory_space<vmem>>) target_semaphore(%arg18 : memref<!tpu.dma_semaphore, #tpu.memory_space<semaphore_mem>>)
        %slice3A_2886 = vector.extract_strided_slice %shift_right_logical3A_2303 {offsets = [14], sizes = [1], strides = [1]} : vector<16xi32> to vector<1xi32>
        %squeeze3A_2887 = vector.extract %slice3A_2886[0] : i32 from vector<1xi32>
        %dma_start3A_2888 = arith.constant 0 : i32
        %dma_start3A_2889 = arith.constant 0 : i32
        %dma_start3A_2890 = tpu.memref_slice %arg12[%add3A_2867, %dma_start3A_2888, %dma_start3A_2889] : memref<16x8x64xf32, #tpu.memory_space<vmem>> -> memref<1x8x64xf32, #tpu.memory_space<vmem>>
        %dma_start3A_2891 = tpu.memref_squeeze %dma_start3A_2890 : memref<1x8x64xf32, #tpu.memory_space<vmem>> -> memref<8x64xf32, #tpu.memory_space<vmem>>
        %dma_start3A_2892 = arith.constant 0 : i32
        %dma_start3A_2893 = arith.constant 0 : i32
        %dma_start3A_2894 = tpu.memref_slice %arg5[%squeeze3A_2887, %dma_start3A_2892, %dma_start3A_2893] : memref<125000x8x64xf32, #tpu.memory_space<hbm>> -> memref<1x8x64xf32, #tpu.memory_space<hbm>>
        %dma_start3A_2895 = tpu.memref_squeeze %dma_start3A_2894 : memref<1x8x64xf32, #tpu.memory_space<hbm>> -> memref<8x64xf32, #tpu.memory_space<hbm>>
        %dma_start3A_2896 = arith.constant 0 : i32
        %dma_start3A_2897 = arith.constant 0 : i32
        %dma_start3A_2898 = tpu.memref_slice %arg12[%add3A_2867, %dma_start3A_2896, %dma_start3A_2897] : memref<16x8x64xf32, #tpu.memory_space<vmem>> -> memref<1x8x64xf32, #tpu.memory_space<vmem>>
        %dma_start3A_2899 = tpu.memref_squeeze %dma_start3A_2898 : memref<1x8x64xf32, #tpu.memory_space<vmem>> -> memref<8x64xf32, #tpu.memory_space<vmem>>
        %dma_start3A_2900 = arith.constant 0 : i32
        %dma_start3A_2901 = arith.constant 0 : i32
        %dma_start3A_2902 = tpu.memref_slice %arg5[%squeeze3A_2887, %dma_start3A_2900, %dma_start3A_2901] : memref<125000x8x64xf32, #tpu.memory_space<hbm>> -> memref<1x8x64xf32, #tpu.memory_space<hbm>>
        %dma_start3A_2903 = tpu.memref_squeeze %dma_start3A_2902 : memref<1x8x64xf32, #tpu.memory_space<hbm>> -> memref<8x64xf32, #tpu.memory_space<hbm>>
        tpu.enqueue_dma source(%dma_start3A_2903 : memref<8x64xf32, #tpu.memory_space<hbm>>) target(%dma_start3A_2899 : memref<8x64xf32, #tpu.memory_space<vmem>>) target_semaphore(%arg19 : memref<!tpu.dma_semaphore, #tpu.memory_space<semaphore_mem>>)
        %mul3A_2904 = arith.constant 16 : i32
        %mul3A_2905 = arith.muli %scan3A_2288, %mul3A_2904 : i32
        %add3A_2906 = arith.constant 15 : i32
        %add3A_2907 = arith.addi %mul3A_2905, %add3A_2906 : i32
        %slice3A_2908 = vector.extract_strided_slice %shift_right_logical3A_2298 {offsets = [15], sizes = [1], strides = [1]} : vector<16xi32> to vector<1xi32>
        %squeeze3A_2909 = vector.extract %slice3A_2908[0] : i32 from vector<1xi32>
        %dma_start3A_2910 = arith.constant 0 : i32
        %dma_start3A_2911 = arith.constant 0 : i32
        %dma_start3A_2912 = tpu.memref_slice %arg11[%add3A_2907, %dma_start3A_2910, %dma_start3A_2911] : memref<16x8x64xf32, #tpu.memory_space<vmem>> -> memref<1x8x64xf32, #tpu.memory_space<vmem>>
        %dma_start3A_2913 = tpu.memref_squeeze %dma_start3A_2912 : memref<1x8x64xf32, #tpu.memory_space<vmem>> -> memref<8x64xf32, #tpu.memory_space<vmem>>
        %dma_start3A_2914 = arith.constant 0 : i32
        %dma_start3A_2915 = arith.constant 0 : i32
        %dma_start3A_2916 = tpu.memref_slice %arg4[%squeeze3A_2909, %dma_start3A_2914, %dma_start3A_2915] : memref<125000x8x64xf32, #tpu.memory_space<hbm>> -> memref<1x8x64xf32, #tpu.memory_space<hbm>>
        %dma_start3A_2917 = tpu.memref_squeeze %dma_start3A_2916 : memref<1x8x64xf32, #tpu.memory_space<hbm>> -> memref<8x64xf32, #tpu.memory_space<hbm>>
        %dma_start3A_2918 = arith.constant 0 : i32
        %dma_start3A_2919 = arith.constant 0 : i32
        %dma_start3A_2920 = tpu.memref_slice %arg11[%add3A_2907, %dma_start3A_2918, %dma_start3A_2919] : memref<16x8x64xf32, #tpu.memory_space<vmem>> -> memref<1x8x64xf32, #tpu.memory_space<vmem>>
        %dma_start3A_2921 = tpu.memref_squeeze %dma_start3A_2920 : memref<1x8x64xf32, #tpu.memory_space<vmem>> -> memref<8x64xf32, #tpu.memory_space<vmem>>
        %dma_start3A_2922 = arith.constant 0 : i32
        %dma_start3A_2923 = arith.constant 0 : i32
        %dma_start3A_2924 = tpu.memref_slice %arg4[%squeeze3A_2909, %dma_start3A_2922, %dma_start3A_2923] : memref<125000x8x64xf32, #tpu.memory_space<hbm>> -> memref<1x8x64xf32, #tpu.memory_space<hbm>>
        %dma_start3A_2925 = tpu.memref_squeeze %dma_start3A_2924 : memref<1x8x64xf32, #tpu.memory_space<hbm>> -> memref<8x64xf32, #tpu.memory_space<hbm>>
        tpu.enqueue_dma source(%dma_start3A_2925 : memref<8x64xf32, #tpu.memory_space<hbm>>) target(%dma_start3A_2921 : memref<8x64xf32, #tpu.memory_space<vmem>>) target_semaphore(%arg18 : memref<!tpu.dma_semaphore, #tpu.memory_space<semaphore_mem>>)
        %slice3A_2926 = vector.extract_strided_slice %shift_right_logical3A_2303 {offsets = [15], sizes = [1], strides = [1]} : vector<16xi32> to vector<1xi32>
        %squeeze3A_2927 = vector.extract %slice3A_2926[0] : i32 from vector<1xi32>
        %dma_start3A_2928 = arith.constant 0 : i32
        %dma_start3A_2929 = arith.constant 0 : i32
        %dma_start3A_2930 = tpu.memref_slice %arg12[%add3A_2907, %dma_start3A_2928, %dma_start3A_2929] : memref<16x8x64xf32, #tpu.memory_space<vmem>> -> memref<1x8x64xf32, #tpu.memory_space<vmem>>
        %dma_start3A_2931 = tpu.memref_squeeze %dma_start3A_2930 : memref<1x8x64xf32, #tpu.memory_space<vmem>> -> memref<8x64xf32, #tpu.memory_space<vmem>>
        %dma_start3A_2932 = arith.constant 0 : i32
        %dma_start3A_2933 = arith.constant 0 : i32
        %dma_start3A_2934 = tpu.memref_slice %arg5[%squeeze3A_2927, %dma_start3A_2932, %dma_start3A_2933] : memref<125000x8x64xf32, #tpu.memory_space<hbm>> -> memref<1x8x64xf32, #tpu.memory_space<hbm>>
        %dma_start3A_2935 = tpu.memref_squeeze %dma_start3A_2934 : memref<1x8x64xf32, #tpu.memory_space<hbm>> -> memref<8x64xf32, #tpu.memory_space<hbm>>
        %dma_start3A_2936 = arith.constant 0 : i32
        %dma_start3A_2937 = arith.constant 0 : i32
        %dma_start3A_2938 = tpu.memref_slice %arg12[%add3A_2907, %dma_start3A_2936, %dma_start3A_2937] : memref<16x8x64xf32, #tpu.memory_space<vmem>> -> memref<1x8x64xf32, #tpu.memory_space<vmem>>
        %dma_start3A_2939 = tpu.memref_squeeze %dma_start3A_2938 : memref<1x8x64xf32, #tpu.memory_space<vmem>> -> memref<8x64xf32, #tpu.memory_space<vmem>>
        %dma_start3A_2940 = arith.constant 0 : i32
        %dma_start3A_2941 = arith.constant 0 : i32
        %dma_start3A_2942 = tpu.memref_slice %arg5[%squeeze3A_2927, %dma_start3A_2940, %dma_start3A_2941] : memref<125000x8x64xf32, #tpu.memory_space<hbm>> -> memref<1x8x64xf32, #tpu.memory_space<hbm>>
        %dma_start3A_2943 = tpu.memref_squeeze %dma_start3A_2942 : memref<1x8x64xf32, #tpu.memory_space<hbm>> -> memref<8x64xf32, #tpu.memory_space<hbm>>
        tpu.enqueue_dma source(%dma_start3A_2943 : memref<8x64xf32, #tpu.memory_space<hbm>>) target(%dma_start3A_2939 : memref<8x64xf32, #tpu.memory_space<vmem>>) target_semaphore(%arg19 : memref<!tpu.dma_semaphore, #tpu.memory_space<semaphore_mem>>)
        %scan3A_2944 = arith.constant 1 : i32
      } else {
      }
      %dma_wait3A_1850 = arith.constant 0 : i32
      %dma_wait3A_1851 = arith.constant 0 : i32
      %dma_wait3A_1852 = arith.constant 0 : i32
      %dma_wait3A_1853 = tpu.memref_slice %arg4[%dma_wait3A_1850, %dma_wait3A_1851, %dma_wait3A_1852] : memref<125000x8x64xf32, #tpu.memory_space<hbm>> -> memref<16x8x64xf32, #tpu.memory_space<hbm>>
      %dma_wait3A_1854 = arith.constant 0 : i32
      %dma_wait3A_1855 = arith.constant 0 : i32
      %dma_wait3A_1856 = arith.constant 0 : i32
      %dma_wait3A_1857 = tpu.memref_slice %arg4[%dma_wait3A_1854, %dma_wait3A_1855, %dma_wait3A_1856] : memref<125000x8x64xf32, #tpu.memory_space<hbm>> -> memref<16x8x64xf32, #tpu.memory_space<hbm>>
      tpu.wait_dma2 semaphore(%arg20 : memref<!tpu.dma_semaphore, #tpu.memory_space<semaphore_mem>>) src(%dma_wait3A_1857 : memref<16x8x64xf32, #tpu.memory_space<hbm>>) dst(%arg13 : memref<16x8x64xf32, #tpu.memory_space<vmem>>)
      %dma_wait3A_1858 = arith.constant 0 : i32
      %dma_wait3A_1859 = arith.constant 0 : i32
      %dma_wait3A_1860 = arith.constant 0 : i32
      %dma_wait3A_1861 = tpu.memref_slice %arg5[%dma_wait3A_1858, %dma_wait3A_1859, %dma_wait3A_1860] : memref<125000x8x64xf32, #tpu.memory_space<hbm>> -> memref<16x8x64xf32, #tpu.memory_space<hbm>>
      %dma_wait3A_1862 = arith.constant 0 : i32
      %dma_wait3A_1863 = arith.constant 0 : i32
      %dma_wait3A_1864 = arith.constant 0 : i32
      %dma_wait3A_1865 = tpu.memref_slice %arg5[%dma_wait3A_1862, %dma_wait3A_1863, %dma_wait3A_1864] : memref<125000x8x64xf32, #tpu.memory_space<hbm>> -> memref<16x8x64xf32, #tpu.memory_space<hbm>>
      tpu.wait_dma2 semaphore(%arg21 : memref<!tpu.dma_semaphore, #tpu.memory_space<semaphore_mem>>) src(%dma_wait3A_1865 : memref<16x8x64xf32, #tpu.memory_space<hbm>>) dst(%arg14 : memref<16x8x64xf32, #tpu.memory_space<vmem>>)
      %add3A_1866 = arith.constant 1 : i32
      %add3A_1867 = arith.addi %mul3A_757, %add3A_1866 : i32
      %scan3A_1868 = arith.constant 0 : i32
      %scan3A_1869 = arith.constant 0 : i32
      %mul3A_1870 = arith.constant 16 : i32
      %mul3A_1871 = arith.muli %add3A_1867, %mul3A_1870 : i32
      %mul3A_1872 = arith.constant 16 : i32
      %mul3A_1873 = arith.muli %scan3A_1869, %mul3A_1872 : i32
      %add3A_1874 = arith.addi %mul3A_1871, %mul3A_1873 : i32
      %mul3A_1875 = arith.constant 16 : i32
      %mul3A_1876 = arith.muli %scan3A_1869, %mul3A_1875 : i32
      %iota3A_1877 = tpu.iota {dimensions = array<i32: 0>} : vector<16xi32>
      %add3A_1878 = vector.broadcast %mul3A_1876 : i32 to vector<16xi32>
      %add3A_1879 = arith.addi %add3A_1878, %iota3A_1877 : vector<16xi32>
      %get3A_1880 = arith.index_cast %add3A_1874 : i32 to index
      %get3A_1881 = tpu.vector_load %arg9[%get3A_1880] {strides = array<i32>} : memref<512xi32, #tpu.memory_space<vmem>>, vector<16xi32>,
      %and3A_1882 = arith.constant 7 : i32
      %and3A_1883 = vector.broadcast %and3A_1882 : i32 to vector<16xi32>
      %and3A_1884 = arith.andi %get3A_1881, %and3A_1883 : vector<16xi32>
      %get3A_1885 = arith.index_cast %add3A_1874 : i32 to index
      %get3A_1886 = tpu.vector_load %arg10[%get3A_1885] {strides = array<i32>} : memref<512xi32, #tpu.memory_space<vmem>>, vector<16xi32>,
      %and3A_1887 = arith.constant 7 : i32
      %and3A_1888 = vector.broadcast %and3A_1887 : i32 to vector<16xi32>
      %and3A_1889 = arith.andi %get3A_1886, %and3A_1888 : vector<16xi32>
      %get3A_1890 = arith.index_cast %add3A_1874 : i32 to index
      %get3A_1891 = tpu.vector_load %arg15[%get3A_1890] {strides = array<i32>} : memref<512xf32, #tpu.memory_space<vmem>>, vector<16xf32>,
      %get3A_1892 = arith.index_cast %add3A_1874 : i32 to index
      %get3A_1893 = tpu.vector_load %arg16[%get3A_1892] {strides = array<i32>} : memref<512xf32, #tpu.memory_space<vmem>>, vector<16xf32>,
      %add3A_1894 = arith.addf %get3A_1891, %get3A_1893 : vector<16xf32>
      %add3A_1895 = arith.constant 3.500000e+00 : f32
      %add3A_1896 = vector.broadcast %add3A_1895 : f32 to vector<16xf32>
      %add3A_1897 = arith.addf %add3A_1894, %add3A_1896 : vector<16xf32>
      %broadcast_in_dim3A_1898 = arith.constant 0 : i32
      %broadcast_in_dim3A_1899 = vector.broadcast %broadcast_in_dim3A_1898 : i32 to vector<16xi32>
      %gather3A_1900 = tpu.vector_load_idx %arg13[%add3A_1879, %and3A_1884, %broadcast_in_dim3A_1899] : memref<16x8x64xf32, #tpu.memory_space<vmem>>[vector<16xi32>, vector<16xi32>, vector<16xi32>], vector<16xf32>,
      %gather3A_1901 = tpu.vector_load_idx %arg14[%add3A_1879, %and3A_1889, %broadcast_in_dim3A_1899] : memref<16x8x64xf32, #tpu.memory_space<vmem>>[vector<16xi32>, vector<16xi32>, vector<16xi32>], vector<16xf32>,
      %mul3A_1902 = arith.mulf %gather3A_1900, %gather3A_1901 : vector<16xf32>
      %add3A_1903 = arith.addf %add3A_1897, %mul3A_1902 : vector<16xf32>
      %broadcast_in_dim3A_1904 = arith.constant 1 : i32
      %broadcast_in_dim3A_1905 = vector.broadcast %broadcast_in_dim3A_1904 : i32 to vector<16xi32>
      %gather3A_1906 = tpu.vector_load_idx %arg13[%add3A_1879, %and3A_1884, %broadcast_in_dim3A_1905] : memref<16x8x64xf32, #tpu.memory_space<vmem>>[vector<16xi32>, vector<16xi32>, vector<16xi32>], vector<16xf32>,
      %gather3A_1907 = tpu.vector_load_idx %arg14[%add3A_1879, %and3A_1889, %broadcast_in_dim3A_1905] : memref<16x8x64xf32, #tpu.memory_space<vmem>>[vector<16xi32>, vector<16xi32>, vector<16xi32>], vector<16xf32>,
      %mul3A_1908 = arith.mulf %gather3A_1906, %gather3A_1907 : vector<16xf32>
      %add3A_1909 = arith.addf %add3A_1903, %mul3A_1908 : vector<16xf32>
      %broadcast_in_dim3A_1910 = arith.constant 2 : i32
      %broadcast_in_dim3A_1911 = vector.broadcast %broadcast_in_dim3A_1910 : i32 to vector<16xi32>
      %gather3A_1912 = tpu.vector_load_idx %arg13[%add3A_1879, %and3A_1884, %broadcast_in_dim3A_1911] : memref<16x8x64xf32, #tpu.memory_space<vmem>>[vector<16xi32>, vector<16xi32>, vector<16xi32>], vector<16xf32>,
      %gather3A_1913 = tpu.vector_load_idx %arg14[%add3A_1879, %and3A_1889, %broadcast_in_dim3A_1911] : memref<16x8x64xf32, #tpu.memory_space<vmem>>[vector<16xi32>, vector<16xi32>, vector<16xi32>], vector<16xf32>,
      %mul3A_1914 = arith.mulf %gather3A_1912, %gather3A_1913 : vector<16xf32>
      %add3A_1915 = arith.addf %add3A_1909, %mul3A_1914 : vector<16xf32>
      %broadcast_in_dim3A_1916 = arith.constant 3 : i32
      %broadcast_in_dim3A_1917 = vector.broadcast %broadcast_in_dim3A_1916 : i32 to vector<16xi32>
      %gather3A_1918 = tpu.vector_load_idx %arg13[%add3A_1879, %and3A_1884, %broadcast_in_dim3A_1917] : memref<16x8x64xf32, #tpu.memory_space<vmem>>[vector<16xi32>, vector<16xi32>, vector<16xi32>], vector<16xf32>,
      %gather3A_1919 = tpu.vector_load_idx %arg14[%add3A_1879, %and3A_1889, %broadcast_in_dim3A_1917] : memref<16x8x64xf32, #tpu.memory_space<vmem>>[vector<16xi32>, vector<16xi32>, vector<16xi32>], vector<16xf32>,
      %mul3A_1920 = arith.mulf %gather3A_1918, %gather3A_1919 : vector<16xf32>
      %add3A_1921 = arith.addf %add3A_1915, %mul3A_1920 : vector<16xf32>
      %broadcast_in_dim3A_1922 = arith.constant 4 : i32
      %broadcast_in_dim3A_1923 = vector.broadcast %broadcast_in_dim3A_1922 : i32 to vector<16xi32>
      %gather3A_1924 = tpu.vector_load_idx %arg13[%add3A_1879, %and3A_1884, %broadcast_in_dim3A_1923] : memref<16x8x64xf32, #tpu.memory_space<vmem>>[vector<16xi32>, vector<16xi32>, vector<16xi32>], vector<16xf32>,
      %gather3A_1925 = tpu.vector_load_idx %arg14[%add3A_1879, %and3A_1889, %broadcast_in_dim3A_1923] : memref<16x8x64xf32, #tpu.memory_space<vmem>>[vector<16xi32>, vector<16xi32>, vector<16xi32>], vector<16xf32>,
      %mul3A_1926 = arith.mulf %gather3A_1924, %gather3A_1925 : vector<16xf32>
      %add3A_1927 = arith.addf %add3A_1921, %mul3A_1926 : vector<16xf32>
      %broadcast_in_dim3A_1928 = arith.constant 5 : i32
      %broadcast_in_dim3A_1929 = vector.broadcast %broadcast_in_dim3A_1928 : i32 to vector<16xi32>
      %gather3A_1930 = tpu.vector_load_idx %arg13[%add3A_1879, %and3A_1884, %broadcast_in_dim3A_1929] : memref<16x8x64xf32, #tpu.memory_space<vmem>>[vector<16xi32>, vector<16xi32>, vector<16xi32>], vector<16xf32>,
      %gather3A_1931 = tpu.vector_load_idx %arg14[%add3A_1879, %and3A_1889, %broadcast_in_dim3A_1929] : memref<16x8x64xf32, #tpu.memory_space<vmem>>[vector<16xi32>, vector<16xi32>, vector<16xi32>], vector<16xf32>,
      %mul3A_1932 = arith.mulf %gather3A_1930, %gather3A_1931 : vector<16xf32>
      %add3A_1933 = arith.addf %add3A_1927, %mul3A_1932 : vector<16xf32>
      %broadcast_in_dim3A_1934 = arith.constant 6 : i32
      %broadcast_in_dim3A_1935 = vector.broadcast %broadcast_in_dim3A_1934 : i32 to vector<16xi32>
      %gather3A_1936 = tpu.vector_load_idx %arg13[%add3A_1879, %and3A_1884, %broadcast_in_dim3A_1935] : memref<16x8x64xf32, #tpu.memory_space<vmem>>[vector<16xi32>, vector<16xi32>, vector<16xi32>], vector<16xf32>,
      %gather3A_1937 = tpu.vector_load_idx %arg14[%add3A_1879, %and3A_1889, %broadcast_in_dim3A_1935] : memref<16x8x64xf32, #tpu.memory_space<vmem>>[vector<16xi32>, vector<16xi32>, vector<16xi32>], vector<16xf32>,
      %mul3A_1938 = arith.mulf %gather3A_1936, %gather3A_1937 : vector<16xf32>
      %add3A_1939 = arith.addf %add3A_1933, %mul3A_1938 : vector<16xf32>
      %broadcast_in_dim3A_1940 = arith.constant 7 : i32
      %broadcast_in_dim3A_1941 = vector.broadcast %broadcast_in_dim3A_1940 : i32 to vector<16xi32>
      %gather3A_1942 = tpu.vector_load_idx %arg13[%add3A_1879, %and3A_1884, %broadcast_in_dim3A_1941] : memref<16x8x64xf32, #tpu.memory_space<vmem>>[vector<16xi32>, vector<16xi32>, vector<16xi32>], vector<16xf32>,
      %gather3A_1943 = tpu.vector_load_idx %arg14[%add3A_1879, %and3A_1889, %broadcast_in_dim3A_1941] : memref<16x8x64xf32, #tpu.memory_space<vmem>>[vector<16xi32>, vector<16xi32>, vector<16xi32>], vector<16xf32>,
      %mul3A_1944 = arith.mulf %gather3A_1942, %gather3A_1943 : vector<16xf32>
      %add3A_1945 = arith.addf %add3A_1939, %mul3A_1944 : vector<16xf32>
      %broadcast_in_dim3A_1946 = arith.constant 8 : i32
      %broadcast_in_dim3A_1947 = vector.broadcast %broadcast_in_dim3A_1946 : i32 to vector<16xi32>
      %gather3A_1948 = tpu.vector_load_idx %arg13[%add3A_1879, %and3A_1884, %broadcast_in_dim3A_1947] : memref<16x8x64xf32, #tpu.memory_space<vmem>>[vector<16xi32>, vector<16xi32>, vector<16xi32>], vector<16xf32>,
      %gather3A_1949 = tpu.vector_load_idx %arg14[%add3A_1879, %and3A_1889, %broadcast_in_dim3A_1947] : memref<16x8x64xf32, #tpu.memory_space<vmem>>[vector<16xi32>, vector<16xi32>, vector<16xi32>], vector<16xf32>,
      %mul3A_1950 = arith.mulf %gather3A_1948, %gather3A_1949 : vector<16xf32>
      %add3A_1951 = arith.addf %add3A_1945, %mul3A_1950 : vector<16xf32>
      %broadcast_in_dim3A_1952 = arith.constant 9 : i32
      %broadcast_in_dim3A_1953 = vector.broadcast %broadcast_in_dim3A_1952 : i32 to vector<16xi32>
      %gather3A_1954 = tpu.vector_load_idx %arg13[%add3A_1879, %and3A_1884, %broadcast_in_dim3A_1953] : memref<16x8x64xf32, #tpu.memory_space<vmem>>[vector<16xi32>, vector<16xi32>, vector<16xi32>], vector<16xf32>,
      %gather3A_1955 = tpu.vector_load_idx %arg14[%add3A_1879, %and3A_1889, %broadcast_in_dim3A_1953] : memref<16x8x64xf32, #tpu.memory_space<vmem>>[vector<16xi32>, vector<16xi32>, vector<16xi32>], vector<16xf32>,
      %mul3A_1956 = arith.mulf %gather3A_1954, %gather3A_1955 : vector<16xf32>
      %add3A_1957 = arith.addf %add3A_1951, %mul3A_1956 : vector<16xf32>
      %broadcast_in_dim3A_1958 = arith.constant 10 : i32
      %broadcast_in_dim3A_1959 = vector.broadcast %broadcast_in_dim3A_1958 : i32 to vector<16xi32>
      %gather3A_1960 = tpu.vector_load_idx %arg13[%add3A_1879, %and3A_1884, %broadcast_in_dim3A_1959] : memref<16x8x64xf32, #tpu.memory_space<vmem>>[vector<16xi32>, vector<16xi32>, vector<16xi32>], vector<16xf32>,
      %gather3A_1961 = tpu.vector_load_idx %arg14[%add3A_1879, %and3A_1889, %broadcast_in_dim3A_1959] : memref<16x8x64xf32, #tpu.memory_space<vmem>>[vector<16xi32>, vector<16xi32>, vector<16xi32>], vector<16xf32>,
      %mul3A_1962 = arith.mulf %gather3A_1960, %gather3A_1961 : vector<16xf32>
      %add3A_1963 = arith.addf %add3A_1957, %mul3A_1962 : vector<16xf32>
      %broadcast_in_dim3A_1964 = arith.constant 11 : i32
      %broadcast_in_dim3A_1965 = vector.broadcast %broadcast_in_dim3A_1964 : i32 to vector<16xi32>
      %gather3A_1966 = tpu.vector_load_idx %arg13[%add3A_1879, %and3A_1884, %broadcast_in_dim3A_1965] : memref<16x8x64xf32, #tpu.memory_space<vmem>>[vector<16xi32>, vector<16xi32>, vector<16xi32>], vector<16xf32>,
      %gather3A_1967 = tpu.vector_load_idx %arg14[%add3A_1879, %and3A_1889, %broadcast_in_dim3A_1965] : memref<16x8x64xf32, #tpu.memory_space<vmem>>[vector<16xi32>, vector<16xi32>, vector<16xi32>], vector<16xf32>,
      %mul3A_1968 = arith.mulf %gather3A_1966, %gather3A_1967 : vector<16xf32>
      %add3A_1969 = arith.addf %add3A_1963, %mul3A_1968 : vector<16xf32>
      %broadcast_in_dim3A_1970 = arith.constant 12 : i32
      %broadcast_in_dim3A_1971 = vector.broadcast %broadcast_in_dim3A_1970 : i32 to vector<16xi32>
      %gather3A_1972 = tpu.vector_load_idx %arg13[%add3A_1879, %and3A_1884, %broadcast_in_dim3A_1971] : memref<16x8x64xf32, #tpu.memory_space<vmem>>[vector<16xi32>, vector<16xi32>, vector<16xi32>], vector<16xf32>,
      %gather3A_1973 = tpu.vector_load_idx %arg14[%add3A_1879, %and3A_1889, %broadcast_in_dim3A_1971] : memref<16x8x64xf32, #tpu.memory_space<vmem>>[vector<16xi32>, vector<16xi32>, vector<16xi32>], vector<16xf32>,
      %mul3A_1974 = arith.mulf %gather3A_1972, %gather3A_1973 : vector<16xf32>
      %add3A_1975 = arith.addf %add3A_1969, %mul3A_1974 : vector<16xf32>
      %broadcast_in_dim3A_1976 = arith.constant 13 : i32
      %broadcast_in_dim3A_1977 = vector.broadcast %broadcast_in_dim3A_1976 : i32 to vector<16xi32>
      %gather3A_1978 = tpu.vector_load_idx %arg13[%add3A_1879, %and3A_1884, %broadcast_in_dim3A_1977] : memref<16x8x64xf32, #tpu.memory_space<vmem>>[vector<16xi32>, vector<16xi32>, vector<16xi32>], vector<16xf32>,
      %gather3A_1979 = tpu.vector_load_idx %arg14[%add3A_1879, %and3A_1889, %broadcast_in_dim3A_1977] : memref<16x8x64xf32, #tpu.memory_space<vmem>>[vector<16xi32>, vector<16xi32>, vector<16xi32>], vector<16xf32>,
      %mul3A_1980 = arith.mulf %gather3A_1978, %gather3A_1979 : vector<16xf32>
      %add3A_1981 = arith.addf %add3A_1975, %mul3A_1980 : vector<16xf32>
      %broadcast_in_dim3A_1982 = arith.constant 14 : i32
      %broadcast_in_dim3A_1983 = vector.broadcast %broadcast_in_dim3A_1982 : i32 to vector<16xi32>
      %gather3A_1984 = tpu.vector_load_idx %arg13[%add3A_1879, %and3A_1884, %broadcast_in_dim3A_1983] : memref<16x8x64xf32, #tpu.memory_space<vmem>>[vector<16xi32>, vector<16xi32>, vector<16xi32>], vector<16xf32>,
      %gather3A_1985 = tpu.vector_load_idx %arg14[%add3A_1879, %and3A_1889, %broadcast_in_dim3A_1983] : memref<16x8x64xf32, #tpu.memory_space<vmem>>[vector<16xi32>, vector<16xi32>, vector<16xi32>], vector<16xf32>,
      %mul3A_1986 = arith.mulf %gather3A_1984, %gather3A_1985 : vector<16xf32>
      %add3A_1987 = arith.addf %add3A_1981, %mul3A_1986 : vector<16xf32>
      %broadcast_in_dim3A_1988 = arith.constant 15 : i32
      %broadcast_in_dim3A_1989 = vector.broadcast %broadcast_in_dim3A_1988 : i32 to vector<16xi32>
      %gather3A_1990 = tpu.vector_load_idx %arg13[%add3A_1879, %and3A_1884, %broadcast_in_dim3A_1989] : memref<16x8x64xf32, #tpu.memory_space<vmem>>[vector<16xi32>, vector<16xi32>, vector<16xi32>], vector<16xf32>,
      %gather3A_1991 = tpu.vector_load_idx %arg14[%add3A_1879, %and3A_1889, %broadcast_in_dim3A_1989] : memref<16x8x64xf32, #tpu.memory_space<vmem>>[vector<16xi32>, vector<16xi32>, vector<16xi32>], vector<16xf32>,
      %mul3A_1992 = arith.mulf %gather3A_1990, %gather3A_1991 : vector<16xf32>
      %add3A_1993 = arith.addf %add3A_1987, %mul3A_1992 : vector<16xf32>
      %broadcast_in_dim3A_1994 = arith.constant 16 : i32
      %broadcast_in_dim3A_1995 = vector.broadcast %broadcast_in_dim3A_1994 : i32 to vector<16xi32>
      %gather3A_1996 = tpu.vector_load_idx %arg13[%add3A_1879, %and3A_1884, %broadcast_in_dim3A_1995] : memref<16x8x64xf32, #tpu.memory_space<vmem>>[vector<16xi32>, vector<16xi32>, vector<16xi32>], vector<16xf32>,
      %gather3A_1997 = tpu.vector_load_idx %arg14[%add3A_1879, %and3A_1889, %broadcast_in_dim3A_1995] : memref<16x8x64xf32, #tpu.memory_space<vmem>>[vector<16xi32>, vector<16xi32>, vector<16xi32>], vector<16xf32>,
      %mul3A_1998 = arith.mulf %gather3A_1996, %gather3A_1997 : vector<16xf32>
      %add3A_1999 = arith.addf %add3A_1993, %mul3A_1998 : vector<16xf32>
      %broadcast_in_dim3A_2000 = arith.constant 17 : i32
      %broadcast_in_dim3A_2001 = vector.broadcast %broadcast_in_dim3A_2000 : i32 to vector<16xi32>
      %gather3A_2002 = tpu.vector_load_idx %arg13[%add3A_1879, %and3A_1884, %broadcast_in_dim3A_2001] : memref<16x8x64xf32, #tpu.memory_space<vmem>>[vector<16xi32>, vector<16xi32>, vector<16xi32>], vector<16xf32>,
      %gather3A_2003 = tpu.vector_load_idx %arg14[%add3A_1879, %and3A_1889, %broadcast_in_dim3A_2001] : memref<16x8x64xf32, #tpu.memory_space<vmem>>[vector<16xi32>, vector<16xi32>, vector<16xi32>], vector<16xf32>,
      %mul3A_2004 = arith.mulf %gather3A_2002, %gather3A_2003 : vector<16xf32>
      %add3A_2005 = arith.addf %add3A_1999, %mul3A_2004 : vector<16xf32>
      %broadcast_in_dim3A_2006 = arith.constant 18 : i32
      %broadcast_in_dim3A_2007 = vector.broadcast %broadcast_in_dim3A_2006 : i32 to vector<16xi32>
      %gather3A_2008 = tpu.vector_load_idx %arg13[%add3A_1879, %and3A_1884, %broadcast_in_dim3A_2007] : memref<16x8x64xf32, #tpu.memory_space<vmem>>[vector<16xi32>, vector<16xi32>, vector<16xi32>], vector<16xf32>,
      %gather3A_2009 = tpu.vector_load_idx %arg14[%add3A_1879, %and3A_1889, %broadcast_in_dim3A_2007] : memref<16x8x64xf32, #tpu.memory_space<vmem>>[vector<16xi32>, vector<16xi32>, vector<16xi32>], vector<16xf32>,
      %mul3A_2010 = arith.mulf %gather3A_2008, %gather3A_2009 : vector<16xf32>
      %add3A_2011 = arith.addf %add3A_2005, %mul3A_2010 : vector<16xf32>
      %broadcast_in_dim3A_2012 = arith.constant 19 : i32
      %broadcast_in_dim3A_2013 = vector.broadcast %broadcast_in_dim3A_2012 : i32 to vector<16xi32>
      %gather3A_2014 = tpu.vector_load_idx %arg13[%add3A_1879, %and3A_1884, %broadcast_in_dim3A_2013] : memref<16x8x64xf32, #tpu.memory_space<vmem>>[vector<16xi32>, vector<16xi32>, vector<16xi32>], vector<16xf32>,
      %gather3A_2015 = tpu.vector_load_idx %arg14[%add3A_1879, %and3A_1889, %broadcast_in_dim3A_2013] : memref<16x8x64xf32, #tpu.memory_space<vmem>>[vector<16xi32>, vector<16xi32>, vector<16xi32>], vector<16xf32>,
      %mul3A_2016 = arith.mulf %gather3A_2014, %gather3A_2015 : vector<16xf32>
      %add3A_2017 = arith.addf %add3A_2011, %mul3A_2016 : vector<16xf32>
      %broadcast_in_dim3A_2018 = arith.constant 20 : i32
      %broadcast_in_dim3A_2019 = vector.broadcast %broadcast_in_dim3A_2018 : i32 to vector<16xi32>
      %gather3A_2020 = tpu.vector_load_idx %arg13[%add3A_1879, %and3A_1884, %broadcast_in_dim3A_2019] : memref<16x8x64xf32, #tpu.memory_space<vmem>>[vector<16xi32>, vector<16xi32>, vector<16xi32>], vector<16xf32>,
      %gather3A_2021 = tpu.vector_load_idx %arg14[%add3A_1879, %and3A_1889, %broadcast_in_dim3A_2019] : memref<16x8x64xf32, #tpu.memory_space<vmem>>[vector<16xi32>, vector<16xi32>, vector<16xi32>], vector<16xf32>,
      %mul3A_2022 = arith.mulf %gather3A_2020, %gather3A_2021 : vector<16xf32>
      %add3A_2023 = arith.addf %add3A_2017, %mul3A_2022 : vector<16xf32>
      %broadcast_in_dim3A_2024 = arith.constant 21 : i32
      %broadcast_in_dim3A_2025 = vector.broadcast %broadcast_in_dim3A_2024 : i32 to vector<16xi32>
      %gather3A_2026 = tpu.vector_load_idx %arg13[%add3A_1879, %and3A_1884, %broadcast_in_dim3A_2025] : memref<16x8x64xf32, #tpu.memory_space<vmem>>[vector<16xi32>, vector<16xi32>, vector<16xi32>], vector<16xf32>,
      %gather3A_2027 = tpu.vector_load_idx %arg14[%add3A_1879, %and3A_1889, %broadcast_in_dim3A_2025] : memref<16x8x64xf32, #tpu.memory_space<vmem>>[vector<16xi32>, vector<16xi32>, vector<16xi32>], vector<16xf32>,
      %mul3A_2028 = arith.mulf %gather3A_2026, %gather3A_2027 : vector<16xf32>
      %add3A_2029 = arith.addf %add3A_2023, %mul3A_2028 : vector<16xf32>
      %broadcast_in_dim3A_2030 = arith.constant 22 : i32
      %broadcast_in_dim3A_2031 = vector.broadcast %broadcast_in_dim3A_2030 : i32 to vector<16xi32>
      %gather3A_2032 = tpu.vector_load_idx %arg13[%add3A_1879, %and3A_1884, %broadcast_in_dim3A_2031] : memref<16x8x64xf32, #tpu.memory_space<vmem>>[vector<16xi32>, vector<16xi32>, vector<16xi32>], vector<16xf32>,
      %gather3A_2033 = tpu.vector_load_idx %arg14[%add3A_1879, %and3A_1889, %broadcast_in_dim3A_2031] : memref<16x8x64xf32, #tpu.memory_space<vmem>>[vector<16xi32>, vector<16xi32>, vector<16xi32>], vector<16xf32>,
      %mul3A_2034 = arith.mulf %gather3A_2032, %gather3A_2033 : vector<16xf32>
      %add3A_2035 = arith.addf %add3A_2029, %mul3A_2034 : vector<16xf32>
      %broadcast_in_dim3A_2036 = arith.constant 23 : i32
      %broadcast_in_dim3A_2037 = vector.broadcast %broadcast_in_dim3A_2036 : i32 to vector<16xi32>
      %gather3A_2038 = tpu.vector_load_idx %arg13[%add3A_1879, %and3A_1884, %broadcast_in_dim3A_2037] : memref<16x8x64xf32, #tpu.memory_space<vmem>>[vector<16xi32>, vector<16xi32>, vector<16xi32>], vector<16xf32>,
      %gather3A_2039 = tpu.vector_load_idx %arg14[%add3A_1879, %and3A_1889, %broadcast_in_dim3A_2037] : memref<16x8x64xf32, #tpu.memory_space<vmem>>[vector<16xi32>, vector<16xi32>, vector<16xi32>], vector<16xf32>,
      %mul3A_2040 = arith.mulf %gather3A_2038, %gather3A_2039 : vector<16xf32>
      %add3A_2041 = arith.addf %add3A_2035, %mul3A_2040 : vector<16xf32>
      %broadcast_in_dim3A_2042 = arith.constant 24 : i32
      %broadcast_in_dim3A_2043 = vector.broadcast %broadcast_in_dim3A_2042 : i32 to vector<16xi32>
      %gather3A_2044 = tpu.vector_load_idx %arg13[%add3A_1879, %and3A_1884, %broadcast_in_dim3A_2043] : memref<16x8x64xf32, #tpu.memory_space<vmem>>[vector<16xi32>, vector<16xi32>, vector<16xi32>], vector<16xf32>,
      %gather3A_2045 = tpu.vector_load_idx %arg14[%add3A_1879, %and3A_1889, %broadcast_in_dim3A_2043] : memref<16x8x64xf32, #tpu.memory_space<vmem>>[vector<16xi32>, vector<16xi32>, vector<16xi32>], vector<16xf32>,
      %mul3A_2046 = arith.mulf %gather3A_2044, %gather3A_2045 : vector<16xf32>
      %add3A_2047 = arith.addf %add3A_2041, %mul3A_2046 : vector<16xf32>
      %broadcast_in_dim3A_2048 = arith.constant 25 : i32
      %broadcast_in_dim3A_2049 = vector.broadcast %broadcast_in_dim3A_2048 : i32 to vector<16xi32>
      %gather3A_2050 = tpu.vector_load_idx %arg13[%add3A_1879, %and3A_1884, %broadcast_in_dim3A_2049] : memref<16x8x64xf32, #tpu.memory_space<vmem>>[vector<16xi32>, vector<16xi32>, vector<16xi32>], vector<16xf32>,
      %gather3A_2051 = tpu.vector_load_idx %arg14[%add3A_1879, %and3A_1889, %broadcast_in_dim3A_2049] : memref<16x8x64xf32, #tpu.memory_space<vmem>>[vector<16xi32>, vector<16xi32>, vector<16xi32>], vector<16xf32>,
      %mul3A_2052 = arith.mulf %gather3A_2050, %gather3A_2051 : vector<16xf32>
      %add3A_2053 = arith.addf %add3A_2047, %mul3A_2052 : vector<16xf32>
      %broadcast_in_dim3A_2054 = arith.constant 26 : i32
      %broadcast_in_dim3A_2055 = vector.broadcast %broadcast_in_dim3A_2054 : i32 to vector<16xi32>
      %gather3A_2056 = tpu.vector_load_idx %arg13[%add3A_1879, %and3A_1884, %broadcast_in_dim3A_2055] : memref<16x8x64xf32, #tpu.memory_space<vmem>>[vector<16xi32>, vector<16xi32>, vector<16xi32>], vector<16xf32>,
      %gather3A_2057 = tpu.vector_load_idx %arg14[%add3A_1879, %and3A_1889, %broadcast_in_dim3A_2055] : memref<16x8x64xf32, #tpu.memory_space<vmem>>[vector<16xi32>, vector<16xi32>, vector<16xi32>], vector<16xf32>,
      %mul3A_2058 = arith.mulf %gather3A_2056, %gather3A_2057 : vector<16xf32>
      %add3A_2059 = arith.addf %add3A_2053, %mul3A_2058 : vector<16xf32>
      %broadcast_in_dim3A_2060 = arith.constant 27 : i32
      %broadcast_in_dim3A_2061 = vector.broadcast %broadcast_in_dim3A_2060 : i32 to vector<16xi32>
      %gather3A_2062 = tpu.vector_load_idx %arg13[%add3A_1879, %and3A_1884, %broadcast_in_dim3A_2061] : memref<16x8x64xf32, #tpu.memory_space<vmem>>[vector<16xi32>, vector<16xi32>, vector<16xi32>], vector<16xf32>,
      %gather3A_2063 = tpu.vector_load_idx %arg14[%add3A_1879, %and3A_1889, %broadcast_in_dim3A_2061] : memref<16x8x64xf32, #tpu.memory_space<vmem>>[vector<16xi32>, vector<16xi32>, vector<16xi32>], vector<16xf32>,
      %mul3A_2064 = arith.mulf %gather3A_2062, %gather3A_2063 : vector<16xf32>
      %add3A_2065 = arith.addf %add3A_2059, %mul3A_2064 : vector<16xf32>
      %broadcast_in_dim3A_2066 = arith.constant 28 : i32
      %broadcast_in_dim3A_2067 = vector.broadcast %broadcast_in_dim3A_2066 : i32 to vector<16xi32>
      %gather3A_2068 = tpu.vector_load_idx %arg13[%add3A_1879, %and3A_1884, %broadcast_in_dim3A_2067] : memref<16x8x64xf32, #tpu.memory_space<vmem>>[vector<16xi32>, vector<16xi32>, vector<16xi32>], vector<16xf32>,
      %gather3A_2069 = tpu.vector_load_idx %arg14[%add3A_1879, %and3A_1889, %broadcast_in_dim3A_2067] : memref<16x8x64xf32, #tpu.memory_space<vmem>>[vector<16xi32>, vector<16xi32>, vector<16xi32>], vector<16xf32>,
      %mul3A_2070 = arith.mulf %gather3A_2068, %gather3A_2069 : vector<16xf32>
      %add3A_2071 = arith.addf %add3A_2065, %mul3A_2070 : vector<16xf32>
      %broadcast_in_dim3A_2072 = arith.constant 29 : i32
      %broadcast_in_dim3A_2073 = vector.broadcast %broadcast_in_dim3A_2072 : i32 to vector<16xi32>
      %gather3A_2074 = tpu.vector_load_idx %arg13[%add3A_1879, %and3A_1884, %broadcast_in_dim3A_2073] : memref<16x8x64xf32, #tpu.memory_space<vmem>>[vector<16xi32>, vector<16xi32>, vector<16xi32>], vector<16xf32>,
      %gather3A_2075 = tpu.vector_load_idx %arg14[%add3A_1879, %and3A_1889, %broadcast_in_dim3A_2073] : memref<16x8x64xf32, #tpu.memory_space<vmem>>[vector<16xi32>, vector<16xi32>, vector<16xi32>], vector<16xf32>,
      %mul3A_2076 = arith.mulf %gather3A_2074, %gather3A_2075 : vector<16xf32>
      %add3A_2077 = arith.addf %add3A_2071, %mul3A_2076 : vector<16xf32>
      %broadcast_in_dim3A_2078 = arith.constant 30 : i32
      %broadcast_in_dim3A_2079 = vector.broadcast %broadcast_in_dim3A_2078 : i32 to vector<16xi32>
      %gather3A_2080 = tpu.vector_load_idx %arg13[%add3A_1879, %and3A_1884, %broadcast_in_dim3A_2079] : memref<16x8x64xf32, #tpu.memory_space<vmem>>[vector<16xi32>, vector<16xi32>, vector<16xi32>], vector<16xf32>,
      %gather3A_2081 = tpu.vector_load_idx %arg14[%add3A_1879, %and3A_1889, %broadcast_in_dim3A_2079] : memref<16x8x64xf32, #tpu.memory_space<vmem>>[vector<16xi32>, vector<16xi32>, vector<16xi32>], vector<16xf32>,
      %mul3A_2082 = arith.mulf %gather3A_2080, %gather3A_2081 : vector<16xf32>
      %add3A_2083 = arith.addf %add3A_2077, %mul3A_2082 : vector<16xf32>
      %broadcast_in_dim3A_2084 = arith.constant 31 : i32
      %broadcast_in_dim3A_2085 = vector.broadcast %broadcast_in_dim3A_2084 : i32 to vector<16xi32>
      %gather3A_2086 = tpu.vector_load_idx %arg13[%add3A_1879, %and3A_1884, %broadcast_in_dim3A_2085] : memref<16x8x64xf32, #tpu.memory_space<vmem>>[vector<16xi32>, vector<16xi32>, vector<16xi32>], vector<16xf32>,
      %gather3A_2087 = tpu.vector_load_idx %arg14[%add3A_1879, %and3A_1889, %broadcast_in_dim3A_2085] : memref<16x8x64xf32, #tpu.memory_space<vmem>>[vector<16xi32>, vector<16xi32>, vector<16xi32>], vector<16xf32>,
      %mul3A_2088 = arith.mulf %gather3A_2086, %gather3A_2087 : vector<16xf32>
      %add3A_2089 = arith.addf %add3A_2083, %mul3A_2088 : vector<16xf32>
      %broadcast_in_dim3A_2090 = arith.constant 32 : i32
      %broadcast_in_dim3A_2091 = vector.broadcast %broadcast_in_dim3A_2090 : i32 to vector<16xi32>
      %gather3A_2092 = tpu.vector_load_idx %arg13[%add3A_1879, %and3A_1884, %broadcast_in_dim3A_2091] : memref<16x8x64xf32, #tpu.memory_space<vmem>>[vector<16xi32>, vector<16xi32>, vector<16xi32>], vector<16xf32>,
      %gather3A_2093 = tpu.vector_load_idx %arg14[%add3A_1879, %and3A_1889, %broadcast_in_dim3A_2091] : memref<16x8x64xf32, #tpu.memory_space<vmem>>[vector<16xi32>, vector<16xi32>, vector<16xi32>], vector<16xf32>,
      %mul3A_2094 = arith.mulf %gather3A_2092, %gather3A_2093 : vector<16xf32>
      %add3A_2095 = arith.addf %add3A_2089, %mul3A_2094 : vector<16xf32>
      %broadcast_in_dim3A_2096 = arith.constant 33 : i32
      %broadcast_in_dim3A_2097 = vector.broadcast %broadcast_in_dim3A_2096 : i32 to vector<16xi32>
      %gather3A_2098 = tpu.vector_load_idx %arg13[%add3A_1879, %and3A_1884, %broadcast_in_dim3A_2097] : memref<16x8x64xf32, #tpu.memory_space<vmem>>[vector<16xi32>, vector<16xi32>, vector<16xi32>], vector<16xf32>,
      %gather3A_2099 = tpu.vector_load_idx %arg14[%add3A_1879, %and3A_1889, %broadcast_in_dim3A_2097] : memref<16x8x64xf32, #tpu.memory_space<vmem>>[vector<16xi32>, vector<16xi32>, vector<16xi32>], vector<16xf32>,
      %mul3A_2100 = arith.mulf %gather3A_2098, %gather3A_2099 : vector<16xf32>
      %add3A_2101 = arith.addf %add3A_2095, %mul3A_2100 : vector<16xf32>
      %broadcast_in_dim3A_2102 = arith.constant 34 : i32
      %broadcast_in_dim3A_2103 = vector.broadcast %broadcast_in_dim3A_2102 : i32 to vector<16xi32>
      %gather3A_2104 = tpu.vector_load_idx %arg13[%add3A_1879, %and3A_1884, %broadcast_in_dim3A_2103] : memref<16x8x64xf32, #tpu.memory_space<vmem>>[vector<16xi32>, vector<16xi32>, vector<16xi32>], vector<16xf32>,
      %gather3A_2105 = tpu.vector_load_idx %arg14[%add3A_1879, %and3A_1889, %broadcast_in_dim3A_2103] : memref<16x8x64xf32, #tpu.memory_space<vmem>>[vector<16xi32>, vector<16xi32>, vector<16xi32>], vector<16xf32>,
      %mul3A_2106 = arith.mulf %gather3A_2104, %gather3A_2105 : vector<16xf32>
      %add3A_2107 = arith.addf %add3A_2101, %mul3A_2106 : vector<16xf32>
      %broadcast_in_dim3A_2108 = arith.constant 35 : i32
      %broadcast_in_dim3A_2109 = vector.broadcast %broadcast_in_dim3A_2108 : i32 to vector<16xi32>
      %gather3A_2110 = tpu.vector_load_idx %arg13[%add3A_1879, %and3A_1884, %broadcast_in_dim3A_2109] : memref<16x8x64xf32, #tpu.memory_space<vmem>>[vector<16xi32>, vector<16xi32>, vector<16xi32>], vector<16xf32>,
      %gather3A_2111 = tpu.vector_load_idx %arg14[%add3A_1879, %and3A_1889, %broadcast_in_dim3A_2109] : memref<16x8x64xf32, #tpu.memory_space<vmem>>[vector<16xi32>, vector<16xi32>, vector<16xi32>], vector<16xf32>,
      %mul3A_2112 = arith.mulf %gather3A_2110, %gather3A_2111 : vector<16xf32>
      %add3A_2113 = arith.addf %add3A_2107, %mul3A_2112 : vector<16xf32>
      %broadcast_in_dim3A_2114 = arith.constant 36 : i32
      %broadcast_in_dim3A_2115 = vector.broadcast %broadcast_in_dim3A_2114 : i32 to vector<16xi32>
      %gather3A_2116 = tpu.vector_load_idx %arg13[%add3A_1879, %and3A_1884, %broadcast_in_dim3A_2115] : memref<16x8x64xf32, #tpu.memory_space<vmem>>[vector<16xi32>, vector<16xi32>, vector<16xi32>], vector<16xf32>,
      %gather3A_2117 = tpu.vector_load_idx %arg14[%add3A_1879, %and3A_1889, %broadcast_in_dim3A_2115] : memref<16x8x64xf32, #tpu.memory_space<vmem>>[vector<16xi32>, vector<16xi32>, vector<16xi32>], vector<16xf32>,
      %mul3A_2118 = arith.mulf %gather3A_2116, %gather3A_2117 : vector<16xf32>
      %add3A_2119 = arith.addf %add3A_2113, %mul3A_2118 : vector<16xf32>
      %broadcast_in_dim3A_2120 = arith.constant 37 : i32
      %broadcast_in_dim3A_2121 = vector.broadcast %broadcast_in_dim3A_2120 : i32 to vector<16xi32>
      %gather3A_2122 = tpu.vector_load_idx %arg13[%add3A_1879, %and3A_1884, %broadcast_in_dim3A_2121] : memref<16x8x64xf32, #tpu.memory_space<vmem>>[vector<16xi32>, vector<16xi32>, vector<16xi32>], vector<16xf32>,
      %gather3A_2123 = tpu.vector_load_idx %arg14[%add3A_1879, %and3A_1889, %broadcast_in_dim3A_2121] : memref<16x8x64xf32, #tpu.memory_space<vmem>>[vector<16xi32>, vector<16xi32>, vector<16xi32>], vector<16xf32>,
      %mul3A_2124 = arith.mulf %gather3A_2122, %gather3A_2123 : vector<16xf32>
      %add3A_2125 = arith.addf %add3A_2119, %mul3A_2124 : vector<16xf32>
      %broadcast_in_dim3A_2126 = arith.constant 38 : i32
      %broadcast_in_dim3A_2127 = vector.broadcast %broadcast_in_dim3A_2126 : i32 to vector<16xi32>
      %gather3A_2128 = tpu.vector_load_idx %arg13[%add3A_1879, %and3A_1884, %broadcast_in_dim3A_2127] : memref<16x8x64xf32, #tpu.memory_space<vmem>>[vector<16xi32>, vector<16xi32>, vector<16xi32>], vector<16xf32>,
      %gather3A_2129 = tpu.vector_load_idx %arg14[%add3A_1879, %and3A_1889, %broadcast_in_dim3A_2127] : memref<16x8x64xf32, #tpu.memory_space<vmem>>[vector<16xi32>, vector<16xi32>, vector<16xi32>], vector<16xf32>,
      %mul3A_2130 = arith.mulf %gather3A_2128, %gather3A_2129 : vector<16xf32>
      %add3A_2131 = arith.addf %add3A_2125, %mul3A_2130 : vector<16xf32>
      %broadcast_in_dim3A_2132 = arith.constant 39 : i32
      %broadcast_in_dim3A_2133 = vector.broadcast %broadcast_in_dim3A_2132 : i32 to vector<16xi32>
      %gather3A_2134 = tpu.vector_load_idx %arg13[%add3A_1879, %and3A_1884, %broadcast_in_dim3A_2133] : memref<16x8x64xf32, #tpu.memory_space<vmem>>[vector<16xi32>, vector<16xi32>, vector<16xi32>], vector<16xf32>,
      %gather3A_2135 = tpu.vector_load_idx %arg14[%add3A_1879, %and3A_1889, %broadcast_in_dim3A_2133] : memref<16x8x64xf32, #tpu.memory_space<vmem>>[vector<16xi32>, vector<16xi32>, vector<16xi32>], vector<16xf32>,
      %mul3A_2136 = arith.mulf %gather3A_2134, %gather3A_2135 : vector<16xf32>
      %add3A_2137 = arith.addf %add3A_2131, %mul3A_2136 : vector<16xf32>
      %broadcast_in_dim3A_2138 = arith.constant 40 : i32
      %broadcast_in_dim3A_2139 = vector.broadcast %broadcast_in_dim3A_2138 : i32 to vector<16xi32>
      %gather3A_2140 = tpu.vector_load_idx %arg13[%add3A_1879, %and3A_1884, %broadcast_in_dim3A_2139] : memref<16x8x64xf32, #tpu.memory_space<vmem>>[vector<16xi32>, vector<16xi32>, vector<16xi32>], vector<16xf32>,
      %gather3A_2141 = tpu.vector_load_idx %arg14[%add3A_1879, %and3A_1889, %broadcast_in_dim3A_2139] : memref<16x8x64xf32, #tpu.memory_space<vmem>>[vector<16xi32>, vector<16xi32>, vector<16xi32>], vector<16xf32>,
      %mul3A_2142 = arith.mulf %gather3A_2140, %gather3A_2141 : vector<16xf32>
      %add3A_2143 = arith.addf %add3A_2137, %mul3A_2142 : vector<16xf32>
      %broadcast_in_dim3A_2144 = arith.constant 41 : i32
      %broadcast_in_dim3A_2145 = vector.broadcast %broadcast_in_dim3A_2144 : i32 to vector<16xi32>
      %gather3A_2146 = tpu.vector_load_idx %arg13[%add3A_1879, %and3A_1884, %broadcast_in_dim3A_2145] : memref<16x8x64xf32, #tpu.memory_space<vmem>>[vector<16xi32>, vector<16xi32>, vector<16xi32>], vector<16xf32>,
      %gather3A_2147 = tpu.vector_load_idx %arg14[%add3A_1879, %and3A_1889, %broadcast_in_dim3A_2145] : memref<16x8x64xf32, #tpu.memory_space<vmem>>[vector<16xi32>, vector<16xi32>, vector<16xi32>], vector<16xf32>,
      %mul3A_2148 = arith.mulf %gather3A_2146, %gather3A_2147 : vector<16xf32>
      %add3A_2149 = arith.addf %add3A_2143, %mul3A_2148 : vector<16xf32>
      %broadcast_in_dim3A_2150 = arith.constant 42 : i32
      %broadcast_in_dim3A_2151 = vector.broadcast %broadcast_in_dim3A_2150 : i32 to vector<16xi32>
      %gather3A_2152 = tpu.vector_load_idx %arg13[%add3A_1879, %and3A_1884, %broadcast_in_dim3A_2151] : memref<16x8x64xf32, #tpu.memory_space<vmem>>[vector<16xi32>, vector<16xi32>, vector<16xi32>], vector<16xf32>,
      %gather3A_2153 = tpu.vector_load_idx %arg14[%add3A_1879, %and3A_1889, %broadcast_in_dim3A_2151] : memref<16x8x64xf32, #tpu.memory_space<vmem>>[vector<16xi32>, vector<16xi32>, vector<16xi32>], vector<16xf32>,
      %mul3A_2154 = arith.mulf %gather3A_2152, %gather3A_2153 : vector<16xf32>
      %add3A_2155 = arith.addf %add3A_2149, %mul3A_2154 : vector<16xf32>
      %broadcast_in_dim3A_2156 = arith.constant 43 : i32
      %broadcast_in_dim3A_2157 = vector.broadcast %broadcast_in_dim3A_2156 : i32 to vector<16xi32>
      %gather3A_2158 = tpu.vector_load_idx %arg13[%add3A_1879, %and3A_1884, %broadcast_in_dim3A_2157] : memref<16x8x64xf32, #tpu.memory_space<vmem>>[vector<16xi32>, vector<16xi32>, vector<16xi32>], vector<16xf32>,
      %gather3A_2159 = tpu.vector_load_idx %arg14[%add3A_1879, %and3A_1889, %broadcast_in_dim3A_2157] : memref<16x8x64xf32, #tpu.memory_space<vmem>>[vector<16xi32>, vector<16xi32>, vector<16xi32>], vector<16xf32>,
      %mul3A_2160 = arith.mulf %gather3A_2158, %gather3A_2159 : vector<16xf32>
      %add3A_2161 = arith.addf %add3A_2155, %mul3A_2160 : vector<16xf32>
      %broadcast_in_dim3A_2162 = arith.constant 44 : i32
      %broadcast_in_dim3A_2163 = vector.broadcast %broadcast_in_dim3A_2162 : i32 to vector<16xi32>
      %gather3A_2164 = tpu.vector_load_idx %arg13[%add3A_1879, %and3A_1884, %broadcast_in_dim3A_2163] : memref<16x8x64xf32, #tpu.memory_space<vmem>>[vector<16xi32>, vector<16xi32>, vector<16xi32>], vector<16xf32>,
      %gather3A_2165 = tpu.vector_load_idx %arg14[%add3A_1879, %and3A_1889, %broadcast_in_dim3A_2163] : memref<16x8x64xf32, #tpu.memory_space<vmem>>[vector<16xi32>, vector<16xi32>, vector<16xi32>], vector<16xf32>,
      %mul3A_2166 = arith.mulf %gather3A_2164, %gather3A_2165 : vector<16xf32>
      %add3A_2167 = arith.addf %add3A_2161, %mul3A_2166 : vector<16xf32>
      %broadcast_in_dim3A_2168 = arith.constant 45 : i32
      %broadcast_in_dim3A_2169 = vector.broadcast %broadcast_in_dim3A_2168 : i32 to vector<16xi32>
      %gather3A_2170 = tpu.vector_load_idx %arg13[%add3A_1879, %and3A_1884, %broadcast_in_dim3A_2169] : memref<16x8x64xf32, #tpu.memory_space<vmem>>[vector<16xi32>, vector<16xi32>, vector<16xi32>], vector<16xf32>,
      %gather3A_2171 = tpu.vector_load_idx %arg14[%add3A_1879, %and3A_1889, %broadcast_in_dim3A_2169] : memref<16x8x64xf32, #tpu.memory_space<vmem>>[vector<16xi32>, vector<16xi32>, vector<16xi32>], vector<16xf32>,
      %mul3A_2172 = arith.mulf %gather3A_2170, %gather3A_2171 : vector<16xf32>
      %add3A_2173 = arith.addf %add3A_2167, %mul3A_2172 : vector<16xf32>
      %broadcast_in_dim3A_2174 = arith.constant 46 : i32
      %broadcast_in_dim3A_2175 = vector.broadcast %broadcast_in_dim3A_2174 : i32 to vector<16xi32>
      %gather3A_2176 = tpu.vector_load_idx %arg13[%add3A_1879, %and3A_1884, %broadcast_in_dim3A_2175] : memref<16x8x64xf32, #tpu.memory_space<vmem>>[vector<16xi32>, vector<16xi32>, vector<16xi32>], vector<16xf32>,
      %gather3A_2177 = tpu.vector_load_idx %arg14[%add3A_1879, %and3A_1889, %broadcast_in_dim3A_2175] : memref<16x8x64xf32, #tpu.memory_space<vmem>>[vector<16xi32>, vector<16xi32>, vector<16xi32>], vector<16xf32>,
      %mul3A_2178 = arith.mulf %gather3A_2176, %gather3A_2177 : vector<16xf32>
      %add3A_2179 = arith.addf %add3A_2173, %mul3A_2178 : vector<16xf32>
      %broadcast_in_dim3A_2180 = arith.constant 47 : i32
      %broadcast_in_dim3A_2181 = vector.broadcast %broadcast_in_dim3A_2180 : i32 to vector<16xi32>
      %gather3A_2182 = tpu.vector_load_idx %arg13[%add3A_1879, %and3A_1884, %broadcast_in_dim3A_2181] : memref<16x8x64xf32, #tpu.memory_space<vmem>>[vector<16xi32>, vector<16xi32>, vector<16xi32>], vector<16xf32>,
      %gather3A_2183 = tpu.vector_load_idx %arg14[%add3A_1879, %and3A_1889, %broadcast_in_dim3A_2181] : memref<16x8x64xf32, #tpu.memory_space<vmem>>[vector<16xi32>, vector<16xi32>, vector<16xi32>], vector<16xf32>,
      %mul3A_2184 = arith.mulf %gather3A_2182, %gather3A_2183 : vector<16xf32>
      %add3A_2185 = arith.addf %add3A_2179, %mul3A_2184 : vector<16xf32>
      %broadcast_in_dim3A_2186 = arith.constant 48 : i32
      %broadcast_in_dim3A_2187 = vector.broadcast %broadcast_in_dim3A_2186 : i32 to vector<16xi32>
      %gather3A_2188 = tpu.vector_load_idx %arg13[%add3A_1879, %and3A_1884, %broadcast_in_dim3A_2187] : memref<16x8x64xf32, #tpu.memory_space<vmem>>[vector<16xi32>, vector<16xi32>, vector<16xi32>], vector<16xf32>,
      %gather3A_2189 = tpu.vector_load_idx %arg14[%add3A_1879, %and3A_1889, %broadcast_in_dim3A_2187] : memref<16x8x64xf32, #tpu.memory_space<vmem>>[vector<16xi32>, vector<16xi32>, vector<16xi32>], vector<16xf32>,
      %mul3A_2190 = arith.mulf %gather3A_2188, %gather3A_2189 : vector<16xf32>
      %add3A_2191 = arith.addf %add3A_2185, %mul3A_2190 : vector<16xf32>
      %broadcast_in_dim3A_2192 = arith.constant 49 : i32
      %broadcast_in_dim3A_2193 = vector.broadcast %broadcast_in_dim3A_2192 : i32 to vector<16xi32>
      %gather3A_2194 = tpu.vector_load_idx %arg13[%add3A_1879, %and3A_1884, %broadcast_in_dim3A_2193] : memref<16x8x64xf32, #tpu.memory_space<vmem>>[vector<16xi32>, vector<16xi32>, vector<16xi32>], vector<16xf32>,
      %gather3A_2195 = tpu.vector_load_idx %arg14[%add3A_1879, %and3A_1889, %broadcast_in_dim3A_2193] : memref<16x8x64xf32, #tpu.memory_space<vmem>>[vector<16xi32>, vector<16xi32>, vector<16xi32>], vector<16xf32>,
      %mul3A_2196 = arith.mulf %gather3A_2194, %gather3A_2195 : vector<16xf32>
      %add3A_2197 = arith.addf %add3A_2191, %mul3A_2196 : vector<16xf32>
      %broadcast_in_dim3A_2198 = arith.constant 50 : i32
      %broadcast_in_dim3A_2199 = vector.broadcast %broadcast_in_dim3A_2198 : i32 to vector<16xi32>
      %gather3A_2200 = tpu.vector_load_idx %arg13[%add3A_1879, %and3A_1884, %broadcast_in_dim3A_2199] : memref<16x8x64xf32, #tpu.memory_space<vmem>>[vector<16xi32>, vector<16xi32>, vector<16xi32>], vector<16xf32>,
      %gather3A_2201 = tpu.vector_load_idx %arg14[%add3A_1879, %and3A_1889, %broadcast_in_dim3A_2199] : memref<16x8x64xf32, #tpu.memory_space<vmem>>[vector<16xi32>, vector<16xi32>, vector<16xi32>], vector<16xf32>,
      %mul3A_2202 = arith.mulf %gather3A_2200, %gather3A_2201 : vector<16xf32>
      %add3A_2203 = arith.addf %add3A_2197, %mul3A_2202 : vector<16xf32>
      %broadcast_in_dim3A_2204 = arith.constant 51 : i32
      %broadcast_in_dim3A_2205 = vector.broadcast %broadcast_in_dim3A_2204 : i32 to vector<16xi32>
      %gather3A_2206 = tpu.vector_load_idx %arg13[%add3A_1879, %and3A_1884, %broadcast_in_dim3A_2205] : memref<16x8x64xf32, #tpu.memory_space<vmem>>[vector<16xi32>, vector<16xi32>, vector<16xi32>], vector<16xf32>,
      %gather3A_2207 = tpu.vector_load_idx %arg14[%add3A_1879, %and3A_1889, %broadcast_in_dim3A_2205] : memref<16x8x64xf32, #tpu.memory_space<vmem>>[vector<16xi32>, vector<16xi32>, vector<16xi32>], vector<16xf32>,
      %mul3A_2208 = arith.mulf %gather3A_2206, %gather3A_2207 : vector<16xf32>
      %add3A_2209 = arith.addf %add3A_2203, %mul3A_2208 : vector<16xf32>
      %broadcast_in_dim3A_2210 = arith.constant 52 : i32
      %broadcast_in_dim3A_2211 = vector.broadcast %broadcast_in_dim3A_2210 : i32 to vector<16xi32>
      %gather3A_2212 = tpu.vector_load_idx %arg13[%add3A_1879, %and3A_1884, %broadcast_in_dim3A_2211] : memref<16x8x64xf32, #tpu.memory_space<vmem>>[vector<16xi32>, vector<16xi32>, vector<16xi32>], vector<16xf32>,
      %gather3A_2213 = tpu.vector_load_idx %arg14[%add3A_1879, %and3A_1889, %broadcast_in_dim3A_2211] : memref<16x8x64xf32, #tpu.memory_space<vmem>>[vector<16xi32>, vector<16xi32>, vector<16xi32>], vector<16xf32>,
      %mul3A_2214 = arith.mulf %gather3A_2212, %gather3A_2213 : vector<16xf32>
      %add3A_2215 = arith.addf %add3A_2209, %mul3A_2214 : vector<16xf32>
      %broadcast_in_dim3A_2216 = arith.constant 53 : i32
      %broadcast_in_dim3A_2217 = vector.broadcast %broadcast_in_dim3A_2216 : i32 to vector<16xi32>
      %gather3A_2218 = tpu.vector_load_idx %arg13[%add3A_1879, %and3A_1884, %broadcast_in_dim3A_2217] : memref<16x8x64xf32, #tpu.memory_space<vmem>>[vector<16xi32>, vector<16xi32>, vector<16xi32>], vector<16xf32>,
      %gather3A_2219 = tpu.vector_load_idx %arg14[%add3A_1879, %and3A_1889, %broadcast_in_dim3A_2217] : memref<16x8x64xf32, #tpu.memory_space<vmem>>[vector<16xi32>, vector<16xi32>, vector<16xi32>], vector<16xf32>,
      %mul3A_2220 = arith.mulf %gather3A_2218, %gather3A_2219 : vector<16xf32>
      %add3A_2221 = arith.addf %add3A_2215, %mul3A_2220 : vector<16xf32>
      %broadcast_in_dim3A_2222 = arith.constant 54 : i32
      %broadcast_in_dim3A_2223 = vector.broadcast %broadcast_in_dim3A_2222 : i32 to vector<16xi32>
      %gather3A_2224 = tpu.vector_load_idx %arg13[%add3A_1879, %and3A_1884, %broadcast_in_dim3A_2223] : memref<16x8x64xf32, #tpu.memory_space<vmem>>[vector<16xi32>, vector<16xi32>, vector<16xi32>], vector<16xf32>,
      %gather3A_2225 = tpu.vector_load_idx %arg14[%add3A_1879, %and3A_1889, %broadcast_in_dim3A_2223] : memref<16x8x64xf32, #tpu.memory_space<vmem>>[vector<16xi32>, vector<16xi32>, vector<16xi32>], vector<16xf32>,
      %mul3A_2226 = arith.mulf %gather3A_2224, %gather3A_2225 : vector<16xf32>
      %add3A_2227 = arith.addf %add3A_2221, %mul3A_2226 : vector<16xf32>
      %broadcast_in_dim3A_2228 = arith.constant 55 : i32
      %broadcast_in_dim3A_2229 = vector.broadcast %broadcast_in_dim3A_2228 : i32 to vector<16xi32>
      %gather3A_2230 = tpu.vector_load_idx %arg13[%add3A_1879, %and3A_1884, %broadcast_in_dim3A_2229] : memref<16x8x64xf32, #tpu.memory_space<vmem>>[vector<16xi32>, vector<16xi32>, vector<16xi32>], vector<16xf32>,
      %gather3A_2231 = tpu.vector_load_idx %arg14[%add3A_1879, %and3A_1889, %broadcast_in_dim3A_2229] : memref<16x8x64xf32, #tpu.memory_space<vmem>>[vector<16xi32>, vector<16xi32>, vector<16xi32>], vector<16xf32>,
      %mul3A_2232 = arith.mulf %gather3A_2230, %gather3A_2231 : vector<16xf32>
      %add3A_2233 = arith.addf %add3A_2227, %mul3A_2232 : vector<16xf32>
      %broadcast_in_dim3A_2234 = arith.constant 56 : i32
      %broadcast_in_dim3A_2235 = vector.broadcast %broadcast_in_dim3A_2234 : i32 to vector<16xi32>
      %gather3A_2236 = tpu.vector_load_idx %arg13[%add3A_1879, %and3A_1884, %broadcast_in_dim3A_2235] : memref<16x8x64xf32, #tpu.memory_space<vmem>>[vector<16xi32>, vector<16xi32>, vector<16xi32>], vector<16xf32>,
      %gather3A_2237 = tpu.vector_load_idx %arg14[%add3A_1879, %and3A_1889, %broadcast_in_dim3A_2235] : memref<16x8x64xf32, #tpu.memory_space<vmem>>[vector<16xi32>, vector<16xi32>, vector<16xi32>], vector<16xf32>,
      %mul3A_2238 = arith.mulf %gather3A_2236, %gather3A_2237 : vector<16xf32>
      %add3A_2239 = arith.addf %add3A_2233, %mul3A_2238 : vector<16xf32>
      %broadcast_in_dim3A_2240 = arith.constant 57 : i32
      %broadcast_in_dim3A_2241 = vector.broadcast %broadcast_in_dim3A_2240 : i32 to vector<16xi32>
      %gather3A_2242 = tpu.vector_load_idx %arg13[%add3A_1879, %and3A_1884, %broadcast_in_dim3A_2241] : memref<16x8x64xf32, #tpu.memory_space<vmem>>[vector<16xi32>, vector<16xi32>, vector<16xi32>], vector<16xf32>,
      %gather3A_2243 = tpu.vector_load_idx %arg14[%add3A_1879, %and3A_1889, %broadcast_in_dim3A_2241] : memref<16x8x64xf32, #tpu.memory_space<vmem>>[vector<16xi32>, vector<16xi32>, vector<16xi32>], vector<16xf32>,
      %mul3A_2244 = arith.mulf %gather3A_2242, %gather3A_2243 : vector<16xf32>
      %add3A_2245 = arith.addf %add3A_2239, %mul3A_2244 : vector<16xf32>
      %broadcast_in_dim3A_2246 = arith.constant 58 : i32
      %broadcast_in_dim3A_2247 = vector.broadcast %broadcast_in_dim3A_2246 : i32 to vector<16xi32>
      %gather3A_2248 = tpu.vector_load_idx %arg13[%add3A_1879, %and3A_1884, %broadcast_in_dim3A_2247] : memref<16x8x64xf32, #tpu.memory_space<vmem>>[vector<16xi32>, vector<16xi32>, vector<16xi32>], vector<16xf32>,
      %gather3A_2249 = tpu.vector_load_idx %arg14[%add3A_1879, %and3A_1889, %broadcast_in_dim3A_2247] : memref<16x8x64xf32, #tpu.memory_space<vmem>>[vector<16xi32>, vector<16xi32>, vector<16xi32>], vector<16xf32>,
      %mul3A_2250 = arith.mulf %gather3A_2248, %gather3A_2249 : vector<16xf32>
      %add3A_2251 = arith.addf %add3A_2245, %mul3A_2250 : vector<16xf32>
      %broadcast_in_dim3A_2252 = arith.constant 59 : i32
      %broadcast_in_dim3A_2253 = vector.broadcast %broadcast_in_dim3A_2252 : i32 to vector<16xi32>
      %gather3A_2254 = tpu.vector_load_idx %arg13[%add3A_1879, %and3A_1884, %broadcast_in_dim3A_2253] : memref<16x8x64xf32, #tpu.memory_space<vmem>>[vector<16xi32>, vector<16xi32>, vector<16xi32>], vector<16xf32>,
      %gather3A_2255 = tpu.vector_load_idx %arg14[%add3A_1879, %and3A_1889, %broadcast_in_dim3A_2253] : memref<16x8x64xf32, #tpu.memory_space<vmem>>[vector<16xi32>, vector<16xi32>, vector<16xi32>], vector<16xf32>,
      %mul3A_2256 = arith.mulf %gather3A_2254, %gather3A_2255 : vector<16xf32>
      %add3A_2257 = arith.addf %add3A_2251, %mul3A_2256 : vector<16xf32>
      %broadcast_in_dim3A_2258 = arith.constant 60 : i32
      %broadcast_in_dim3A_2259 = vector.broadcast %broadcast_in_dim3A_2258 : i32 to vector<16xi32>
      %gather3A_2260 = tpu.vector_load_idx %arg13[%add3A_1879, %and3A_1884, %broadcast_in_dim3A_2259] : memref<16x8x64xf32, #tpu.memory_space<vmem>>[vector<16xi32>, vector<16xi32>, vector<16xi32>], vector<16xf32>,
      %gather3A_2261 = tpu.vector_load_idx %arg14[%add3A_1879, %and3A_1889, %broadcast_in_dim3A_2259] : memref<16x8x64xf32, #tpu.memory_space<vmem>>[vector<16xi32>, vector<16xi32>, vector<16xi32>], vector<16xf32>,
      %mul3A_2262 = arith.mulf %gather3A_2260, %gather3A_2261 : vector<16xf32>
      %add3A_2263 = arith.addf %add3A_2257, %mul3A_2262 : vector<16xf32>
      %broadcast_in_dim3A_2264 = arith.constant 61 : i32
      %broadcast_in_dim3A_2265 = vector.broadcast %broadcast_in_dim3A_2264 : i32 to vector<16xi32>
      %gather3A_2266 = tpu.vector_load_idx %arg13[%add3A_1879, %and3A_1884, %broadcast_in_dim3A_2265] : memref<16x8x64xf32, #tpu.memory_space<vmem>>[vector<16xi32>, vector<16xi32>, vector<16xi32>], vector<16xf32>,
      %gather3A_2267 = tpu.vector_load_idx %arg14[%add3A_1879, %and3A_1889, %broadcast_in_dim3A_2265] : memref<16x8x64xf32, #tpu.memory_space<vmem>>[vector<16xi32>, vector<16xi32>, vector<16xi32>], vector<16xf32>,
      %mul3A_2268 = arith.mulf %gather3A_2266, %gather3A_2267 : vector<16xf32>
      %add3A_2269 = arith.addf %add3A_2263, %mul3A_2268 : vector<16xf32>
      %broadcast_in_dim3A_2270 = arith.constant 62 : i32
      %broadcast_in_dim3A_2271 = vector.broadcast %broadcast_in_dim3A_2270 : i32 to vector<16xi32>
      %gather3A_2272 = tpu.vector_load_idx %arg13[%add3A_1879, %and3A_1884, %broadcast_in_dim3A_2271] : memref<16x8x64xf32, #tpu.memory_space<vmem>>[vector<16xi32>, vector<16xi32>, vector<16xi32>], vector<16xf32>,
      %gather3A_2273 = tpu.vector_load_idx %arg14[%add3A_1879, %and3A_1889, %broadcast_in_dim3A_2271] : memref<16x8x64xf32, #tpu.memory_space<vmem>>[vector<16xi32>, vector<16xi32>, vector<16xi32>], vector<16xf32>,
      %mul3A_2274 = arith.mulf %gather3A_2272, %gather3A_2273 : vector<16xf32>
      %add3A_2275 = arith.addf %add3A_2269, %mul3A_2274 : vector<16xf32>
      %broadcast_in_dim3A_2276 = arith.constant 63 : i32
      %broadcast_in_dim3A_2277 = vector.broadcast %broadcast_in_dim3A_2276 : i32 to vector<16xi32>
      %gather3A_2278 = tpu.vector_load_idx %arg13[%add3A_1879, %and3A_1884, %broadcast_in_dim3A_2277] : memref<16x8x64xf32, #tpu.memory_space<vmem>>[vector<16xi32>, vector<16xi32>, vector<16xi32>], vector<16xf32>,
      %gather3A_2279 = tpu.vector_load_idx %arg14[%add3A_1879, %and3A_1889, %broadcast_in_dim3A_2277] : memref<16x8x64xf32, #tpu.memory_space<vmem>>[vector<16xi32>, vector<16xi32>, vector<16xi32>], vector<16xf32>,
      %mul3A_2280 = arith.mulf %gather3A_2278, %gather3A_2279 : vector<16xf32>
      %add3A_2281 = arith.addf %add3A_2275, %mul3A_2280 : vector<16xf32>
      %swap3A_2282 = arith.index_cast %add3A_1874 : i32 to index
      %swap3A_2283 = tpu.vector_load %arg17[%swap3A_2282] {strides = array<i32>} : memref<512xf32, #tpu.memory_space<vmem>>, vector<16xf32>,
      tpu.vector_store %arg17[%swap3A_2282], %add3A_2281 {strides = array<i32>} : memref<512xf32, #tpu.memory_space<vmem>>, vector<16xf32>,
      %scan3A_2284 = arith.constant 1 : i32
    }
    %scan3A_754 = arith.constant 16 : i32
    "tpu.region"() ({
      %run_scoped3A = tpu.sem_alloc : memref<!tpu.dma_semaphore, #tpu.memory_space<semaphore_mem>>
      %dma_start3A_755 = tpu.memref_slice %arg8[%mul3A_2] : memref<16384xf32, #tpu.memory_space<hbm>> -> memref<512xf32, #tpu.memory_space<hbm>>
      %dma_start3A_756 = tpu.memref_slice %arg8[%mul3A_2] : memref<16384xf32, #tpu.memory_space<hbm>> -> memref<512xf32, #tpu.memory_space<hbm>>
      tpu.enqueue_dma source(%arg17 : memref<512xf32, #tpu.memory_space<vmem>>) target(%dma_start3A_756 : memref<512xf32, #tpu.memory_space<hbm>>) target_semaphore(%run_scoped3A : memref<!tpu.dma_semaphore, #tpu.memory_space<semaphore_mem>>)
      %dma_wait3A_757 = tpu.memref_slice %arg8[%mul3A_2] : memref<16384xf32, #tpu.memory_space<hbm>> -> memref<512xf32, #tpu.memory_space<hbm>>
      %dma_wait3A_758 = tpu.memref_slice %arg8[%mul3A_2] : memref<16384xf32, #tpu.memory_space<hbm>> -> memref<512xf32, #tpu.memory_space<hbm>>
      tpu.wait_dma2 semaphore(%run_scoped3A : memref<!tpu.dma_semaphore, #tpu.memory_space<semaphore_mem>>) src(%arg17 : memref<512xf32, #tpu.memory_space<vmem>>) dst(%dma_wait3A_758 : memref<512xf32, #tpu.memory_space<hbm>>)
      tpu.yield
    }) : () -> ()
    return
  }
}

</mosaic_0001>

<sc_bundles>
// kernel: kernel.3.cloned.1.call-start
scs
__scs_entry_jumppad:
0x0: {  	(pc) =	sbr.rel $0x88, $3  }
0x1: {  	(tag) =	ssettag $0x0;
	lr =	simm.s32 $0x1  }
0x2: {  	[smem:$0x3F9B] =	sst lr;
	_ =	strace $0xD0000000  }
0x3: {  	_ = 	snop  }
0x4: {  	_ = 	snop  }
0x5: {  	_ = 	snop  }
0x6: {  	_ = 	snop  }
0x7: {  	_ = 	snop  }
__scs_overlays_trampoline_lowered:
0x8: {  	[smem:$0x3FAA] =	sst s0  }
0x9: {  	[smem:$0x3FAB] =	sst s1  }
0xa: {  	[smem:$0x3FAC] =	sst s2  }
0xb: {  	[smem:$0x3FAD] =	sst s3  }
0xc: {  	[smem:$0x3FAE] =	sst s4  }
0xd: {  	[smem:$0x3FAF] =	sst s5  }
0xe: {  	[smem:$0x3FB0] =	sst s6  }
0xf: {  	[smem:$0x3FB1] =	sst s7  }
0x10: {  	[smem:$0x3FB2] =	sst s8  }
0x11: {  	[smem:$0x3FB3] =	sst s9;
	s0 =	simm.s32 @!p0 $0x0  }
0x12: {  	s1 =	sld [smem:$0x3F99];
	s0 =	simm.s32 @p0 $0x1  }
0x13: {  	[smem:$0x3FB4] =	sst s0;
	s0 =	simm.s32 @!p1 $0x0  }
0x14: {  	s2 =	sld [smem:$0x3F98];
	s0 =	simm.s32 @p1 $0x1  }
0x15: {  	[smem:$0x3FB5] =	sst s0;
	s0 =	simm.s32 @!p2 $0x0  }
0x16: {  	s3 =	sld [smem:$0x3FDB];
	s0 =	simm.s32 @p2 $0x1  }
0x17: {  	s4 =	simm.s32 $0x1BF5;
	[smem:$0x3FB7] =	sst s0  }
0x18: {  	s0 =	sld [smem:$0x3F9A];
	_ =	swait.ge [sflag:s4], $0x0  }
0x19: {  	s7 =	sld [smem:$0x3F9B]  }
0x1a: {  	s8 =	sadd.s32 $0xFFFFE003, lr  }
0x1b: {  	s9 =	sadd.s32 $0xFFFFFEF7, lr;
	s5 =	simm.s32 $0xFFFFFFFF;
	p2 =	slt.u32 s8, $0xFFFFF086  }
0x1c: {  	p1 =	slt.u32 s9, $0xF7A;
	s5 =	simm.s32 @!p2 $0x0  }
0x1d: {  	s5 =	simm.s32 @p1 $0x1;
	p0 =	seq.s32 s7, s2  }
0x1e: {  	s7 =	smul.u32 @!p0 $0xF7A, s2;
	p2 =	seq.s32 @!p0 s5, $0x0  }
0x1f: {  	s9 =	smul.u32 $0xF7A, s1;
	s8 =	simm.s32 @!p0 $0x1BF5;
	p2 =	por !p2, p0  }
0x20: {  	[sflag:s8] =	ssyncset.s32 @!p0 $0xFFFFF086;
	s6 =	sadd.s32 @!p0 s3, s7;
	s7 =	simm.s32 @!p0 $0x108  }
0x21: {  	s3 =	sadd.s32 s3, s9;
	s6 =	sadd.s32 @!p0 $0x88, s6;
	s7 =	simm.s32 @p2 $0x1082  }
0x22: {  	[simem:s7], [sflag:s8] =	dma.local @!p0 [hbm:s6], $0xF7A  }
0x23: {  	s9 =	sor.u32 $0xD0000000, s2;
	s6 =	simm.s32 $0x108;
	_ =	swait.ge @!p0 [sflag:s8], $0x0  }
0x24: {  	s3 =	sadd.s32 $0x88, s3;
	s6 =	simm.s32 @!p1 $0x1082;
	[sflag:s4] =	ssyncset.s32 $0xFFFFF086  }
0x25: {  	[simem:s6], [sflag:s4] =	dma.local [hbm:s3], $0xF7A  }
0x26: {  	[smem:$0x3F9B] =	sst s1;
	(tag) =	ssettag s2;
	_ =	strace s9  }
0x27: {  	s1 =	sld [smem:$0x3FAB]  }
0x28: {  	s2 =	sld [smem:$0x3FAC]  }
0x29: {  	s4 =	sld [smem:$0x3FAE]  }
0x2a: {  	p0 =	seq.s32 s5, $0x0;
	s5 =	sld [smem:$0x3FAF]  }
0x2b: {  	s6 =	sld [smem:$0x3FB0]  }
0x2c: {  	s7 =	sld [smem:$0x3FB1]  }
0x2d: {  	s3 =	simm.s32 $0x108;
	s8 =	sld [smem:$0x3FB2]  }
0x2e: {  	s3 =	simm.s32 @!p0 $0x1082;
	s9 =	sld [smem:$0x3FB3]  }
0x2f: {  	lr =	sadd.s32 s0, s3;
	s0 =	sld [smem:$0x3FAA]  }
0x30: {  	s3 =	sld [smem:$0x3FAD]  }
0x31: {  	[smem:$0x3FB6] =	sst s10  }
0x32: {  	s10 =	sld [smem:$0x3FB4];
	_ =	sdelay $0x3  }
0x33: {  	p0 =	seq.s32 s10, $0x1;
	s10 =	sld [smem:$0x3FB6];
	_ =	sdelay $0x3  }
0x34: {  	[smem:$0x3FB6] =	sst s10  }
0x35: {  	s10 =	sld [smem:$0x3FB5];
	_ =	sdelay $0x3  }
0x36: {  	p1 =	seq.s32 s10, $0x1;
	s10 =	sld [smem:$0x3FB6];
	_ =	sdelay $0x3  }
0x37: {  	[smem:$0x3FB6] =	sst s10  }
0x38: {  	s10 =	sld [smem:$0x3FB7]  }
0x39: {  	_ = 	snop;
	(pc) =	sbr.ind lr, $3  }
0x3a: {  	_ = 	snop  }
0x3b: {  	_ = 	snop  }
0x3c: {  	p2 =	seq.s32 s10, $0x1;
	s10 =	sld [smem:$0x3FB6]  }
0x3d: {  	_ =	shalt  }
0x3e: {  	_ =	shalt  }
0x3f: {  	_ =	shalt  }
0x40: {  	_ =	shalt  }
0x41: {  	_ =	shalt  }
0x42: {  	_ =	shalt  }
0x43: {  	_ =	shalt  }
0x44: {  	_ =	shalt  }
0x45: {  	_ =	shalt  }
0x46: {  	_ =	shalt  }
0x47: {  	_ =	shalt  }
0x48: {  	_ =	shalt  }
0x49: {  	_ =	shalt  }
0x4a: {  	_ =	shalt  }
0x4b: {  	_ =	shalt  }
0x4c: {  	_ =	shalt  }
0x4d: {  	_ =	shalt  }
0x4e: {  	_ =	shalt  }
0x4f: {  	_ =	shalt  }
0x50: {  	_ =	shalt  }
0x51: {  	_ =	shalt  }
0x52: {  	_ =	shalt  }
0x53: {  	_ =	shalt  }
0x54: {  	_ =	shalt  }
0x55: {  	_ =	shalt  }
0x56: {  	_ =	shalt  }
0x57: {  	_ =	shalt  }
0x58: {  	_ =	shalt  }
0x59: {  	_ =	shalt  }
0x5a: {  	_ =	shalt  }
0x5b: {  	_ =	shalt  }
0x5c: {  	_ =	shalt  }
0x5d: {  	_ =	shalt  }
0x5e: {  	_ =	shalt  }
0x5f: {  	_ =	shalt  }
0x60: {  	_ =	shalt  }
0x61: {  	_ =	shalt  }
0x62: {  	_ =	shalt  }
0x63: {  	_ =	shalt  }
0x64: {  	_ =	shalt  }
0x65: {  	_ =	shalt  }
0x66: {  	_ =	shalt  }
0x67: {  	_ =	shalt  }
0x68: {  	_ =	shalt  }
0x69: {  	_ =	shalt  }
0x6a: {  	_ =	shalt  }
0x6b: {  	_ =	shalt  }
0x6c: {  	_ =	shalt  }
0x6d: {  	_ =	shalt  }
0x6e: {  	_ =	shalt  }
0x6f: {  	_ =	shalt  }
0x70: {  	_ =	shalt  }
0x71: {  	_ =	shalt  }
0x72: {  	_ =	shalt  }
0x73: {  	_ =	shalt  }
0x74: {  	_ =	shalt  }
0x75: {  	_ =	shalt  }
0x76: {  	_ =	shalt  }
0x77: {  	_ =	shalt  }
0x78: {  	_ =	shalt  }
0x79: {  	_ =	shalt  }
0x7a: {  	_ =	shalt  }
0x7b: {  	_ =	shalt  }
0x7c: {  	_ =	shalt  }
0x7d: {  	_ =	shalt  }
0x7e: {  	_ =	shalt  }
0x7f: {  	_ =	shalt  }
0x80: {  	_ =	shalt  }
0x81: {  	_ =	shalt  }
0x82: {  	_ =	shalt  }
0x83: {  	_ =	shalt  }
0x84: {  	_ =	shalt  }
0x85: {  	_ =	shalt  }
0x86: {  	_ =	shalt  }
0x87: {  	_ =	shalt  }
.Lfunc_end0:
.L_simem_size_0:
called_computation_lowered:
.L_overlay_start_0:
0x88: {  	s2 =	sld [smem:$0x3FD9]  }
0x89: {  	s3 =	sld [smem:$0x3FFE];
	_ =	sdelay $0x1  }
0x8a: {  	s1 =	srdreg.scid  }
0x8b: {  	s0 =	sand.u32 $0x1, s1  }
0x8c: {  	s17 =	sshll.u32 s0, $0xA;
	s2 =	sadd.s32 s3, s2  }
0x8d: {  	s2 =	sadd.s32 s2, s17  }
0x8e: {  	[smem:$0x3FC2] =	sst s2  }
0x8f: {  	_ = 	snop  }
0x90: {  	s2 =	sld [smem:$0x3FC9]  }
0x91: {  	s18 =	sld [smem:$0x3FC8]  }
0x92: {  	s4 =	sld [smem:$0x3FD0];
	(tm) =	ssettm $0x1  }
0x93: {  	s5 =	sld [smem:$0x3FFB];
	_ =	sdelay $0x3  }
0x94: {  	_ =	strace s5  }
0x95: {  	s5 =	sld [smem:$0x3FFC];
	_ =	sdelay $0x3  }
0x96: {  	_ =	strace s5  }
0x97: {  	s5 =	sld [smem:$0x3FFD];
	_ =	sdelay $0x3  }
0x98: {  	_ =	strace s5  }
0x99: {  	_ =	strace $0x8FFFFFFF  }
0x9a: {  	s19 =	sld [smem:$0x3FDB];
	_ =	sdelay $0x1  }
0x9b: {  	s6 =	simm.s32 $_scs_section_size  }
0x9c: {  	s7 =	simm.s32 $_size__tile_overlayer_lowered;
	s8 =	simm.s32 $_tile_overlayer_lowered  }
0x9d: {  	s22 =	simm.s32 $0x1BFF;
	s21 =	sshll.u32 s8, $0x1;
	s5 =	sadd.s32 s6, s19  }
0x9e: {  	s9 =	simm.s32 $0x0;
	s20 =	sshll.u32 s7, $0x1;
	s7 =	sadd.s32 s21, s5  }
0x9f: {  	[timem:s9], [sflag:s22] =	dma.local [hbm:s7], s20  }
0xa0: {  	_ =	swait.ge [sflag:s22], s20  }
0xa1: {  	s6 =	ssub.s32 $0x0, s20;
	[sflag:s22] =	ssyncset.done $0x0  }
0xa2: {  	[sflag:s22] =	ssyncadd.s32 s6;
	_ =	sdelay $0x1  }
0xa3: {  	s23 =	simm.s32 $0x1B8B  }
0xa4: {  	_ =	swait.ge [sflag:s23], $0x1  }
0xa5: {  	[sflag:s23] =	ssyncset.done $0x0  }
0xa6: {  	s25 =	simm.s32 $0x1B8E;
	s24 =	sld [smem:$0x3FFE];
	[sflag:s23] =	ssyncadd.s32 $0xFFFFFFFF  }
0xa7: {  	s26 =	simm.s32 $execute0_lowered;
	[smem:$0x3FD2] =	sst s25  }
0xa8: {  	s7 =	sshll.u32 s26, $0x1;
	_ =	strace $0x80000046;
	[dreg:$0x1] =	wrdreg $0xFFFFFFFF  }
0xa9: {  	s28 =	simm.s32 $_size_execute0_lowered;
	s5 =	sadd.s32 s5, s7;
	[dreg:$0x0] =	wrdreg $0x0  }
0xaa: {  	s7 =	sshll.u32 s28, $0x1;
	[dreg:$0x2] =	wrdreg s5  }
0xab: {  	[dreg:$0x3] =	wrdreg s7  }
0xac: {  	[dreg:$0x4] =	wrdreg $0xC0  }
0xad: {  	_ =	task [dreg:s9], $0x5FFFF  }
0xae: {  	[dreg:$0x1] =	wrdreg $0xFFFFFFFF  }
0xaf: {  	[dreg:$0x0] =	wrdreg $0x60  }
0xb0: {  	[dreg:$0x2] =	wrdreg s2  }
0xb1: {  	[dreg:$0x3] =	wrdreg s18  }
0xb2: {  	[dreg:$0x4] =	wrdreg s24  }
0xb3: {  	[dreg:$0x5] =	wrdreg s4  }
0xb4: {  	[dreg:$0x6] =	wrdreg $0x9  }
0xb5: {  	_ =	task.clear_ibuf [dreg:s9], $0x7FFFF;
	_ =	strace $0x90000046  }
0xb6: {  	s29 =	simm.s32 $0x9;
	_ =	strace $0x80000048  }
0xb7: {  	_ =	swait.ge [sflag:s29], $0x1  }
0xb8: {  	[sflag:s29] =	ssyncadd.s32 $0xFFFFFFFF  }
0xb9: {  	_ =	strace $0x90000048  }
0xba: {  	_ =	sfence  }
0xbb: {  	s30 =	sld [smem:$0x0];
	_ =	sdelay $0x2  }
0xbc: {  	s31 =	sshll.u32 s1, $0xD;
	s1 =	sshrl.u32 s1, $0x2  }
0xbd: {  	s3 =	sand.u32 $0x4000, s31;
	s1 =	sadd.s32 s1, s30  }
0xbe: {  	s0 =	sor.u32 s3, s0;
	s1 =	sshll.u32 s1, $0x11  }
0xbf: {  	s0 =	sor.u32 s1, s0  }
0xc0: {  	s0 =	sadd.s32 $0x8F2B, s0  }
0xc1: {  	[sflag:s0] =	ssyncadd.remote.s32 $0x1  }
0xc2: {  	_ =	sfence.sel $0xFFFF  }
0xc3: {  	[dreg:$0x0] =	wrdreg $0xFFFFFFFF;
	(pc) =	sbr.abs _section_cstart, $3  }
0xc4: {  	[dreg:$0x1] =	wrdreg $0xFFFFFFFF  }
0xc5: {  	_ =	task.clear_ibuf [dreg:s9], $0x2FFFF;
	_ =	strace $0x9FFFFFFF  }
0xc6: {  	(tm) =	ssettm $0x7FFFFFFF  }
0xc7: {  	_ =	shalt  }
tec
execute0_lowered:
.L_overlay_start_1:
0x0: {  	(tag) =	ssettag $0x1  }
0x1: {  	s0 =	rddreg [dreg:$0x0]  }
0x2: {  	s1 =	rddreg [dreg:$0x1];
	v0 =	vlaneseq.u32  }
0x3: {  	s9 =	rddreg [dreg:$0x2];
	s2 =	simm.s32 $0x0;
	v2 =	vmul.u32 $0x400, v0  }
0x4: {  	[smem:$0x7FF] =	sst s2  }
0x5: {  	s3 =	rddreg [dreg:$0x3];
	_ =	strace $0x80000047;
	v0 =	vor.u32 $0x1, v2;
	[tilespmem:$0x1FFC0] =	vst v2  }
0x6: {  	v61 =	vor.u32 $0x2, v2;
	[tilespmem:$0x1FC20] =	vst v0  }
0x7: {  	v62 =	vor.u32 $0x3, v2;
	[tilespmem:$0x1FC30] =	vst v61  }
0x8: {  	v63 =	vor.u32 $0x4, v2;
	[tilespmem:$0x1FC40] =	vst v62  }
0x9: {  	v4 =	vor.u32 $0x5, v2;
	[tilespmem:$0x1FC50] =	vst v63  }
0xa: {  	v1 =	vor.u32 $0x8, v2;
	[tilespmem:$0x1FC60] =	vst v4  }
0xb: {  	v5 =	vor.u32 $0x9, v2;
	[tilespmem:$0x1FC70] =	vst v1  }
0xc: {  	v6 =	vor.u32 $0xA, v2;
	[tilespmem:$0x1FC80] =	vst v5  }
0xd: {  	v7 =	vor.u32 $0xB, v2;
	[tilespmem:$0x1FC90] =	vst v6  }
0xe: {  	v8 =	vor.u32 $0xC, v2;
	[tilespmem:$0x1FCA0] =	vst v7  }
0xf: {  	v9 =	vor.u32 $0xD, v2;
	[tilespmem:$0x1FCB0] =	vst v8  }
0x10: {  	v10 =	vor.u32 $0xE, v2;
	[tilespmem:$0x1FCC0] =	vst v9  }
0x11: {  	v11 =	vor.u32 $0xF, v2;
	[tilespmem:$0x1FCD0] =	vst v10  }
0x12: {  	v18 =	vor.u32 $0x10, v2;
	[tilespmem:$0x1FCE0] =	vst v11  }
0x13: {  	v19 =	vor.u32 $0x11, v2;
	[tilespmem:$0x1FCF0] =	vst v18  }
0x14: {  	v20 =	vor.u32 $0x12, v2;
	[tilespmem:$0x1FD00] =	vst v19  }
0x15: {  	v21 =	vor.u32 $0x13, v2;
	[tilespmem:$0x1FD10] =	vst v20  }
0x16: {  	v22 =	vor.u32 $0x14, v2;
	[tilespmem:$0x1FD20] =	vst v21  }
0x17: {  	v23 =	vor.u32 $0x15, v2;
	[tilespmem:$0x1FD30] =	vst v22  }
0x18: {  	v24 =	vor.u32 $0x16, v2;
	[tilespmem:$0x1FD40] =	vst v23  }
0x19: {  	v25 =	vor.u32 $0x17, v2;
	[tilespmem:$0x1FD50] =	vst v24  }
0x1a: {  	v26 =	vor.u32 $0x18, v2;
	[tilespmem:$0x1FD60] =	vst v25  }
0x1b: {  	v27 =	vor.u32 $0x19, v2;
	[tilespmem:$0x1FD70] =	vst v26  }
0x1c: {  	v28 =	vor.u32 $0x1A, v2;
	[tilespmem:$0x1FD80] =	vst v27  }
0x1d: {  	v29 =	vor.u32 $0x1B, v2;
	[tilespmem:$0x1FD90] =	vst v28  }
0x1e: {  	v30 =	vor.u32 $0x1C, v2;
	[tilespmem:$0x1FDA0] =	vst v29  }
0x1f: {  	v31 =	vor.u32 $0x1D, v2;
	[tilespmem:$0x1FDB0] =	vst v30  }
0x20: {  	v32 =	vor.u32 $0x1E, v2;
	[tilespmem:$0x1FDC0] =	vst v31  }
0x21: {  	v33 =	vor.u32 $0x1F, v2;
	[tilespmem:$0x1FDD0] =	vst v32  }
0x22: {  	v34 =	vor.u32 $0x20, v2;
	[tilespmem:$0x1FDE0] =	vst v33  }
0x23: {  	v35 =	vor.u32 $0x21, v2;
	[tilespmem:$0x1FDF0] =	vst v34  }
0x24: {  	v36 =	vor.u32 $0x22, v2;
	[tilespmem:$0x1FE00] =	vst v35  }
0x25: {  	v37 =	vor.u32 $0x23, v2;
	[tilespmem:$0x1FE10] =	vst v36  }
0x26: {  	v38 =	vor.u32 $0x24, v2;
	[tilespmem:$0x1FE20] =	vst v37  }
0x27: {  	v39 =	vor.u32 $0x25, v2;
	[tilespmem:$0x1FE30] =	vst v38  }
0x28: {  	v40 =	vor.u32 $0x26, v2;
	[tilespmem:$0x1FE40] =	vst v39  }
0x29: {  	v41 =	vor.u32 $0x27, v2;
	[tilespmem:$0x1FE50] =	vst v40  }
0x2a: {  	v42 =	vor.u32 $0x28, v2;
	[tilespmem:$0x1FE60] =	vst v41  }
0x2b: {  	v43 =	vor.u32 $0x29, v2;
	[tilespmem:$0x1FE70] =	vst v42  }
0x2c: {  	v44 =	vor.u32 $0x2A, v2;
	[tilespmem:$0x1FE80] =	vst v43  }
0x2d: {  	v45 =	vor.u32 $0x2B, v2;
	[tilespmem:$0x1FE90] =	vst v44  }
0x2e: {  	v46 =	vor.u32 $0x2C, v2;
	[tilespmem:$0x1FEA0] =	vst v45  }
0x2f: {  	v47 =	vor.u32 $0x2D, v2;
	[tilespmem:$0x1FEB0] =	vst v46  }
0x30: {  	v48 =	vor.u32 $0x2E, v2;
	[tilespmem:$0x1FEC0] =	vst v47  }
0x31: {  	v49 =	vor.u32 $0x2F, v2;
	[tilespmem:$0x1FED0] =	vst v48  }
0x32: {  	v50 =	vor.u32 $0x30, v2;
	[tilespmem:$0x1FEE0] =	vst v49  }
0x33: {  	s6 =	srdreg.scid;
	s8 =	stileid.u32;
	v51 =	vor.u32 $0x31, v2;
	[tilespmem:$0x1FEF0] =	vst v50  }
0x34: {  	s12 =	simm.s32 $0x7;
	s28 =	simm.s32 $0x400;
	s29 =	simm.s32 $0x4400;
	v52 =	vor.u32 $0x32, v2;
	[tilespmem:$0x1FF00] =	vst v51  }
0x35: {  	s14 =	simm.s32 $0x8400;
	s15 =	simm.s32 $0xC400;
	s10 =	simm.s32 $0xE400;
	v53 =	vor.u32 $0x33, v2;
	[tilespmem:$0x1FF10] =	vst v52  }
0x36: {  	s13 =	simm.s32 $0xAC00;
	s11 =	simm.s32 $0xEC00;
	s30 =	simm.s32 $0xB000;
	v54 =	vor.u32 $0x34, v2;
	[tilespmem:$0x1FF20] =	vst v53  }
0x37: {  	s31 =	simm.s32 $0xF000;
	s16 =	simm.s32 $0xB800;
	s17 =	simm.s32 $0xF800;
	v55 =	vor.u32 $0x35, v2;
	[tilespmem:$0x1FF30] =	vst v54  }
0x38: {  	s18 =	simm.s32 $0xBC00;
	s19 =	simm.s32 $0xFC00;
	s20 =	simm.s32 $0xC000;
	v56 =	vor.u32 $0x36, v2;
	[tilespmem:$0x1FF40] =	vst v55  }
0x39: {  	s21 =	simm.s32 $0x10000;
	s22 =	simm.s32 $0x1;
	s4 =	sadd.s32 $0x3D400, s9;
	v57 =	vor.u32 $0x37, v2;
	[tilespmem:$0x1FF50] =	vst v56  }
0x3a: {  	s5 =	sadd.s32 $0xF7F800, s9;
	s6 =	sand.u32 $0x1, s6;
	s8 =	sshll.u32 s8, $0x7;
	v58 =	vor.u32 $0x38, v2;
	[tilespmem:$0x1FF60] =	vst v57  }
0x3b: {  	s9 =	sadd.s32 $0x1EA00, s9;
	s7 =	ssub.s32 $0x2, s6;
	s6 =	sshll.u32 s6, $0x6;
	v59 =	vor.u32 $0x39, v2;
	[tilespmem:$0x1FF70] =	vst v58  }
0x3c: {  	[dreg:$0x5] =	wrdreg s9;
	s23 =	sshrl.u32 s7, $0x1;
	s6 =	sor.u32 s6, s8;
	v60 =	vor.u32 $0x3A, v2;
	[tilespmem:$0x1FF80] =	vst v59  }
0x3d: {  	v15 =	vor.u32 $0x7, v2;
	s8 =	simm.s32 $0x0;
	s7 =	ssub.s32 s7, s23;
	s0 =	sadd.s32 s0, s6;
	[tilespmem:$0x1FF90] =	vst v60  }
.Ltmp0:
0x3e: {  	v14 =	vor.u32 $0x6, v2;
	s24 =	sadd.s32 s1, s6;
	s25 =	sadd.s32 s3, s6;
	[tilespmem:$0x1FFE0] =	vst v15;
	(pc) =	sbr.rel .LBB2_1-.Ltmp0, $4  }
0x3f: {  	s1 =	simm.s32 $0xA800;
	s6 =	simm.s32 $0xE800;
	v61 =	vor.u32 $0x3B, v2;
	[tilespmem:$0x1FFF0] =	vst v14;
	[dreg:$0x6] =	wrdreg s0  }
0x40: {  	s3 =	simm.s32 $0xF400;
	s23 =	simm.s32 $0x2;
	v62 =	vor.u32 $0x3C, v2;
	[dreg:$0x7] =	wrdreg s24;
	[tilespmem:$0x1FFA0] =	vst v61  }
0x41: {  	v63 =	vor.u32 $0x3D, v2;
	[dreg:$0x8] =	wrdreg s25;
	s26 =	smax.u32 s7, $0x1;
	s0 =	simm.s32 $0xB400;
	[tilespmem:$0x1FFB0] =	vst v62  }
0x42: {  	s24 =	simm.s32 $0x3;
	[tilespmem:$0x1FFD0] =	vst v63;
	s25 =	simm.s32 $0x4;
	[dreg:$0x9] =	wrdreg s26  }
.LBB2_5:
0x43: {  	s7 =	rddreg [dreg:$0x8];
	s8 =	simm.s32 $0x10800;
	s12 =	simm.s32 $0x7  }
0x44: {  	[hbm4b:s7+s2] =	stream.linear.scatter [tilespmem:s8], [sflag:$0x7], $0x200, $0x38;
	[tilespmem:$0x10A00] =	vst v63  }
0x45: {  	_ =	swait.ge [sflag:s12], $0x200  }
0x46: {  	s9 =	rddreg [dreg:$0xa]  }
0x47: {  	s26 =	rddreg [dreg:$0x9];
	s8 =	sadd.s32 $0x1, s9  }
0x48: {  	p0 =	sne.s32 s8, s26  }
.Ltmp1:
0x49: {  	_ = 	snop;
	(pc) =	sbr.rel @!p0 .LBB2_6-.Ltmp1, $3  }
0x4a: {  	_ =	sdelay $0x1  }
0x4b: {  	[sflag:s12] =	ssyncset.done $0x0  }
0x4c: {  	[sflag:s12] =	ssyncadd.s32 $0xFFFFFE00  }
.LBB2_1:
0x4d: {  	[dreg:$0xa] =	wrdreg s8  }
0x4e: {  	s7 =	rddreg [dreg:$0x6]  }
0x4f: {  	[tilespmem:s2], [sflag:$0x7] =	stream.linear.gather [hbm4b:s7+s2], $0x200, $0x38;
	[tilespmem:$0x10A00] =	vst v63  }
0x50: {  	_ =	swait.ge [sflag:s12], $0x200  }
0x51: {  	[sflag:s12] =	ssyncset.done $0x0  }
0x52: {  	s26 =	simm.s32 $0x200;
	s8 =	rddreg [dreg:$0x7];
	[sflag:s12] =	ssyncadd.s32 $0xFFFFFE00  }
0x53: {  	[tilespmem:s26], [sflag:$0x7] =	stream.linear.gather [hbm4b:s8+s2], $0x200, $0x38;
	[tilespmem:$0x10A00] =	vst v63  }
0x54: {  	_ =	swait.ge [sflag:s12], $0x200  }
0x55: {  	[sflag:s12] =	ssyncset.done $0x0  }
0x56: {  	[sflag:s12] =	ssyncadd.s32 $0xFFFFFE00  }
0x57: {  	s9 =	simm.s32 $0x10400;
	s8 =	simm.s32 $0x80;
	s7 =	rddreg [dreg:$0x2]  }
0x58: {  	[tilespmem:s9], [sflag:$0x5] =	stream.indirect.gather [hbm4b:s7+s8], $0x1, s2, s8, $0xb8;
	[tilespmem:$0x10A00] =	vst v63  }
0x59: {  	s12 =	rddreg [dreg:$0x5];
	s9 =	simm.s32 $0x10600  }
0x5a: {  	[tilespmem:s9], [sflag:$0x6] =	stream.indirect.gather [hbm4b:s12+s8], $0x1, s26, s8, $0xb8;
	[tilespmem:$0x10A00] =	vst v63  }
0x5b: {  	s26 =	simm.s32 $0x10480  }
0x5c: {  	[tilespmem:s26], [sflag:$0x5] =	stream.indirect.gather [hbm4b:s7+s8], $0x1, s8, s8, $0xb8;
	[tilespmem:$0x10A00] =	vst v63  }
0x5d: {  	s9 =	simm.s32 $0x280;
	s26 =	simm.s32 $0x10680  }
0x5e: {  	[tilespmem:s26], [sflag:$0x6] =	stream.indirect.gather [hbm4b:s12+s8], $0x1, s9, s8, $0xb8;
	[tilespmem:$0x10A00] =	vst v63  }
0x5f: {  	s9 =	simm.s32 $0x100;
	s26 =	simm.s32 $0x10500  }
0x60: {  	[tilespmem:s26], [sflag:$0x5] =	stream.indirect.gather [hbm4b:s7+s8], $0x1, s9, s8, $0xb8;
	[tilespmem:$0x10A00] =	vst v63  }
0x61: {  	s9 =	simm.s32 $0x300;
	s26 =	simm.s32 $0x10700  }
0x62: {  	[tilespmem:s26], [sflag:$0x6] =	stream.indirect.gather [hbm4b:s12+s8], $0x1, s9, s8, $0xb8;
	[tilespmem:$0x10A00] =	vst v63  }
0x63: {  	s9 =	simm.s32 $0x180;
	s26 =	simm.s32 $0x10580  }
0x64: {  	[tilespmem:s26], [sflag:$0x5] =	stream.indirect.gather [hbm4b:s7+s8], $0x1, s9, s8, $0xb8;
	[tilespmem:$0x10A00] =	vst v63  }
0x65: {  	s9 =	simm.s32 $0x380;
	s26 =	simm.s32 $0x10780  }
0x66: {  	[tilespmem:s26], [sflag:$0x6] =	stream.indirect.gather [hbm4b:s12+s8], $0x1, s9, s8, $0xb8;
	[tilespmem:$0x10A00] =	vst v63  }
0x67: {  	v1 =	vld [tilespmem:$0x0];
	_ =	sdelay $0x1  }
0x68: {  	v62 =	vld [tilespmem:$0x200];
	_ =	sdelay $0x2  }
0x69: {  	v1 =	vshrl.u32 v1, $0x3  }
0x6a: {  	v2 =	vshll.u32 v1, $0x7  }
0x6b: {  	v1 =	vshrl.u32 v62, $0x3;
	(v2sf) =	vpush v2, $0x0  }
0x6c: {  	v1 =	vshll.u32 v1, $0x7  }
0x6d: {  	(v2sf) =	vpush v1, $0x0;
	_ =	sdelay $0x2  }
0x6e: {  	(v2sf) =	vpush v2, $0x1;
	_ =	sdelay $0x2  }
0x6f: {  	(v2sf) =	vpush v1, $0x1;
	_ =	sdelay $0x6  }
0x70: {  	s9 =	spop (v2sf);
	(v2sf) =	vpush v2, $0x2;
	_ =	sdelay $0x1  }
0x71: {  	s26 =	spop (v2sf);
	(v2sf) =	vpush v1, $0x2;
	_ =	sdelay $0x2  }
0x72: {  	s12 =	sand.u32 $0x1FFFFF80, s9;
	s9 =	spop (v2sf);
	(v2sf) =	vpush v2, $0x3  }
0x73: {  	s12 =	sadd.s32 s4, s12  }
0x74: {  	[tilespmem:s28], [sflag:$0x1] =	stream.linear.gather [hbm4b:s12+s2], $0x400, $0x38;
	[tilespmem:$0x10A00] =	vst v63  }
0x75: {  	s12 =	sand.u32 $0x1FFFFF80, s26;
	s26 =	spop (v2sf);
	(v2sf) =	vpush v1, $0x3  }
0x76: {  	s12 =	sadd.s32 s5, s12  }
0x77: {  	[tilespmem:s29], [sflag:$0x2] =	stream.linear.gather [hbm4b:s12+s2], $0x400, $0x38;
	[tilespmem:$0x10A00] =	vst v63  }
0x78: {  	s12 =	sand.u32 $0x1FFFFF80, s9  }
0x79: {  	s8 =	simm.s32 $0x800;
	s12 =	sadd.s32 s4, s12  }
0x7a: {  	[tilespmem:s8], [sflag:$0x1] =	stream.linear.gather [hbm4b:s12+s2], $0x400, $0x38;
	[tilespmem:$0x10A00] =	vst v63  }
0x7b: {  	s12 =	sand.u32 $0x1FFFFF80, s26  }
0x7c: {  	s7 =	simm.s32 $0x4800;
	s12 =	sadd.s32 s5, s12;
	s9 =	spop (v2sf);
	(v2sf) =	vpush v2, $0x4  }
0x7d: {  	[tilespmem:s7], [sflag:$0x2] =	stream.linear.gather [hbm4b:s12+s2], $0x400, $0x38;
	[tilespmem:$0x10A00] =	vst v63  }
0x7e: {  	s12 =	sand.u32 $0x1FFFFF80, s9;
	s9 =	spop (v2sf);
	(v2sf) =	vpush v1, $0x4  }
0x7f: {  	s26 =	simm.s32 $0xC00;
	s12 =	sadd.s32 s4, s12  }
0x80: {  	[tilespmem:s26], [sflag:$0x1] =	stream.linear.gather [hbm4b:s12+s2], $0x400, $0x38;
	[tilespmem:$0x10A00] =	vst v63  }
0x81: {  	s12 =	sand.u32 $0x1FFFFF80, s9;
	s9 =	spop (v2sf);
	(v2sf) =	vpush v2, $0x5  }
0x82: {  	s26 =	simm.s32 $0x4C00;
	s12 =	sadd.s32 s5, s12  }
0x83: {  	[tilespmem:s26], [sflag:$0x2] =	stream.linear.gather [hbm4b:s12+s2], $0x400, $0x38;
	[tilespmem:$0x10A00] =	vst v63  }
0x84: {  	s12 =	sand.u32 $0x1FFFFF80, s9;
	s9 =	spop (v2sf);
	(v2sf) =	vpush v1, $0x5;
	_ =	sdelay $0x3  }
0x85: {  	s26 =	simm.s32 $0x1000;
	s12 =	sadd.s32 s4, s12  }
0x86: {  	[tilespmem:s26], [sflag:$0x1] =	stream.linear.gather [hbm4b:s12+s2], $0x400, $0x38;
	[tilespmem:$0x10A00] =	vst v63  }
0x87: {  	s12 =	sand.u32 $0x1FFFFF80, s9  }
0x88: {  	s26 =	simm.s32 $0x5000;
	s12 =	sadd.s32 s5, s12;
	s9 =	spop (v2sf);
	(v2sf) =	vpush v2, $0x6  }
0x89: {  	[tilespmem:s26], [sflag:$0x2] =	stream.linear.gather [hbm4b:s12+s2], $0x400, $0x38;
	[tilespmem:$0x10A00] =	vst v63  }
0x8a: {  	s12 =	sand.u32 $0x1FFFFF80, s9;
	s9 =	spop (v2sf);
	(v2sf) =	vpush v1, $0x6  }
0x8b: {  	s26 =	simm.s32 $0x1400;
	s12 =	sadd.s32 s4, s12  }
0x8c: {  	[tilespmem:s26], [sflag:$0x1] =	stream.linear.gather [hbm4b:s12+s2], $0x400, $0x38;
	[tilespmem:$0x10A00] =	vst v63  }
0x8d: {  	s12 =	sand.u32 $0x1FFFFF80, s9;
	s9 =	spop (v2sf);
	(v2sf) =	vpush v2, $0x7  }
0x8e: {  	s26 =	simm.s32 $0x5400;
	s12 =	sadd.s32 s5, s12  }
0x8f: {  	[tilespmem:s26], [sflag:$0x2] =	stream.linear.gather [hbm4b:s12+s2], $0x400, $0x38;
	[tilespmem:$0x10A00] =	vst v63  }
0x90: {  	s12 =	sand.u32 $0x1FFFFF80, s9;
	s9 =	spop (v2sf);
	(v2sf) =	vpush v1, $0x7;
	_ =	sdelay $0x3  }
0x91: {  	s26 =	simm.s32 $0x1800;
	s12 =	sadd.s32 s4, s12  }
0x92: {  	[tilespmem:s26], [sflag:$0x1] =	stream.linear.gather [hbm4b:s12+s2], $0x400, $0x38;
	[tilespmem:$0x10A00] =	vst v63  }
0x93: {  	s12 =	sand.u32 $0x1FFFFF80, s9  }
0x94: {  	s26 =	simm.s32 $0x5800;
	s12 =	sadd.s32 s5, s12;
	s9 =	spop (v2sf);
	(v2sf) =	vpush v2, $0x8  }
0x95: {  	[tilespmem:s26], [sflag:$0x2] =	stream.linear.gather [hbm4b:s12+s2], $0x400, $0x38;
	[tilespmem:$0x10A00] =	vst v63  }
0x96: {  	s12 =	sand.u32 $0x1FFFFF80, s9;
	s9 =	spop (v2sf);
	(v2sf) =	vpush v1, $0x8  }
0x97: {  	s26 =	simm.s32 $0x1C00;
	s12 =	sadd.s32 s4, s12  }
0x98: {  	[tilespmem:s26], [sflag:$0x1] =	stream.linear.gather [hbm4b:s12+s2], $0x400, $0x38;
	[tilespmem:$0x10A00] =	vst v63  }
0x99: {  	s12 =	sand.u32 $0x1FFFFF80, s9;
	s9 =	spop (v2sf);
	(v2sf) =	vpush v2, $0x9  }
0x9a: {  	s26 =	simm.s32 $0x5C00;
	s12 =	sadd.s32 s5, s12  }
0x9b: {  	[tilespmem:s26], [sflag:$0x2] =	stream.linear.gather [hbm4b:s12+s2], $0x400, $0x38;
	[tilespmem:$0x10A00] =	vst v63  }
0x9c: {  	s12 =	sand.u32 $0x1FFFFF80, s9;
	s9 =	spop (v2sf);
	(v2sf) =	vpush v1, $0x9;
	_ =	sdelay $0x3  }
0x9d: {  	s26 =	simm.s32 $0x2000;
	s12 =	sadd.s32 s4, s12  }
0x9e: {  	[tilespmem:s26], [sflag:$0x1] =	stream.linear.gather [hbm4b:s12+s2], $0x400, $0x38;
	[tilespmem:$0x10A00] =	vst v63  }
0x9f: {  	s12 =	sand.u32 $0x1FFFFF80, s9  }
0xa0: {  	s26 =	simm.s32 $0x6000;
	s12 =	sadd.s32 s5, s12;
	s9 =	spop (v2sf);
	(v2sf) =	vpush v2, $0xA  }
0xa1: {  	[tilespmem:s26], [sflag:$0x2] =	stream.linear.gather [hbm4b:s12+s2], $0x400, $0x38;
	[tilespmem:$0x10A00] =	vst v63  }
0xa2: {  	s12 =	sand.u32 $0x1FFFFF80, s9;
	s9 =	spop (v2sf);
	(v2sf) =	vpush v1, $0xA  }
0xa3: {  	s26 =	simm.s32 $0x2400;
	s12 =	sadd.s32 s4, s12  }
0xa4: {  	[tilespmem:s26], [sflag:$0x1] =	stream.linear.gather [hbm4b:s12+s2], $0x400, $0x38;
	[tilespmem:$0x10A00] =	vst v63  }
0xa5: {  	s12 =	sand.u32 $0x1FFFFF80, s9;
	s9 =	spop (v2sf);
	(v2sf) =	vpush v2, $0xB  }
0xa6: {  	s26 =	simm.s32 $0x6400;
	s12 =	sadd.s32 s5, s12  }
0xa7: {  	[tilespmem:s26], [sflag:$0x2] =	stream.linear.gather [hbm4b:s12+s2], $0x400, $0x38;
	[tilespmem:$0x10A00] =	vst v63  }
0xa8: {  	s12 =	sand.u32 $0x1FFFFF80, s9;
	s9 =	spop (v2sf);
	(v2sf) =	vpush v1, $0xB;
	_ =	sdelay $0x3  }
0xa9: {  	s26 =	simm.s32 $0x2800;
	s12 =	sadd.s32 s4, s12  }
0xaa: {  	[tilespmem:s26], [sflag:$0x1] =	stream.linear.gather [hbm4b:s12+s2], $0x400, $0x38;
	[tilespmem:$0x10A00] =	vst v63  }
0xab: {  	s12 =	sand.u32 $0x1FFFFF80, s9  }
0xac: {  	s26 =	simm.s32 $0x6800;
	s12 =	sadd.s32 s5, s12;
	s9 =	spop (v2sf);
	(v2sf) =	vpush v2, $0xC  }
0xad: {  	[tilespmem:s26], [sflag:$0x2] =	stream.linear.gather [hbm4b:s12+s2], $0x400, $0x38;
	[tilespmem:$0x10A00] =	vst v63  }
0xae: {  	s12 =	sand.u32 $0x1FFFFF80, s9;
	s9 =	spop (v2sf);
	(v2sf) =	vpush v1, $0xC  }
0xaf: {  	s26 =	simm.s32 $0x2C00;
	s12 =	sadd.s32 s4, s12  }
0xb0: {  	[tilespmem:s26], [sflag:$0x1] =	stream.linear.gather [hbm4b:s12+s2], $0x400, $0x38;
	[tilespmem:$0x10A00] =	vst v63  }
0xb1: {  	s12 =	sand.u32 $0x1FFFFF80, s9;
	s9 =	spop (v2sf);
	(v2sf) =	vpush v2, $0xD  }
0xb2: {  	s26 =	simm.s32 $0x6C00;
	s12 =	sadd.s32 s5, s12  }
0xb3: {  	[tilespmem:s26], [sflag:$0x2] =	stream.linear.gather [hbm4b:s12+s2], $0x400, $0x38;
	[tilespmem:$0x10A00] =	vst v63  }
0xb4: {  	s12 =	sand.u32 $0x1FFFFF80, s9;
	s9 =	spop (v2sf);
	(v2sf) =	vpush v1, $0xD;
	_ =	sdelay $0x3  }
0xb5: {  	s26 =	simm.s32 $0x3000;
	s12 =	sadd.s32 s4, s12  }
0xb6: {  	[tilespmem:s26], [sflag:$0x1] =	stream.linear.gather [hbm4b:s12+s2], $0x400, $0x38;
	[tilespmem:$0x10A00] =	vst v63  }
0xb7: {  	s12 =	sand.u32 $0x1FFFFF80, s9  }
0xb8: {  	s26 =	simm.s32 $0x7000;
	s12 =	sadd.s32 s5, s12;
	s9 =	spop (v2sf);
	(v2sf) =	vpush v2, $0xE  }
0xb9: {  	[tilespmem:s26], [sflag:$0x2] =	stream.linear.gather [hbm4b:s12+s2], $0x400, $0x38;
	[tilespmem:$0x10A00] =	vst v63  }
0xba: {  	s12 =	sand.u32 $0x1FFFFF80, s9;
	s9 =	spop (v2sf);
	(v2sf) =	vpush v1, $0xE  }
0xbb: {  	s26 =	simm.s32 $0x3400;
	s12 =	sadd.s32 s4, s12  }
0xbc: {  	[tilespmem:s26], [sflag:$0x1] =	stream.linear.gather [hbm4b:s12+s2], $0x400, $0x38;
	[tilespmem:$0x10A00] =	vst v63  }
0xbd: {  	s12 =	sand.u32 $0x1FFFFF80, s9;
	s9 =	spop (v2sf);
	(v2sf) =	vpush v2, $0xF  }
0xbe: {  	s26 =	simm.s32 $0x7400;
	s12 =	sadd.s32 s5, s12  }
0xbf: {  	[tilespmem:s26], [sflag:$0x2] =	stream.linear.gather [hbm4b:s12+s2], $0x400, $0x38;
	[tilespmem:$0x10A00] =	vst v63  }
0xc0: {  	s12 =	sand.u32 $0x1FFFFF80, s9;
	s9 =	spop (v2sf);
	(v2sf) =	vpush v1, $0xF;
	_ =	sdelay $0x1  }
0xc1: {  	s26 =	simm.s32 $0x3800;
	s12 =	sadd.s32 s4, s12  }
0xc2: {  	[tilespmem:s26], [sflag:$0x1] =	stream.linear.gather [hbm4b:s12+s2], $0x400, $0x38;
	[tilespmem:$0x10A00] =	vst v63  }
0xc3: {  	s12 =	sand.u32 $0x1FFFFF80, s9  }
0xc4: {  	s26 =	simm.s32 $0x7800;
	s12 =	sadd.s32 s5, s12  }
0xc5: {  	[tilespmem:s26], [sflag:$0x2] =	stream.linear.gather [hbm4b:s12+s2], $0x400, $0x38;
	[tilespmem:$0x10A00] =	vst v63  }
0xc6: {  	s9 =	spop (v2sf)  }
0xc7: {  	s12 =	sand.u32 $0x1FFFFF80, s9  }
0xc8: {  	s26 =	simm.s32 $0x3C00;
	s9 =	spop (v2sf);
	s12 =	sadd.s32 s4, s12  }
0xc9: {  	[tilespmem:s26], [sflag:$0x1] =	stream.linear.gather [hbm4b:s12+s2], $0x400, $0x38;
	[tilespmem:$0x10A00] =	vst v63  }
0xca: {  	s12 =	sand.u32 $0x1FFFFF80, s9  }
0xcb: {  	s26 =	simm.s32 $0x7C00;
	s9 =	spop (v2sf);
	s12 =	sadd.s32 s5, s12  }
0xcc: {  	[tilespmem:s26], [sflag:$0x2] =	stream.linear.gather [hbm4b:s12+s2], $0x400, $0x38;
	[tilespmem:$0x10A00] =	vst v63  }
0xcd: {  	s12 =	sand.u32 $0x1FFFFF80, s9  }
0xce: {  	s26 =	simm.s32 $0x4000;
	s7 =	spop (v2sf);
	s12 =	sadd.s32 s4, s12  }
0xcf: {  	[tilespmem:s26], [sflag:$0x1] =	stream.linear.gather [hbm4b:s12+s2], $0x400, $0x38;
	[tilespmem:$0x10A00] =	vst v63  }
0xd0: {  	s12 =	sand.u32 $0x1FFFFF80, s7  }
0xd1: {  	s9 =	simm.s32 $0x8000;
	s12 =	sadd.s32 s5, s12  }
0xd2: {  	[tilespmem:s9], [sflag:$0x2] =	stream.linear.gather [hbm4b:s12+s2], $0x400, $0x38;
	[tilespmem:$0x10A00] =	vst v63  }
0xd3: {  	s12 =	simm.s32 $0x5  }
0xd4: {  	_ =	swait.ge [sflag:s12], $0x80  }
0xd5: {  	[sflag:s12] =	ssyncset.done $0x0  }
0xd6: {  	s26 =	simm.s32 $0x6;
	[sflag:s12] =	ssyncadd.s32 $0xFFFFFF80  }
0xd7: {  	_ =	swait.ge [sflag:s26], $0x80  }
0xd8: {  	[sflag:s26] =	ssyncset.done $0x0  }
0xd9: {  	[sflag:s26] =	ssyncadd.s32 $0xFFFFFF80  }
0xda: {  	_ =	swait.ge [sflag:s12], $0x80  }
0xdb: {  	[sflag:s12] =	ssyncset.done $0x0  }
0xdc: {  	[sflag:s12] =	ssyncadd.s32 $0xFFFFFF80  }
0xdd: {  	_ =	swait.ge [sflag:s26], $0x80  }
0xde: {  	[sflag:s26] =	ssyncset.done $0x0  }
0xdf: {  	[sflag:s26] =	ssyncadd.s32 $0xFFFFFF80  }
0xe0: {  	_ =	swait.ge [sflag:s12], $0x80  }
0xe1: {  	[sflag:s12] =	ssyncset.done $0x0  }
0xe2: {  	[sflag:s12] =	ssyncadd.s32 $0xFFFFFF80  }
0xe3: {  	_ =	swait.ge [sflag:s26], $0x80  }
0xe4: {  	[sflag:s26] =	ssyncset.done $0x0  }
0xe5: {  	[sflag:s26] =	ssyncadd.s32 $0xFFFFFF80  }
0xe6: {  	_ =	swait.ge [sflag:s12], $0x80  }
0xe7: {  	[sflag:s12] =	ssyncset.done $0x0  }
0xe8: {  	[sflag:s12] =	ssyncadd.s32 $0xFFFFFF80  }
0xe9: {  	_ =	swait.ge [sflag:s26], $0x80  }
0xea: {  	v30 =	vld [tilespmem:$0x1FC70]  }
0xeb: {  	v31 =	vld [tilespmem:$0x1FCF0]  }
0xec: {  	v32 =	vld [tilespmem:$0x1FD00]  }
0xed: {  	v33 =	vld [tilespmem:$0x1FD10]  }
0xee: {  	v34 =	vld [tilespmem:$0x1FD20]  }
0xef: {  	v35 =	vld [tilespmem:$0x1FD30]  }
0xf0: {  	v36 =	vld [tilespmem:$0x1FD40]  }
0xf1: {  	v37 =	vld [tilespmem:$0x1FD50]  }
0xf2: {  	v38 =	vld [tilespmem:$0x1FD60]  }
0xf3: {  	v39 =	vld [tilespmem:$0x1FD70]  }
0xf4: {  	v40 =	vld [tilespmem:$0x1FD80]  }
0xf5: {  	v41 =	vld [tilespmem:$0x1FD90]  }
0xf6: {  	v42 =	vld [tilespmem:$0x1FDA0]  }
0xf7: {  	v43 =	vld [tilespmem:$0x1FDB0]  }
0xf8: {  	v44 =	vld [tilespmem:$0x1FDC0]  }
0xf9: {  	v45 =	vld [tilespmem:$0x1FDD0]  }
0xfa: {  	v46 =	vld [tilespmem:$0x1FDE0]  }
0xfb: {  	v47 =	vld [tilespmem:$0x1FDF0]  }
0xfc: {  	v48 =	vld [tilespmem:$0x1FE00]  }
0xfd: {  	v49 =	vld [tilespmem:$0x1FE10]  }
0xfe: {  	v50 =	vld [tilespmem:$0x1FE20]  }
0xff: {  	v51 =	vld [tilespmem:$0x1FE30]  }
0x100: {  	v52 =	vld [tilespmem:$0x1FE40]  }
0x101: {  	v53 =	vld [tilespmem:$0x1FE50]  }
0x102: {  	v54 =	vld [tilespmem:$0x1FE60]  }
0x103: {  	v55 =	vld [tilespmem:$0x1FE70]  }
0x104: {  	v56 =	vld [tilespmem:$0x1FE80]  }
0x105: {  	v57 =	vld [tilespmem:$0x1FE90]  }
0x106: {  	v58 =	vld [tilespmem:$0x1FEA0]  }
0x107: {  	v59 =	vld [tilespmem:$0x1FEB0]  }
0x108: {  	v60 =	vld [tilespmem:$0x1FEC0]  }
0x109: {  	v61 =	vld [tilespmem:$0x1FED0]  }
0x10a: {  	v0 =	vld [tilespmem:$0x1FEE0]  }
0x10b: {  	v17 =	vld [tilespmem:$0x1FEF0]  }
0x10c: {  	v18 =	vld [tilespmem:$0x1FF00]  }
0x10d: {  	v19 =	vld [tilespmem:$0x1FF10]  }
0x10e: {  	v20 =	vld [tilespmem:$0x1FF30]  }
0x10f: {  	v23 =	vld [tilespmem:$0x1FF40]  }
0x110: {  	v29 =	vld [tilespmem:$0x1FF50]  }
0x111: {  	v21 =	vld [tilespmem:$0x1FF60]  }
0x112: {  	v22 =	vld [tilespmem:$0x1FF70]  }
.Ltmp2:
0x113: {  	v24 =	vld [tilespmem:$0x1FF80];
	(pc) =	sbr.rel .LBB2_2-.Ltmp2, $4  }
0x114: {  	v25 =	vld [tilespmem:$0x1FF90]  }
0x115: {  	v26 =	vld [tilespmem:$0x1FFA0]  }
0x116: {  	[sflag:s26] =	ssyncset.done $0x0;
	v27 =	vld [tilespmem:$0x1FFB0]  }
0x117: {  	v28 =	vld [tilespmem:$0x1FFD0];
	[sflag:s26] =	ssyncadd.s32 $0xFFFFFF80;
	s26 =	simm.s32 $0x0  }
.LBB2_4:
0x118: {  	_ =	swait.ge [sflag:s24], $0x4000  }
0x119: {  	[sflag:s24] =	ssyncset.done $0x0  }
0x11a: {  	[sflag:s24] =	ssyncadd.s32 $0xFFFFC000  }
0x11b: {  	_ =	swait.ge [sflag:s25], $0x4000  }
0x11c: {  	[sflag:s25] =	ssyncset.done $0x0  }
0x11d: {  	[sflag:s25] =	ssyncadd.s32 $0xFFFFC000  }
0x11e: {  	v1 =	vld [tilespmem:s12+$0x10]  }
0x11f: {  	v2 =	vld [tilespmem:s12+$0x210];
	_ =	sdelay $0x1  }
0x120: {  	v0 =	vld [tilespmem:$0x1FC20];
	_ =	sdelay $0x2  }
0x121: {  	v1 =	vshll.u32 v1, $0x7;
	v2 =	vshll.u32 v2, $0x7  }
0x122: {  	v63 =	vld [tilespmem:$0x1FFE0];
	v1 =	vand.u32 $0x380, v1;
	v2 =	vand.u32 $0x380, v2  }
0x123: {  	v5 =	vor.u32 v0, v1;
	v7 =	vor.u32 v0, v2;
	v0 =	vld [tilespmem:$0x1FC30]  }
0x124: {  	v62 =	vld [tilespmem:$0x1FC70]  }
0x125: {  	v31 =	vld [tilespmem:$0x1FCF0]  }
0x126: {  	v17 =	vld [tilespmem:$0x1FEF0]  }
0x127: {  	v18 =	vld [tilespmem:$0x1FF00]  }
0x128: {  	v9 =	vor.u32 v0, v1;
	v10 =	vor.u32 v0, v2;
	v0 =	vld [tilespmem:$0x1FC40]  }
0x129: {  	v19 =	vld [tilespmem:$0x1FF10]  }
0x12a: {  	v23 =	vld [tilespmem:$0x1FF40]  }
0x12b: {  	v29 =	vld [tilespmem:$0x1FF50]  }
0x12c: {  	v21 =	vld [tilespmem:$0x1FF60]  }
0x12d: {  	v11 =	vor.u32 v0, v1;
	v12 =	vor.u32 v0, v2;
	v0 =	vld [tilespmem:$0x1FC50]  }
0x12e: {  	v22 =	vld [tilespmem:$0x1FF70]  }
0x12f: {  	v24 =	vld [tilespmem:$0x1FF80];
	v3 =	vor.u32 v16, v1  }
0x130: {  	v25 =	vld [tilespmem:$0x1FF90];
	v4 =	vor.u32 v16, v2  }
0x131: {  	v6 =	vld [tilespmem:s12+$0x10410]  }
0x132: {  	v13 =	vor.u32 v0, v1;
	v52 =	vor.u32 v0, v2;
	v0 =	vld [tilespmem:$0x1FC60]  }
0x133: {  	v8 =	vld [tilespmem:s12+$0x10610]  }
0x134: {  	v3 =	vld.idx.msk [tilespmem:v3+s14+$0x0], $0xffff  }
0x135: {  	v4 =	vld.idx.msk [tilespmem:v4+s15+$0x0], $0xffff  }
0x136: {  	v5 =	vld.idx.msk [tilespmem:v5+s14+$0x0], $0xffff  }
0x137: {  	v14 =	vor.u32 v0, v1;
	v54 =	vor.u32 v0, v2;
	v0 =	vld [tilespmem:$0x1FFF0]  }
0x138: {  	v51 =	vld.idx.msk [tilespmem:v9+s14+$0x0], $0xffff  }
0x139: {  	v59 =	vor.u32 v63, v2;
	v10 =	vld.idx.msk [tilespmem:v10+s15+$0x0], $0xffff  }
0x13a: {  	v7 =	vld.idx.msk [tilespmem:v7+s15+$0x0], $0xffff  }
0x13b: {  	v53 =	vld.idx.msk [tilespmem:v11+s14+$0x0], $0xffff  }
0x13c: {  	v12 =	vld.idx.msk [tilespmem:v12+s15+$0x0], $0xffff;
	v15 =	vor.u32 v0, v1  }
0x13d: {  	v56 =	vor.u32 v0, v2;
	v0 =	vld [tilespmem:$0x1FC80]  }
0x13e: {  	v6 =	vadd.f32 v8, v6;
	v57 =	vmul.f32 v10, v51;
	v10 =	vld.idx.msk [tilespmem:v59+s15+$0x0], $0xffff  }
0x13f: {  	v55 =	vld.idx.msk [tilespmem:v13+s14+$0x0], $0xffff  }
0x140: {  	v6 =	vadd.f32 $3.500000000e+00, v6;
	v9 =	vld.idx.msk [tilespmem:v52+s15+$0x0], $0xffff;
	v13 =	vor.u32 v63, v1  }
0x141: {  	v3 =	vmul.f32 v4, v3;
	v4 =	vmul.f32 v12, v53;
	v12 =	vor.u32 v62, v2;
	v60 =	vld.idx.msk [tilespmem:v15+s14+$0x0], $0xffff  }
0x142: {  	v15 =	vor.u32 v0, v1;
	v33 =	vor.u32 v0, v2;
	v0 =	vld [tilespmem:$0x1FC90]  }
0x143: {  	v5 =	vmul.f32 v7, v5;
	v3 =	vadd.f32 v3, v6;
	v53 =	vor.u32 v31, v2;
	v58 =	vld.idx.msk [tilespmem:v14+s14+$0x0], $0xffff  }
0x144: {  	v11 =	vld.idx.msk [tilespmem:v54+s15+$0x0], $0xffff  }
0x145: {  	v3 =	vadd.f32 v5, v3;
	v14 =	vor.u32 v62, v1;
	v32 =	vld.idx.msk [tilespmem:v13+s14+$0x0], $0xffff  }
0x146: {  	v12 =	vld.idx.msk [tilespmem:v12+s15+$0x0], $0xffff  }
0x147: {  	v3 =	vadd.f32 v57, v3;
	v13 =	vor.u32 v0, v1;
	v36 =	vor.u32 v0, v2;
	v0 =	vld [tilespmem:$0x1FCA0]  }
0x148: {  	v8 =	vld.idx.msk [tilespmem:v53+s15+$0x0], $0xffff  }
0x149: {  	v3 =	vadd.f32 v4, v3;
	v61 =	vmul.f32 v9, v55;
	v7 =	vld.idx.msk [tilespmem:v56+s15+$0x0], $0xffff  }
0x14a: {  	v35 =	vld.idx.msk [tilespmem:v14+s14+$0x0], $0xffff  }
0x14b: {  	v3 =	vadd.f32 v61, v3;
	v34 =	vmul.f32 v11, v58;
	v40 =	vmul.f32 v10, v32;
	v32 =	vld [tilespmem:$0x1FD00]  }
0x14c: {  	v14 =	vor.u32 v0, v1;
	v39 =	vor.u32 v0, v2;
	v0 =	vld [tilespmem:$0x1FCB0]  }
0x14d: {  	v3 =	vadd.f32 v34, v3;
	v34 =	vld [tilespmem:$0x1FD20]  }
0x14e: {  	v38 =	vld.idx.msk [tilespmem:v15+s14+$0x0], $0xffff  }
0x14f: {  	v9 =	vld.idx.msk [tilespmem:v33+s15+$0x0], $0xffff  }
0x150: {  	v33 =	vld [tilespmem:$0x1FD10]  }
0x151: {  	v37 =	vmul.f32 v7, v60;
	v15 =	vor.u32 v0, v1;
	v42 =	vor.u32 v0, v2;
	v0 =	vld [tilespmem:$0x1FCC0]  }
0x152: {  	v43 =	vmul.f32 v12, v35;
	v35 =	vld [tilespmem:$0x1FD30]  }
0x153: {  	v3 =	vadd.f32 v37, v3;
	v37 =	vld [tilespmem:$0x1FD50]  }
0x154: {  	v41 =	vld.idx.msk [tilespmem:v13+s14+$0x0], $0xffff  }
0x155: {  	v11 =	vld.idx.msk [tilespmem:v36+s15+$0x0], $0xffff  }
0x156: {  	v13 =	vor.u32 v0, v1;
	v12 =	vor.u32 v0, v2;
	v0 =	vld [tilespmem:$0x1FCD0]  }
0x157: {  	v36 =	vld [tilespmem:$0x1FD40]  }
0x158: {  	v45 =	vmul.f32 v9, v38;
	v38 =	vld [tilespmem:$0x1FD60]  }
0x159: {  	v44 =	vld.idx.msk [tilespmem:v14+s14+$0x0], $0xffff  }
0x15a: {  	v46 =	vld.idx.msk [tilespmem:v15+s14+$0x0], $0xffff  }
0x15b: {  	v14 =	vor.u32 v0, v1;
	v47 =	vor.u32 v0, v2;
	v0 =	vld [tilespmem:$0x1FCE0]  }
0x15c: {  	v56 =	vor.u32 v32, v2;
	v10 =	vld.idx.msk [tilespmem:v42+s15+$0x0], $0xffff  }
0x15d: {  	v49 =	vld.idx.msk [tilespmem:v13+s14+$0x0], $0xffff  }
0x15e: {  	v12 =	vld.idx.msk [tilespmem:v12+s15+$0x0], $0xffff  }
0x15f: {  	v7 =	vld.idx.msk [tilespmem:v39+s15+$0x0], $0xffff;
	v13 =	vor.u32 v31, v1  }
0x160: {  	v39 =	vld [tilespmem:$0x1FD70];
	v15 =	vor.u32 v0, v1  }
0x161: {  	v54 =	vmul.f32 v10, v46;
	v10 =	vld.idx.msk [tilespmem:v56+s15+$0x0], $0xffff;
	v50 =	vor.u32 v0, v2  }
0x162: {  	v3 =	vadd.f32 v40, v3;
	v52 =	vld.idx.msk [tilespmem:v14+s14+$0x0], $0xffff;
	v14 =	vor.u32 v32, v1  }
0x163: {  	v9 =	vld.idx.msk [tilespmem:v47+s15+$0x0], $0xffff;
	v57 =	vmul.f32 v12, v49;
	v12 =	vor.u32 v33, v2  }
0x164: {  	v3 =	vadd.f32 v43, v3;
	v58 =	vld.idx.msk [tilespmem:v13+s14+$0x0], $0xffff;
	v13 =	vor.u32 v34, v1  }
0x165: {  	v61 =	vor.u32 v34, v2;
	v55 =	vld.idx.msk [tilespmem:v15+s14+$0x0], $0xffff  }
0x166: {  	v3 =	vadd.f32 v45, v3;
	v48 =	vmul.f32 v11, v41;
	v45 =	vor.u32 v36, v2;
	v11 =	vld.idx.msk [tilespmem:v50+s15+$0x0], $0xffff  }
0x167: {  	v60 =	vld.idx.msk [tilespmem:v14+s14+$0x0], $0xffff  }
0x168: {  	v15 =	vor.u32 v33, v1;
	v12 =	vld.idx.msk [tilespmem:v12+s15+$0x0], $0xffff  }
0x169: {  	v51 =	vmul.f32 v7, v44;
	v14 =	vor.u32 v35, v1;
	v44 =	vld.idx.msk [tilespmem:v13+s14+$0x0], $0xffff  }
0x16a: {  	v3 =	vadd.f32 v48, v3;
	v42 =	vor.u32 v35, v2;
	v59 =	vmul.f32 v9, v52;
	v9 =	vld.idx.msk [tilespmem:v61+s15+$0x0], $0xffff  }
0x16b: {  	v43 =	vmul.f32 v8, v58;
	v13 =	vor.u32 v37, v1;
	v8 =	vld.idx.msk [tilespmem:v45+s15+$0x0], $0xffff  }
0x16c: {  	v48 =	vor.u32 v37, v2;
	v3 =	vadd.f32 v51, v3;
	v45 =	vld [tilespmem:$0x1FDD0]  }
0x16d: {  	v53 =	vor.u32 v39, v2;
	v41 =	vld.idx.msk [tilespmem:v15+s14+$0x0], $0xffff  }
0x16e: {  	v3 =	vadd.f32 v54, v3;
	v47 =	vld.idx.msk [tilespmem:v14+s14+$0x0], $0xffff  }
0x16f: {  	v40 =	vmul.f32 v11, v55;
	v11 =	vld.idx.msk [tilespmem:v42+s15+$0x0], $0xffff  }
0x170: {  	v3 =	vadd.f32 v57, v3;
	v52 =	vld.idx.msk [tilespmem:v13+s14+$0x0], $0xffff  }
0x171: {  	v46 =	vmul.f32 v10, v60;
	v10 =	vld.idx.msk [tilespmem:v48+s15+$0x0], $0xffff  }
0x172: {  	v3 =	vadd.f32 v59, v3;
	v15 =	vor.u32 v36, v1;
	v51 =	vmul.f32 v9, v44;
	v9 =	vld.idx.msk [tilespmem:v53+s15+$0x0], $0xffff  }
0x173: {  	v42 =	vld [tilespmem:$0x1FDA0]  }
0x174: {  	v14 =	vor.u32 v38, v1;
	v44 =	vld [tilespmem:$0x1FDC0];
	v3 =	vadd.f32 v40, v3  }
0x175: {  	v40 =	vld [tilespmem:$0x1FD80]  }
0x176: {  	v3 =	vadd.f32 v43, v3;
	v43 =	vld [tilespmem:$0x1FDB0]  }
0x177: {  	v49 =	vmul.f32 v12, v41;
	v50 =	vld.idx.msk [tilespmem:v15+s14+$0x0], $0xffff;
	v12 =	vor.u32 v38, v2  }
0x178: {  	v15 =	vor.u32 v39, v1;
	v41 =	vld [tilespmem:$0x1FD90]  }
0x179: {  	v55 =	vld.idx.msk [tilespmem:v14+s14+$0x0], $0xffff;
	v48 =	vor.u32 v42, v2  }
0x17a: {  	v54 =	vmul.f32 v11, v47;
	v47 =	vld [tilespmem:$0x1FDF0]  }
0x17b: {  	v3 =	vadd.f32 v46, v3;
	v46 =	vld [tilespmem:$0x1FDE0];
	v13 =	vor.u32 v40, v1  }
0x17c: {  	v56 =	vor.u32 v40, v2;
	v12 =	vld.idx.msk [tilespmem:v12+s15+$0x0], $0xffff  }
0x17d: {  	v14 =	vor.u32 v41, v1;
	v58 =	vld.idx.msk [tilespmem:v15+s14+$0x0], $0xffff  }
0x17e: {  	v60 =	vmul.f32 v10, v52;
	v3 =	vadd.f32 v49, v3;
	v59 =	vor.u32 v41, v2;
	v10 =	vld.idx.msk [tilespmem:v48+s15+$0x0], $0xffff  }
0x17f: {  	v15 =	vor.u32 v42, v1;
	v48 =	vld [tilespmem:$0x1FE00]  }
0x180: {  	v53 =	vor.u32 v44, v2;
	v3 =	vadd.f32 v51, v3;
	v61 =	vld.idx.msk [tilespmem:v13+s14+$0x0], $0xffff  }
0x181: {  	v11 =	vld.idx.msk [tilespmem:v56+s15+$0x0], $0xffff;
	v13 =	vor.u32 v43, v1  }
0x182: {  	v57 =	vmul.f32 v8, v50;
	v3 =	vadd.f32 v54, v3;
	v56 =	vor.u32 v45, v2;
	v50 =	vld.idx.msk [tilespmem:v14+s14+$0x0], $0xffff  }
0x183: {  	v8 =	vld.idx.msk [tilespmem:v59+s15+$0x0], $0xffff  }
0x184: {  	v3 =	vadd.f32 v57, v3;
	v49 =	vmul.f32 v12, v55;
	v12 =	vor.u32 v43, v2;
	v52 =	vld.idx.msk [tilespmem:v15+s14+$0x0], $0xffff  }
0x185: {  	v14 =	vor.u32 v44, v1;
	v51 =	vmul.f32 v9, v58;
	v9 =	vld.idx.msk [tilespmem:v53+s15+$0x0], $0xffff  }
0x186: {  	v15 =	vor.u32 v45, v1;
	v3 =	vadd.f32 v60, v3;
	v55 =	vld.idx.msk [tilespmem:v13+s14+$0x0], $0xffff  }
0x187: {  	v59 =	vor.u32 v46, v2;
	v54 =	vmul.f32 v11, v61;
	v11 =	vld.idx.msk [tilespmem:v56+s15+$0x0], $0xffff  }
0x188: {  	v3 =	vadd.f32 v49, v3;
	v49 =	vld [tilespmem:$0x1FE10]  }
0x189: {  	v12 =	vld.idx.msk [tilespmem:v12+s15+$0x0], $0xffff  }
0x18a: {  	v13 =	vor.u32 v46, v1;
	v58 =	vld.idx.msk [tilespmem:v14+s14+$0x0], $0xffff  }
0x18b: {  	v14 =	vor.u32 v47, v1;
	v61 =	vld.idx.msk [tilespmem:v15+s14+$0x0], $0xffff  }
0x18c: {  	v57 =	vmul.f32 v8, v50;
	v60 =	vmul.f32 v10, v52;
	v52 =	vor.u32 v47, v2;
	v8 =	vld.idx.msk [tilespmem:v59+s15+$0x0], $0xffff  }
0x18d: {  	v3 =	vadd.f32 v51, v3;
	v15 =	vor.u32 v48, v1;
	v50 =	vld [tilespmem:$0x1FE20]  }
0x18e: {  	v51 =	vld [tilespmem:$0x1FE30]  }
0x18f: {  	v3 =	vadd.f32 v54, v3;
	v54 =	vld.idx.msk [tilespmem:v13+s14+$0x0], $0xffff  }
0x190: {  	v13 =	vor.u32 v49, v1;
	v56 =	vld.idx.msk [tilespmem:v14+s14+$0x0], $0xffff  }
0x191: {  	v3 =	vadd.f32 v57, v3;
	v10 =	vld.idx.msk [tilespmem:v52+s15+$0x0], $0xffff  }
0x192: {  	v57 =	vor.u32 v49, v2;
	v5 =	vld.idx.msk [tilespmem:v15+s14+$0x0], $0xffff  }
0x193: {  	v53 =	vmul.f32 v12, v55;
	v12 =	vor.u32 v48, v2;
	v52 =	vld [tilespmem:$0x1FE40];
	v3 =	vadd.f32 v60, v3  }
0x194: {  	v55 =	vmul.f32 v9, v58;
	v14 =	vor.u32 v50, v1;
	v59 =	vmul.f32 v8, v54;
	v54 =	vld [tilespmem:$0x1FE60]  }
0x195: {  	v58 =	vmul.f32 v11, v61;
	v11 =	vor.u32 v50, v2;
	v3 =	vadd.f32 v53, v3;
	v60 =	vld.idx.msk [tilespmem:v13+s14+$0x0], $0xffff  }
0x196: {  	v61 =	vor.u32 v51, v2;
	v53 =	vld [tilespmem:$0x1FE50]  }
0x197: {  	v9 =	vld.idx.msk [tilespmem:v57+s15+$0x0], $0xffff;
	v3 =	vadd.f32 v55, v3  }
0x198: {  	v15 =	vor.u32 v51, v1;
	v12 =	vld.idx.msk [tilespmem:v12+s15+$0x0], $0xffff  }
0x199: {  	v13 =	vor.u32 v52, v1;
	v57 =	vld.idx.msk [tilespmem:v14+s14+$0x0], $0xffff;
	v3 =	vadd.f32 v58, v3  }
0x19a: {  	v11 =	vld.idx.msk [tilespmem:v11+s15+$0x0], $0xffff  }
0x19b: {  	v56 =	vmul.f32 v10, v56;
	v8 =	vld.idx.msk [tilespmem:v61+s15+$0x0], $0xffff;
	v3 =	vadd.f32 v59, v3  }
0x19c: {  	v55 =	vld [tilespmem:$0x1FE70];
	v58 =	vor.u32 v52, v2  }
0x19d: {  	v59 =	vmul.f32 v12, v5;
	v5 =	vld.idx.msk [tilespmem:v15+s14+$0x0], $0xffff;
	v3 =	vadd.f32 v56, v3  }
0x19e: {  	v14 =	vor.u32 v53, v1;
	v6 =	vld.idx.msk [tilespmem:v13+s14+$0x0], $0xffff  }
0x19f: {  	v60 =	vmul.f32 v9, v60;
	v61 =	vmul.f32 v11, v57;
	v57 =	vld [tilespmem:$0x1FE90];
	v3 =	vadd.f32 v59, v3  }
0x1a0: {  	v9 =	vor.u32 v54, v2;
	v56 =	vld [tilespmem:$0x1FE80]  }
0x1a1: {  	v12 =	vor.u32 v53, v2;
	v10 =	vld.idx.msk [tilespmem:v58+s15+$0x0], $0xffff;
	v3 =	vadd.f32 v60, v3  }
0x1a2: {  	v15 =	vor.u32 v54, v1;
	v58 =	vld [tilespmem:$0x1FEA0]  }
0x1a3: {  	v11 =	vor.u32 v55, v2;
	v7 =	vld.idx.msk [tilespmem:v14+s14+$0x0], $0xffff;
	v60 =	vmul.f32 v8, v5;
	v3 =	vadd.f32 v61, v3  }
0x1a4: {  	v13 =	vor.u32 v55, v1;
	v59 =	vld [tilespmem:$0x1FEB0]  }
0x1a5: {  	v9 =	vld.idx.msk [tilespmem:v9+s15+$0x0], $0xffff;
	v3 =	vadd.f32 v60, v3;
	v60 =	vor.u32 v57, v2  }
0x1a6: {  	v12 =	vld.idx.msk [tilespmem:v12+s15+$0x0], $0xffff  }
0x1a7: {  	v5 =	vld.idx.msk [tilespmem:v15+s14+$0x0], $0xffff;
	v14 =	vor.u32 v56, v1  }
0x1a8: {  	v11 =	vld.idx.msk [tilespmem:v11+s15+$0x0], $0xffff  }
0x1a9: {  	v8 =	vor.u32 v56, v2;
	v61 =	vmul.f32 v10, v6;
	v6 =	vld.idx.msk [tilespmem:v13+s14+$0x0], $0xffff  }
0x1aa: {  	v10 =	vld.idx.msk [tilespmem:v60+s15+$0x0], $0xffff  }
0x1ab: {  	v15 =	vor.u32 v57, v1;
	v3 =	vadd.f32 v61, v3;
	v61 =	vmul.f32 v12, v7;
	v60 =	vld [tilespmem:$0x1FEC0]  }
0x1ac: {  	v13 =	vor.u32 v58, v1;
	v7 =	vld.idx.msk [tilespmem:v14+s14+$0x0], $0xffff  }
0x1ad: {  	v12 =	vor.u32 v58, v2;
	v3 =	vadd.f32 v61, v3;
	v61 =	vld [tilespmem:$0x1FED0]  }
0x1ae: {  	v4 =	vmul.f32 v9, v5;
	v9 =	vor.u32 v59, v2;
	v8 =	vld.idx.msk [tilespmem:v8+s15+$0x0], $0xffff  }
0x1af: {  	v0 =	vld [tilespmem:$0x1FEE0];
	v14 =	vor.u32 v59, v1  }
0x1b0: {  	v5 =	vld.idx.msk [tilespmem:v15+s14+$0x0], $0xffff;
	v15 =	vor.u32 v60, v1  }
0x1b1: {  	v3 =	vadd.f32 v4, v3;
	v4 =	vmul.f32 v11, v6;
	v6 =	vld.idx.msk [tilespmem:v13+s14+$0x0], $0xffff;
	v11 =	vor.u32 v60, v2  }
0x1b2: {  	v12 =	vld.idx.msk [tilespmem:v12+s15+$0x0], $0xffff;
	v13 =	vor.u32 v61, v1  }
0x1b3: {  	v9 =	vld.idx.msk [tilespmem:v9+s15+$0x0], $0xffff;
	v3 =	vadd.f32 v4, v3;
	v4 =	vmul.f32 v8, v7;
	v8 =	vor.u32 v61, v2  }
0x1b4: {  	v7 =	vld.idx.msk [tilespmem:v14+s14+$0x0], $0xffff  }
0x1b5: {  	v14 =	vor.u32 v0, v1;
	v3 =	vadd.f32 v4, v3;
	v4 =	vmul.f32 v10, v5;
	v5 =	vld.idx.msk [tilespmem:v15+s14+$0x0], $0xffff  }
0x1b6: {  	v10 =	vor.u32 v0, v2;
	v11 =	vld.idx.msk [tilespmem:v11+s15+$0x0], $0xffff  }
0x1b7: {  	v3 =	vadd.f32 v4, v3;
	v4 =	vmul.f32 v12, v6;
	v6 =	vld.idx.msk [tilespmem:v13+s14+$0x0], $0xffff;
	v15 =	vor.u32 v17, v1  }
0x1b8: {  	v8 =	vld.idx.msk [tilespmem:v8+s15+$0x0], $0xffff  }
0x1b9: {  	v26 =	vld [tilespmem:$0x1FFA0];
	v3 =	vadd.f32 v4, v3;
	v4 =	vmul.f32 v9, v7  }
0x1ba: {  	v12 =	vor.u32 v17, v2;
	v7 =	vld.idx.msk [tilespmem:v14+s14+$0x0], $0xffff  }
0x1bb: {  	v9 =	vor.u32 v18, v2;
	v10 =	vld.idx.msk [tilespmem:v10+s15+$0x0], $0xffff;
	v3 =	vadd.f32 v4, v3;
	v4 =	vmul.f32 v11, v5  }
0x1bc: {  	v13 =	vor.u32 v18, v1;
	v14 =	vor.u32 v19, v1;
	v5 =	vld.idx.msk [tilespmem:v15+s14+$0x0], $0xffff;
	v15 =	vor.u32 v20, v1  }
0x1bd: {  	v3 =	vadd.f32 v4, v3;
	v4 =	vmul.f32 v8, v6;
	v8 =	vor.u32 v20, v2;
	v20 =	vld [tilespmem:$0x1FF30]  }
0x1be: {  	v27 =	vld [tilespmem:$0x1FFB0];
	v11 =	vor.u32 v19, v2  }
0x1bf: {  	v12 =	vld.idx.msk [tilespmem:v12+s15+$0x0], $0xffff  }
0x1c0: {  	v9 =	vld.idx.msk [tilespmem:v9+s15+$0x0], $0xffff  }
0x1c1: {  	v6 =	vld.idx.msk [tilespmem:v13+s14+$0x0], $0xffff  }
0x1c2: {  	v3 =	vadd.f32 v4, v3;
	v4 =	vmul.f32 v10, v7;
	v7 =	vld.idx.msk [tilespmem:v14+s14+$0x0], $0xffff;
	v13 =	vor.u32 v20, v1  }
0x1c3: {  	v11 =	vld.idx.msk [tilespmem:v11+s15+$0x0], $0xffff;
	v10 =	vor.u32 v20, v2  }
0x1c4: {  	v14 =	vor.u32 v23, v1;
	v3 =	vadd.f32 v4, v3;
	v4 =	vmul.f32 v12, v5;
	v5 =	vld.idx.msk [tilespmem:v15+s14+$0x0], $0xffff  }
0x1c5: {  	v12 =	vor.u32 v23, v2;
	v8 =	vld.idx.msk [tilespmem:v8+s15+$0x0], $0xffff  }
0x1c6: {  	v30 =	vld [tilespmem:$0x1FC00];
	v15 =	vor.u32 v29, v1;
	v3 =	vadd.f32 v4, v3;
	v4 =	vmul.f32 v9, v6  }
0x1c7: {  	v9 =	vor.u32 v29, v2;
	v6 =	vld.idx.msk [tilespmem:v13+s14+$0x0], $0xffff  }
0x1c8: {  	v3 =	vadd.f32 v4, v3;
	v4 =	vmul.f32 v11, v7;
	v11 =	vor.u32 v21, v2;
	v10 =	vld.idx.msk [tilespmem:v10+s15+$0x0], $0xffff  }
0x1c9: {  	v7 =	vld.idx.msk [tilespmem:v14+s14+$0x0], $0xffff;
	v13 =	vor.u32 v21, v1  }
0x1ca: {  	v12 =	vld.idx.msk [tilespmem:v12+s15+$0x0], $0xffff;
	v3 =	vadd.f32 v4, v3;
	v4 =	vmul.f32 v8, v5;
	v8 =	vor.u32 v22, v2  }
0x1cb: {  	v14 =	vor.u32 v22, v1;
	v5 =	vld.idx.msk [tilespmem:v15+s14+$0x0], $0xffff  }
0x1cc: {  	v15 =	vor.u32 v24, v1;
	v9 =	vld.idx.msk [tilespmem:v9+s15+$0x0], $0xffff  }
0x1cd: {  	v3 =	vadd.f32 v4, v3;
	v11 =	vld.idx.msk [tilespmem:v11+s15+$0x0], $0xffff;
	v4 =	vmul.f32 v10, v6;
	v10 =	vor.u32 v24, v2  }
0x1ce: {  	v6 =	vld.idx.msk [tilespmem:v13+s14+$0x0], $0xffff  }
0x1cf: {  	v8 =	vld.idx.msk [tilespmem:v8+s15+$0x0], $0xffff;
	v3 =	vadd.f32 v4, v3;
	v4 =	vmul.f32 v12, v7  }
0x1d0: {  	v13 =	vor.u32 v25, v1;
	v7 =	vld.idx.msk [tilespmem:v14+s14+$0x0], $0xffff  }
0x1d1: {  	v14 =	vor.u32 v26, v1;
	v3 =	vadd.f32 v4, v3;
	v4 =	vmul.f32 v9, v5;
	v5 =	vld.idx.msk [tilespmem:v15+s14+$0x0], $0xffff  }
0x1d2: {  	v10 =	vld.idx.msk [tilespmem:v10+s15+$0x0], $0xffff  }
0x1d3: {  	v28 =	vld [tilespmem:$0x1FFD0];
	v12 =	vor.u32 v25, v2;
	v3 =	vadd.f32 v4, v3;
	v4 =	vmul.f32 v11, v6;
	_ =	sdelay $0x1  }
0x1d4: {  	v9 =	vor.u32 v26, v2;
	v6 =	vld.idx.msk [tilespmem:v13+s14+$0x0], $0xffff;
	v3 =	vadd.f32 v4, v3;
	v4 =	vmul.f32 v8, v7  }
0x1d5: {  	v15 =	vor.u32 v27, v1;
	v11 =	vor.u32 v27, v2;
	v7 =	vld.idx.msk [tilespmem:v14+s14+$0x0], $0xffff;
	v14 =	vor.u32 v30, v1  }
0x1d6: {  	v3 =	vadd.f32 v4, v3;
	v4 =	vmul.f32 v10, v5;
	v10 =	vor.u32 v30, v2;
	v30 =	vmovc v62;
	v62 =	vld [tilespmem:$0x1FC10]  }
0x1d7: {  	v13 =	vor.u32 v28, v1;
	v12 =	vld.idx.msk [tilespmem:v12+s15+$0x0], $0xffff  }
0x1d8: {  	v8 =	vor.u32 v28, v2  }
0x1d9: {  	v9 =	vld.idx.msk [tilespmem:v9+s15+$0x0], $0xffff  }
0x1da: {  	v5 =	vld.idx.msk [tilespmem:v15+s14+$0x0], $0xffff  }
0x1db: {  	v15 =	vmov v63;
	v11 =	vld.idx.msk [tilespmem:v11+s15+$0x0], $0xffff;
	v1 =	vor.u32 v62, v1  }
0x1dc: {  	v3 =	vadd.f32 v4, v3;
	v63 =	vmul.f32 v12, v6;
	v6 =	vld.idx.msk [tilespmem:v13+s14+$0x0], $0xffff;
	v2 =	vor.u32 v62, v2  }
0x1dd: {  	v8 =	vld.idx.msk [tilespmem:v8+s15+$0x0], $0xffff  }
0x1de: {  	v3 =	vadd.f32 v63, v3;
	v62 =	vmul.f32 v9, v7;
	v7 =	vld.idx.msk [tilespmem:v14+s14+$0x0], $0xffff  }
0x1df: {  	v63 =	vld.idx.msk [tilespmem:v10+s15+$0x0], $0xffff  }
0x1e0: {  	v11 =	vmul.f32 v11, v5;
	v3 =	vadd.f32 v62, v3;
	v1 =	vld.idx.msk [tilespmem:v1+s14+$0x0], $0xffff  }
0x1e1: {  	v2 =	vld.idx.msk [tilespmem:v2+s15+$0x0], $0xffff  }
0x1e2: {  	v62 =	vmul.f32 v8, v6;
	v3 =	vadd.f32 v11, v3;
	_ =	sdelay $0x1  }
0x1e3: {  	s26 =	sadd.s32 $0x80, s26;
	v63 =	vmul.f32 v63, v7;
	v3 =	vadd.f32 v62, v3  }
0x1e4: {  	p0 =	sne.s32 s26, $0x800  }
.Ltmp3:
0x1e5: {  	v3 =	vadd.f32 v63, v3;
	v1 =	vmul.f32 v2, v1;
	(pc) =	sbr.rel @!p0 .LBB2_5-.Ltmp3, $3  }
0x1e6: {  	_ = 	snop  }
0x1e7: {  	v1 =	vadd.f32 v1, v3;
	_ =	sdelay $0x1  }
0x1e8: {  	v14 =	vld [tilespmem:$0x1FFF0];
	[tilespmem:s12+$0x10810] =	vst v1  }
.LBB2_2:
0x1e9: {  	s12 =	sshra.s32 s26, $0x2  }
0x1ea: {  	v1 =	vld [tilespmem:s12+$0x10];
	_ =	sdelay $0x2  }
0x1eb: {  	v62 =	vld [tilespmem:s12+$0x210];
	_ =	sdelay $0x1  }
0x1ec: {  	v1 =	vshrl.u32 v1, $0x3  }
0x1ed: {  	v2 =	vshll.u32 v1, $0x7  }
0x1ee: {  	(v2sf) =	vpush v2, $0x0  }
0x1ef: {  	v9 =	vshrl.u32 v62, $0x3  }
0x1f0: {  	v1 =	vshll.u32 v9, $0x7  }
0x1f1: {  	(v2sf) =	vpush v1, $0x0;
	_ =	sdelay $0x2  }
0x1f2: {  	(v2sf) =	vpush v2, $0x1;
	_ =	sdelay $0x4  }
0x1f3: {  	(v2sf) =	vpush v1, $0x1;
	_ =	sdelay $0x3  }
0x1f4: {  	s7 =	spop (v2sf);
	(v2sf) =	vpush v2, $0x2;
	_ =	sdelay $0x1  }
0x1f5: {  	s7 =	sand.u32 $0x1FFFFF80, s7  }
0x1f6: {  	s9 =	spop (v2sf);
	s7 =	sadd.s32 s4, s7  }
0x1f7: {  	(v2sf) =	vpush v1, $0x2;
	[tilespmem:s14], [sflag:$0x3] =	stream.linear.gather [hbm4b:s7+s2], $0x400, $0x38;
	[tilespmem:$0x10A00] =	vst v63  }
0x1f8: {  	s7 =	sand.u32 $0x1FFFFF80, s9  }
0x1f9: {  	s9 =	spop (v2sf);
	s7 =	sadd.s32 s5, s7  }
0x1fa: {  	[tilespmem:s15], [sflag:$0x4] =	stream.linear.gather [hbm4b:s7+s2], $0x400, $0x38;
	[tilespmem:$0x10A00] =	vst v63  }
0x1fb: {  	(v2sf) =	vpush v2, $0x3;
	s7 =	sand.u32 $0x1FFFFF80, s9  }
0x1fc: {  	s9 =	simm.s32 $0x8800;
	s7 =	sadd.s32 s4, s7  }
0x1fd: {  	[tilespmem:s9], [sflag:$0x3] =	stream.linear.gather [hbm4b:s7+s2], $0x400, $0x38;
	[tilespmem:$0x10A00] =	vst v63  }
0x1fe: {  	s9 =	spop (v2sf)  }
0x1ff: {  	(v2sf) =	vpush v1, $0x3;
	s7 =	sand.u32 $0x1FFFFF80, s9  }
0x200: {  	s9 =	simm.s32 $0xC800;
	s7 =	sadd.s32 s5, s7  }
0x201: {  	[tilespmem:s9], [sflag:$0x4] =	stream.linear.gather [hbm4b:s7+s2], $0x400, $0x38;
	[tilespmem:$0x10A00] =	vst v63  }
0x202: {  	s9 =	spop (v2sf)  }
0x203: {  	(v2sf) =	vpush v2, $0x4;
	s7 =	sand.u32 $0x1FFFFF80, s9  }
0x204: {  	s9 =	simm.s32 $0x8C00;
	s7 =	sadd.s32 s4, s7  }
0x205: {  	[tilespmem:s9], [sflag:$0x3] =	stream.linear.gather [hbm4b:s7+s2], $0x400, $0x38;
	[tilespmem:$0x10A00] =	vst v63  }
0x206: {  	s9 =	spop (v2sf)  }
0x207: {  	(v2sf) =	vpush v1, $0x4;
	s7 =	sand.u32 $0x1FFFFF80, s9  }
0x208: {  	s9 =	simm.s32 $0xCC00;
	s7 =	sadd.s32 s5, s7  }
0x209: {  	[tilespmem:s9], [sflag:$0x4] =	stream.linear.gather [hbm4b:s7+s2], $0x400, $0x38;
	[tilespmem:$0x10A00] =	vst v63  }
0x20a: {  	s9 =	spop (v2sf)  }
0x20b: {  	(v2sf) =	vpush v2, $0x5;
	s7 =	sand.u32 $0x1FFFFF80, s9  }
0x20c: {  	s9 =	simm.s32 $0x9000;
	s7 =	sadd.s32 s4, s7  }
0x20d: {  	[tilespmem:s9], [sflag:$0x3] =	stream.linear.gather [hbm4b:s7+s2], $0x400, $0x38;
	[tilespmem:$0x10A00] =	vst v63  }
0x20e: {  	s9 =	spop (v2sf)  }
0x20f: {  	(v2sf) =	vpush v1, $0x5;
	s7 =	sand.u32 $0x1FFFFF80, s9  }
0x210: {  	s9 =	simm.s32 $0xD000;
	s7 =	sadd.s32 s5, s7  }
0x211: {  	[tilespmem:s9], [sflag:$0x4] =	stream.linear.gather [hbm4b:s7+s2], $0x400, $0x38;
	[tilespmem:$0x10A00] =	vst v63  }
0x212: {  	s9 =	spop (v2sf)  }
0x213: {  	(v2sf) =	vpush v2, $0x6;
	s7 =	sand.u32 $0x1FFFFF80, s9  }
0x214: {  	s9 =	simm.s32 $0x9400;
	s7 =	sadd.s32 s4, s7  }
0x215: {  	[tilespmem:s9], [sflag:$0x3] =	stream.linear.gather [hbm4b:s7+s2], $0x400, $0x38;
	[tilespmem:$0x10A00] =	vst v63  }
0x216: {  	s9 =	spop (v2sf)  }
0x217: {  	(v2sf) =	vpush v1, $0x6;
	s7 =	sand.u32 $0x1FFFFF80, s9  }
0x218: {  	s9 =	simm.s32 $0xD400;
	s7 =	sadd.s32 s5, s7  }
0x219: {  	[tilespmem:s9], [sflag:$0x4] =	stream.linear.gather [hbm4b:s7+s2], $0x400, $0x38;
	[tilespmem:$0x10A00] =	vst v63  }
0x21a: {  	s9 =	spop (v2sf)  }
0x21b: {  	(v2sf) =	vpush v2, $0x7;
	s7 =	sand.u32 $0x1FFFFF80, s9  }
0x21c: {  	s9 =	simm.s32 $0x9800;
	s7 =	sadd.s32 s4, s7  }
0x21d: {  	[tilespmem:s9], [sflag:$0x3] =	stream.linear.gather [hbm4b:s7+s2], $0x400, $0x38;
	[tilespmem:$0x10A00] =	vst v63  }
0x21e: {  	s9 =	spop (v2sf)  }
0x21f: {  	(v2sf) =	vpush v1, $0x7;
	s7 =	sand.u32 $0x1FFFFF80, s9  }
0x220: {  	s9 =	simm.s32 $0xD800;
	s7 =	sadd.s32 s5, s7  }
0x221: {  	[tilespmem:s9], [sflag:$0x4] =	stream.linear.gather [hbm4b:s7+s2], $0x400, $0x38;
	[tilespmem:$0x10A00] =	vst v63  }
0x222: {  	s9 =	spop (v2sf)  }
0x223: {  	(v2sf) =	vpush v2, $0x8;
	s7 =	sand.u32 $0x1FFFFF80, s9  }
0x224: {  	s9 =	simm.s32 $0x9C00;
	s7 =	sadd.s32 s4, s7  }
0x225: {  	[tilespmem:s9], [sflag:$0x3] =	stream.linear.gather [hbm4b:s7+s2], $0x400, $0x38;
	[tilespmem:$0x10A00] =	vst v63  }
0x226: {  	s9 =	spop (v2sf)  }
0x227: {  	(v2sf) =	vpush v1, $0x8;
	s7 =	sand.u32 $0x1FFFFF80, s9  }
0x228: {  	s9 =	simm.s32 $0xDC00;
	s7 =	sadd.s32 s5, s7  }
0x229: {  	[tilespmem:s9], [sflag:$0x4] =	stream.linear.gather [hbm4b:s7+s2], $0x400, $0x38;
	[tilespmem:$0x10A00] =	vst v63  }
0x22a: {  	s9 =	spop (v2sf)  }
0x22b: {  	(v2sf) =	vpush v2, $0x9;
	s7 =	sand.u32 $0x1FFFFF80, s9  }
0x22c: {  	s9 =	simm.s32 $0xA000;
	s7 =	sadd.s32 s4, s7  }
0x22d: {  	[tilespmem:s9], [sflag:$0x3] =	stream.linear.gather [hbm4b:s7+s2], $0x400, $0x38;
	[tilespmem:$0x10A00] =	vst v63  }
0x22e: {  	s9 =	spop (v2sf)  }
0x22f: {  	(v2sf) =	vpush v1, $0x9;
	s7 =	sand.u32 $0x1FFFFF80, s9  }
0x230: {  	s9 =	simm.s32 $0xE000;
	s7 =	sadd.s32 s5, s7  }
0x231: {  	[tilespmem:s9], [sflag:$0x4] =	stream.linear.gather [hbm4b:s7+s2], $0x400, $0x38;
	[tilespmem:$0x10A00] =	vst v63  }
0x232: {  	s9 =	spop (v2sf)  }
0x233: {  	(v2sf) =	vpush v2, $0xA;
	s7 =	sand.u32 $0x1FFFFF80, s9  }
0x234: {  	s9 =	simm.s32 $0xA400;
	s7 =	sadd.s32 s4, s7  }
0x235: {  	[tilespmem:s9], [sflag:$0x3] =	stream.linear.gather [hbm4b:s7+s2], $0x400, $0x38;
	[tilespmem:$0x10A00] =	vst v63  }
0x236: {  	s9 =	spop (v2sf)  }
0x237: {  	(v2sf) =	vpush v1, $0xA;
	s7 =	sand.u32 $0x1FFFFF80, s9  }
0x238: {  	s7 =	sadd.s32 s5, s7  }
0x239: {  	[tilespmem:s10], [sflag:$0x4] =	stream.linear.gather [hbm4b:s7+s2], $0x400, $0x38;
	[tilespmem:$0x10A00] =	vst v63  }
0x23a: {  	s9 =	spop (v2sf)  }
0x23b: {  	(v2sf) =	vpush v2, $0xB;
	s7 =	sand.u32 $0x1FFFFF80, s9  }
0x23c: {  	s7 =	sadd.s32 s4, s7  }
0x23d: {  	[tilespmem:s1], [sflag:$0x3] =	stream.linear.gather [hbm4b:s7+s2], $0x400, $0x38;
	[tilespmem:$0x10A00] =	vst v63  }
0x23e: {  	s9 =	spop (v2sf)  }
0x23f: {  	(v2sf) =	vpush v1, $0xB;
	s7 =	sand.u32 $0x1FFFFF80, s9  }
0x240: {  	s7 =	sadd.s32 s5, s7  }
0x241: {  	[tilespmem:s6], [sflag:$0x4] =	stream.linear.gather [hbm4b:s7+s2], $0x400, $0x38;
	[tilespmem:$0x10A00] =	vst v63  }
0x242: {  	s9 =	spop (v2sf)  }
0x243: {  	(v2sf) =	vpush v2, $0xC;
	s7 =	sand.u32 $0x1FFFFF80, s9  }
0x244: {  	s7 =	sadd.s32 s4, s7  }
0x245: {  	[tilespmem:s13], [sflag:$0x3] =	stream.linear.gather [hbm4b:s7+s2], $0x400, $0x38;
	[tilespmem:$0x10A00] =	vst v63  }
0x246: {  	s9 =	spop (v2sf)  }
0x247: {  	(v2sf) =	vpush v1, $0xC;
	s7 =	sand.u32 $0x1FFFFF80, s9  }
0x248: {  	s7 =	sadd.s32 s5, s7  }
0x249: {  	[tilespmem:s11], [sflag:$0x4] =	stream.linear.gather [hbm4b:s7+s2], $0x400, $0x38;
	[tilespmem:$0x10A00] =	vst v63  }
0x24a: {  	s9 =	spop (v2sf)  }
0x24b: {  	(v2sf) =	vpush v2, $0xD;
	s7 =	sand.u32 $0x1FFFFF80, s9  }
0x24c: {  	s7 =	sadd.s32 s4, s7  }
0x24d: {  	[tilespmem:s30], [sflag:$0x3] =	stream.linear.gather [hbm4b:s7+s2], $0x400, $0x38;
	[tilespmem:$0x10A00] =	vst v63  }
0x24e: {  	s9 =	spop (v2sf)  }
0x24f: {  	(v2sf) =	vpush v1, $0xD;
	s7 =	sand.u32 $0x1FFFFF80, s9  }
0x250: {  	s7 =	sadd.s32 s5, s7  }
0x251: {  	[tilespmem:s31], [sflag:$0x4] =	stream.linear.gather [hbm4b:s7+s2], $0x400, $0x38;
	[tilespmem:$0x10A00] =	vst v63  }
0x252: {  	s9 =	spop (v2sf)  }
0x253: {  	(v2sf) =	vpush v2, $0xE;
	s7 =	sand.u32 $0x1FFFFF80, s9  }
0x254: {  	s7 =	sadd.s32 s4, s7  }
0x255: {  	[tilespmem:s0], [sflag:$0x3] =	stream.linear.gather [hbm4b:s7+s2], $0x400, $0x38;
	[tilespmem:$0x10A00] =	vst v63  }
0x256: {  	s9 =	spop (v2sf)  }
0x257: {  	(v2sf) =	vpush v1, $0xE;
	s7 =	sand.u32 $0x1FFFFF80, s9  }
0x258: {  	s7 =	sadd.s32 s5, s7  }
0x259: {  	[tilespmem:s3], [sflag:$0x4] =	stream.linear.gather [hbm4b:s7+s2], $0x400, $0x38;
	[tilespmem:$0x10A00] =	vst v63  }
0x25a: {  	s9 =	spop (v2sf)  }
0x25b: {  	(v2sf) =	vpush v2, $0xF;
	s7 =	sand.u32 $0x1FFFFF80, s9  }
0x25c: {  	s7 =	sadd.s32 s4, s7  }
0x25d: {  	[tilespmem:s16], [sflag:$0x3] =	stream.linear.gather [hbm4b:s7+s2], $0x400, $0x38;
	[tilespmem:$0x10A00] =	vst v63  }
0x25e: {  	s9 =	spop (v2sf)  }
0x25f: {  	(v2sf) =	vpush v1, $0xF;
	s7 =	sand.u32 $0x1FFFFF80, s9  }
0x260: {  	s7 =	sadd.s32 s5, s7  }
0x261: {  	[tilespmem:s17], [sflag:$0x4] =	stream.linear.gather [hbm4b:s7+s2], $0x400, $0x38;
	[tilespmem:$0x10A00] =	vst v63  }
0x262: {  	s9 =	spop (v2sf)  }
0x263: {  	s7 =	sand.u32 $0x1FFFFF80, s9  }
0x264: {  	s7 =	sadd.s32 s4, s7  }
0x265: {  	[tilespmem:s18], [sflag:$0x3] =	stream.linear.gather [hbm4b:s7+s2], $0x400, $0x38;
	[tilespmem:$0x10A00] =	vst v63  }
0x266: {  	s9 =	spop (v2sf)  }
0x267: {  	s7 =	sand.u32 $0x1FFFFF80, s9  }
0x268: {  	s7 =	sadd.s32 s5, s7  }
0x269: {  	[tilespmem:s19], [sflag:$0x4] =	stream.linear.gather [hbm4b:s7+s2], $0x400, $0x38;
	[tilespmem:$0x10A00] =	vst v63  }
0x26a: {  	s9 =	spop (v2sf)  }
0x26b: {  	s7 =	sand.u32 $0x1FFFFF80, s9  }
0x26c: {  	s7 =	sadd.s32 s4, s7  }
0x26d: {  	[tilespmem:s20], [sflag:$0x3] =	stream.linear.gather [hbm4b:s7+s2], $0x400, $0x38;
	[tilespmem:$0x10A00] =	vst v63  }
0x26e: {  	s9 =	spop (v2sf)  }
0x26f: {  	s7 =	sand.u32 $0x1FFFFF80, s9  }
0x270: {  	s7 =	sadd.s32 s5, s7  }
0x271: {  	[tilespmem:s21], [sflag:$0x4] =	stream.linear.gather [hbm4b:s7+s2], $0x400, $0x38;
	[tilespmem:$0x10A00] =	vst v63  }
0x272: {  	_ =	swait.ge [sflag:s22], $0x4000  }
0x273: {  	[sflag:s22] =	ssyncset.done $0x0  }
0x274: {  	[sflag:s22] =	ssyncadd.s32 $0xFFFFC000  }
0x275: {  	_ =	swait.ge [sflag:s23], $0x4000  }
0x276: {  	[sflag:s23] =	ssyncset.done $0x0  }
0x277: {  	[sflag:s23] =	ssyncadd.s32 $0xFFFFC000  }
0x278: {  	v10 =	vld [tilespmem:s12+$0x0]  }
0x279: {  	v11 =	vld [tilespmem:s12+$0x200]  }
0x27a: {  	v16 =	vld [tilespmem:$0x1FFC0];
	_ =	sdelay $0x1  }
0x27b: {  	v5 =	vld [tilespmem:$0x1FC20]  }
0x27c: {  	v1 =	vshll.u32 v10, $0x7  }
0x27d: {  	v12 =	vshll.u32 v11, $0x7;
	v2 =	vand.u32 $0x380, v1  }
0x27e: {  	v8 =	vld [tilespmem:$0x1FC30];
	v1 =	vand.u32 $0x380, v12;
	v13 =	vor.u32 v16, v2  }
0x27f: {  	v4 =	vld [tilespmem:s12+$0x10400];
	v63 =	vor.u32 v16, v1  }
0x280: {  	v10 =	vld [tilespmem:$0x1FC40];
	v3 =	vor.u32 v5, v2  }
0x281: {  	v6 =	vld [tilespmem:s12+$0x10600]  }
0x282: {  	v12 =	vld [tilespmem:$0x1FC50];
	v5 =	vor.u32 v5, v1  }
0x283: {  	v7 =	vor.u32 v8, v2;
	v62 =	vld.idx.msk [tilespmem:v13+s28+$0x0], $0xffff  }
0x284: {  	v8 =	vor.u32 v8, v1;
	v63 =	vld.idx.msk [tilespmem:v63+s29+$0x0], $0xffff  }
0x285: {  	v9 =	vor.u32 v10, v2;
	v3 =	vld.idx.msk [tilespmem:v3+s28+$0x0], $0xffff  }
0x286: {  	v10 =	vor.u32 v10, v1;
	v13 =	vld [tilespmem:$0x1FC60]  }
0x287: {  	v11 =	vor.u32 v12, v2;
	v5 =	vld.idx.msk [tilespmem:v5+s29+$0x0], $0xffff  }
0x288: {  	v4 =	vadd.f32 v6, v4;
	v6 =	vld.idx.msk [tilespmem:v7+s28+$0x0], $0xffff;
	v7 =	vor.u32 v12, v1  }
0x289: {  	v8 =	vld.idx.msk [tilespmem:v8+s29+$0x0], $0xffff  }
0x28a: {  	v9 =	vld.idx.msk [tilespmem:v9+s28+$0x0], $0xffff  }
0x28b: {  	v4 =	vadd.f32 $3.500000000e+00, v4;
	v10 =	vld.idx.msk [tilespmem:v10+s29+$0x0], $0xffff;
	v12 =	vor.u32 v13, v2  }
0x28c: {  	v62 =	vmul.f32 v63, v62;
	v63 =	vor.u32 v13, v1;
	v3 =	vmul.f32 v5, v3;
	v5 =	vld.idx.msk [tilespmem:v11+s28+$0x0], $0xffff  }
0x28d: {  	v13 =	vor.u32 v14, v2;
	v7 =	vld.idx.msk [tilespmem:v7+s29+$0x0], $0xffff  }
0x28e: {  	v11 =	vor.u32 v14, v1;
	v14 =	vld [tilespmem:$0x1FC80];
	v4 =	vadd.f32 v62, v4;
	_ =	sdelay $0x1  }
0x28f: {  	v3 =	vadd.f32 v3, v4;
	v4 =	vmul.f32 v8, v6;
	v6 =	vld.idx.msk [tilespmem:v12+s28+$0x0], $0xffff  }
0x290: {  	v62 =	vor.u32 v15, v2;
	v12 =	vld.idx.msk [tilespmem:v63+s29+$0x0], $0xffff;
	v63 =	vor.u32 v30, v2  }
0x291: {  	v3 =	vadd.f32 v4, v3;
	v4 =	vmul.f32 v10, v9;
	v9 =	vld.idx.msk [tilespmem:v13+s28+$0x0], $0xffff;
	v10 =	vor.u32 v30, v1  }
0x292: {  	v13 =	vor.u32 v14, v2;
	v30 =	vmul.f32 v7, v5;
	v7 =	vor.u32 v14, v1;
	v14 =	vld [tilespmem:$0x1FC90];
	_ =	sdelay $0x1  }
0x293: {  	v3 =	vadd.f32 v4, v3  }
0x294: {  	v8 =	vor.u32 v15, v1;
	v11 =	vld.idx.msk [tilespmem:v11+s29+$0x0], $0xffff  }
0x295: {  	v5 =	vld.idx.msk [tilespmem:v62+s28+$0x0], $0xffff;
	v3 =	vadd.f32 v30, v3  }
0x296: {  	v30 =	vmul.f32 v12, v6;
	v62 =	vor.u32 v14, v2;
	v12 =	vor.u32 v14, v1;
	v14 =	vld [tilespmem:$0x1FCA0];
	_ =	sdelay $0x2  }
0x297: {  	v8 =	vld.idx.msk [tilespmem:v8+s29+$0x0], $0xffff  }
0x298: {  	v6 =	vld.idx.msk [tilespmem:v63+s28+$0x0], $0xffff;
	v3 =	vadd.f32 v30, v3  }
0x299: {  	v30 =	vmul.f32 v11, v9;
	v63 =	vor.u32 v14, v2;
	v11 =	vor.u32 v14, v1;
	v14 =	vld [tilespmem:$0x1FCB0];
	_ =	sdelay $0x2  }
0x29a: {  	v10 =	vld.idx.msk [tilespmem:v10+s29+$0x0], $0xffff  }
0x29b: {  	v9 =	vld.idx.msk [tilespmem:v13+s28+$0x0], $0xffff;
	v3 =	vadd.f32 v30, v3  }
0x29c: {  	v30 =	vmul.f32 v8, v5;
	v13 =	vor.u32 v14, v2;
	v8 =	vor.u32 v14, v1;
	v14 =	vld [tilespmem:$0x1FCC0];
	_ =	sdelay $0x2  }
0x29d: {  	v7 =	vld.idx.msk [tilespmem:v7+s29+$0x0], $0xffff  }
0x29e: {  	v5 =	vld.idx.msk [tilespmem:v62+s28+$0x0], $0xffff;
	v3 =	vadd.f32 v30, v3  }
0x29f: {  	v30 =	vmul.f32 v10, v6;
	v62 =	vor.u32 v14, v2;
	v10 =	vor.u32 v14, v1;
	v14 =	vld [tilespmem:$0x1FCD0];
	_ =	sdelay $0x2  }
0x2a0: {  	v12 =	vld.idx.msk [tilespmem:v12+s29+$0x0], $0xffff  }
0x2a1: {  	v3 =	vadd.f32 v30, v3;
	v6 =	vld.idx.msk [tilespmem:v63+s28+$0x0], $0xffff  }
0x2a2: {  	v30 =	vmul.f32 v7, v9;
	v63 =	vor.u32 v14, v2;
	v9 =	vor.u32 v14, v1;
	v14 =	vld [tilespmem:$0x1FCE0];
	_ =	sdelay $0x1  }
0x2a3: {  	v11 =	vld.idx.msk [tilespmem:v11+s29+$0x0], $0xffff  }
0x2a4: {  	v7 =	vld.idx.msk [tilespmem:v13+s28+$0x0], $0xffff  }
0x2a5: {  	v8 =	vld.idx.msk [tilespmem:v8+s29+$0x0], $0xffff  }
0x2a6: {  	v3 =	vadd.f32 v30, v3;
	v30 =	vmul.f32 v12, v5;
	v13 =	vor.u32 v14, v2  }
0x2a7: {  	v5 =	vld.idx.msk [tilespmem:v62+s28+$0x0], $0xffff;
	v12 =	vor.u32 v14, v1  }
0x2a8: {  	v3 =	vadd.f32 v30, v3;
	v30 =	vmul.f32 v11, v6;
	v11 =	vor.u32 v31, v1;
	v10 =	vld.idx.msk [tilespmem:v10+s29+$0x0], $0xffff  }
0x2a9: {  	v62 =	vor.u32 v31, v2;
	v6 =	vld.idx.msk [tilespmem:v63+s28+$0x0], $0xffff  }
0x2aa: {  	v31 =	vmul.f32 v8, v7;
	v8 =	vor.u32 v32, v1;
	v9 =	vld.idx.msk [tilespmem:v9+s29+$0x0], $0xffff  }
0x2ab: {  	v63 =	vor.u32 v32, v2;
	v7 =	vld.idx.msk [tilespmem:v13+s28+$0x0], $0xffff  }
0x2ac: {  	v3 =	vadd.f32 v30, v3;
	v30 =	vor.u32 v33, v2;
	v12 =	vld.idx.msk [tilespmem:v12+s29+$0x0], $0xffff  }
0x2ad: {  	v11 =	vld.idx.msk [tilespmem:v11+s29+$0x0], $0xffff;
	v32 =	vor.u32 v33, v1  }
0x2ae: {  	v3 =	vadd.f32 v31, v3;
	v31 =	vmul.f32 v10, v5;
	v5 =	vld.idx.msk [tilespmem:v62+s28+$0x0], $0xffff;
	v62 =	vor.u32 v34, v2  }
0x2af: {  	v8 =	vld.idx.msk [tilespmem:v8+s29+$0x0], $0xffff;
	v33 =	vmul.f32 v9, v6;
	v9 =	vor.u32 v34, v1  }
0x2b0: {  	v3 =	vadd.f32 v31, v3;
	v6 =	vld.idx.msk [tilespmem:v63+s28+$0x0], $0xffff;
	v63 =	vor.u32 v35, v2  }
0x2b1: {  	v34 =	vmul.f32 v12, v7;
	v7 =	vld.idx.msk [tilespmem:v30+s28+$0x0], $0xffff;
	v30 =	vor.u32 v35, v1  }
0x2b2: {  	v31 =	vor.u32 v36, v2;
	v10 =	vld.idx.msk [tilespmem:v32+s29+$0x0], $0xffff;
	v3 =	vadd.f32 v33, v3  }
0x2b3: {  	v32 =	vmul.f32 v11, v5;
	v5 =	vld.idx.msk [tilespmem:v62+s28+$0x0], $0xffff;
	v33 =	vor.u32 v36, v1  }
0x2b4: {  	v36 =	vor.u32 v37, v1;
	v9 =	vld.idx.msk [tilespmem:v9+s29+$0x0], $0xffff;
	v3 =	vadd.f32 v34, v3  }
0x2b5: {  	v35 =	vmul.f32 v8, v6;
	v6 =	vld.idx.msk [tilespmem:v63+s28+$0x0], $0xffff;
	v63 =	vor.u32 v38, v2  }
0x2b6: {  	v34 =	vor.u32 v37, v2;
	v3 =	vadd.f32 v32, v3;
	v12 =	vld.idx.msk [tilespmem:v30+s29+$0x0], $0xffff  }
0x2b7: {  	v30 =	vld.idx.msk [tilespmem:v31+s28+$0x0], $0xffff;
	v31 =	vor.u32 v38, v1  }
0x2b8: {  	v11 =	vld.idx.msk [tilespmem:v33+s29+$0x0], $0xffff;
	v32 =	vor.u32 v39, v2;
	v37 =	vmul.f32 v10, v7;
	v3 =	vadd.f32 v35, v3  }
0x2b9: {  	v8 =	vld.idx.msk [tilespmem:v36+s29+$0x0], $0xffff;
	v35 =	vor.u32 v39, v1  }
0x2ba: {  	v36 =	vor.u32 v40, v2;
	v33 =	vmul.f32 v9, v5;
	v38 =	vld.idx.msk [tilespmem:v63+s28+$0x0], $0xffff;
	v3 =	vadd.f32 v37, v3  }
0x2bb: {  	v39 =	vor.u32 v40, v1;
	v34 =	vld.idx.msk [tilespmem:v34+s28+$0x0], $0xffff  }
0x2bc: {  	v40 =	vor.u32 v41, v2;
	v3 =	vadd.f32 v33, v3;
	v37 =	vmul.f32 v12, v6;
	v10 =	vld.idx.msk [tilespmem:v31+s29+$0x0], $0xffff  }
0x2bd: {  	v31 =	vld.idx.msk [tilespmem:v32+s28+$0x0], $0xffff  }
0x2be: {  	v30 =	vmul.f32 v11, v30;
	v32 =	vor.u32 v41, v1;
	v9 =	vld.idx.msk [tilespmem:v35+s29+$0x0], $0xffff;
	v3 =	vadd.f32 v37, v3  }
0x2bf: {  	v33 =	vor.u32 v42, v2;
	v35 =	vld.idx.msk [tilespmem:v36+s28+$0x0], $0xffff  }
0x2c0: {  	v36 =	vor.u32 v42, v1;
	v12 =	vld.idx.msk [tilespmem:v39+s29+$0x0], $0xffff;
	v34 =	vmul.f32 v8, v34;
	v3 =	vadd.f32 v30, v3  }
0x2c1: {  	v39 =	vld.idx.msk [tilespmem:v40+s28+$0x0], $0xffff;
	v40 =	vor.u32 v43, v1  }
0x2c2: {  	v15 =	vld [tilespmem:$0x1FF20];
	v37 =	vor.u32 v43, v2;
	v38 =	vmul.f32 v10, v38;
	v3 =	vadd.f32 v34, v3  }
0x2c3: {  	v41 =	vor.u32 v44, v2;
	v11 =	vld.idx.msk [tilespmem:v32+s29+$0x0], $0xffff  }
0x2c4: {  	v44 =	vor.u32 v44, v1;
	v43 =	vld.idx.msk [tilespmem:v33+s28+$0x0], $0xffff;
	v42 =	vmul.f32 v9, v31;
	v3 =	vadd.f32 v38, v3  }
0x2c5: {  	v30 =	vor.u32 v45, v2;
	v8 =	vld.idx.msk [tilespmem:v36+s29+$0x0], $0xffff  }
0x2c6: {  	v33 =	vor.u32 v45, v1;
	v31 =	vmul.f32 v12, v35;
	v10 =	vld.idx.msk [tilespmem:v40+s29+$0x0], $0xffff;
	v3 =	vadd.f32 v42, v3  }
0x2c7: {  	v34 =	vor.u32 v46, v2;
	v32 =	vld.idx.msk [tilespmem:v37+s28+$0x0], $0xffff  }
0x2c8: {  	v36 =	vld.idx.msk [tilespmem:v41+s28+$0x0], $0xffff;
	v37 =	vor.u32 v46, v1;
	v35 =	vmul.f32 v11, v39;
	v3 =	vadd.f32 v31, v3  }
0x2c9: {  	v9 =	vld.idx.msk [tilespmem:v44+s29+$0x0], $0xffff;
	v41 =	vor.u32 v47, v1  }
0x2ca: {  	v38 =	vor.u32 v47, v2;
	v40 =	vld.idx.msk [tilespmem:v30+s28+$0x0], $0xffff;
	v39 =	vmul.f32 v8, v43;
	v3 =	vadd.f32 v35, v3  }
0x2cb: {  	v45 =	vor.u32 v48, v1;
	v12 =	vld.idx.msk [tilespmem:v33+s29+$0x0], $0xffff  }
0x2cc: {  	v42 =	vor.u32 v48, v2;
	v44 =	vld.idx.msk [tilespmem:v34+s28+$0x0], $0xffff;
	v43 =	vmul.f32 v10, v32;
	v3 =	vadd.f32 v39, v3  }
0x2cd: {  	v46 =	vor.u32 v49, v2;
	v11 =	vld.idx.msk [tilespmem:v37+s29+$0x0], $0xffff  }
0x2ce: {  	v30 =	vor.u32 v49, v1;
	v47 =	vmul.f32 v9, v36;
	v8 =	vld.idx.msk [tilespmem:v41+s29+$0x0], $0xffff;
	v3 =	vadd.f32 v43, v3  }
0x2cf: {  	v34 =	vor.u32 v50, v1;
	v48 =	vld.idx.msk [tilespmem:v38+s28+$0x0], $0xffff  }
0x2d0: {  	v31 =	vor.u32 v50, v2;
	v10 =	vld.idx.msk [tilespmem:v45+s29+$0x0], $0xffff;
	v32 =	vmul.f32 v12, v40;
	v3 =	vadd.f32 v47, v3  }
0x2d1: {  	v38 =	vor.u32 v51, v1;
	v33 =	vld.idx.msk [tilespmem:v42+s28+$0x0], $0xffff  }
0x2d2: {  	v37 =	vld.idx.msk [tilespmem:v46+s28+$0x0], $0xffff;
	v35 =	vor.u32 v51, v2;
	v36 =	vmul.f32 v11, v44;
	v3 =	vadd.f32 v32, v3  }
0x2d3: {  	v9 =	vld.idx.msk [tilespmem:v30+s29+$0x0], $0xffff;
	v42 =	vor.u32 v52, v1  }
0x2d4: {  	v39 =	vor.u32 v52, v2;
	v12 =	vld.idx.msk [tilespmem:v34+s29+$0x0], $0xffff;
	v40 =	vmul.f32 v8, v48;
	v3 =	vadd.f32 v36, v3  }
0x2d5: {  	v46 =	vor.u32 v53, v1;
	v41 =	vld.idx.msk [tilespmem:v31+s28+$0x0], $0xffff  }
0x2d6: {  	v43 =	vor.u32 v53, v2;
	v11 =	vld.idx.msk [tilespmem:v38+s29+$0x0], $0xffff;
	v44 =	vmul.f32 v10, v33;
	v3 =	vadd.f32 v40, v3  }
0x2d7: {  	v50 =	vor.u32 v54, v1;
	v45 =	vld.idx.msk [tilespmem:v35+s28+$0x0], $0xffff  }
0x2d8: {  	v48 =	vmul.f32 v9, v37;
	v47 =	vor.u32 v54, v2;
	v8 =	vld.idx.msk [tilespmem:v42+s29+$0x0], $0xffff;
	v3 =	vadd.f32 v44, v3  }
0x2d9: {  	v51 =	vor.u32 v55, v2;
	v49 =	vld.idx.msk [tilespmem:v39+s28+$0x0], $0xffff  }
0x2da: {  	v54 =	vor.u32 v55, v1;
	v10 =	vld.idx.msk [tilespmem:v46+s29+$0x0], $0xffff;
	v52 =	vmul.f32 v12, v41;
	v3 =	vadd.f32 v48, v3  }
0x2db: {  	v55 =	vor.u32 v56, v2;
	v53 =	vld.idx.msk [tilespmem:v43+s28+$0x0], $0xffff  }
0x2dc: {  	v9 =	vld.idx.msk [tilespmem:v50+s29+$0x0], $0xffff;
	v32 =	vor.u32 v56, v1;
	v30 =	vmul.f32 v11, v45;
	v3 =	vadd.f32 v52, v3  }
0x2dd: {  	v33 =	vor.u32 v57, v2;
	v31 =	vld.idx.msk [tilespmem:v47+s28+$0x0], $0xffff  }
0x2de: {  	v35 =	vld.idx.msk [tilespmem:v51+s28+$0x0], $0xffff;
	v36 =	vor.u32 v57, v1;
	v34 =	vmul.f32 v8, v49;
	v3 =	vadd.f32 v30, v3  }
0x2df: {  	v37 =	vor.u32 v58, v2;
	v12 =	vld.idx.msk [tilespmem:v54+s29+$0x0], $0xffff  }
0x2e0: {  	v39 =	vld.idx.msk [tilespmem:v55+s28+$0x0], $0xffff;
	v40 =	vor.u32 v58, v1;
	v38 =	vmul.f32 v10, v53;
	v3 =	vadd.f32 v34, v3  }
0x2e1: {  	v41 =	vor.u32 v59, v2;
	v11 =	vld.idx.msk [tilespmem:v32+s29+$0x0], $0xffff  }
0x2e2: {  	v43 =	vld.idx.msk [tilespmem:v33+s28+$0x0], $0xffff;
	v44 =	vor.u32 v59, v1;
	v42 =	vmul.f32 v9, v31;
	v3 =	vadd.f32 v38, v3  }
0x2e3: {  	v45 =	vor.u32 v60, v2;
	v8 =	vld.idx.msk [tilespmem:v36+s29+$0x0], $0xffff  }
0x2e4: {  	v47 =	vld.idx.msk [tilespmem:v37+s28+$0x0], $0xffff;
	v46 =	vmul.f32 v12, v35;
	v48 =	vor.u32 v60, v1;
	v3 =	vadd.f32 v42, v3  }
0x2e5: {  	v49 =	vor.u32 v61, v2;
	v10 =	vld.idx.msk [tilespmem:v40+s29+$0x0], $0xffff  }
0x2e6: {  	v51 =	vld.idx.msk [tilespmem:v41+s28+$0x0], $0xffff;
	v50 =	vmul.f32 v11, v39;
	v52 =	vor.u32 v61, v1;
	v3 =	vadd.f32 v46, v3  }
0x2e7: {  	v53 =	vor.u32 v0, v2;
	v9 =	vld.idx.msk [tilespmem:v44+s29+$0x0], $0xffff  }
0x2e8: {  	v56 =	vor.u32 v0, v1;
	v55 =	vld.idx.msk [tilespmem:v45+s28+$0x0], $0xffff;
	v54 =	vmul.f32 v8, v43;
	v3 =	vadd.f32 v50, v3  }
0x2e9: {  	v57 =	vor.u32 v17, v2;
	v12 =	vld.idx.msk [tilespmem:v48+s29+$0x0], $0xffff  }
0x2ea: {  	v59 =	vld.idx.msk [tilespmem:v49+s28+$0x0], $0xffff;
	v30 =	vor.u32 v17, v1;
	v58 =	vmul.f32 v10, v47;
	v3 =	vadd.f32 v54, v3  }
0x2eb: {  	v31 =	vor.u32 v18, v2;
	v11 =	vld.idx.msk [tilespmem:v52+s29+$0x0], $0xffff  }
0x2ec: {  	v33 =	vld.idx.msk [tilespmem:v53+s28+$0x0], $0xffff;
	v34 =	vor.u32 v18, v1;
	v32 =	vmul.f32 v9, v51;
	v3 =	vadd.f32 v58, v3  }
0x2ed: {  	v35 =	vor.u32 v19, v2;
	v8 =	vld.idx.msk [tilespmem:v56+s29+$0x0], $0xffff  }
0x2ee: {  	v37 =	vld.idx.msk [tilespmem:v57+s28+$0x0], $0xffff;
	v38 =	vor.u32 v19, v1;
	v36 =	vmul.f32 v12, v55;
	v3 =	vadd.f32 v32, v3  }
0x2ef: {  	v39 =	vor.u32 v15, v2;
	v10 =	vld.idx.msk [tilespmem:v30+s29+$0x0], $0xffff  }
0x2f0: {  	v41 =	vld.idx.msk [tilespmem:v31+s28+$0x0], $0xffff;
	v42 =	vor.u32 v15, v1;
	v40 =	vmul.f32 v11, v59;
	v3 =	vadd.f32 v36, v3  }
0x2f1: {  	v43 =	vor.u32 v20, v2;
	v9 =	vld.idx.msk [tilespmem:v34+s29+$0x0], $0xffff  }
0x2f2: {  	v45 =	vld.idx.msk [tilespmem:v35+s28+$0x0], $0xffff;
	v44 =	vmul.f32 v8, v33;
	v46 =	vor.u32 v20, v1;
	v3 =	vadd.f32 v40, v3  }
0x2f3: {  	v47 =	vor.u32 v23, v2;
	v12 =	vld.idx.msk [tilespmem:v38+s29+$0x0], $0xffff  }
0x2f4: {  	v49 =	vld.idx.msk [tilespmem:v39+s28+$0x0], $0xffff;
	v48 =	vmul.f32 v10, v37;
	v50 =	vor.u32 v23, v1;
	v3 =	vadd.f32 v44, v3  }
0x2f5: {  	v51 =	vor.u32 v29, v2;
	v11 =	vld.idx.msk [tilespmem:v42+s29+$0x0], $0xffff  }
0x2f6: {  	v53 =	vld.idx.msk [tilespmem:v43+s28+$0x0], $0xffff;
	v52 =	vmul.f32 v9, v41;
	v54 =	vor.u32 v29, v1;
	v3 =	vadd.f32 v48, v3  }
0x2f7: {  	v55 =	vor.u32 v21, v2;
	v8 =	vld.idx.msk [tilespmem:v46+s29+$0x0], $0xffff  }
0x2f8: {  	v57 =	vld.idx.msk [tilespmem:v47+s28+$0x0], $0xffff;
	v56 =	vmul.f32 v12, v45;
	v58 =	vor.u32 v21, v1;
	v3 =	vadd.f32 v52, v3  }
0x2f9: {  	v30 =	vor.u32 v22, v1;
	v10 =	vld.idx.msk [tilespmem:v50+s29+$0x0], $0xffff  }
0x2fa: {  	v59 =	vor.u32 v22, v2;
	v29 =	vld.idx.msk [tilespmem:v51+s28+$0x0], $0xffff;
	v14 =	vmul.f32 v11, v49;
	v3 =	vadd.f32 v56, v3  }
0x2fb: {  	v34 =	vor.u32 v24, v1;
	v9 =	vld.idx.msk [tilespmem:v54+s29+$0x0], $0xffff  }
0x2fc: {  	v33 =	vor.u32 v24, v2;
	v32 =	vld.idx.msk [tilespmem:v55+s28+$0x0], $0xffff;
	v31 =	vmul.f32 v8, v53;
	v3 =	vadd.f32 v14, v3  }
0x2fd: {  	v38 =	vor.u32 v25, v1;
	v12 =	vld.idx.msk [tilespmem:v58+s29+$0x0], $0xffff  }
0x2fe: {  	v37 =	vor.u32 v25, v2;
	v11 =	vld.idx.msk [tilespmem:v30+s29+$0x0], $0xffff;
	v35 =	vmul.f32 v10, v57;
	v3 =	vadd.f32 v31, v3  }
0x2ff: {  	v41 =	vor.u32 v26, v1;
	v36 =	vld.idx.msk [tilespmem:v59+s28+$0x0], $0xffff  }
0x300: {  	v43 =	vld.idx.msk [tilespmem:v34+s29+$0x0], $0xffff;
	v40 =	vor.u32 v26, v2;
	v39 =	vmul.f32 v9, v29;
	v3 =	vadd.f32 v35, v3  }
0x301: {  	v45 =	vor.u32 v27, v1;
	v8 =	vld.idx.msk [tilespmem:v33+s28+$0x0], $0xffff  }
0x302: {  	v47 =	vld.idx.msk [tilespmem:v38+s29+$0x0], $0xffff;
	v44 =	vor.u32 v27, v2;
	v42 =	vmul.f32 v12, v32;
	v3 =	vadd.f32 v39, v3  }
0x303: {  	v50 =	vor.u32 $0x3E, v16;
	v49 =	vor.u32 v28, v1;
	v10 =	vld.idx.msk [tilespmem:v37+s28+$0x0], $0xffff  }
0x304: {  	v51 =	vld.idx.msk [tilespmem:v41+s29+$0x0], $0xffff;
	v46 =	vmul.f32 v11, v36;
	v48 =	vor.u32 v28, v2;
	v3 =	vadd.f32 v42, v3  }
0x305: {  	v55 =	vor.u32 $0x3F, v16;
	v54 =	vor.u32 v50, v1;
	v7 =	vld.idx.msk [tilespmem:v40+s28+$0x0], $0xffff  }
0x306: {  	v13 =	vld.idx.msk [tilespmem:v45+s29+$0x0], $0xffff;
	v5 =	vmul.f32 v43, v8;
	v52 =	vor.u32 v50, v2;
	v3 =	vadd.f32 v46, v3  }
0x307: {  	v1 =	vor.u32 v55, v1;
	v53 =	vld.idx.msk [tilespmem:v44+s28+$0x0], $0xffff  }
0x308: {  	v58 =	vld.idx.msk [tilespmem:v49+s29+$0x0], $0xffff;
	v2 =	vor.u32 v55, v2;
	v56 =	vmul.f32 v47, v10;
	v3 =	vadd.f32 v5, v3  }
0x309: {  	v57 =	vld.idx.msk [tilespmem:v48+s28+$0x0], $0xffff  }
0x30a: {  	v60 =	vld.idx.msk [tilespmem:v54+s29+$0x0], $0xffff;
	v4 =	vmul.f32 v51, v7;
	v3 =	vadd.f32 v56, v3  }
0x30b: {  	v59 =	vld.idx.msk [tilespmem:v52+s28+$0x0], $0xffff  }
0x30c: {  	v1 =	vld.idx.msk [tilespmem:v1+s29+$0x0], $0xffff;
	v61 =	vmul.f32 v13, v53;
	v3 =	vadd.f32 v4, v3  }
0x30d: {  	v2 =	vld.idx.msk [tilespmem:v2+s28+$0x0], $0xffff  }
0x30e: {  	v62 =	vmul.f32 v58, v57;
	v3 =	vadd.f32 v61, v3;
	_ =	sdelay $0x1  }
0x30f: {  	v63 =	vmul.f32 v60, v59;
	v3 =	vadd.f32 v62, v3  }
0x310: {  	p0 =	seq.s32 s26, $0x780  }
.Ltmp4:
0x311: {  	v1 =	vmul.f32 v1, v2;
	v3 =	vadd.f32 v63, v3;
	(pc) =	sbr.rel @p0 .LBB2_4-.Ltmp4, $4  }
0x312: {  	_ = 	snop  }
0x313: {  	[tilespmem:$0x1FC00] =	vst v50;
	v1 =	vadd.f32 v1, v3  }
0x314: {  	[tilespmem:$0x1FC10] =	vst v55  }
0x315: {  	v20 =	vmov v15;
	[tilespmem:s12+$0x10800] =	vst v1  }
0x316: {  	v1 =	vld [tilespmem:s12+$0x20];
	_ =	sdelay $0x3  }
0x317: {  	v3 =	vld [tilespmem:s12+$0x220]  }
0x318: {  	v1 =	vshrl.u32 v1, $0x3  }
0x319: {  	v2 =	vshll.u32 v1, $0x7  }
0x31a: {  	(v2sf) =	vpush v2, $0x0;
	_ =	sdelay $0x1  }
0x31b: {  	v63 =	vshrl.u32 v3, $0x3  }
0x31c: {  	v1 =	vshll.u32 v63, $0x7  }
0x31d: {  	(v2sf) =	vpush v1, $0x0;
	_ =	sdelay $0x2  }
0x31e: {  	(v2sf) =	vpush v2, $0x1;
	_ =	sdelay $0x2  }
0x31f: {  	(v2sf) =	vpush v1, $0x1;
	_ =	sdelay $0x4  }
0x320: {  	s7 =	spop (v2sf);
	(v2sf) =	vpush v2, $0x2;
	_ =	sdelay $0x2  }
0x321: {  	s7 =	sand.u32 $0x1FFFFF80, s7  }
0x322: {  	s9 =	spop (v2sf);
	(v2sf) =	vpush v1, $0x2;
	s7 =	sadd.s32 s4, s7  }
0x323: {  	[tilespmem:s28], [sflag:$0x1] =	stream.linear.gather [hbm4b:s7+s2], $0x400, $0x38;
	[tilespmem:$0x10A00] =	vst v63  }
0x324: {  	s7 =	sand.u32 $0x1FFFFF80, s9  }
0x325: {  	s9 =	spop (v2sf);
	s7 =	sadd.s32 s5, s7  }
0x326: {  	(v2sf) =	vpush v2, $0x3;
	[tilespmem:s29], [sflag:$0x2] =	stream.linear.gather [hbm4b:s7+s2], $0x400, $0x38;
	[tilespmem:$0x10A00] =	vst v63  }
0x327: {  	s7 =	sand.u32 $0x1FFFFF80, s9  }
0x328: {  	s9 =	spop (v2sf);
	s7 =	sadd.s32 s4, s7  }
0x329: {  	[tilespmem:s8], [sflag:$0x1] =	stream.linear.gather [hbm4b:s7+s2], $0x400, $0x38;
	[tilespmem:$0x10A00] =	vst v63  }
0x32a: {  	(v2sf) =	vpush v1, $0x3;
	s7 =	sand.u32 $0x1FFFFF80, s9  }
0x32b: {  	s9 =	simm.s32 $0x4800;
	s7 =	sadd.s32 s5, s7  }
0x32c: {  	[tilespmem:s9], [sflag:$0x2] =	stream.linear.gather [hbm4b:s7+s2], $0x400, $0x38;
	[tilespmem:$0x10A00] =	vst v63  }
0x32d: {  	s9 =	spop (v2sf)  }
0x32e: {  	(v2sf) =	vpush v2, $0x4;
	s7 =	sand.u32 $0x1FFFFF80, s9  }
0x32f: {  	s9 =	simm.s32 $0xC00;
	s7 =	sadd.s32 s4, s7  }
0x330: {  	[tilespmem:s9], [sflag:$0x1] =	stream.linear.gather [hbm4b:s7+s2], $0x400, $0x38;
	[tilespmem:$0x10A00] =	vst v63  }
0x331: {  	s9 =	spop (v2sf)  }
0x332: {  	(v2sf) =	vpush v1, $0x4;
	s7 =	sand.u32 $0x1FFFFF80, s9  }
0x333: {  	s9 =	simm.s32 $0x4C00;
	s7 =	sadd.s32 s5, s7  }
0x334: {  	[tilespmem:s9], [sflag:$0x2] =	stream.linear.gather [hbm4b:s7+s2], $0x400, $0x38;
	[tilespmem:$0x10A00] =	vst v63  }
0x335: {  	s9 =	spop (v2sf)  }
0x336: {  	(v2sf) =	vpush v2, $0x5;
	s7 =	sand.u32 $0x1FFFFF80, s9  }
0x337: {  	s9 =	simm.s32 $0x1000;
	s7 =	sadd.s32 s4, s7  }
0x338: {  	[tilespmem:s9], [sflag:$0x1] =	stream.linear.gather [hbm4b:s7+s2], $0x400, $0x38;
	[tilespmem:$0x10A00] =	vst v63  }
0x339: {  	s9 =	spop (v2sf)  }
0x33a: {  	(v2sf) =	vpush v1, $0x5;
	s7 =	sand.u32 $0x1FFFFF80, s9  }
0x33b: {  	s9 =	simm.s32 $0x5000;
	s7 =	sadd.s32 s5, s7  }
0x33c: {  	[tilespmem:s9], [sflag:$0x2] =	stream.linear.gather [hbm4b:s7+s2], $0x400, $0x38;
	[tilespmem:$0x10A00] =	vst v63  }
0x33d: {  	s9 =	spop (v2sf)  }
0x33e: {  	(v2sf) =	vpush v2, $0x6;
	s7 =	sand.u32 $0x1FFFFF80, s9  }
0x33f: {  	s9 =	simm.s32 $0x1400;
	s7 =	sadd.s32 s4, s7  }
0x340: {  	[tilespmem:s9], [sflag:$0x1] =	stream.linear.gather [hbm4b:s7+s2], $0x400, $0x38;
	[tilespmem:$0x10A00] =	vst v63  }
0x341: {  	s9 =	spop (v2sf)  }
0x342: {  	(v2sf) =	vpush v1, $0x6;
	s7 =	sand.u32 $0x1FFFFF80, s9  }
0x343: {  	s9 =	simm.s32 $0x5400;
	s7 =	sadd.s32 s5, s7  }
0x344: {  	[tilespmem:s9], [sflag:$0x2] =	stream.linear.gather [hbm4b:s7+s2], $0x400, $0x38;
	[tilespmem:$0x10A00] =	vst v63  }
0x345: {  	s9 =	spop (v2sf)  }
0x346: {  	(v2sf) =	vpush v2, $0x7;
	s7 =	sand.u32 $0x1FFFFF80, s9  }
0x347: {  	s9 =	simm.s32 $0x1800;
	s7 =	sadd.s32 s4, s7  }
0x348: {  	[tilespmem:s9], [sflag:$0x1] =	stream.linear.gather [hbm4b:s7+s2], $0x400, $0x38;
	[tilespmem:$0x10A00] =	vst v63  }
0x349: {  	s9 =	spop (v2sf)  }
0x34a: {  	(v2sf) =	vpush v1, $0x7;
	s7 =	sand.u32 $0x1FFFFF80, s9  }
0x34b: {  	s9 =	simm.s32 $0x5800;
	s7 =	sadd.s32 s5, s7  }
0x34c: {  	[tilespmem:s9], [sflag:$0x2] =	stream.linear.gather [hbm4b:s7+s2], $0x400, $0x38;
	[tilespmem:$0x10A00] =	vst v63  }
0x34d: {  	s9 =	spop (v2sf)  }
0x34e: {  	(v2sf) =	vpush v2, $0x8;
	s7 =	sand.u32 $0x1FFFFF80, s9  }
0x34f: {  	s9 =	simm.s32 $0x1C00;
	s7 =	sadd.s32 s4, s7  }
0x350: {  	[tilespmem:s9], [sflag:$0x1] =	stream.linear.gather [hbm4b:s7+s2], $0x400, $0x38;
	[tilespmem:$0x10A00] =	vst v63  }
0x351: {  	s9 =	spop (v2sf)  }
0x352: {  	(v2sf) =	vpush v1, $0x8;
	s7 =	sand.u32 $0x1FFFFF80, s9  }
0x353: {  	s9 =	simm.s32 $0x5C00;
	s7 =	sadd.s32 s5, s7  }
0x354: {  	[tilespmem:s9], [sflag:$0x2] =	stream.linear.gather [hbm4b:s7+s2], $0x400, $0x38;
	[tilespmem:$0x10A00] =	vst v63  }
0x355: {  	s9 =	spop (v2sf)  }
0x356: {  	(v2sf) =	vpush v2, $0x9;
	s7 =	sand.u32 $0x1FFFFF80, s9  }
0x357: {  	s9 =	simm.s32 $0x2000;
	s7 =	sadd.s32 s4, s7  }
0x358: {  	[tilespmem:s9], [sflag:$0x1] =	stream.linear.gather [hbm4b:s7+s2], $0x400, $0x38;
	[tilespmem:$0x10A00] =	vst v63  }
0x359: {  	s9 =	spop (v2sf)  }
0x35a: {  	(v2sf) =	vpush v1, $0x9;
	s7 =	sand.u32 $0x1FFFFF80, s9  }
0x35b: {  	s9 =	simm.s32 $0x6000;
	s7 =	sadd.s32 s5, s7  }
0x35c: {  	[tilespmem:s9], [sflag:$0x2] =	stream.linear.gather [hbm4b:s7+s2], $0x400, $0x38;
	[tilespmem:$0x10A00] =	vst v63  }
0x35d: {  	s9 =	spop (v2sf)  }
0x35e: {  	(v2sf) =	vpush v2, $0xA;
	s7 =	sand.u32 $0x1FFFFF80, s9  }
0x35f: {  	s9 =	simm.s32 $0x2400;
	s7 =	sadd.s32 s4, s7  }
0x360: {  	[tilespmem:s9], [sflag:$0x1] =	stream.linear.gather [hbm4b:s7+s2], $0x400, $0x38;
	[tilespmem:$0x10A00] =	vst v63  }
0x361: {  	s9 =	spop (v2sf)  }
0x362: {  	(v2sf) =	vpush v1, $0xA;
	s7 =	sand.u32 $0x1FFFFF80, s9  }
0x363: {  	s9 =	simm.s32 $0x6400;
	s7 =	sadd.s32 s5, s7  }
0x364: {  	[tilespmem:s9], [sflag:$0x2] =	stream.linear.gather [hbm4b:s7+s2], $0x400, $0x38;
	[tilespmem:$0x10A00] =	vst v63  }
0x365: {  	s9 =	spop (v2sf)  }
0x366: {  	(v2sf) =	vpush v2, $0xB;
	s7 =	sand.u32 $0x1FFFFF80, s9  }
0x367: {  	s9 =	simm.s32 $0x2800;
	s7 =	sadd.s32 s4, s7  }
0x368: {  	[tilespmem:s9], [sflag:$0x1] =	stream.linear.gather [hbm4b:s7+s2], $0x400, $0x38;
	[tilespmem:$0x10A00] =	vst v63  }
0x369: {  	s9 =	spop (v2sf)  }
0x36a: {  	(v2sf) =	vpush v1, $0xB;
	s7 =	sand.u32 $0x1FFFFF80, s9  }
0x36b: {  	s9 =	simm.s32 $0x6800;
	s7 =	sadd.s32 s5, s7  }
0x36c: {  	[tilespmem:s9], [sflag:$0x2] =	stream.linear.gather [hbm4b:s7+s2], $0x400, $0x38;
	[tilespmem:$0x10A00] =	vst v63  }
0x36d: {  	s9 =	spop (v2sf)  }
0x36e: {  	(v2sf) =	vpush v2, $0xC;
	s7 =	sand.u32 $0x1FFFFF80, s9  }
0x36f: {  	s9 =	simm.s32 $0x2C00;
	s7 =	sadd.s32 s4, s7  }
0x370: {  	[tilespmem:s9], [sflag:$0x1] =	stream.linear.gather [hbm4b:s7+s2], $0x400, $0x38;
	[tilespmem:$0x10A00] =	vst v63  }
0x371: {  	s9 =	spop (v2sf)  }
0x372: {  	(v2sf) =	vpush v1, $0xC;
	s7 =	sand.u32 $0x1FFFFF80, s9  }
0x373: {  	s9 =	simm.s32 $0x6C00;
	s7 =	sadd.s32 s5, s7  }
0x374: {  	[tilespmem:s9], [sflag:$0x2] =	stream.linear.gather [hbm4b:s7+s2], $0x400, $0x38;
	[tilespmem:$0x10A00] =	vst v63  }
0x375: {  	s9 =	spop (v2sf)  }
0x376: {  	(v2sf) =	vpush v2, $0xD;
	s7 =	sand.u32 $0x1FFFFF80, s9  }
0x377: {  	s9 =	simm.s32 $0x3000;
	s7 =	sadd.s32 s4, s7  }
0x378: {  	[tilespmem:s9], [sflag:$0x1] =	stream.linear.gather [hbm4b:s7+s2], $0x400, $0x38;
	[tilespmem:$0x10A00] =	vst v63  }
0x379: {  	s9 =	spop (v2sf)  }
0x37a: {  	(v2sf) =	vpush v1, $0xD;
	s7 =	sand.u32 $0x1FFFFF80, s9  }
0x37b: {  	s9 =	simm.s32 $0x7000;
	s7 =	sadd.s32 s5, s7  }
0x37c: {  	[tilespmem:s9], [sflag:$0x2] =	stream.linear.gather [hbm4b:s7+s2], $0x400, $0x38;
	[tilespmem:$0x10A00] =	vst v63  }
0x37d: {  	s9 =	spop (v2sf)  }
0x37e: {  	(v2sf) =	vpush v2, $0xE;
	s7 =	sand.u32 $0x1FFFFF80, s9  }
0x37f: {  	s9 =	simm.s32 $0x3400;
	s7 =	sadd.s32 s4, s7  }
0x380: {  	[tilespmem:s9], [sflag:$0x1] =	stream.linear.gather [hbm4b:s7+s2], $0x400, $0x38;
	[tilespmem:$0x10A00] =	vst v63  }
0x381: {  	s9 =	spop (v2sf)  }
0x382: {  	(v2sf) =	vpush v1, $0xE;
	s7 =	sand.u32 $0x1FFFFF80, s9  }
0x383: {  	s9 =	simm.s32 $0x7400;
	s7 =	sadd.s32 s5, s7  }
0x384: {  	[tilespmem:s9], [sflag:$0x2] =	stream.linear.gather [hbm4b:s7+s2], $0x400, $0x38;
	[tilespmem:$0x10A00] =	vst v63  }
0x385: {  	s9 =	spop (v2sf)  }
0x386: {  	(v2sf) =	vpush v2, $0xF;
	s7 =	sand.u32 $0x1FFFFF80, s9  }
0x387: {  	s9 =	simm.s32 $0x3800;
	s7 =	sadd.s32 s4, s7  }
0x388: {  	[tilespmem:s9], [sflag:$0x1] =	stream.linear.gather [hbm4b:s7+s2], $0x400, $0x38;
	[tilespmem:$0x10A00] =	vst v63  }
0x389: {  	s9 =	spop (v2sf)  }
0x38a: {  	s7 =	sand.u32 $0x1FFFFF80, s9  }
0x38b: {  	(v2sf) =	vpush v1, $0xF;
	s9 =	simm.s32 $0x7800;
	s7 =	sadd.s32 s5, s7  }
0x38c: {  	[tilespmem:s9], [sflag:$0x2] =	stream.linear.gather [hbm4b:s7+s2], $0x400, $0x38;
	[tilespmem:$0x10A00] =	vst v63  }
0x38d: {  	s9 =	spop (v2sf)  }
0x38e: {  	s7 =	sand.u32 $0x1FFFFF80, s9  }
0x38f: {  	s9 =	simm.s32 $0x3C00;
	s7 =	sadd.s32 s4, s7  }
0x390: {  	[tilespmem:s9], [sflag:$0x1] =	stream.linear.gather [hbm4b:s7+s2], $0x400, $0x38;
	[tilespmem:$0x10A00] =	vst v63  }
0x391: {  	s9 =	spop (v2sf)  }
0x392: {  	s7 =	sand.u32 $0x1FFFFF80, s9  }
0x393: {  	s9 =	simm.s32 $0x7C00;
	s7 =	sadd.s32 s5, s7  }
0x394: {  	[tilespmem:s9], [sflag:$0x2] =	stream.linear.gather [hbm4b:s7+s2], $0x400, $0x38;
	[tilespmem:$0x10A00] =	vst v63  }
0x395: {  	s9 =	spop (v2sf)  }
0x396: {  	s7 =	sand.u32 $0x1FFFFF80, s9  }
0x397: {  	s9 =	simm.s32 $0x4000;
	s7 =	sadd.s32 s4, s7  }
0x398: {  	[tilespmem:s9], [sflag:$0x1] =	stream.linear.gather [hbm4b:s7+s2], $0x400, $0x38;
	[tilespmem:$0x10A00] =	vst v63  }
.Ltmp5:
0x399: {  	_ = 	snop;
	(pc) =	sbr.rel .LBB2_4-.Ltmp5, $4  }
0x39a: {  	s9 =	spop (v2sf)  }
0x39b: {  	s7 =	sand.u32 $0x1FFFFF80, s9  }
0x39c: {  	s9 =	simm.s32 $0x8000;
	s7 =	sadd.s32 s5, s7  }
0x39d: {  	[tilespmem:s9], [sflag:$0x2] =	stream.linear.gather [hbm4b:s7+s2], $0x400, $0x38;
	[tilespmem:$0x10A00] =	vst v63  }
.LBB2_6:
0x39e: {  	_ =	sfence.sel $0x180000  }
0x39f: {  	[bflag:$0x0] =	sbarrier.arrive $0xFFFF  }
0x3a0: {  	_ =	strace $0x90000047  }
0x3a1: {  	s0 =	stileid.u32;
	[bflag:$0x2] =	sbarrier.arrive $0xFFFF  }
0x3a2: {  	p0 =	sne.s32 s0, $0x0;
	s0 =	rddreg [dreg:$0x4]  }
0x3a3: {  	s0 =	sadd.s32 @!p0 $0x100000, s0  }
0x3a4: {  	[sflag:s0] =	ssyncadd.tile.s32 @!p0 $0x1;
	_ =	shalt  }
.Lfunc_end2:
_tile_overlayer_lowered:
.L_overlay_start_2:
0x3a5: {  	(tag) =	ssettag $0x2  }
0x3a6: {  	s0 =	rddreg [dreg:$0x0];
	s2 =	stileid.u32  }
0x3a7: {  	s1 =	rddreg [dreg:$0x1];
	p0 =	sne.s32 s2, $0x0  }
0x3a8: {  	s3 =	rddreg [dreg:$0x2];
	[bflag:$0x3] =	sbarrier.arrive $0xFFFF;
	s2 =	simm.s32 @!p0 $0x1C07  }
0x3a9: {  	[timem:s3], [sflag:s2] =	dma.local @!p0 [hbm:s0], s1  }
0x3aa: {  	s0 =	simm.s32 @!p0 $0x7  }
0x3ab: {  	_ =	swait.ge @!p0 [sflag:s0], s1  }
0x3ac: {  	s1 =	ssub.s32 @!p0 $0x0, s1;
	[sflag:s0] =	ssyncset.done @!p0 $0x0  }
0x3ad: {  	[sflag:s0] =	ssyncadd.s32 @!p0 s1  }
0x3ae: {  	[bflag:$0x3] =	sbarrier.arrive $0xFFFF  }
0x3af: {  	_ =	shalt  }

</sc_bundles>
